<compile_context>
chip_gen: v7x
topology: tpu7x:2x2x1
jax: 0.10.2.dev20260603
libtpu: 0.0.44.dev20260713+nightly
codegen_flags: <defaults>
</compile_context>

<pallas_src>
import jax
import jax.numpy as jnp
from jax import lax
from jax.experimental import pallas as pl
from jax.experimental.pallas import tpu as pltpu
from jax.experimental.pallas import tpu_sc as plsc

N = 10000
NP = 10240
E = 320000
D_IN = 128
D_H = 384
D_OUT = 40
DS = 128
NC = 2
NS = 16
CH = 625
G = 8
GE = G * CH
NGRP = E // GE
GPT_A = E // NS // GE
GPT_B = E // (NC * NS) // GE
ROWS = NP // NS
DW = 16
R = 1000

S1 = 2048.0
S2 = 4096.0
S3 = 8192.0

_mesh = plsc.VectorSubcoreMesh(core_axis_name="c", subcore_axis_name="s")
_sc_params = pltpu.CompilerParams(use_tc_tiling_on_sc=False)


def _gather_scatter_pass(table, srcg, dstg, srcv, dstv, buf0, buf1, accs,
                         gs0, gs1, n_groups, group_base):

    @pl.loop(0, n_groups)
    def _grp(a):
        pltpu.sync_copy(srcg.at[group_base + a], srcv)
        pltpu.sync_copy(dstg.at[group_base + a], dstv)
        pltpu.async_copy(table.at[srcv.at[0]], buf0, gs0)

        @pl.loop(0, G // 2)
        def _pair(p):
            k0 = 2 * p
            pltpu.make_async_copy(table.at[srcv.at[k0]], buf0, gs0).wait()
            pltpu.async_copy(table.at[srcv.at[k0 + 1]], buf1, gs1)
            pltpu.sync_copy(buf0, accs.at[dstv.at[k0]], add=True)
            pltpu.make_async_copy(table.at[srcv.at[k0 + 1]], buf1, gs1).wait()

            @pl.when(p < G // 2 - 1)
            def _():
                pltpu.async_copy(table.at[srcv.at[k0 + 2]], buf0, gs0)

            pltpu.sync_copy(buf1, accs.at[dstv.at[k0 + 1]], add=True)


def _agg_feat_kernel():

    def body(g0, g1, g2, srcg, dstg, zrow, out0, out1, out2a, out2b,
             srcv, dstv, buf0, buf1, accs, gs0, gs1):
        c = lax.axis_index("c")
        s = lax.axis_index("s")
        sl = pl.ds(s * ROWS, ROWS)

        def one_pass(table, n_groups, group_base, out):
            pltpu.sync_copy(zrow, accs.at[sl])
            plsc.subcore_barrier()
            _gather_scatter_pass(table, srcg, dstg, srcv, dstv, buf0, buf1,
                                 accs, gs0, gs1, n_groups, group_base)
            plsc.subcore_barrier()
            pltpu.sync_copy(accs.at[sl], out.at[sl])
            plsc.subcore_barrier()

        @pl.when(c == 0)
        def _():
            one_pass(g0, GPT_A, s * GPT_A, out0)
            one_pass(g2, GPT_B, s * GPT_B, out2a)

        @pl.when(c == 1)
        def _():
            one_pass(g1, GPT_A, s * GPT_A, out1)
            one_pass(g2, GPT_B, (NS + s) * GPT_B, out2b)

    return pl.kernel(
        body,
        out_type=[jax.ShapeDtypeStruct((NP, DS), jnp.int16)] * 4,
        mesh=_mesh,
        compiler_params=_sc_params,
        scratch_types=[
            pltpu.VMEM((G, CH), jnp.int32),
            pltpu.VMEM((G, CH), jnp.int32),
            pltpu.VMEM((CH, DS), jnp.int16),
            pltpu.VMEM((CH, DS), jnp.int16),
            pltpu.VMEM_SHARED((NP, DS), jnp.int16),
            pltpu.SemaphoreType.DMA,
            pltpu.SemaphoreType.DMA,
        ],
    )


def _agg_edge_kernel():

    def body(g3, srcg, dstg, zrow, outa, outb, srcv, dstv, buf0, buf1,
             accs, gs0, gs1):
        c = lax.axis_index("c")
        s = lax.axis_index("s")
        sl = pl.ds(s * ROWS, ROWS)
        pltpu.sync_copy(zrow, accs.at[sl])
        plsc.subcore_barrier()
        _gather_scatter_pass(g3, srcg, dstg, srcv, dstv, buf0, buf1, accs,
                             gs0, gs1, GPT_B, (c * NS + s) * GPT_B)
        plsc.subcore_barrier()

        @pl.when(c == 0)
        def _():
            pltpu.sync_copy(accs.at[sl], outa.at[sl])

        @pl.when(c == 1)
        def _():
            pltpu.sync_copy(accs.at[sl], outb.at[sl])

    return pl.kernel(
        body,
        out_type=[jax.ShapeDtypeStruct((NP, DS), jnp.int16)] * 2,
        mesh=_mesh,
        compiler_params=_sc_params,
        scratch_types=[
            pltpu.VMEM((G, CH), jnp.int32),
            pltpu.VMEM((G, CH), jnp.int32),
            pltpu.VMEM((CH, DS), jnp.int16),
            pltpu.VMEM((CH, DS), jnp.int16),
            pltpu.VMEM_SHARED((NP, DS), jnp.int16),
            pltpu.SemaphoreType.DMA,
            pltpu.SemaphoreType.DMA,
        ],
    )


def _deg_kernel():

    def body(dstg, ones_h, zrow, outa, outb, dstv, onesv, accs):
        c = lax.axis_index("c")
        s = lax.axis_index("s")
        sl = pl.ds(s * ROWS, ROWS)
        pltpu.sync_copy(ones_h, onesv)
        pltpu.sync_copy(zrow, accs.at[sl])
        plsc.subcore_barrier()

        @pl.loop(0, GPT_B)
        def _grp(a):
            pltpu.sync_copy(dstg.at[(c * NS + s) * GPT_B + a], dstv)

            @pl.loop(0, G)
            def _chunk(k):
                pltpu.sync_copy(onesv, accs.at[dstv.at[k]], add=True)

        plsc.subcore_barrier()

        @pl.when(c == 0)
        def _():
            pltpu.sync_copy(accs.at[sl], outa.at[sl])

        @pl.when(c == 1)
        def _():
            pltpu.sync_copy(accs.at[sl], outb.at[sl])

    return pl.kernel(
        body,
        out_type=[jax.ShapeDtypeStruct((NP, DW), jnp.float32)] * 2,
        mesh=_mesh,
        compiler_params=_sc_params,
        scratch_types=[
            pltpu.VMEM((G, CH), jnp.int32),
            pltpu.VMEM((CH, DW), jnp.float32),
            pltpu.VMEM_SHARED((NP, DW), jnp.float32),
        ],
    )


_agg_feat = _agg_feat_kernel()
_agg_edge = _agg_edge_kernel()
_deg = _deg_kernel()


def _quant(g, scale):
    q = jnp.floor(g * scale + 0.5)
    return jnp.clip(q, -32767.0, 32767.0).astype(jnp.int16)


def _tc1(x, W1, dega, degb):

    def body(x_r, w_r, da_r, db_r, g0_r, g1_r, g2_r, dinv_r):
        deg = da_r[:, 0:1] + db_r[:, 0:1] + 1.0
        dinv = lax.rsqrt(jnp.maximum(deg, 1.0))
        h = jnp.dot(x_r[...].astype(jnp.bfloat16), w_r[...],
                    preferred_element_type=jnp.float32)
        q = _quant(h * dinv, S1)
        g0_r[...] = q[:, 0:DS]
        g1_r[...] = q[:, DS:2 * DS]
        g2_r[...] = q[:, 2 * DS:]
        dinv_r[...] = dinv

    return pl.pallas_call(
        body,
        grid=(N // R,),
        in_specs=[
            pl.BlockSpec((R, D_IN), lambda i: (i, 0)),
            pl.BlockSpec((D_IN, D_H), lambda i: (0, 0)),
            pl.BlockSpec((R, DW), lambda i: (i, 0)),
            pl.BlockSpec((R, DW), lambda i: (i, 0)),
        ],
        out_specs=[
            pl.BlockSpec((R, DS), lambda i: (i, 0)),
            pl.BlockSpec((R, DS), lambda i: (i, 0)),
            pl.BlockSpec((R, DS), lambda i: (i, 0)),
            pl.BlockSpec((R, 1), lambda i: (i, 0)),
        ],
        out_shape=[
            jax.ShapeDtypeStruct((N, DS), jnp.int16),
            jax.ShapeDtypeStruct((N, DS), jnp.int16),
            jax.ShapeDtypeStruct((N, DS), jnp.int16),
            jax.ShapeDtypeStruct((N, 1), jnp.float32),
        ],
    )(x, W1, dega, degb)


def _tc_mid(a0, a1, a2a, a2b, g0, g1, g2, dinv, b, W, s_in, s_out,
            n_out_slices):

    def body(a0_r, a1_r, a2a_r, a2b_r, g0_r, g1_r, g2_r, dv_r, b_r, w_r,
             *outs):
        f = jnp.float32
        z = jnp.concatenate(
            [a0_r[...].astype(f) + g0_r[...].astype(f),
             a1_r[...].astype(f) + g1_r[...].astype(f),
             a2a_r[...].astype(f) + a2b_r[...].astype(f)
             + g2_r[...].astype(f)], axis=1)
        dinv = dv_r[...]
        z = jnp.maximum(z * (dinv * (1.0 / s_in)) + b_r[...], 0.0)
        h = jnp.dot(z.astype(jnp.bfloat16), w_r[...],
                    preferred_element_type=jnp.float32)
        q = _quant(h * dinv, s_out)
        for j in range(n_out_slices):
            outs[j][...] = q[:, j * DS:(j + 1) * DS]

    return pl.pallas_call(
        body,
        grid=(N // R,),
        in_specs=[pl.BlockSpec((R, DS), lambda i: (i, 0))] * 7 + [
            pl.BlockSpec((R, 1), lambda i: (i, 0)),
            pl.BlockSpec((1, D_H), lambda i: (0, 0)),
            pl.BlockSpec((D_H, n_out_slices * DS), lambda i: (0, 0)),
        ],
        out_specs=[pl.BlockSpec((R, DS), lambda i: (i, 0))] * n_out_slices,
        out_shape=[jax.ShapeDtypeStruct((N, DS), jnp.int16)] * n_out_slices,
    )(a0, a1, a2a, a2b, g0, g1, g2, dinv, b, W)


def _tc_fin(acca, accb, g3, dinv, b3):

    def body(aa_r, ab_r, g_r, dv_r, b_r, out_r):
        f = jnp.float32
        v = aa_r[...].astype(f) + ab_r[...].astype(f) + g_r[...].astype(f)
        v = v * (dv_r[...] * (1.0 / S3))
        out_r[...] = v[:, :D_OUT] + b_r[...]

    return pl.pallas_call(
        body,
        grid=(N // R,),
        in_specs=[
            pl.BlockSpec((R, DS), lambda i: (i, 0)),
            pl.BlockSpec((R, DS), lambda i: (i, 0)),
            pl.BlockSpec((R, DS), lambda i: (i, 0)),
            pl.BlockSpec((R, 1), lambda i: (i, 0)),
            pl.BlockSpec((1, D_OUT), lambda i: (0, 0)),
        ],
        out_specs=pl.BlockSpec((R, D_OUT), lambda i: (i, 0)),
        out_shape=jax.ShapeDtypeStruct((N, D_OUT), jnp.float32),
    )(acca, accb, g3, dinv, b3)


def kernel(x, edge_index, W1, b1, W2, b2, W3, b3):
    src = edge_index[0]
    dst = edge_index[1]
    src_g = src.reshape(NGRP, G, CH)
    dst_g = dst.reshape(NGRP, G, CH)
    z_ds = jnp.zeros((ROWS, DS), jnp.int16)
    z_dw = jnp.zeros((ROWS, DW), jnp.float32)
    ones_ch = jnp.ones((CH, DW), jnp.float32)
    W1b = W1.astype(jnp.bfloat16)
    W2b = W2.astype(jnp.bfloat16)
    W3p = jnp.pad(W3, ((0, 0), (0, DS - D_OUT))).astype(jnp.bfloat16)
    b1r = b1.reshape(1, D_H)
    b2r = b2.reshape(1, D_H)
    b3r = b3.reshape(1, D_OUT)

    dega, degb = _deg(dst_g, ones_ch, z_dw)
    g10, g11, g12, dinv = _tc1(x, W1b, dega, degb)
    a10, a11, a12a, a12b = _agg_feat(g10, g11, g12, src_g, dst_g, z_ds)
    g20, g21, g22 = _tc_mid(a10, a11, a12a, a12b, g10, g11, g12, dinv,
                            b1r, W2b, S1, S2, 3)
    a20, a21, a22a, a22b = _agg_feat(g20, g21, g22, src_g, dst_g, z_ds)
    (g3,) = _tc_mid(a20, a21, a22a, a22b, g20, g21, g22, dinv,
                    b2r, W3p, S2, S3, 1)
    a3a, a3b = _agg_edge(g3, src_g, dst_g, z_ds)
    return _tc_fin(a3a, a3b, g3, dinv, b3r)

# --- scband reference (transcript-rebuilt; emitter-appended) ---
"""Pipeline reference for scband-gcn-300647711437 (READ-ONLY COPY).

The authoritative reference and input builder live on the scoring server;
editing this copy changes nothing except your own understanding.
"""

import jax, jax.numpy as jnp
import numpy as np

N = 10000
E = 320000
D_IN = 128
D_H = 384
D_OUT = 40


def setup_inputs(seed: int = 0) -> dict:
    key = jax.random.key(seed)
    ks = jax.random.split(key, 8)
    x = jax.random.normal(ks[0], (N, D_IN), dtype=jnp.float32)
    edge_index = jax.random.randint(ks[1], (2, E), 0, N, dtype=jnp.int32)
    W1 = jax.random.normal(ks[2], (D_IN, D_H), dtype=jnp.float32) * (1.0 / np.sqrt(D_IN))
    b1 = jnp.zeros((D_H,), dtype=jnp.float32)
    W2 = jax.random.normal(ks[3], (D_H, D_H), dtype=jnp.float32) * (1.0 / np.sqrt(D_H))
    b2 = jnp.zeros((D_H,), dtype=jnp.float32)
    W3 = jax.random.normal(ks[4], (D_H, D_OUT), dtype=jnp.float32) * (1.0 / np.sqrt(D_H))
    b3 = jnp.zeros((D_OUT,), dtype=jnp.float32)
    return {"x": x, "edge_index": edge_index, "W1": W1, "b1": b1, "W2": W2, "b2": b2, "W3": W3, "b3": b3}


def _gcn_conv(x, W, b, src, dst):
    # GCNConv: x' = D^{-1/2} (A + I) D^{-1/2} (x W) + b
    h = x @ W
    self_loop = jnp.arange(N, dtype=src.dtype)
    s = jnp.concatenate([src, self_loop])
    d = jnp.concatenate([dst, self_loop])
    deg = jnp.zeros((N,), dtype=h.dtype).at[d].add(1.0)
    dinv = jax.lax.rsqrt(jnp.maximum(deg, 1.0))
    norm = dinv[s] * dinv[d]
    msg = h[s] * norm[:, None]
    out = jnp.zeros((N, h.shape[1]), dtype=h.dtype).at[d].add(msg)
    return out + b


def reference(x, edge_index, W1, b1, W2, b2, W3, b3):
    src = edge_index[0]
    dst = edge_index[1]
    h = _gcn_conv(x, W1, b1, src, dst)
    h = jax.nn.relu(h)
    # dropout p=0.0 -> identity
    h = _gcn_conv(h, W2, b2, src, dst)
    h = jax.nn.relu(h)
    out = _gcn_conv(h, W3, b3, src, dst)
    return out

if __name__ == "__main__":
    import jax
    _d = setup_inputs()
    print(jax.jit(kernel)(*tuple(_d.values())))

</pallas_src>

<mosaic_0001>
#map = affine_map<(d0, d1) -> (0, 0)>
#map1 = affine_map<(d0, d1) -> (0, 0, 0)>
module attributes {stable_mosaic.version = 14 : i64} {
  func.func @body(%arg0: i32, %arg1: i32, %arg2: memref<10000x128xi16, #tpu.memory_space<hbm>>, %arg3: memref<64x8x625xi32, #tpu.memory_space<hbm>>, %arg4: memref<64x8x625xi32, #tpu.memory_space<hbm>>, %arg5: memref<640x128xi16, #tpu.memory_space<hbm>>, %arg6: memref<10240x128xi16, #tpu.memory_space<hbm>>, %arg7: memref<10240x128xi16, #tpu.memory_space<hbm>>, %arg8: memref<8x625xi32, #tpu.memory_space<vmem>>, %arg9: memref<8x625xi32, #tpu.memory_space<vmem>>, %arg10: memref<625x128xi16, #tpu.memory_space<vmem>>, %arg11: memref<625x128xi16, #tpu.memory_space<vmem>>, %arg12: memref<10240x128xi16, #tpu.memory_space<vmem_shared>>, %arg13: memref<!tpu.dma_semaphore, #tpu.memory_space<semaphore_mem>>, %arg14: memref<!tpu.dma_semaphore, #tpu.memory_space<semaphore_mem>>) attributes {dimension_semantics = [#tpu.dimension_semantics<core_parallel>, #tpu.dimension_semantics<subcore_parallel>], iteration_bounds = array<i64: 2, 16>, scalar_prefetch = 0 : i64, scratch_operands = 7 : i64, tpu.core_type = #tpu.core_type<sc_vector_subcore>, window_params = [{transform_indices = #map}, {transform_indices = #map1}, {transform_indices = #map1}, {transform_indices = #map}, {transform_indices = #map}, {transform_indices = #map}]} {
    %mul3A = arith.constant 640 : i32
    %mul3A_0 = arith.muli %arg1, %mul3A : i32
    "tpu.region"() ({
      %run_scoped3A = tpu.sem_alloc : memref<!tpu.dma_semaphore, #tpu.memory_space<semaphore_mem>>
      %dma_start3A = arith.constant 0 : i32
      %dma_start3A_17 = tpu.memref_slice %arg12[%mul3A_0, %dma_start3A] : memref<10240x128xi16, #tpu.memory_space<vmem_shared>> -> memref<640x128xi16, #tpu.memory_space<vmem_shared>>
      tpu.enqueue_dma source(%arg5 : memref<640x128xi16, #tpu.memory_space<hbm>>) target(%dma_start3A_17 : memref<640x128xi16, #tpu.memory_space<vmem_shared>>) target_semaphore(%run_scoped3A : memref<!tpu.dma_semaphore, #tpu.memory_space<semaphore_mem>>)
      %dma_wait3A = arith.constant 0 : i32
      %dma_wait3A_18 = tpu.memref_slice %arg12[%mul3A_0, %dma_wait3A] : memref<10240x128xi16, #tpu.memory_space<vmem_shared>> -> memref<640x128xi16, #tpu.memory_space<vmem_shared>>
      tpu.wait_dma2 semaphore(%run_scoped3A : memref<!tpu.dma_semaphore, #tpu.memory_space<semaphore_mem>>) src(%arg5 : memref<640x128xi16, #tpu.memory_space<hbm>>) dst(%dma_wait3A_18 : memref<640x128xi16, #tpu.memory_space<vmem_shared>>)
      tpu.yield
    }) : () -> ()
    %barrier3A = arith.constant 0 : index
    tpu.barrier barrier_id(%barrier3A)
    %mul3A_1 = arith.constant 16 : i32
    %mul3A_2 = arith.muli %arg0, %mul3A_1 : i32
    %add3A = arith.addi %mul3A_2, %arg1 : i32
    %mul3A_3 = arith.constant 2 : i32
    %mul3A_4 = arith.muli %add3A, %mul3A_3 : i32
    %scan3A = arith.constant 0 : i32
    %scan3A_5 = arith.constant 2 : i32
    %scan3A_6 = arith.addi %scan3A, %scan3A_5 : i32
    %scan3A_7 = arith.constant 1 : i32
    scf.for %scan3A_17 = %scan3A to %scan3A_6 step %scan3A_7  : i32 {
      %mul3A_18 = arith.constant 1 : i32
      %mul3A_19 = arith.muli %scan3A_17, %mul3A_18 : i32
      %add3A_20 = arith.constant 0 : i32
      %add3A_21 = arith.addi %add3A_20, %mul3A_19 : i32
      %add3A_22 = arith.addi %mul3A_4, %add3A_21 : i32
      "tpu.region"() ({
        %run_scoped3A = tpu.sem_alloc : memref<!tpu.dma_semaphore, #tpu.memory_space<semaphore_mem>>
        %dma_start3A_35 = arith.constant 0 : i32
        %dma_start3A_36 = arith.constant 0 : i32
        %dma_start3A_37 = tpu.memref_slice %arg3[%add3A_22, %dma_start3A_35, %dma_start3A_36] : memref<64x8x625xi32, #tpu.memory_space<hbm>> -> memref<1x8x625xi32, #tpu.memory_space<hbm>>
        %dma_start3A_38 = tpu.memref_squeeze %dma_start3A_37 : memref<1x8x625xi32, #tpu.memory_space<hbm>> -> memref<8x625xi32, #tpu.memory_space<hbm>>
        %dma_start3A_39 = arith.constant 0 : i32
        %dma_start3A_40 = arith.constant 0 : i32
        %dma_start3A_41 = tpu.memref_slice %arg3[%add3A_22, %dma_start3A_39, %dma_start3A_40] : memref<64x8x625xi32, #tpu.memory_space<hbm>> -> memref<1x8x625xi32, #tpu.memory_space<hbm>>
        %dma_start3A_42 = tpu.memref_squeeze %dma_start3A_41 : memref<1x8x625xi32, #tpu.memory_space<hbm>> -> memref<8x625xi32, #tpu.memory_space<hbm>>
        tpu.enqueue_dma source(%dma_start3A_42 : memref<8x625xi32, #tpu.memory_space<hbm>>) target(%arg8 : memref<8x625xi32, #tpu.memory_space<vmem>>) target_semaphore(%run_scoped3A : memref<!tpu.dma_semaphore, #tpu.memory_space<semaphore_mem>>)
        %dma_wait3A = arith.constant 0 : i32
        %dma_wait3A_43 = arith.constant 0 : i32
        %dma_wait3A_44 = tpu.memref_slice %arg3[%add3A_22, %dma_wait3A, %dma_wait3A_43] : memref<64x8x625xi32, #tpu.memory_space<hbm>> -> memref<1x8x625xi32, #tpu.memory_space<hbm>>
        %dma_wait3A_45 = tpu.memref_squeeze %dma_wait3A_44 : memref<1x8x625xi32, #tpu.memory_space<hbm>> -> memref<8x625xi32, #tpu.memory_space<hbm>>
        %dma_wait3A_46 = arith.constant 0 : i32
        %dma_wait3A_47 = arith.constant 0 : i32
        %dma_wait3A_48 = tpu.memref_slice %arg3[%add3A_22, %dma_wait3A_46, %dma_wait3A_47] : memref<64x8x625xi32, #tpu.memory_space<hbm>> -> memref<1x8x625xi32, #tpu.memory_space<hbm>>
        %dma_wait3A_49 = tpu.memref_squeeze %dma_wait3A_48 : memref<1x8x625xi32, #tpu.memory_space<hbm>> -> memref<8x625xi32, #tpu.memory_space<hbm>>
        tpu.wait_dma2 semaphore(%run_scoped3A : memref<!tpu.dma_semaphore, #tpu.memory_space<semaphore_mem>>) src(%dma_wait3A_49 : memref<8x625xi32, #tpu.memory_space<hbm>>) dst(%arg8 : memref<8x625xi32, #tpu.memory_space<vmem>>)
        tpu.yield
      }) : () -> ()
      %add3A_23 = arith.addi %mul3A_4, %add3A_21 : i32
      "tpu.region"() ({
        %run_scoped3A = tpu.sem_alloc : memref<!tpu.dma_semaphore, #tpu.memory_space<semaphore_mem>>
        %dma_start3A_35 = arith.constant 0 : i32
        %dma_start3A_36 = arith.constant 0 : i32
        %dma_start3A_37 = tpu.memref_slice %arg4[%add3A_23, %dma_start3A_35, %dma_start3A_36] : memref<64x8x625xi32, #tpu.memory_space<hbm>> -> memref<1x8x625xi32, #tpu.memory_space<hbm>>
        %dma_start3A_38 = tpu.memref_squeeze %dma_start3A_37 : memref<1x8x625xi32, #tpu.memory_space<hbm>> -> memref<8x625xi32, #tpu.memory_space<hbm>>
        %dma_start3A_39 = arith.constant 0 : i32
        %dma_start3A_40 = arith.constant 0 : i32
        %dma_start3A_41 = tpu.memref_slice %arg4[%add3A_23, %dma_start3A_39, %dma_start3A_40] : memref<64x8x625xi32, #tpu.memory_space<hbm>> -> memref<1x8x625xi32, #tpu.memory_space<hbm>>
        %dma_start3A_42 = tpu.memref_squeeze %dma_start3A_41 : memref<1x8x625xi32, #tpu.memory_space<hbm>> -> memref<8x625xi32, #tpu.memory_space<hbm>>
        tpu.enqueue_dma source(%dma_start3A_42 : memref<8x625xi32, #tpu.memory_space<hbm>>) target(%arg9 : memref<8x625xi32, #tpu.memory_space<vmem>>) target_semaphore(%run_scoped3A : memref<!tpu.dma_semaphore, #tpu.memory_space<semaphore_mem>>)
        %dma_wait3A = arith.constant 0 : i32
        %dma_wait3A_43 = arith.constant 0 : i32
        %dma_wait3A_44 = tpu.memref_slice %arg4[%add3A_23, %dma_wait3A, %dma_wait3A_43] : memref<64x8x625xi32, #tpu.memory_space<hbm>> -> memref<1x8x625xi32, #tpu.memory_space<hbm>>
        %dma_wait3A_45 = tpu.memref_squeeze %dma_wait3A_44 : memref<1x8x625xi32, #tpu.memory_space<hbm>> -> memref<8x625xi32, #tpu.memory_space<hbm>>
        %dma_wait3A_46 = arith.constant 0 : i32
        %dma_wait3A_47 = arith.constant 0 : i32
        %dma_wait3A_48 = tpu.memref_slice %arg4[%add3A_23, %dma_wait3A_46, %dma_wait3A_47] : memref<64x8x625xi32, #tpu.memory_space<hbm>> -> memref<1x8x625xi32, #tpu.memory_space<hbm>>
        %dma_wait3A_49 = tpu.memref_squeeze %dma_wait3A_48 : memref<1x8x625xi32, #tpu.memory_space<hbm>> -> memref<8x625xi32, #tpu.memory_space<hbm>>
        tpu.wait_dma2 semaphore(%run_scoped3A : memref<!tpu.dma_semaphore, #tpu.memory_space<semaphore_mem>>) src(%dma_wait3A_49 : memref<8x625xi32, #tpu.memory_space<hbm>>) dst(%arg9 : memref<8x625xi32, #tpu.memory_space<vmem>>)
        tpu.yield
      }) : () -> ()
      %dma_start3A = arith.constant 0 : i32
      %dma_start3A_24 = arith.constant 0 : i32
      %dma_start3A_25 = tpu.memref_slice %arg8[%dma_start3A, %dma_start3A_24] : memref<8x625xi32, #tpu.memory_space<vmem>> -> memref<1x625xi32, #tpu.memory_space<vmem>>
      %dma_start3A_26 = tpu.memref_squeeze %dma_start3A_25 : memref<1x625xi32, #tpu.memory_space<vmem>> -> memref<625xi32, #tpu.memory_space<vmem>>
      %dma_start3A_27 = arith.constant 0 : i32
      %dma_start3A_28 = arith.constant 0 : i32
      %dma_start3A_29 = tpu.memref_slice %arg2[%dma_start3A_27, %dma_start3A_28] : memref<10000x128xi16, #tpu.memory_space<hbm>> -> memref<10000x128xi16, #tpu.memory_space<hbm>>
      tpu.enqueue_indirect_dma source(%dma_start3A_29 : memref<10000x128xi16, #tpu.memory_space<hbm>>) target(%arg10 : memref<625x128xi16, #tpu.memory_space<vmem>>) offsets(%dma_start3A_26 : memref<625xi32, #tpu.memory_space<vmem>>) semaphore(%arg13 : memref<!tpu.dma_semaphore, #tpu.memory_space<semaphore_mem>>)
      %scan3A_30 = arith.constant 0 : i32
      %scan3A_31 = arith.constant 4 : i32
      %scan3A_32 = arith.addi %scan3A_30, %scan3A_31 : i32
      %scan3A_33 = arith.constant 1 : i32
      scf.for %scan3A_35 = %scan3A_30 to %scan3A_32 step %scan3A_33  : i32 {
        %mul3A_36 = arith.constant 1 : i32
        %mul3A_37 = arith.muli %scan3A_35, %mul3A_36 : i32
        %add3A_38 = arith.constant 0 : i32
        %add3A_39 = arith.addi %add3A_38, %mul3A_37 : i32
        %mul3A_40 = arith.constant 2 : i32
        %mul3A_41 = arith.muli %mul3A_40, %add3A_39 : i32
        %dma_wait3A = arith.constant 0 : i32
        %dma_wait3A_42 = tpu.memref_slice %arg8[%mul3A_41, %dma_wait3A] : memref<8x625xi32, #tpu.memory_space<vmem>> -> memref<1x625xi32, #tpu.memory_space<vmem>>
        %dma_wait3A_43 = tpu.memref_squeeze %dma_wait3A_42 : memref<1x625xi32, #tpu.memory_space<vmem>> -> memref<625xi32, #tpu.memory_space<vmem>>
        %dma_wait3A_44 = arith.constant 0 : i32
        %dma_wait3A_45 = arith.constant 0 : i32
        %dma_wait3A_46 = tpu.memref_slice %arg2[%dma_wait3A_44, %dma_wait3A_45] : memref<10000x128xi16, #tpu.memory_space<hbm>> -> memref<10000x128xi16, #tpu.memory_space<hbm>>
        tpu.wait_indirect_dma semaphore(%arg13 : memref<!tpu.dma_semaphore, #tpu.memory_space<semaphore_mem>>) src(%dma_wait3A_46 : memref<10000x128xi16, #tpu.memory_space<hbm>>) dst(%arg10 : memref<625x128xi16, #tpu.memory_space<vmem>>)
        %add3A_47 = arith.constant 1 : i32
        %add3A_48 = arith.addi %mul3A_41, %add3A_47 : i32
        %dma_start3A_49 = arith.constant 0 : i32
        %dma_start3A_50 = tpu.memref_slice %arg8[%add3A_48, %dma_start3A_49] : memref<8x625xi32, #tpu.memory_space<vmem>> -> memref<1x625xi32, #tpu.memory_space<vmem>>
        %dma_start3A_51 = tpu.memref_squeeze %dma_start3A_50 : memref<1x625xi32, #tpu.memory_space<vmem>> -> memref<625xi32, #tpu.memory_space<vmem>>
        %dma_start3A_52 = arith.constant 0 : i32
        %dma_start3A_53 = arith.constant 0 : i32
        %dma_start3A_54 = tpu.memref_slice %arg2[%dma_start3A_52, %dma_start3A_53] : memref<10000x128xi16, #tpu.memory_space<hbm>> -> memref<10000x128xi16, #tpu.memory_space<hbm>>
        tpu.enqueue_indirect_dma source(%dma_start3A_54 : memref<10000x128xi16, #tpu.memory_space<hbm>>) target(%arg11 : memref<625x128xi16, #tpu.memory_space<vmem>>) offsets(%dma_start3A_51 : memref<625xi32, #tpu.memory_space<vmem>>) semaphore(%arg14 : memref<!tpu.dma_semaphore, #tpu.memory_space<semaphore_mem>>)
        "tpu.region"() ({
          %run_scoped3A = tpu.sem_alloc : memref<!tpu.dma_semaphore, #tpu.memory_space<semaphore_mem>>
          %dma_start3A_69 = arith.constant 0 : i32
          %dma_start3A_70 = tpu.memref_slice %arg9[%mul3A_41, %dma_start3A_69] : memref<8x625xi32, #tpu.memory_space<vmem>> -> memref<1x625xi32, #tpu.memory_space<vmem>>
          %dma_start3A_71 = tpu.memref_squeeze %dma_start3A_70 : memref<1x625xi32, #tpu.memory_space<vmem>> -> memref<625xi32, #tpu.memory_space<vmem>>
          %dma_start3A_72 = arith.constant 0 : i32
          %dma_start3A_73 = arith.constant 0 : i32
          %dma_start3A_74 = tpu.memref_slice %arg12[%dma_start3A_72, %dma_start3A_73] : memref<10240x128xi16, #tpu.memory_space<vmem_shared>> -> memref<10240x128xi16, #tpu.memory_space<vmem_shared>>
          tpu.enqueue_indirect_dma source(%arg10 : memref<625x128xi16, #tpu.memory_space<vmem>>) target(%dma_start3A_74 : memref<10240x128xi16, #tpu.memory_space<vmem_shared>>) offsets(%dma_start3A_71 : memref<625xi32, #tpu.memory_space<vmem>>) semaphore(%run_scoped3A : memref<!tpu.dma_semaphore, #tpu.memory_space<semaphore_mem>>) {add = true}
          %dma_wait3A_75 = arith.constant 0 : i32
          %dma_wait3A_76 = tpu.memref_slice %arg9[%mul3A_41, %dma_wait3A_75] : memref<8x625xi32, #tpu.memory_space<vmem>> -> memref<1x625xi32, #tpu.memory_space<vmem>>
          %dma_wait3A_77 = tpu.memref_squeeze %dma_wait3A_76 : memref<1x625xi32, #tpu.memory_space<vmem>> -> memref<625xi32, #tpu.memory_space<vmem>>
          %dma_wait3A_78 = arith.constant 0 : i32
          %dma_wait3A_79 = arith.constant 0 : i32
          %dma_wait3A_80 = tpu.memref_slice %arg12[%dma_wait3A_78, %dma_wait3A_79] : memref<10240x128xi16, #tpu.memory_space<vmem_shared>> -> memref<10240x128xi16, #tpu.memory_space<vmem_shared>>
          tpu.wait_indirect_dma semaphore(%run_scoped3A : memref<!tpu.dma_semaphore, #tpu.memory_space<semaphore_mem>>) src(%arg10 : memref<625x128xi16, #tpu.memory_space<vmem>>) dst(%dma_wait3A_80 : memref<10240x128xi16, #tpu.memory_space<vmem_shared>>)
          tpu.yield
        }) : () -> ()
        %add3A_55 = arith.constant 1 : i32
        %add3A_56 = arith.addi %mul3A_41, %add3A_55 : i32
        %dma_wait3A_57 = arith.constant 0 : i32
        %dma_wait3A_58 = tpu.memref_slice %arg8[%add3A_56, %dma_wait3A_57] : memref<8x625xi32, #tpu.memory_space<vmem>> -> memref<1x625xi32, #tpu.memory_space<vmem>>
        %dma_wait3A_59 = tpu.memref_squeeze %dma_wait3A_58 : memref<1x625xi32, #tpu.memory_space<vmem>> -> memref<625xi32, #tpu.memory_space<vmem>>
        %dma_wait3A_60 = arith.constant 0 : i32
        %dma_wait3A_61 = arith.constant 0 : i32
        %dma_wait3A_62 = tpu.memref_slice %arg2[%dma_wait3A_60, %dma_wait3A_61] : memref<10000x128xi16, #tpu.memory_space<hbm>> -> memref<10000x128xi16, #tpu.memory_space<hbm>>
        tpu.wait_indirect_dma semaphore(%arg14 : memref<!tpu.dma_semaphore, #tpu.memory_space<semaphore_mem>>) src(%dma_wait3A_62 : memref<10000x128xi16, #tpu.memory_space<hbm>>) dst(%arg11 : memref<625x128xi16, #tpu.memory_space<vmem>>)
        %lt3A = arith.constant 3 : i32
        %lt3A_63 = arith.cmpi slt, %add3A_39, %lt3A : i32
        %convert_element_type3A_64 = arith.extui %lt3A_63 : i1 to i32
        %cond3A_65 = arith.constant 0 : i32
        %cond3A_66 = arith.cmpi ne, %convert_element_type3A_64, %cond3A_65 : i32
        scf.if %cond3A_66 {
          %add3A_69 = arith.constant 2 : i32
          %add3A_70 = arith.addi %mul3A_41, %add3A_69 : i32
          %dma_start3A_71 = arith.constant 0 : i32
          %dma_start3A_72 = tpu.memref_slice %arg8[%add3A_70, %dma_start3A_71] : memref<8x625xi32, #tpu.memory_space<vmem>> -> memref<1x625xi32, #tpu.memory_space<vmem>>
          %dma_start3A_73 = tpu.memref_squeeze %dma_start3A_72 : memref<1x625xi32, #tpu.memory_space<vmem>> -> memref<625xi32, #tpu.memory_space<vmem>>
          %dma_start3A_74 = arith.constant 0 : i32
          %dma_start3A_75 = arith.constant 0 : i32
          %dma_start3A_76 = tpu.memref_slice %arg2[%dma_start3A_74, %dma_start3A_75] : memref<10000x128xi16, #tpu.memory_space<hbm>> -> memref<10000x128xi16, #tpu.memory_space<hbm>>
          tpu.enqueue_indirect_dma source(%dma_start3A_76 : memref<10000x128xi16, #tpu.memory_space<hbm>>) target(%arg10 : memref<625x128xi16, #tpu.memory_space<vmem>>) offsets(%dma_start3A_73 : memref<625xi32, #tpu.memory_space<vmem>>) semaphore(%arg13 : memref<!tpu.dma_semaphore, #tpu.memory_space<semaphore_mem>>)
        } else {
        }
        %add3A_67 = arith.constant 1 : i32
        %add3A_68 = arith.addi %mul3A_41, %add3A_67 : i32
        "tpu.region"() ({
          %run_scoped3A = tpu.sem_alloc : memref<!tpu.dma_semaphore, #tpu.memory_space<semaphore_mem>>
          %dma_start3A_69 = arith.constant 0 : i32
          %dma_start3A_70 = tpu.memref_slice %arg9[%add3A_68, %dma_start3A_69] : memref<8x625xi32, #tpu.memory_space<vmem>> -> memref<1x625xi32, #tpu.memory_space<vmem>>
          %dma_start3A_71 = tpu.memref_squeeze %dma_start3A_70 : memref<1x625xi32, #tpu.memory_space<vmem>> -> memref<625xi32, #tpu.memory_space<vmem>>
          %dma_start3A_72 = arith.constant 0 : i32
          %dma_start3A_73 = arith.constant 0 : i32
          %dma_start3A_74 = tpu.memref_slice %arg12[%dma_start3A_72, %dma_start3A_73] : memref<10240x128xi16, #tpu.memory_space<vmem_shared>> -> memref<10240x128xi16, #tpu.memory_space<vmem_shared>>
          tpu.enqueue_indirect_dma source(%arg11 : memref<625x128xi16, #tpu.memory_space<vmem>>) target(%dma_start3A_74 : memref<10240x128xi16, #tpu.memory_space<vmem_shared>>) offsets(%dma_start3A_71 : memref<625xi32, #tpu.memory_space<vmem>>) semaphore(%run_scoped3A : memref<!tpu.dma_semaphore, #tpu.memory_space<semaphore_mem>>) {add = true}
          %dma_wait3A_75 = arith.constant 0 : i32
          %dma_wait3A_76 = tpu.memref_slice %arg9[%add3A_68, %dma_wait3A_75] : memref<8x625xi32, #tpu.memory_space<vmem>> -> memref<1x625xi32, #tpu.memory_space<vmem>>
          %dma_wait3A_77 = tpu.memref_squeeze %dma_wait3A_76 : memref<1x625xi32, #tpu.memory_space<vmem>> -> memref<625xi32, #tpu.memory_space<vmem>>
          %dma_wait3A_78 = arith.constant 0 : i32
          %dma_wait3A_79 = arith.constant 0 : i32
          %dma_wait3A_80 = tpu.memref_slice %arg12[%dma_wait3A_78, %dma_wait3A_79] : memref<10240x128xi16, #tpu.memory_space<vmem_shared>> -> memref<10240x128xi16, #tpu.memory_space<vmem_shared>>
          tpu.wait_indirect_dma semaphore(%run_scoped3A : memref<!tpu.dma_semaphore, #tpu.memory_space<semaphore_mem>>) src(%arg11 : memref<625x128xi16, #tpu.memory_space<vmem>>) dst(%dma_wait3A_80 : memref<10240x128xi16, #tpu.memory_space<vmem_shared>>)
          tpu.yield
        }) : () -> ()
      }
      %scan3A_34 = arith.constant 4 : i32
    }
    %scan3A_8 = arith.constant 2 : i32
    %barrier3A_9 = arith.constant 0 : index
    tpu.barrier barrier_id(%barrier3A_9)
    %eq3A = arith.constant 0 : i32
    %eq3A_10 = arith.cmpi eq, %arg0, %eq3A : i32
    %convert_element_type3A = arith.extui %eq3A_10 : i1 to i32
    %cond3A = arith.constant 0 : i32
    %cond3A_11 = arith.cmpi ne, %convert_element_type3A, %cond3A : i32
    scf.if %cond3A_11 {
      "tpu.region"() ({
        %run_scoped3A = tpu.sem_alloc : memref<!tpu.dma_semaphore, #tpu.memory_space<semaphore_mem>>
        %dma_start3A = arith.constant 0 : i32
        %dma_start3A_17 = tpu.memref_slice %arg6[%mul3A_0, %dma_start3A] : memref<10240x128xi16, #tpu.memory_space<hbm>> -> memref<640x128xi16, #tpu.memory_space<hbm>>
        %dma_start3A_18 = arith.constant 0 : i32
        %dma_start3A_19 = tpu.memref_slice %arg12[%mul3A_0, %dma_start3A_18] : memref<10240x128xi16, #tpu.memory_space<vmem_shared>> -> memref<640x128xi16, #tpu.memory_space<vmem_shared>>
        tpu.enqueue_dma source(%dma_start3A_19 : memref<640x128xi16, #tpu.memory_space<vmem_shared>>) target(%dma_start3A_17 : memref<640x128xi16, #tpu.memory_space<hbm>>) target_semaphore(%run_scoped3A : memref<!tpu.dma_semaphore, #tpu.memory_space<semaphore_mem>>)
        %dma_wait3A = arith.constant 0 : i32
        %dma_wait3A_20 = tpu.memref_slice %arg6[%mul3A_0, %dma_wait3A] : memref<10240x128xi16, #tpu.memory_space<hbm>> -> memref<640x128xi16, #tpu.memory_space<hbm>>
        %dma_wait3A_21 = arith.constant 0 : i32
        %dma_wait3A_22 = tpu.memref_slice %arg12[%mul3A_0, %dma_wait3A_21] : memref<10240x128xi16, #tpu.memory_space<vmem_shared>> -> memref<640x128xi16, #tpu.memory_space<vmem_shared>>
        tpu.wait_dma2 semaphore(%run_scoped3A : memref<!tpu.dma_semaphore, #tpu.memory_space<semaphore_mem>>) src(%dma_wait3A_22 : memref<640x128xi16, #tpu.memory_space<vmem_shared>>) dst(%dma_wait3A_20 : memref<640x128xi16, #tpu.memory_space<hbm>>)
        tpu.yield
      }) : () -> ()
    } else {
    }
    %eq3A_12 = arith.constant 1 : i32
    %eq3A_13 = arith.cmpi eq, %arg0, %eq3A_12 : i32
    %convert_element_type3A_14 = arith.extui %eq3A_13 : i1 to i32
    %cond3A_15 = arith.constant 0 : i32
    %cond3A_16 = arith.cmpi ne, %convert_element_type3A_14, %cond3A_15 : i32
    scf.if %cond3A_16 {
      "tpu.region"() ({
        %run_scoped3A = tpu.sem_alloc : memref<!tpu.dma_semaphore, #tpu.memory_space<semaphore_mem>>
        %dma_start3A = arith.constant 0 : i32
        %dma_start3A_17 = tpu.memref_slice %arg7[%mul3A_0, %dma_start3A] : memref<10240x128xi16, #tpu.memory_space<hbm>> -> memref<640x128xi16, #tpu.memory_space<hbm>>
        %dma_start3A_18 = arith.constant 0 : i32
        %dma_start3A_19 = tpu.memref_slice %arg12[%mul3A_0, %dma_start3A_18] : memref<10240x128xi16, #tpu.memory_space<vmem_shared>> -> memref<640x128xi16, #tpu.memory_space<vmem_shared>>
        tpu.enqueue_dma source(%dma_start3A_19 : memref<640x128xi16, #tpu.memory_space<vmem_shared>>) target(%dma_start3A_17 : memref<640x128xi16, #tpu.memory_space<hbm>>) target_semaphore(%run_scoped3A : memref<!tpu.dma_semaphore, #tpu.memory_space<semaphore_mem>>)
        %dma_wait3A = arith.constant 0 : i32
        %dma_wait3A_20 = tpu.memref_slice %arg7[%mul3A_0, %dma_wait3A] : memref<10240x128xi16, #tpu.memory_space<hbm>> -> memref<640x128xi16, #tpu.memory_space<hbm>>
        %dma_wait3A_21 = arith.constant 0 : i32
        %dma_wait3A_22 = tpu.memref_slice %arg12[%mul3A_0, %dma_wait3A_21] : memref<10240x128xi16, #tpu.memory_space<vmem_shared>> -> memref<640x128xi16, #tpu.memory_space<vmem_shared>>
        tpu.wait_dma2 semaphore(%run_scoped3A : memref<!tpu.dma_semaphore, #tpu.memory_space<semaphore_mem>>) src(%dma_wait3A_22 : memref<640x128xi16, #tpu.memory_space<vmem_shared>>) dst(%dma_wait3A_20 : memref<640x128xi16, #tpu.memory_space<hbm>>)
        tpu.yield
      }) : () -> ()
    } else {
    }
    return
  }
}

#map = affine_map<(d0, d1) -> (0, 0)>
#map1 = affine_map<(d0, d1) -> (0, 0, 0)>
module attributes {stable_mosaic.version = 14 : i64} {
  func.func @body(%arg0: i32, %arg1: i32, %arg2: memref<10000x128xi16, #tpu.memory_space<hbm>>, %arg3: memref<10000x128xi16, #tpu.memory_space<hbm>>, %arg4: memref<10000x128xi16, #tpu.memory_space<hbm>>, %arg5: memref<64x8x625xi32, #tpu.memory_space<hbm>>, %arg6: memref<64x8x625xi32, #tpu.memory_space<hbm>>, %arg7: memref<640x128xi16, #tpu.memory_space<hbm>>, %arg8: memref<10240x128xi16, #tpu.memory_space<hbm>>, %arg9: memref<10240x128xi16, #tpu.memory_space<hbm>>, %arg10: memref<10240x128xi16, #tpu.memory_space<hbm>>, %arg11: memref<10240x128xi16, #tpu.memory_space<hbm>>, %arg12: memref<8x625xi32, #tpu.memory_space<vmem>>, %arg13: memref<8x625xi32, #tpu.memory_space<vmem>>, %arg14: memref<625x128xi16, #tpu.memory_space<vmem>>, %arg15: memref<625x128xi16, #tpu.memory_space<vmem>>, %arg16: memref<10240x128xi16, #tpu.memory_space<vmem_shared>>, %arg17: memref<!tpu.dma_semaphore, #tpu.memory_space<semaphore_mem>>, %arg18: memref<!tpu.dma_semaphore, #tpu.memory_space<semaphore_mem>>) attributes {dimension_semantics = [#tpu.dimension_semantics<core_parallel>, #tpu.dimension_semantics<subcore_parallel>], iteration_bounds = array<i64: 2, 16>, scalar_prefetch = 0 : i64, scratch_operands = 7 : i64, tpu.core_type = #tpu.core_type<sc_vector_subcore>, window_params = [{transform_indices = #map}, {transform_indices = #map}, {transform_indices = #map}, {transform_indices = #map1}, {transform_indices = #map1}, {transform_indices = #map}, {transform_indices = #map}, {transform_indices = #map}, {transform_indices = #map}, {transform_indices = #map}]} {
    %mul3A = arith.constant 640 : i32
    %mul3A_0 = arith.muli %arg1, %mul3A : i32
    %eq3A = arith.constant 0 : i32
    %eq3A_1 = arith.cmpi eq, %arg0, %eq3A : i32
    %convert_element_type3A = arith.extui %eq3A_1 : i1 to i32
    %cond3A = arith.constant 0 : i32
    %cond3A_2 = arith.cmpi ne, %convert_element_type3A, %cond3A : i32
    scf.if %cond3A_2 {
      %mul3A_8 = arith.constant 4 : i32
      %mul3A_9 = arith.muli %arg1, %mul3A_8 : i32
      "tpu.region"() ({
        %run_scoped3A = tpu.sem_alloc : memref<!tpu.dma_semaphore, #tpu.memory_space<semaphore_mem>>
        %dma_start3A = arith.constant 0 : i32
        %dma_start3A_26 = tpu.memref_slice %arg16[%mul3A_0, %dma_start3A] : memref<10240x128xi16, #tpu.memory_space<vmem_shared>> -> memref<640x128xi16, #tpu.memory_space<vmem_shared>>
        tpu.enqueue_dma source(%arg7 : memref<640x128xi16, #tpu.memory_space<hbm>>) target(%dma_start3A_26 : memref<640x128xi16, #tpu.memory_space<vmem_shared>>) target_semaphore(%run_scoped3A : memref<!tpu.dma_semaphore, #tpu.memory_space<semaphore_mem>>)
        %dma_wait3A = arith.constant 0 : i32
        %dma_wait3A_27 = tpu.memref_slice %arg16[%mul3A_0, %dma_wait3A] : memref<10240x128xi16, #tpu.memory_space<vmem_shared>> -> memref<640x128xi16, #tpu.memory_space<vmem_shared>>
        tpu.wait_dma2 semaphore(%run_scoped3A : memref<!tpu.dma_semaphore, #tpu.memory_space<semaphore_mem>>) src(%arg7 : memref<640x128xi16, #tpu.memory_space<hbm>>) dst(%dma_wait3A_27 : memref<640x128xi16, #tpu.memory_space<vmem_shared>>)
        tpu.yield
      }) : () -> ()
      %barrier3A = arith.constant 0 : index
      tpu.barrier barrier_id(%barrier3A)
      %scan3A = arith.constant 0 : i32
      %scan3A_10 = arith.constant 4 : i32
      %scan3A_11 = arith.addi %scan3A, %scan3A_10 : i32
      %scan3A_12 = arith.constant 1 : i32
      scf.for %scan3A_26 = %scan3A to %scan3A_11 step %scan3A_12  : i32 {
        %mul3A_27 = arith.constant 1 : i32
        %mul3A_28 = arith.muli %scan3A_26, %mul3A_27 : i32
        %add3A = arith.constant 0 : i32
        %add3A_29 = arith.addi %add3A, %mul3A_28 : i32
        %add3A_30 = arith.addi %mul3A_9, %add3A_29 : i32
        "tpu.region"() ({
          %run_scoped3A = tpu.sem_alloc : memref<!tpu.dma_semaphore, #tpu.memory_space<semaphore_mem>>
          %dma_start3A_43 = arith.constant 0 : i32
          %dma_start3A_44 = arith.constant 0 : i32
          %dma_start3A_45 = tpu.memref_slice %arg5[%add3A_30, %dma_start3A_43, %dma_start3A_44] : memref<64x8x625xi32, #tpu.memory_space<hbm>> -> memref<1x8x625xi32, #tpu.memory_space<hbm>>
          %dma_start3A_46 = tpu.memref_squeeze %dma_start3A_45 : memref<1x8x625xi32, #tpu.memory_space<hbm>> -> memref<8x625xi32, #tpu.memory_space<hbm>>
          %dma_start3A_47 = arith.constant 0 : i32
          %dma_start3A_48 = arith.constant 0 : i32
          %dma_start3A_49 = tpu.memref_slice %arg5[%add3A_30, %dma_start3A_47, %dma_start3A_48] : memref<64x8x625xi32, #tpu.memory_space<hbm>> -> memref<1x8x625xi32, #tpu.memory_space<hbm>>
          %dma_start3A_50 = tpu.memref_squeeze %dma_start3A_49 : memref<1x8x625xi32, #tpu.memory_space<hbm>> -> memref<8x625xi32, #tpu.memory_space<hbm>>
          tpu.enqueue_dma source(%dma_start3A_50 : memref<8x625xi32, #tpu.memory_space<hbm>>) target(%arg12 : memref<8x625xi32, #tpu.memory_space<vmem>>) target_semaphore(%run_scoped3A : memref<!tpu.dma_semaphore, #tpu.memory_space<semaphore_mem>>)
          %dma_wait3A = arith.constant 0 : i32
          %dma_wait3A_51 = arith.constant 0 : i32
          %dma_wait3A_52 = tpu.memref_slice %arg5[%add3A_30, %dma_wait3A, %dma_wait3A_51] : memref<64x8x625xi32, #tpu.memory_space<hbm>> -> memref<1x8x625xi32, #tpu.memory_space<hbm>>
          %dma_wait3A_53 = tpu.memref_squeeze %dma_wait3A_52 : memref<1x8x625xi32, #tpu.memory_space<hbm>> -> memref<8x625xi32, #tpu.memory_space<hbm>>
          %dma_wait3A_54 = arith.constant 0 : i32
          %dma_wait3A_55 = arith.constant 0 : i32
          %dma_wait3A_56 = tpu.memref_slice %arg5[%add3A_30, %dma_wait3A_54, %dma_wait3A_55] : memref<64x8x625xi32, #tpu.memory_space<hbm>> -> memref<1x8x625xi32, #tpu.memory_space<hbm>>
          %dma_wait3A_57 = tpu.memref_squeeze %dma_wait3A_56 : memref<1x8x625xi32, #tpu.memory_space<hbm>> -> memref<8x625xi32, #tpu.memory_space<hbm>>
          tpu.wait_dma2 semaphore(%run_scoped3A : memref<!tpu.dma_semaphore, #tpu.memory_space<semaphore_mem>>) src(%dma_wait3A_57 : memref<8x625xi32, #tpu.memory_space<hbm>>) dst(%arg12 : memref<8x625xi32, #tpu.memory_space<vmem>>)
          tpu.yield
        }) : () -> ()
        %add3A_31 = arith.addi %mul3A_9, %add3A_29 : i32
        "tpu.region"() ({
          %run_scoped3A = tpu.sem_alloc : memref<!tpu.dma_semaphore, #tpu.memory_space<semaphore_mem>>
          %dma_start3A_43 = arith.constant 0 : i32
          %dma_start3A_44 = arith.constant 0 : i32
          %dma_start3A_45 = tpu.memref_slice %arg6[%add3A_31, %dma_start3A_43, %dma_start3A_44] : memref<64x8x625xi32, #tpu.memory_space<hbm>> -> memref<1x8x625xi32, #tpu.memory_space<hbm>>
          %dma_start3A_46 = tpu.memref_squeeze %dma_start3A_45 : memref<1x8x625xi32, #tpu.memory_space<hbm>> -> memref<8x625xi32, #tpu.memory_space<hbm>>
          %dma_start3A_47 = arith.constant 0 : i32
          %dma_start3A_48 = arith.constant 0 : i32
          %dma_start3A_49 = tpu.memref_slice %arg6[%add3A_31, %dma_start3A_47, %dma_start3A_48] : memref<64x8x625xi32, #tpu.memory_space<hbm>> -> memref<1x8x625xi32, #tpu.memory_space<hbm>>
          %dma_start3A_50 = tpu.memref_squeeze %dma_start3A_49 : memref<1x8x625xi32, #tpu.memory_space<hbm>> -> memref<8x625xi32, #tpu.memory_space<hbm>>
          tpu.enqueue_dma source(%dma_start3A_50 : memref<8x625xi32, #tpu.memory_space<hbm>>) target(%arg13 : memref<8x625xi32, #tpu.memory_space<vmem>>) target_semaphore(%run_scoped3A : memref<!tpu.dma_semaphore, #tpu.memory_space<semaphore_mem>>)
          %dma_wait3A = arith.constant 0 : i32
          %dma_wait3A_51 = arith.constant 0 : i32
          %dma_wait3A_52 = tpu.memref_slice %arg6[%add3A_31, %dma_wait3A, %dma_wait3A_51] : memref<64x8x625xi32, #tpu.memory_space<hbm>> -> memref<1x8x625xi32, #tpu.memory_space<hbm>>
          %dma_wait3A_53 = tpu.memref_squeeze %dma_wait3A_52 : memref<1x8x625xi32, #tpu.memory_space<hbm>> -> memref<8x625xi32, #tpu.memory_space<hbm>>
          %dma_wait3A_54 = arith.constant 0 : i32
          %dma_wait3A_55 = arith.constant 0 : i32
          %dma_wait3A_56 = tpu.memref_slice %arg6[%add3A_31, %dma_wait3A_54, %dma_wait3A_55] : memref<64x8x625xi32, #tpu.memory_space<hbm>> -> memref<1x8x625xi32, #tpu.memory_space<hbm>>
          %dma_wait3A_57 = tpu.memref_squeeze %dma_wait3A_56 : memref<1x8x625xi32, #tpu.memory_space<hbm>> -> memref<8x625xi32, #tpu.memory_space<hbm>>
          tpu.wait_dma2 semaphore(%run_scoped3A : memref<!tpu.dma_semaphore, #tpu.memory_space<semaphore_mem>>) src(%dma_wait3A_57 : memref<8x625xi32, #tpu.memory_space<hbm>>) dst(%arg13 : memref<8x625xi32, #tpu.memory_space<vmem>>)
          tpu.yield
        }) : () -> ()
        %dma_start3A = arith.constant 0 : i32
        %dma_start3A_32 = arith.constant 0 : i32
        %dma_start3A_33 = tpu.memref_slice %arg12[%dma_start3A, %dma_start3A_32] : memref<8x625xi32, #tpu.memory_space<vmem>> -> memref<1x625xi32, #tpu.memory_space<vmem>>
        %dma_start3A_34 = tpu.memref_squeeze %dma_start3A_33 : memref<1x625xi32, #tpu.memory_space<vmem>> -> memref<625xi32, #tpu.memory_space<vmem>>
        %dma_start3A_35 = arith.constant 0 : i32
        %dma_start3A_36 = arith.constant 0 : i32
        %dma_start3A_37 = tpu.memref_slice %arg2[%dma_start3A_35, %dma_start3A_36] : memref<10000x128xi16, #tpu.memory_space<hbm>> -> memref<10000x128xi16, #tpu.memory_space<hbm>>
        tpu.enqueue_indirect_dma source(%dma_start3A_37 : memref<10000x128xi16, #tpu.memory_space<hbm>>) target(%arg14 : memref<625x128xi16, #tpu.memory_space<vmem>>) offsets(%dma_start3A_34 : memref<625xi32, #tpu.memory_space<vmem>>) semaphore(%arg17 : memref<!tpu.dma_semaphore, #tpu.memory_space<semaphore_mem>>)
        %scan3A_38 = arith.constant 0 : i32
        %scan3A_39 = arith.constant 4 : i32
        %scan3A_40 = arith.addi %scan3A_38, %scan3A_39 : i32
        %scan3A_41 = arith.constant 1 : i32
        scf.for %scan3A_43 = %scan3A_38 to %scan3A_40 step %scan3A_41  : i32 {
          %mul3A_44 = arith.constant 1 : i32
          %mul3A_45 = arith.muli %scan3A_43, %mul3A_44 : i32
          %add3A_46 = arith.constant 0 : i32
          %add3A_47 = arith.addi %add3A_46, %mul3A_45 : i32
          %mul3A_48 = arith.constant 2 : i32
          %mul3A_49 = arith.muli %mul3A_48, %add3A_47 : i32
          %dma_wait3A = arith.constant 0 : i32
          %dma_wait3A_50 = tpu.memref_slice %arg12[%mul3A_49, %dma_wait3A] : memref<8x625xi32, #tpu.memory_space<vmem>> -> memref<1x625xi32, #tpu.memory_space<vmem>>
          %dma_wait3A_51 = tpu.memref_squeeze %dma_wait3A_50 : memref<1x625xi32, #tpu.memory_space<vmem>> -> memref<625xi32, #tpu.memory_space<vmem>>
          %dma_wait3A_52 = arith.constant 0 : i32
          %dma_wait3A_53 = arith.constant 0 : i32
          %dma_wait3A_54 = tpu.memref_slice %arg2[%dma_wait3A_52, %dma_wait3A_53] : memref<10000x128xi16, #tpu.memory_space<hbm>> -> memref<10000x128xi16, #tpu.memory_space<hbm>>
          tpu.wait_indirect_dma semaphore(%arg17 : memref<!tpu.dma_semaphore, #tpu.memory_space<semaphore_mem>>) src(%dma_wait3A_54 : memref<10000x128xi16, #tpu.memory_space<hbm>>) dst(%arg14 : memref<625x128xi16, #tpu.memory_space<vmem>>)
          %add3A_55 = arith.constant 1 : i32
          %add3A_56 = arith.addi %mul3A_49, %add3A_55 : i32
          %dma_start3A_57 = arith.constant 0 : i32
          %dma_start3A_58 = tpu.memref_slice %arg12[%add3A_56, %dma_start3A_57] : memref<8x625xi32, #tpu.memory_space<vmem>> -> memref<1x625xi32, #tpu.memory_space<vmem>>
          %dma_start3A_59 = tpu.memref_squeeze %dma_start3A_58 : memref<1x625xi32, #tpu.memory_space<vmem>> -> memref<625xi32, #tpu.memory_space<vmem>>
          %dma_start3A_60 = arith.constant 0 : i32
          %dma_start3A_61 = arith.constant 0 : i32
          %dma_start3A_62 = tpu.memref_slice %arg2[%dma_start3A_60, %dma_start3A_61] : memref<10000x128xi16, #tpu.memory_space<hbm>> -> memref<10000x128xi16, #tpu.memory_space<hbm>>
          tpu.enqueue_indirect_dma source(%dma_start3A_62 : memref<10000x128xi16, #tpu.memory_space<hbm>>) target(%arg15 : memref<625x128xi16, #tpu.memory_space<vmem>>) offsets(%dma_start3A_59 : memref<625xi32, #tpu.memory_space<vmem>>) semaphore(%arg18 : memref<!tpu.dma_semaphore, #tpu.memory_space<semaphore_mem>>)
          "tpu.region"() ({
            %run_scoped3A = tpu.sem_alloc : memref<!tpu.dma_semaphore, #tpu.memory_space<semaphore_mem>>
            %dma_start3A_77 = arith.constant 0 : i32
            %dma_start3A_78 = tpu.memref_slice %arg13[%mul3A_49, %dma_start3A_77] : memref<8x625xi32, #tpu.memory_space<vmem>> -> memref<1x625xi32, #tpu.memory_space<vmem>>
            %dma_start3A_79 = tpu.memref_squeeze %dma_start3A_78 : memref<1x625xi32, #tpu.memory_space<vmem>> -> memref<625xi32, #tpu.memory_space<vmem>>
            %dma_start3A_80 = arith.constant 0 : i32
            %dma_start3A_81 = arith.constant 0 : i32
            %dma_start3A_82 = tpu.memref_slice %arg16[%dma_start3A_80, %dma_start3A_81] : memref<10240x128xi16, #tpu.memory_space<vmem_shared>> -> memref<10240x128xi16, #tpu.memory_space<vmem_shared>>
            tpu.enqueue_indirect_dma source(%arg14 : memref<625x128xi16, #tpu.memory_space<vmem>>) target(%dma_start3A_82 : memref<10240x128xi16, #tpu.memory_space<vmem_shared>>) offsets(%dma_start3A_79 : memref<625xi32, #tpu.memory_space<vmem>>) semaphore(%run_scoped3A : memref<!tpu.dma_semaphore, #tpu.memory_space<semaphore_mem>>) {add = true}
            %dma_wait3A_83 = arith.constant 0 : i32
            %dma_wait3A_84 = tpu.memref_slice %arg13[%mul3A_49, %dma_wait3A_83] : memref<8x625xi32, #tpu.memory_space<vmem>> -> memref<1x625xi32, #tpu.memory_space<vmem>>
            %dma_wait3A_85 = tpu.memref_squeeze %dma_wait3A_84 : memref<1x625xi32, #tpu.memory_space<vmem>> -> memref<625xi32, #tpu.memory_space<vmem>>
            %dma_wait3A_86 = arith.constant 0 : i32
            %dma_wait3A_87 = arith.constant 0 : i32
            %dma_wait3A_88 = tpu.memref_slice %arg16[%dma_wait3A_86, %dma_wait3A_87] : memref<10240x128xi16, #tpu.memory_space<vmem_shared>> -> memref<10240x128xi16, #tpu.memory_space<vmem_shared>>
            tpu.wait_indirect_dma semaphore(%run_scoped3A : memref<!tpu.dma_semaphore, #tpu.memory_space<semaphore_mem>>) src(%arg14 : memref<625x128xi16, #tpu.memory_space<vmem>>) dst(%dma_wait3A_88 : memref<10240x128xi16, #tpu.memory_space<vmem_shared>>)
            tpu.yield
          }) : () -> ()
          %add3A_63 = arith.constant 1 : i32
          %add3A_64 = arith.addi %mul3A_49, %add3A_63 : i32
          %dma_wait3A_65 = arith.constant 0 : i32
          %dma_wait3A_66 = tpu.memref_slice %arg12[%add3A_64, %dma_wait3A_65] : memref<8x625xi32, #tpu.memory_space<vmem>> -> memref<1x625xi32, #tpu.memory_space<vmem>>
          %dma_wait3A_67 = tpu.memref_squeeze %dma_wait3A_66 : memref<1x625xi32, #tpu.memory_space<vmem>> -> memref<625xi32, #tpu.memory_space<vmem>>
          %dma_wait3A_68 = arith.constant 0 : i32
          %dma_wait3A_69 = arith.constant 0 : i32
          %dma_wait3A_70 = tpu.memref_slice %arg2[%dma_wait3A_68, %dma_wait3A_69] : memref<10000x128xi16, #tpu.memory_space<hbm>> -> memref<10000x128xi16, #tpu.memory_space<hbm>>
          tpu.wait_indirect_dma semaphore(%arg18 : memref<!tpu.dma_semaphore, #tpu.memory_space<semaphore_mem>>) src(%dma_wait3A_70 : memref<10000x128xi16, #tpu.memory_space<hbm>>) dst(%arg15 : memref<625x128xi16, #tpu.memory_space<vmem>>)
          %lt3A = arith.constant 3 : i32
          %lt3A_71 = arith.cmpi slt, %add3A_47, %lt3A : i32
          %convert_element_type3A_72 = arith.extui %lt3A_71 : i1 to i32
          %cond3A_73 = arith.constant 0 : i32
          %cond3A_74 = arith.cmpi ne, %convert_element_type3A_72, %cond3A_73 : i32
          scf.if %cond3A_74 {
            %add3A_77 = arith.constant 2 : i32
            %add3A_78 = arith.addi %mul3A_49, %add3A_77 : i32
            %dma_start3A_79 = arith.constant 0 : i32
            %dma_start3A_80 = tpu.memref_slice %arg12[%add3A_78, %dma_start3A_79] : memref<8x625xi32, #tpu.memory_space<vmem>> -> memref<1x625xi32, #tpu.memory_space<vmem>>
            %dma_start3A_81 = tpu.memref_squeeze %dma_start3A_80 : memref<1x625xi32, #tpu.memory_space<vmem>> -> memref<625xi32, #tpu.memory_space<vmem>>
            %dma_start3A_82 = arith.constant 0 : i32
            %dma_start3A_83 = arith.constant 0 : i32
            %dma_start3A_84 = tpu.memref_slice %arg2[%dma_start3A_82, %dma_start3A_83] : memref<10000x128xi16, #tpu.memory_space<hbm>> -> memref<10000x128xi16, #tpu.memory_space<hbm>>
            tpu.enqueue_indirect_dma source(%dma_start3A_84 : memref<10000x128xi16, #tpu.memory_space<hbm>>) target(%arg14 : memref<625x128xi16, #tpu.memory_space<vmem>>) offsets(%dma_start3A_81 : memref<625xi32, #tpu.memory_space<vmem>>) semaphore(%arg17 : memref<!tpu.dma_semaphore, #tpu.memory_space<semaphore_mem>>)
          } else {
          }
          %add3A_75 = arith.constant 1 : i32
          %add3A_76 = arith.addi %mul3A_49, %add3A_75 : i32
          "tpu.region"() ({
            %run_scoped3A = tpu.sem_alloc : memref<!tpu.dma_semaphore, #tpu.memory_space<semaphore_mem>>
            %dma_start3A_77 = arith.constant 0 : i32
            %dma_start3A_78 = tpu.memref_slice %arg13[%add3A_76, %dma_start3A_77] : memref<8x625xi32, #tpu.memory_space<vmem>> -> memref<1x625xi32, #tpu.memory_space<vmem>>
            %dma_start3A_79 = tpu.memref_squeeze %dma_start3A_78 : memref<1x625xi32, #tpu.memory_space<vmem>> -> memref<625xi32, #tpu.memory_space<vmem>>
            %dma_start3A_80 = arith.constant 0 : i32
            %dma_start3A_81 = arith.constant 0 : i32
            %dma_start3A_82 = tpu.memref_slice %arg16[%dma_start3A_80, %dma_start3A_81] : memref<10240x128xi16, #tpu.memory_space<vmem_shared>> -> memref<10240x128xi16, #tpu.memory_space<vmem_shared>>
            tpu.enqueue_indirect_dma source(%arg15 : memref<625x128xi16, #tpu.memory_space<vmem>>) target(%dma_start3A_82 : memref<10240x128xi16, #tpu.memory_space<vmem_shared>>) offsets(%dma_start3A_79 : memref<625xi32, #tpu.memory_space<vmem>>) semaphore(%run_scoped3A : memref<!tpu.dma_semaphore, #tpu.memory_space<semaphore_mem>>) {add = true}
            %dma_wait3A_83 = arith.constant 0 : i32
            %dma_wait3A_84 = tpu.memref_slice %arg13[%add3A_76, %dma_wait3A_83] : memref<8x625xi32, #tpu.memory_space<vmem>> -> memref<1x625xi32, #tpu.memory_space<vmem>>
            %dma_wait3A_85 = tpu.memref_squeeze %dma_wait3A_84 : memref<1x625xi32, #tpu.memory_space<vmem>> -> memref<625xi32, #tpu.memory_space<vmem>>
            %dma_wait3A_86 = arith.constant 0 : i32
            %dma_wait3A_87 = arith.constant 0 : i32
            %dma_wait3A_88 = tpu.memref_slice %arg16[%dma_wait3A_86, %dma_wait3A_87] : memref<10240x128xi16, #tpu.memory_space<vmem_shared>> -> memref<10240x128xi16, #tpu.memory_space<vmem_shared>>
            tpu.wait_indirect_dma semaphore(%run_scoped3A : memref<!tpu.dma_semaphore, #tpu.memory_space<semaphore_mem>>) src(%arg15 : memref<625x128xi16, #tpu.memory_space<vmem>>) dst(%dma_wait3A_88 : memref<10240x128xi16, #tpu.memory_space<vmem_shared>>)
            tpu.yield
          }) : () -> ()
        }
        %scan3A_42 = arith.constant 4 : i32
      }
      %scan3A_13 = arith.constant 4 : i32
      %barrier3A_14 = arith.constant 0 : index
      tpu.barrier barrier_id(%barrier3A_14)
      "tpu.region"() ({
        %run_scoped3A = tpu.sem_alloc : memref<!tpu.dma_semaphore, #tpu.memory_space<semaphore_mem>>
        %dma_start3A = arith.constant 0 : i32
        %dma_start3A_26 = tpu.memref_slice %arg8[%mul3A_0, %dma_start3A] : memref<10240x128xi16, #tpu.memory_space<hbm>> -> memref<640x128xi16, #tpu.memory_space<hbm>>
        %dma_start3A_27 = arith.constant 0 : i32
        %dma_start3A_28 = tpu.memref_slice %arg16[%mul3A_0, %dma_start3A_27] : memref<10240x128xi16, #tpu.memory_space<vmem_shared>> -> memref<640x128xi16, #tpu.memory_space<vmem_shared>>
        tpu.enqueue_dma source(%dma_start3A_28 : memref<640x128xi16, #tpu.memory_space<vmem_shared>>) target(%dma_start3A_26 : memref<640x128xi16, #tpu.memory_space<hbm>>) target_semaphore(%run_scoped3A : memref<!tpu.dma_semaphore, #tpu.memory_space<semaphore_mem>>)
        %dma_wait3A = arith.constant 0 : i32
        %dma_wait3A_29 = tpu.memref_slice %arg8[%mul3A_0, %dma_wait3A] : memref<10240x128xi16, #tpu.memory_space<hbm>> -> memref<640x128xi16, #tpu.memory_space<hbm>>
        %dma_wait3A_30 = arith.constant 0 : i32
        %dma_wait3A_31 = tpu.memref_slice %arg16[%mul3A_0, %dma_wait3A_30] : memref<10240x128xi16, #tpu.memory_space<vmem_shared>> -> memref<640x128xi16, #tpu.memory_space<vmem_shared>>
        tpu.wait_dma2 semaphore(%run_scoped3A : memref<!tpu.dma_semaphore, #tpu.memory_space<semaphore_mem>>) src(%dma_wait3A_31 : memref<640x128xi16, #tpu.memory_space<vmem_shared>>) dst(%dma_wait3A_29 : memref<640x128xi16, #tpu.memory_space<hbm>>)
        tpu.yield
      }) : () -> ()
      %barrier3A_15 = arith.constant 0 : index
      tpu.barrier barrier_id(%barrier3A_15)
      %mul3A_16 = arith.constant 2 : i32
      %mul3A_17 = arith.muli %arg1, %mul3A_16 : i32
      "tpu.region"() ({
        %run_scoped3A = tpu.sem_alloc : memref<!tpu.dma_semaphore, #tpu.memory_space<semaphore_mem>>
        %dma_start3A = arith.constant 0 : i32
        %dma_start3A_26 = tpu.memref_slice %arg16[%mul3A_0, %dma_start3A] : memref<10240x128xi16, #tpu.memory_space<vmem_shared>> -> memref<640x128xi16, #tpu.memory_space<vmem_shared>>
        tpu.enqueue_dma source(%arg7 : memref<640x128xi16, #tpu.memory_space<hbm>>) target(%dma_start3A_26 : memref<640x128xi16, #tpu.memory_space<vmem_shared>>) target_semaphore(%run_scoped3A : memref<!tpu.dma_semaphore, #tpu.memory_space<semaphore_mem>>)
        %dma_wait3A = arith.constant 0 : i32
        %dma_wait3A_27 = tpu.memref_slice %arg16[%mul3A_0, %dma_wait3A] : memref<10240x128xi16, #tpu.memory_space<vmem_shared>> -> memref<640x128xi16, #tpu.memory_space<vmem_shared>>
        tpu.wait_dma2 semaphore(%run_scoped3A : memref<!tpu.dma_semaphore, #tpu.memory_space<semaphore_mem>>) src(%arg7 : memref<640x128xi16, #tpu.memory_space<hbm>>) dst(%dma_wait3A_27 : memref<640x128xi16, #tpu.memory_space<vmem_shared>>)
        tpu.yield
      }) : () -> ()
      %barrier3A_18 = arith.constant 0 : index
      tpu.barrier barrier_id(%barrier3A_18)
      %scan3A_19 = arith.constant 0 : i32
      %scan3A_20 = arith.constant 2 : i32
      %scan3A_21 = arith.addi %scan3A_19, %scan3A_20 : i32
      %scan3A_22 = arith.constant 1 : i32
      scf.for %scan3A_26 = %scan3A_19 to %scan3A_21 step %scan3A_22  : i32 {
        %mul3A_27 = arith.constant 1 : i32
        %mul3A_28 = arith.muli %scan3A_26, %mul3A_27 : i32
        %add3A = arith.constant 0 : i32
        %add3A_29 = arith.addi %add3A, %mul3A_28 : i32
        %add3A_30 = arith.addi %mul3A_17, %add3A_29 : i32
        "tpu.region"() ({
          %run_scoped3A = tpu.sem_alloc : memref<!tpu.dma_semaphore, #tpu.memory_space<semaphore_mem>>
          %dma_start3A_43 = arith.constant 0 : i32
          %dma_start3A_44 = arith.constant 0 : i32
          %dma_start3A_45 = tpu.memref_slice %arg5[%add3A_30, %dma_start3A_43, %dma_start3A_44] : memref<64x8x625xi32, #tpu.memory_space<hbm>> -> memref<1x8x625xi32, #tpu.memory_space<hbm>>
          %dma_start3A_46 = tpu.memref_squeeze %dma_start3A_45 : memref<1x8x625xi32, #tpu.memory_space<hbm>> -> memref<8x625xi32, #tpu.memory_space<hbm>>
          %dma_start3A_47 = arith.constant 0 : i32
          %dma_start3A_48 = arith.constant 0 : i32
          %dma_start3A_49 = tpu.memref_slice %arg5[%add3A_30, %dma_start3A_47, %dma_start3A_48] : memref<64x8x625xi32, #tpu.memory_space<hbm>> -> memref<1x8x625xi32, #tpu.memory_space<hbm>>
          %dma_start3A_50 = tpu.memref_squeeze %dma_start3A_49 : memref<1x8x625xi32, #tpu.memory_space<hbm>> -> memref<8x625xi32, #tpu.memory_space<hbm>>
          tpu.enqueue_dma source(%dma_start3A_50 : memref<8x625xi32, #tpu.memory_space<hbm>>) target(%arg12 : memref<8x625xi32, #tpu.memory_space<vmem>>) target_semaphore(%run_scoped3A : memref<!tpu.dma_semaphore, #tpu.memory_space<semaphore_mem>>)
          %dma_wait3A = arith.constant 0 : i32
          %dma_wait3A_51 = arith.constant 0 : i32
          %dma_wait3A_52 = tpu.memref_slice %arg5[%add3A_30, %dma_wait3A, %dma_wait3A_51] : memref<64x8x625xi32, #tpu.memory_space<hbm>> -> memref<1x8x625xi32, #tpu.memory_space<hbm>>
          %dma_wait3A_53 = tpu.memref_squeeze %dma_wait3A_52 : memref<1x8x625xi32, #tpu.memory_space<hbm>> -> memref<8x625xi32, #tpu.memory_space<hbm>>
          %dma_wait3A_54 = arith.constant 0 : i32
          %dma_wait3A_55 = arith.constant 0 : i32
          %dma_wait3A_56 = tpu.memref_slice %arg5[%add3A_30, %dma_wait3A_54, %dma_wait3A_55] : memref<64x8x625xi32, #tpu.memory_space<hbm>> -> memref<1x8x625xi32, #tpu.memory_space<hbm>>
          %dma_wait3A_57 = tpu.memref_squeeze %dma_wait3A_56 : memref<1x8x625xi32, #tpu.memory_space<hbm>> -> memref<8x625xi32, #tpu.memory_space<hbm>>
          tpu.wait_dma2 semaphore(%run_scoped3A : memref<!tpu.dma_semaphore, #tpu.memory_space<semaphore_mem>>) src(%dma_wait3A_57 : memref<8x625xi32, #tpu.memory_space<hbm>>) dst(%arg12 : memref<8x625xi32, #tpu.memory_space<vmem>>)
          tpu.yield
        }) : () -> ()
        %add3A_31 = arith.addi %mul3A_17, %add3A_29 : i32
        "tpu.region"() ({
          %run_scoped3A = tpu.sem_alloc : memref<!tpu.dma_semaphore, #tpu.memory_space<semaphore_mem>>
          %dma_start3A_43 = arith.constant 0 : i32
          %dma_start3A_44 = arith.constant 0 : i32
          %dma_start3A_45 = tpu.memref_slice %arg6[%add3A_31, %dma_start3A_43, %dma_start3A_44] : memref<64x8x625xi32, #tpu.memory_space<hbm>> -> memref<1x8x625xi32, #tpu.memory_space<hbm>>
          %dma_start3A_46 = tpu.memref_squeeze %dma_start3A_45 : memref<1x8x625xi32, #tpu.memory_space<hbm>> -> memref<8x625xi32, #tpu.memory_space<hbm>>
          %dma_start3A_47 = arith.constant 0 : i32
          %dma_start3A_48 = arith.constant 0 : i32
          %dma_start3A_49 = tpu.memref_slice %arg6[%add3A_31, %dma_start3A_47, %dma_start3A_48] : memref<64x8x625xi32, #tpu.memory_space<hbm>> -> memref<1x8x625xi32, #tpu.memory_space<hbm>>
          %dma_start3A_50 = tpu.memref_squeeze %dma_start3A_49 : memref<1x8x625xi32, #tpu.memory_space<hbm>> -> memref<8x625xi32, #tpu.memory_space<hbm>>
          tpu.enqueue_dma source(%dma_start3A_50 : memref<8x625xi32, #tpu.memory_space<hbm>>) target(%arg13 : memref<8x625xi32, #tpu.memory_space<vmem>>) target_semaphore(%run_scoped3A : memref<!tpu.dma_semaphore, #tpu.memory_space<semaphore_mem>>)
          %dma_wait3A = arith.constant 0 : i32
          %dma_wait3A_51 = arith.constant 0 : i32
          %dma_wait3A_52 = tpu.memref_slice %arg6[%add3A_31, %dma_wait3A, %dma_wait3A_51] : memref<64x8x625xi32, #tpu.memory_space<hbm>> -> memref<1x8x625xi32, #tpu.memory_space<hbm>>
          %dma_wait3A_53 = tpu.memref_squeeze %dma_wait3A_52 : memref<1x8x625xi32, #tpu.memory_space<hbm>> -> memref<8x625xi32, #tpu.memory_space<hbm>>
          %dma_wait3A_54 = arith.constant 0 : i32
          %dma_wait3A_55 = arith.constant 0 : i32
          %dma_wait3A_56 = tpu.memref_slice %arg6[%add3A_31, %dma_wait3A_54, %dma_wait3A_55] : memref<64x8x625xi32, #tpu.memory_space<hbm>> -> memref<1x8x625xi32, #tpu.memory_space<hbm>>
          %dma_wait3A_57 = tpu.memref_squeeze %dma_wait3A_56 : memref<1x8x625xi32, #tpu.memory_space<hbm>> -> memref<8x625xi32, #tpu.memory_space<hbm>>
          tpu.wait_dma2 semaphore(%run_scoped3A : memref<!tpu.dma_semaphore, #tpu.memory_space<semaphore_mem>>) src(%dma_wait3A_57 : memref<8x625xi32, #tpu.memory_space<hbm>>) dst(%arg13 : memref<8x625xi32, #tpu.memory_space<vmem>>)
          tpu.yield
        }) : () -> ()
        %dma_start3A = arith.constant 0 : i32
        %dma_start3A_32 = arith.constant 0 : i32
        %dma_start3A_33 = tpu.memref_slice %arg12[%dma_start3A, %dma_start3A_32] : memref<8x625xi32, #tpu.memory_space<vmem>> -> memref<1x625xi32, #tpu.memory_space<vmem>>
        %dma_start3A_34 = tpu.memref_squeeze %dma_start3A_33 : memref<1x625xi32, #tpu.memory_space<vmem>> -> memref<625xi32, #tpu.memory_space<vmem>>
        %dma_start3A_35 = arith.constant 0 : i32
        %dma_start3A_36 = arith.constant 0 : i32
        %dma_start3A_37 = tpu.memref_slice %arg4[%dma_start3A_35, %dma_start3A_36] : memref<10000x128xi16, #tpu.memory_space<hbm>> -> memref<10000x128xi16, #tpu.memory_space<hbm>>
        tpu.enqueue_indirect_dma source(%dma_start3A_37 : memref<10000x128xi16, #tpu.memory_space<hbm>>) target(%arg14 : memref<625x128xi16, #tpu.memory_space<vmem>>) offsets(%dma_start3A_34 : memref<625xi32, #tpu.memory_space<vmem>>) semaphore(%arg17 : memref<!tpu.dma_semaphore, #tpu.memory_space<semaphore_mem>>)
        %scan3A_38 = arith.constant 0 : i32
        %scan3A_39 = arith.constant 4 : i32
        %scan3A_40 = arith.addi %scan3A_38, %scan3A_39 : i32
        %scan3A_41 = arith.constant 1 : i32
        scf.for %scan3A_43 = %scan3A_38 to %scan3A_40 step %scan3A_41  : i32 {
          %mul3A_44 = arith.constant 1 : i32
          %mul3A_45 = arith.muli %scan3A_43, %mul3A_44 : i32
          %add3A_46 = arith.constant 0 : i32
          %add3A_47 = arith.addi %add3A_46, %mul3A_45 : i32
          %mul3A_48 = arith.constant 2 : i32
          %mul3A_49 = arith.muli %mul3A_48, %add3A_47 : i32
          %dma_wait3A = arith.constant 0 : i32
          %dma_wait3A_50 = tpu.memref_slice %arg12[%mul3A_49, %dma_wait3A] : memref<8x625xi32, #tpu.memory_space<vmem>> -> memref<1x625xi32, #tpu.memory_space<vmem>>
          %dma_wait3A_51 = tpu.memref_squeeze %dma_wait3A_50 : memref<1x625xi32, #tpu.memory_space<vmem>> -> memref<625xi32, #tpu.memory_space<vmem>>
          %dma_wait3A_52 = arith.constant 0 : i32
          %dma_wait3A_53 = arith.constant 0 : i32
          %dma_wait3A_54 = tpu.memref_slice %arg4[%dma_wait3A_52, %dma_wait3A_53] : memref<10000x128xi16, #tpu.memory_space<hbm>> -> memref<10000x128xi16, #tpu.memory_space<hbm>>
          tpu.wait_indirect_dma semaphore(%arg17 : memref<!tpu.dma_semaphore, #tpu.memory_space<semaphore_mem>>) src(%dma_wait3A_54 : memref<10000x128xi16, #tpu.memory_space<hbm>>) dst(%arg14 : memref<625x128xi16, #tpu.memory_space<vmem>>)
          %add3A_55 = arith.constant 1 : i32
          %add3A_56 = arith.addi %mul3A_49, %add3A_55 : i32
          %dma_start3A_57 = arith.constant 0 : i32
          %dma_start3A_58 = tpu.memref_slice %arg12[%add3A_56, %dma_start3A_57] : memref<8x625xi32, #tpu.memory_space<vmem>> -> memref<1x625xi32, #tpu.memory_space<vmem>>
          %dma_start3A_59 = tpu.memref_squeeze %dma_start3A_58 : memref<1x625xi32, #tpu.memory_space<vmem>> -> memref<625xi32, #tpu.memory_space<vmem>>
          %dma_start3A_60 = arith.constant 0 : i32
          %dma_start3A_61 = arith.constant 0 : i32
          %dma_start3A_62 = tpu.memref_slice %arg4[%dma_start3A_60, %dma_start3A_61] : memref<10000x128xi16, #tpu.memory_space<hbm>> -> memref<10000x128xi16, #tpu.memory_space<hbm>>
          tpu.enqueue_indirect_dma source(%dma_start3A_62 : memref<10000x128xi16, #tpu.memory_space<hbm>>) target(%arg15 : memref<625x128xi16, #tpu.memory_space<vmem>>) offsets(%dma_start3A_59 : memref<625xi32, #tpu.memory_space<vmem>>) semaphore(%arg18 : memref<!tpu.dma_semaphore, #tpu.memory_space<semaphore_mem>>)
          "tpu.region"() ({
            %run_scoped3A = tpu.sem_alloc : memref<!tpu.dma_semaphore, #tpu.memory_space<semaphore_mem>>
            %dma_start3A_77 = arith.constant 0 : i32
            %dma_start3A_78 = tpu.memref_slice %arg13[%mul3A_49, %dma_start3A_77] : memref<8x625xi32, #tpu.memory_space<vmem>> -> memref<1x625xi32, #tpu.memory_space<vmem>>
            %dma_start3A_79 = tpu.memref_squeeze %dma_start3A_78 : memref<1x625xi32, #tpu.memory_space<vmem>> -> memref<625xi32, #tpu.memory_space<vmem>>
            %dma_start3A_80 = arith.constant 0 : i32
            %dma_start3A_81 = arith.constant 0 : i32
            %dma_start3A_82 = tpu.memref_slice %arg16[%dma_start3A_80, %dma_start3A_81] : memref<10240x128xi16, #tpu.memory_space<vmem_shared>> -> memref<10240x128xi16, #tpu.memory_space<vmem_shared>>
            tpu.enqueue_indirect_dma source(%arg14 : memref<625x128xi16, #tpu.memory_space<vmem>>) target(%dma_start3A_82 : memref<10240x128xi16, #tpu.memory_space<vmem_shared>>) offsets(%dma_start3A_79 : memref<625xi32, #tpu.memory_space<vmem>>) semaphore(%run_scoped3A : memref<!tpu.dma_semaphore, #tpu.memory_space<semaphore_mem>>) {add = true}
            %dma_wait3A_83 = arith.constant 0 : i32
            %dma_wait3A_84 = tpu.memref_slice %arg13[%mul3A_49, %dma_wait3A_83] : memref<8x625xi32, #tpu.memory_space<vmem>> -> memref<1x625xi32, #tpu.memory_space<vmem>>
            %dma_wait3A_85 = tpu.memref_squeeze %dma_wait3A_84 : memref<1x625xi32, #tpu.memory_space<vmem>> -> memref<625xi32, #tpu.memory_space<vmem>>
            %dma_wait3A_86 = arith.constant 0 : i32
            %dma_wait3A_87 = arith.constant 0 : i32
            %dma_wait3A_88 = tpu.memref_slice %arg16[%dma_wait3A_86, %dma_wait3A_87] : memref<10240x128xi16, #tpu.memory_space<vmem_shared>> -> memref<10240x128xi16, #tpu.memory_space<vmem_shared>>
            tpu.wait_indirect_dma semaphore(%run_scoped3A : memref<!tpu.dma_semaphore, #tpu.memory_space<semaphore_mem>>) src(%arg14 : memref<625x128xi16, #tpu.memory_space<vmem>>) dst(%dma_wait3A_88 : memref<10240x128xi16, #tpu.memory_space<vmem_shared>>)
            tpu.yield
          }) : () -> ()
          %add3A_63 = arith.constant 1 : i32
          %add3A_64 = arith.addi %mul3A_49, %add3A_63 : i32
          %dma_wait3A_65 = arith.constant 0 : i32
          %dma_wait3A_66 = tpu.memref_slice %arg12[%add3A_64, %dma_wait3A_65] : memref<8x625xi32, #tpu.memory_space<vmem>> -> memref<1x625xi32, #tpu.memory_space<vmem>>
          %dma_wait3A_67 = tpu.memref_squeeze %dma_wait3A_66 : memref<1x625xi32, #tpu.memory_space<vmem>> -> memref<625xi32, #tpu.memory_space<vmem>>
          %dma_wait3A_68 = arith.constant 0 : i32
          %dma_wait3A_69 = arith.constant 0 : i32
          %dma_wait3A_70 = tpu.memref_slice %arg4[%dma_wait3A_68, %dma_wait3A_69] : memref<10000x128xi16, #tpu.memory_space<hbm>> -> memref<10000x128xi16, #tpu.memory_space<hbm>>
          tpu.wait_indirect_dma semaphore(%arg18 : memref<!tpu.dma_semaphore, #tpu.memory_space<semaphore_mem>>) src(%dma_wait3A_70 : memref<10000x128xi16, #tpu.memory_space<hbm>>) dst(%arg15 : memref<625x128xi16, #tpu.memory_space<vmem>>)
          %lt3A = arith.constant 3 : i32
          %lt3A_71 = arith.cmpi slt, %add3A_47, %lt3A : i32
          %convert_element_type3A_72 = arith.extui %lt3A_71 : i1 to i32
          %cond3A_73 = arith.constant 0 : i32
          %cond3A_74 = arith.cmpi ne, %convert_element_type3A_72, %cond3A_73 : i32
          scf.if %cond3A_74 {
            %add3A_77 = arith.constant 2 : i32
            %add3A_78 = arith.addi %mul3A_49, %add3A_77 : i32
            %dma_start3A_79 = arith.constant 0 : i32
            %dma_start3A_80 = tpu.memref_slice %arg12[%add3A_78, %dma_start3A_79] : memref<8x625xi32, #tpu.memory_space<vmem>> -> memref<1x625xi32, #tpu.memory_space<vmem>>
            %dma_start3A_81 = tpu.memref_squeeze %dma_start3A_80 : memref<1x625xi32, #tpu.memory_space<vmem>> -> memref<625xi32, #tpu.memory_space<vmem>>
            %dma_start3A_82 = arith.constant 0 : i32
            %dma_start3A_83 = arith.constant 0 : i32
            %dma_start3A_84 = tpu.memref_slice %arg4[%dma_start3A_82, %dma_start3A_83] : memref<10000x128xi16, #tpu.memory_space<hbm>> -> memref<10000x128xi16, #tpu.memory_space<hbm>>
            tpu.enqueue_indirect_dma source(%dma_start3A_84 : memref<10000x128xi16, #tpu.memory_space<hbm>>) target(%arg14 : memref<625x128xi16, #tpu.memory_space<vmem>>) offsets(%dma_start3A_81 : memref<625xi32, #tpu.memory_space<vmem>>) semaphore(%arg17 : memref<!tpu.dma_semaphore, #tpu.memory_space<semaphore_mem>>)
          } else {
          }
          %add3A_75 = arith.constant 1 : i32
          %add3A_76 = arith.addi %mul3A_49, %add3A_75 : i32
          "tpu.region"() ({
            %run_scoped3A = tpu.sem_alloc : memref<!tpu.dma_semaphore, #tpu.memory_space<semaphore_mem>>
            %dma_start3A_77 = arith.constant 0 : i32
            %dma_start3A_78 = tpu.memref_slice %arg13[%add3A_76, %dma_start3A_77] : memref<8x625xi32, #tpu.memory_space<vmem>> -> memref<1x625xi32, #tpu.memory_space<vmem>>
            %dma_start3A_79 = tpu.memref_squeeze %dma_start3A_78 : memref<1x625xi32, #tpu.memory_space<vmem>> -> memref<625xi32, #tpu.memory_space<vmem>>
            %dma_start3A_80 = arith.constant 0 : i32
            %dma_start3A_81 = arith.constant 0 : i32
            %dma_start3A_82 = tpu.memref_slice %arg16[%dma_start3A_80, %dma_start3A_81] : memref<10240x128xi16, #tpu.memory_space<vmem_shared>> -> memref<10240x128xi16, #tpu.memory_space<vmem_shared>>
            tpu.enqueue_indirect_dma source(%arg15 : memref<625x128xi16, #tpu.memory_space<vmem>>) target(%dma_start3A_82 : memref<10240x128xi16, #tpu.memory_space<vmem_shared>>) offsets(%dma_start3A_79 : memref<625xi32, #tpu.memory_space<vmem>>) semaphore(%run_scoped3A : memref<!tpu.dma_semaphore, #tpu.memory_space<semaphore_mem>>) {add = true}
            %dma_wait3A_83 = arith.constant 0 : i32
            %dma_wait3A_84 = tpu.memref_slice %arg13[%add3A_76, %dma_wait3A_83] : memref<8x625xi32, #tpu.memory_space<vmem>> -> memref<1x625xi32, #tpu.memory_space<vmem>>
            %dma_wait3A_85 = tpu.memref_squeeze %dma_wait3A_84 : memref<1x625xi32, #tpu.memory_space<vmem>> -> memref<625xi32, #tpu.memory_space<vmem>>
            %dma_wait3A_86 = arith.constant 0 : i32
            %dma_wait3A_87 = arith.constant 0 : i32
            %dma_wait3A_88 = tpu.memref_slice %arg16[%dma_wait3A_86, %dma_wait3A_87] : memref<10240x128xi16, #tpu.memory_space<vmem_shared>> -> memref<10240x128xi16, #tpu.memory_space<vmem_shared>>
            tpu.wait_indirect_dma semaphore(%run_scoped3A : memref<!tpu.dma_semaphore, #tpu.memory_space<semaphore_mem>>) src(%arg15 : memref<625x128xi16, #tpu.memory_space<vmem>>) dst(%dma_wait3A_88 : memref<10240x128xi16, #tpu.memory_space<vmem_shared>>)
            tpu.yield
          }) : () -> ()
        }
        %scan3A_42 = arith.constant 4 : i32
      }
      %scan3A_23 = arith.constant 2 : i32
      %barrier3A_24 = arith.constant 0 : index
      tpu.barrier barrier_id(%barrier3A_24)
      "tpu.region"() ({
        %run_scoped3A = tpu.sem_alloc : memref<!tpu.dma_semaphore, #tpu.memory_space<semaphore_mem>>
        %dma_start3A = arith.constant 0 : i32
        %dma_start3A_26 = tpu.memref_slice %arg10[%mul3A_0, %dma_start3A] : memref<10240x128xi16, #tpu.memory_space<hbm>> -> memref<640x128xi16, #tpu.memory_space<hbm>>
        %dma_start3A_27 = arith.constant 0 : i32
        %dma_start3A_28 = tpu.memref_slice %arg16[%mul3A_0, %dma_start3A_27] : memref<10240x128xi16, #tpu.memory_space<vmem_shared>> -> memref<640x128xi16, #tpu.memory_space<vmem_shared>>
        tpu.enqueue_dma source(%dma_start3A_28 : memref<640x128xi16, #tpu.memory_space<vmem_shared>>) target(%dma_start3A_26 : memref<640x128xi16, #tpu.memory_space<hbm>>) target_semaphore(%run_scoped3A : memref<!tpu.dma_semaphore, #tpu.memory_space<semaphore_mem>>)
        %dma_wait3A = arith.constant 0 : i32
        %dma_wait3A_29 = tpu.memref_slice %arg10[%mul3A_0, %dma_wait3A] : memref<10240x128xi16, #tpu.memory_space<hbm>> -> memref<640x128xi16, #tpu.memory_space<hbm>>
        %dma_wait3A_30 = arith.constant 0 : i32
        %dma_wait3A_31 = tpu.memref_slice %arg16[%mul3A_0, %dma_wait3A_30] : memref<10240x128xi16, #tpu.memory_space<vmem_shared>> -> memref<640x128xi16, #tpu.memory_space<vmem_shared>>
        tpu.wait_dma2 semaphore(%run_scoped3A : memref<!tpu.dma_semaphore, #tpu.memory_space<semaphore_mem>>) src(%dma_wait3A_31 : memref<640x128xi16, #tpu.memory_space<vmem_shared>>) dst(%dma_wait3A_29 : memref<640x128xi16, #tpu.memory_space<hbm>>)
        tpu.yield
      }) : () -> ()
      %barrier3A_25 = arith.constant 0 : index
      tpu.barrier barrier_id(%barrier3A_25)
    } else {
    }
    %eq3A_3 = arith.constant 1 : i32
    %eq3A_4 = arith.cmpi eq, %arg0, %eq3A_3 : i32
    %convert_element_type3A_5 = arith.extui %eq3A_4 : i1 to i32
    %cond3A_6 = arith.constant 0 : i32
    %cond3A_7 = arith.cmpi ne, %convert_element_type3A_5, %cond3A_6 : i32
    scf.if %cond3A_7 {
      %mul3A_8 = arith.constant 4 : i32
      %mul3A_9 = arith.muli %arg1, %mul3A_8 : i32
      "tpu.region"() ({
        %run_scoped3A = tpu.sem_alloc : memref<!tpu.dma_semaphore, #tpu.memory_space<semaphore_mem>>
        %dma_start3A = arith.constant 0 : i32
        %dma_start3A_27 = tpu.memref_slice %arg16[%mul3A_0, %dma_start3A] : memref<10240x128xi16, #tpu.memory_space<vmem_shared>> -> memref<640x128xi16, #tpu.memory_space<vmem_shared>>
        tpu.enqueue_dma source(%arg7 : memref<640x128xi16, #tpu.memory_space<hbm>>) target(%dma_start3A_27 : memref<640x128xi16, #tpu.memory_space<vmem_shared>>) target_semaphore(%run_scoped3A : memref<!tpu.dma_semaphore, #tpu.memory_space<semaphore_mem>>)
        %dma_wait3A = arith.constant 0 : i32
        %dma_wait3A_28 = tpu.memref_slice %arg16[%mul3A_0, %dma_wait3A] : memref<10240x128xi16, #tpu.memory_space<vmem_shared>> -> memref<640x128xi16, #tpu.memory_space<vmem_shared>>
        tpu.wait_dma2 semaphore(%run_scoped3A : memref<!tpu.dma_semaphore, #tpu.memory_space<semaphore_mem>>) src(%arg7 : memref<640x128xi16, #tpu.memory_space<hbm>>) dst(%dma_wait3A_28 : memref<640x128xi16, #tpu.memory_space<vmem_shared>>)
        tpu.yield
      }) : () -> ()
      %barrier3A = arith.constant 0 : index
      tpu.barrier barrier_id(%barrier3A)
      %scan3A = arith.constant 0 : i32
      %scan3A_10 = arith.constant 4 : i32
      %scan3A_11 = arith.addi %scan3A, %scan3A_10 : i32
      %scan3A_12 = arith.constant 1 : i32
      scf.for %scan3A_27 = %scan3A to %scan3A_11 step %scan3A_12  : i32 {
        %mul3A_28 = arith.constant 1 : i32
        %mul3A_29 = arith.muli %scan3A_27, %mul3A_28 : i32
        %add3A_30 = arith.constant 0 : i32
        %add3A_31 = arith.addi %add3A_30, %mul3A_29 : i32
        %add3A_32 = arith.addi %mul3A_9, %add3A_31 : i32
        "tpu.region"() ({
          %run_scoped3A = tpu.sem_alloc : memref<!tpu.dma_semaphore, #tpu.memory_space<semaphore_mem>>
          %dma_start3A_45 = arith.constant 0 : i32
          %dma_start3A_46 = arith.constant 0 : i32
          %dma_start3A_47 = tpu.memref_slice %arg5[%add3A_32, %dma_start3A_45, %dma_start3A_46] : memref<64x8x625xi32, #tpu.memory_space<hbm>> -> memref<1x8x625xi32, #tpu.memory_space<hbm>>
          %dma_start3A_48 = tpu.memref_squeeze %dma_start3A_47 : memref<1x8x625xi32, #tpu.memory_space<hbm>> -> memref<8x625xi32, #tpu.memory_space<hbm>>
          %dma_start3A_49 = arith.constant 0 : i32
          %dma_start3A_50 = arith.constant 0 : i32
          %dma_start3A_51 = tpu.memref_slice %arg5[%add3A_32, %dma_start3A_49, %dma_start3A_50] : memref<64x8x625xi32, #tpu.memory_space<hbm>> -> memref<1x8x625xi32, #tpu.memory_space<hbm>>
          %dma_start3A_52 = tpu.memref_squeeze %dma_start3A_51 : memref<1x8x625xi32, #tpu.memory_space<hbm>> -> memref<8x625xi32, #tpu.memory_space<hbm>>
          tpu.enqueue_dma source(%dma_start3A_52 : memref<8x625xi32, #tpu.memory_space<hbm>>) target(%arg12 : memref<8x625xi32, #tpu.memory_space<vmem>>) target_semaphore(%run_scoped3A : memref<!tpu.dma_semaphore, #tpu.memory_space<semaphore_mem>>)
          %dma_wait3A = arith.constant 0 : i32
          %dma_wait3A_53 = arith.constant 0 : i32
          %dma_wait3A_54 = tpu.memref_slice %arg5[%add3A_32, %dma_wait3A, %dma_wait3A_53] : memref<64x8x625xi32, #tpu.memory_space<hbm>> -> memref<1x8x625xi32, #tpu.memory_space<hbm>>
          %dma_wait3A_55 = tpu.memref_squeeze %dma_wait3A_54 : memref<1x8x625xi32, #tpu.memory_space<hbm>> -> memref<8x625xi32, #tpu.memory_space<hbm>>
          %dma_wait3A_56 = arith.constant 0 : i32
          %dma_wait3A_57 = arith.constant 0 : i32
          %dma_wait3A_58 = tpu.memref_slice %arg5[%add3A_32, %dma_wait3A_56, %dma_wait3A_57] : memref<64x8x625xi32, #tpu.memory_space<hbm>> -> memref<1x8x625xi32, #tpu.memory_space<hbm>>
          %dma_wait3A_59 = tpu.memref_squeeze %dma_wait3A_58 : memref<1x8x625xi32, #tpu.memory_space<hbm>> -> memref<8x625xi32, #tpu.memory_space<hbm>>
          tpu.wait_dma2 semaphore(%run_scoped3A : memref<!tpu.dma_semaphore, #tpu.memory_space<semaphore_mem>>) src(%dma_wait3A_59 : memref<8x625xi32, #tpu.memory_space<hbm>>) dst(%arg12 : memref<8x625xi32, #tpu.memory_space<vmem>>)
          tpu.yield
        }) : () -> ()
        %add3A_33 = arith.addi %mul3A_9, %add3A_31 : i32
        "tpu.region"() ({
          %run_scoped3A = tpu.sem_alloc : memref<!tpu.dma_semaphore, #tpu.memory_space<semaphore_mem>>
          %dma_start3A_45 = arith.constant 0 : i32
          %dma_start3A_46 = arith.constant 0 : i32
          %dma_start3A_47 = tpu.memref_slice %arg6[%add3A_33, %dma_start3A_45, %dma_start3A_46] : memref<64x8x625xi32, #tpu.memory_space<hbm>> -> memref<1x8x625xi32, #tpu.memory_space<hbm>>
          %dma_start3A_48 = tpu.memref_squeeze %dma_start3A_47 : memref<1x8x625xi32, #tpu.memory_space<hbm>> -> memref<8x625xi32, #tpu.memory_space<hbm>>
          %dma_start3A_49 = arith.constant 0 : i32
          %dma_start3A_50 = arith.constant 0 : i32
          %dma_start3A_51 = tpu.memref_slice %arg6[%add3A_33, %dma_start3A_49, %dma_start3A_50] : memref<64x8x625xi32, #tpu.memory_space<hbm>> -> memref<1x8x625xi32, #tpu.memory_space<hbm>>
          %dma_start3A_52 = tpu.memref_squeeze %dma_start3A_51 : memref<1x8x625xi32, #tpu.memory_space<hbm>> -> memref<8x625xi32, #tpu.memory_space<hbm>>
          tpu.enqueue_dma source(%dma_start3A_52 : memref<8x625xi32, #tpu.memory_space<hbm>>) target(%arg13 : memref<8x625xi32, #tpu.memory_space<vmem>>) target_semaphore(%run_scoped3A : memref<!tpu.dma_semaphore, #tpu.memory_space<semaphore_mem>>)
          %dma_wait3A = arith.constant 0 : i32
          %dma_wait3A_53 = arith.constant 0 : i32
          %dma_wait3A_54 = tpu.memref_slice %arg6[%add3A_33, %dma_wait3A, %dma_wait3A_53] : memref<64x8x625xi32, #tpu.memory_space<hbm>> -> memref<1x8x625xi32, #tpu.memory_space<hbm>>
          %dma_wait3A_55 = tpu.memref_squeeze %dma_wait3A_54 : memref<1x8x625xi32, #tpu.memory_space<hbm>> -> memref<8x625xi32, #tpu.memory_space<hbm>>
          %dma_wait3A_56 = arith.constant 0 : i32
          %dma_wait3A_57 = arith.constant 0 : i32
          %dma_wait3A_58 = tpu.memref_slice %arg6[%add3A_33, %dma_wait3A_56, %dma_wait3A_57] : memref<64x8x625xi32, #tpu.memory_space<hbm>> -> memref<1x8x625xi32, #tpu.memory_space<hbm>>
          %dma_wait3A_59 = tpu.memref_squeeze %dma_wait3A_58 : memref<1x8x625xi32, #tpu.memory_space<hbm>> -> memref<8x625xi32, #tpu.memory_space<hbm>>
          tpu.wait_dma2 semaphore(%run_scoped3A : memref<!tpu.dma_semaphore, #tpu.memory_space<semaphore_mem>>) src(%dma_wait3A_59 : memref<8x625xi32, #tpu.memory_space<hbm>>) dst(%arg13 : memref<8x625xi32, #tpu.memory_space<vmem>>)
          tpu.yield
        }) : () -> ()
        %dma_start3A = arith.constant 0 : i32
        %dma_start3A_34 = arith.constant 0 : i32
        %dma_start3A_35 = tpu.memref_slice %arg12[%dma_start3A, %dma_start3A_34] : memref<8x625xi32, #tpu.memory_space<vmem>> -> memref<1x625xi32, #tpu.memory_space<vmem>>
        %dma_start3A_36 = tpu.memref_squeeze %dma_start3A_35 : memref<1x625xi32, #tpu.memory_space<vmem>> -> memref<625xi32, #tpu.memory_space<vmem>>
        %dma_start3A_37 = arith.constant 0 : i32
        %dma_start3A_38 = arith.constant 0 : i32
        %dma_start3A_39 = tpu.memref_slice %arg3[%dma_start3A_37, %dma_start3A_38] : memref<10000x128xi16, #tpu.memory_space<hbm>> -> memref<10000x128xi16, #tpu.memory_space<hbm>>
        tpu.enqueue_indirect_dma source(%dma_start3A_39 : memref<10000x128xi16, #tpu.memory_space<hbm>>) target(%arg14 : memref<625x128xi16, #tpu.memory_space<vmem>>) offsets(%dma_start3A_36 : memref<625xi32, #tpu.memory_space<vmem>>) semaphore(%arg17 : memref<!tpu.dma_semaphore, #tpu.memory_space<semaphore_mem>>)
        %scan3A_40 = arith.constant 0 : i32
        %scan3A_41 = arith.constant 4 : i32
        %scan3A_42 = arith.addi %scan3A_40, %scan3A_41 : i32
        %scan3A_43 = arith.constant 1 : i32
        scf.for %scan3A_45 = %scan3A_40 to %scan3A_42 step %scan3A_43  : i32 {
          %mul3A_46 = arith.constant 1 : i32
          %mul3A_47 = arith.muli %scan3A_45, %mul3A_46 : i32
          %add3A_48 = arith.constant 0 : i32
          %add3A_49 = arith.addi %add3A_48, %mul3A_47 : i32
          %mul3A_50 = arith.constant 2 : i32
          %mul3A_51 = arith.muli %mul3A_50, %add3A_49 : i32
          %dma_wait3A = arith.constant 0 : i32
          %dma_wait3A_52 = tpu.memref_slice %arg12[%mul3A_51, %dma_wait3A] : memref<8x625xi32, #tpu.memory_space<vmem>> -> memref<1x625xi32, #tpu.memory_space<vmem>>
          %dma_wait3A_53 = tpu.memref_squeeze %dma_wait3A_52 : memref<1x625xi32, #tpu.memory_space<vmem>> -> memref<625xi32, #tpu.memory_space<vmem>>
          %dma_wait3A_54 = arith.constant 0 : i32
          %dma_wait3A_55 = arith.constant 0 : i32
          %dma_wait3A_56 = tpu.memref_slice %arg3[%dma_wait3A_54, %dma_wait3A_55] : memref<10000x128xi16, #tpu.memory_space<hbm>> -> memref<10000x128xi16, #tpu.memory_space<hbm>>
          tpu.wait_indirect_dma semaphore(%arg17 : memref<!tpu.dma_semaphore, #tpu.memory_space<semaphore_mem>>) src(%dma_wait3A_56 : memref<10000x128xi16, #tpu.memory_space<hbm>>) dst(%arg14 : memref<625x128xi16, #tpu.memory_space<vmem>>)
          %add3A_57 = arith.constant 1 : i32
          %add3A_58 = arith.addi %mul3A_51, %add3A_57 : i32
          %dma_start3A_59 = arith.constant 0 : i32
          %dma_start3A_60 = tpu.memref_slice %arg12[%add3A_58, %dma_start3A_59] : memref<8x625xi32, #tpu.memory_space<vmem>> -> memref<1x625xi32, #tpu.memory_space<vmem>>
          %dma_start3A_61 = tpu.memref_squeeze %dma_start3A_60 : memref<1x625xi32, #tpu.memory_space<vmem>> -> memref<625xi32, #tpu.memory_space<vmem>>
          %dma_start3A_62 = arith.constant 0 : i32
          %dma_start3A_63 = arith.constant 0 : i32
          %dma_start3A_64 = tpu.memref_slice %arg3[%dma_start3A_62, %dma_start3A_63] : memref<10000x128xi16, #tpu.memory_space<hbm>> -> memref<10000x128xi16, #tpu.memory_space<hbm>>
          tpu.enqueue_indirect_dma source(%dma_start3A_64 : memref<10000x128xi16, #tpu.memory_space<hbm>>) target(%arg15 : memref<625x128xi16, #tpu.memory_space<vmem>>) offsets(%dma_start3A_61 : memref<625xi32, #tpu.memory_space<vmem>>) semaphore(%arg18 : memref<!tpu.dma_semaphore, #tpu.memory_space<semaphore_mem>>)
          "tpu.region"() ({
            %run_scoped3A = tpu.sem_alloc : memref<!tpu.dma_semaphore, #tpu.memory_space<semaphore_mem>>
            %dma_start3A_79 = arith.constant 0 : i32
            %dma_start3A_80 = tpu.memref_slice %arg13[%mul3A_51, %dma_start3A_79] : memref<8x625xi32, #tpu.memory_space<vmem>> -> memref<1x625xi32, #tpu.memory_space<vmem>>
            %dma_start3A_81 = tpu.memref_squeeze %dma_start3A_80 : memref<1x625xi32, #tpu.memory_space<vmem>> -> memref<625xi32, #tpu.memory_space<vmem>>
            %dma_start3A_82 = arith.constant 0 : i32
            %dma_start3A_83 = arith.constant 0 : i32
            %dma_start3A_84 = tpu.memref_slice %arg16[%dma_start3A_82, %dma_start3A_83] : memref<10240x128xi16, #tpu.memory_space<vmem_shared>> -> memref<10240x128xi16, #tpu.memory_space<vmem_shared>>
            tpu.enqueue_indirect_dma source(%arg14 : memref<625x128xi16, #tpu.memory_space<vmem>>) target(%dma_start3A_84 : memref<10240x128xi16, #tpu.memory_space<vmem_shared>>) offsets(%dma_start3A_81 : memref<625xi32, #tpu.memory_space<vmem>>) semaphore(%run_scoped3A : memref<!tpu.dma_semaphore, #tpu.memory_space<semaphore_mem>>) {add = true}
            %dma_wait3A_85 = arith.constant 0 : i32
            %dma_wait3A_86 = tpu.memref_slice %arg13[%mul3A_51, %dma_wait3A_85] : memref<8x625xi32, #tpu.memory_space<vmem>> -> memref<1x625xi32, #tpu.memory_space<vmem>>
            %dma_wait3A_87 = tpu.memref_squeeze %dma_wait3A_86 : memref<1x625xi32, #tpu.memory_space<vmem>> -> memref<625xi32, #tpu.memory_space<vmem>>
            %dma_wait3A_88 = arith.constant 0 : i32
            %dma_wait3A_89 = arith.constant 0 : i32
            %dma_wait3A_90 = tpu.memref_slice %arg16[%dma_wait3A_88, %dma_wait3A_89] : memref<10240x128xi16, #tpu.memory_space<vmem_shared>> -> memref<10240x128xi16, #tpu.memory_space<vmem_shared>>
            tpu.wait_indirect_dma semaphore(%run_scoped3A : memref<!tpu.dma_semaphore, #tpu.memory_space<semaphore_mem>>) src(%arg14 : memref<625x128xi16, #tpu.memory_space<vmem>>) dst(%dma_wait3A_90 : memref<10240x128xi16, #tpu.memory_space<vmem_shared>>)
            tpu.yield
          }) : () -> ()
          %add3A_65 = arith.constant 1 : i32
          %add3A_66 = arith.addi %mul3A_51, %add3A_65 : i32
          %dma_wait3A_67 = arith.constant 0 : i32
          %dma_wait3A_68 = tpu.memref_slice %arg12[%add3A_66, %dma_wait3A_67] : memref<8x625xi32, #tpu.memory_space<vmem>> -> memref<1x625xi32, #tpu.memory_space<vmem>>
          %dma_wait3A_69 = tpu.memref_squeeze %dma_wait3A_68 : memref<1x625xi32, #tpu.memory_space<vmem>> -> memref<625xi32, #tpu.memory_space<vmem>>
          %dma_wait3A_70 = arith.constant 0 : i32
          %dma_wait3A_71 = arith.constant 0 : i32
          %dma_wait3A_72 = tpu.memref_slice %arg3[%dma_wait3A_70, %dma_wait3A_71] : memref<10000x128xi16, #tpu.memory_space<hbm>> -> memref<10000x128xi16, #tpu.memory_space<hbm>>
          tpu.wait_indirect_dma semaphore(%arg18 : memref<!tpu.dma_semaphore, #tpu.memory_space<semaphore_mem>>) src(%dma_wait3A_72 : memref<10000x128xi16, #tpu.memory_space<hbm>>) dst(%arg15 : memref<625x128xi16, #tpu.memory_space<vmem>>)
          %lt3A = arith.constant 3 : i32
          %lt3A_73 = arith.cmpi slt, %add3A_49, %lt3A : i32
          %convert_element_type3A_74 = arith.extui %lt3A_73 : i1 to i32
          %cond3A_75 = arith.constant 0 : i32
          %cond3A_76 = arith.cmpi ne, %convert_element_type3A_74, %cond3A_75 : i32
          scf.if %cond3A_76 {
            %add3A_79 = arith.constant 2 : i32
            %add3A_80 = arith.addi %mul3A_51, %add3A_79 : i32
            %dma_start3A_81 = arith.constant 0 : i32
            %dma_start3A_82 = tpu.memref_slice %arg12[%add3A_80, %dma_start3A_81] : memref<8x625xi32, #tpu.memory_space<vmem>> -> memref<1x625xi32, #tpu.memory_space<vmem>>
            %dma_start3A_83 = tpu.memref_squeeze %dma_start3A_82 : memref<1x625xi32, #tpu.memory_space<vmem>> -> memref<625xi32, #tpu.memory_space<vmem>>
            %dma_start3A_84 = arith.constant 0 : i32
            %dma_start3A_85 = arith.constant 0 : i32
            %dma_start3A_86 = tpu.memref_slice %arg3[%dma_start3A_84, %dma_start3A_85] : memref<10000x128xi16, #tpu.memory_space<hbm>> -> memref<10000x128xi16, #tpu.memory_space<hbm>>
            tpu.enqueue_indirect_dma source(%dma_start3A_86 : memref<10000x128xi16, #tpu.memory_space<hbm>>) target(%arg14 : memref<625x128xi16, #tpu.memory_space<vmem>>) offsets(%dma_start3A_83 : memref<625xi32, #tpu.memory_space<vmem>>) semaphore(%arg17 : memref<!tpu.dma_semaphore, #tpu.memory_space<semaphore_mem>>)
          } else {
          }
          %add3A_77 = arith.constant 1 : i32
          %add3A_78 = arith.addi %mul3A_51, %add3A_77 : i32
          "tpu.region"() ({
            %run_scoped3A = tpu.sem_alloc : memref<!tpu.dma_semaphore, #tpu.memory_space<semaphore_mem>>
            %dma_start3A_79 = arith.constant 0 : i32
            %dma_start3A_80 = tpu.memref_slice %arg13[%add3A_78, %dma_start3A_79] : memref<8x625xi32, #tpu.memory_space<vmem>> -> memref<1x625xi32, #tpu.memory_space<vmem>>
            %dma_start3A_81 = tpu.memref_squeeze %dma_start3A_80 : memref<1x625xi32, #tpu.memory_space<vmem>> -> memref<625xi32, #tpu.memory_space<vmem>>
            %dma_start3A_82 = arith.constant 0 : i32
            %dma_start3A_83 = arith.constant 0 : i32
            %dma_start3A_84 = tpu.memref_slice %arg16[%dma_start3A_82, %dma_start3A_83] : memref<10240x128xi16, #tpu.memory_space<vmem_shared>> -> memref<10240x128xi16, #tpu.memory_space<vmem_shared>>
            tpu.enqueue_indirect_dma source(%arg15 : memref<625x128xi16, #tpu.memory_space<vmem>>) target(%dma_start3A_84 : memref<10240x128xi16, #tpu.memory_space<vmem_shared>>) offsets(%dma_start3A_81 : memref<625xi32, #tpu.memory_space<vmem>>) semaphore(%run_scoped3A : memref<!tpu.dma_semaphore, #tpu.memory_space<semaphore_mem>>) {add = true}
            %dma_wait3A_85 = arith.constant 0 : i32
            %dma_wait3A_86 = tpu.memref_slice %arg13[%add3A_78, %dma_wait3A_85] : memref<8x625xi32, #tpu.memory_space<vmem>> -> memref<1x625xi32, #tpu.memory_space<vmem>>
            %dma_wait3A_87 = tpu.memref_squeeze %dma_wait3A_86 : memref<1x625xi32, #tpu.memory_space<vmem>> -> memref<625xi32, #tpu.memory_space<vmem>>
            %dma_wait3A_88 = arith.constant 0 : i32
            %dma_wait3A_89 = arith.constant 0 : i32
            %dma_wait3A_90 = tpu.memref_slice %arg16[%dma_wait3A_88, %dma_wait3A_89] : memref<10240x128xi16, #tpu.memory_space<vmem_shared>> -> memref<10240x128xi16, #tpu.memory_space<vmem_shared>>
            tpu.wait_indirect_dma semaphore(%run_scoped3A : memref<!tpu.dma_semaphore, #tpu.memory_space<semaphore_mem>>) src(%arg15 : memref<625x128xi16, #tpu.memory_space<vmem>>) dst(%dma_wait3A_90 : memref<10240x128xi16, #tpu.memory_space<vmem_shared>>)
            tpu.yield
          }) : () -> ()
        }
        %scan3A_44 = arith.constant 4 : i32
      }
      %scan3A_13 = arith.constant 4 : i32
      %barrier3A_14 = arith.constant 0 : index
      tpu.barrier barrier_id(%barrier3A_14)
      "tpu.region"() ({
        %run_scoped3A = tpu.sem_alloc : memref<!tpu.dma_semaphore, #tpu.memory_space<semaphore_mem>>
        %dma_start3A = arith.constant 0 : i32
        %dma_start3A_27 = tpu.memref_slice %arg9[%mul3A_0, %dma_start3A] : memref<10240x128xi16, #tpu.memory_space<hbm>> -> memref<640x128xi16, #tpu.memory_space<hbm>>
        %dma_start3A_28 = arith.constant 0 : i32
        %dma_start3A_29 = tpu.memref_slice %arg16[%mul3A_0, %dma_start3A_28] : memref<10240x128xi16, #tpu.memory_space<vmem_shared>> -> memref<640x128xi16, #tpu.memory_space<vmem_shared>>
        tpu.enqueue_dma source(%dma_start3A_29 : memref<640x128xi16, #tpu.memory_space<vmem_shared>>) target(%dma_start3A_27 : memref<640x128xi16, #tpu.memory_space<hbm>>) target_semaphore(%run_scoped3A : memref<!tpu.dma_semaphore, #tpu.memory_space<semaphore_mem>>)
        %dma_wait3A = arith.constant 0 : i32
        %dma_wait3A_30 = tpu.memref_slice %arg9[%mul3A_0, %dma_wait3A] : memref<10240x128xi16, #tpu.memory_space<hbm>> -> memref<640x128xi16, #tpu.memory_space<hbm>>
        %dma_wait3A_31 = arith.constant 0 : i32
        %dma_wait3A_32 = tpu.memref_slice %arg16[%mul3A_0, %dma_wait3A_31] : memref<10240x128xi16, #tpu.memory_space<vmem_shared>> -> memref<640x128xi16, #tpu.memory_space<vmem_shared>>
        tpu.wait_dma2 semaphore(%run_scoped3A : memref<!tpu.dma_semaphore, #tpu.memory_space<semaphore_mem>>) src(%dma_wait3A_32 : memref<640x128xi16, #tpu.memory_space<vmem_shared>>) dst(%dma_wait3A_30 : memref<640x128xi16, #tpu.memory_space<hbm>>)
        tpu.yield
      }) : () -> ()
      %barrier3A_15 = arith.constant 0 : index
      tpu.barrier barrier_id(%barrier3A_15)
      %add3A = arith.constant 16 : i32
      %add3A_16 = arith.addi %add3A, %arg1 : i32
      %mul3A_17 = arith.constant 2 : i32
      %mul3A_18 = arith.muli %add3A_16, %mul3A_17 : i32
      "tpu.region"() ({
        %run_scoped3A = tpu.sem_alloc : memref<!tpu.dma_semaphore, #tpu.memory_space<semaphore_mem>>
        %dma_start3A = arith.constant 0 : i32
        %dma_start3A_27 = tpu.memref_slice %arg16[%mul3A_0, %dma_start3A] : memref<10240x128xi16, #tpu.memory_space<vmem_shared>> -> memref<640x128xi16, #tpu.memory_space<vmem_shared>>
        tpu.enqueue_dma source(%arg7 : memref<640x128xi16, #tpu.memory_space<hbm>>) target(%dma_start3A_27 : memref<640x128xi16, #tpu.memory_space<vmem_shared>>) target_semaphore(%run_scoped3A : memref<!tpu.dma_semaphore, #tpu.memory_space<semaphore_mem>>)
        %dma_wait3A = arith.constant 0 : i32
        %dma_wait3A_28 = tpu.memref_slice %arg16[%mul3A_0, %dma_wait3A] : memref<10240x128xi16, #tpu.memory_space<vmem_shared>> -> memref<640x128xi16, #tpu.memory_space<vmem_shared>>
        tpu.wait_dma2 semaphore(%run_scoped3A : memref<!tpu.dma_semaphore, #tpu.memory_space<semaphore_mem>>) src(%arg7 : memref<640x128xi16, #tpu.memory_space<hbm>>) dst(%dma_wait3A_28 : memref<640x128xi16, #tpu.memory_space<vmem_shared>>)
        tpu.yield
      }) : () -> ()
      %barrier3A_19 = arith.constant 0 : index
      tpu.barrier barrier_id(%barrier3A_19)
      %scan3A_20 = arith.constant 0 : i32
      %scan3A_21 = arith.constant 2 : i32
      %scan3A_22 = arith.addi %scan3A_20, %scan3A_21 : i32
      %scan3A_23 = arith.constant 1 : i32
      scf.for %scan3A_27 = %scan3A_20 to %scan3A_22 step %scan3A_23  : i32 {
        %mul3A_28 = arith.constant 1 : i32
        %mul3A_29 = arith.muli %scan3A_27, %mul3A_28 : i32
        %add3A_30 = arith.constant 0 : i32
        %add3A_31 = arith.addi %add3A_30, %mul3A_29 : i32
        %add3A_32 = arith.addi %mul3A_18, %add3A_31 : i32
        "tpu.region"() ({
          %run_scoped3A = tpu.sem_alloc : memref<!tpu.dma_semaphore, #tpu.memory_space<semaphore_mem>>
          %dma_start3A_45 = arith.constant 0 : i32
          %dma_start3A_46 = arith.constant 0 : i32
          %dma_start3A_47 = tpu.memref_slice %arg5[%add3A_32, %dma_start3A_45, %dma_start3A_46] : memref<64x8x625xi32, #tpu.memory_space<hbm>> -> memref<1x8x625xi32, #tpu.memory_space<hbm>>
          %dma_start3A_48 = tpu.memref_squeeze %dma_start3A_47 : memref<1x8x625xi32, #tpu.memory_space<hbm>> -> memref<8x625xi32, #tpu.memory_space<hbm>>
          %dma_start3A_49 = arith.constant 0 : i32
          %dma_start3A_50 = arith.constant 0 : i32
          %dma_start3A_51 = tpu.memref_slice %arg5[%add3A_32, %dma_start3A_49, %dma_start3A_50] : memref<64x8x625xi32, #tpu.memory_space<hbm>> -> memref<1x8x625xi32, #tpu.memory_space<hbm>>
          %dma_start3A_52 = tpu.memref_squeeze %dma_start3A_51 : memref<1x8x625xi32, #tpu.memory_space<hbm>> -> memref<8x625xi32, #tpu.memory_space<hbm>>
          tpu.enqueue_dma source(%dma_start3A_52 : memref<8x625xi32, #tpu.memory_space<hbm>>) target(%arg12 : memref<8x625xi32, #tpu.memory_space<vmem>>) target_semaphore(%run_scoped3A : memref<!tpu.dma_semaphore, #tpu.memory_space<semaphore_mem>>)
          %dma_wait3A = arith.constant 0 : i32
          %dma_wait3A_53 = arith.constant 0 : i32
          %dma_wait3A_54 = tpu.memref_slice %arg5[%add3A_32, %dma_wait3A, %dma_wait3A_53] : memref<64x8x625xi32, #tpu.memory_space<hbm>> -> memref<1x8x625xi32, #tpu.memory_space<hbm>>
          %dma_wait3A_55 = tpu.memref_squeeze %dma_wait3A_54 : memref<1x8x625xi32, #tpu.memory_space<hbm>> -> memref<8x625xi32, #tpu.memory_space<hbm>>
          %dma_wait3A_56 = arith.constant 0 : i32
          %dma_wait3A_57 = arith.constant 0 : i32
          %dma_wait3A_58 = tpu.memref_slice %arg5[%add3A_32, %dma_wait3A_56, %dma_wait3A_57] : memref<64x8x625xi32, #tpu.memory_space<hbm>> -> memref<1x8x625xi32, #tpu.memory_space<hbm>>
          %dma_wait3A_59 = tpu.memref_squeeze %dma_wait3A_58 : memref<1x8x625xi32, #tpu.memory_space<hbm>> -> memref<8x625xi32, #tpu.memory_space<hbm>>
          tpu.wait_dma2 semaphore(%run_scoped3A : memref<!tpu.dma_semaphore, #tpu.memory_space<semaphore_mem>>) src(%dma_wait3A_59 : memref<8x625xi32, #tpu.memory_space<hbm>>) dst(%arg12 : memref<8x625xi32, #tpu.memory_space<vmem>>)
          tpu.yield
        }) : () -> ()
        %add3A_33 = arith.addi %mul3A_18, %add3A_31 : i32
        "tpu.region"() ({
          %run_scoped3A = tpu.sem_alloc : memref<!tpu.dma_semaphore, #tpu.memory_space<semaphore_mem>>
          %dma_start3A_45 = arith.constant 0 : i32
          %dma_start3A_46 = arith.constant 0 : i32
          %dma_start3A_47 = tpu.memref_slice %arg6[%add3A_33, %dma_start3A_45, %dma_start3A_46] : memref<64x8x625xi32, #tpu.memory_space<hbm>> -> memref<1x8x625xi32, #tpu.memory_space<hbm>>
          %dma_start3A_48 = tpu.memref_squeeze %dma_start3A_47 : memref<1x8x625xi32, #tpu.memory_space<hbm>> -> memref<8x625xi32, #tpu.memory_space<hbm>>
          %dma_start3A_49 = arith.constant 0 : i32
          %dma_start3A_50 = arith.constant 0 : i32
          %dma_start3A_51 = tpu.memref_slice %arg6[%add3A_33, %dma_start3A_49, %dma_start3A_50] : memref<64x8x625xi32, #tpu.memory_space<hbm>> -> memref<1x8x625xi32, #tpu.memory_space<hbm>>
          %dma_start3A_52 = tpu.memref_squeeze %dma_start3A_51 : memref<1x8x625xi32, #tpu.memory_space<hbm>> -> memref<8x625xi32, #tpu.memory_space<hbm>>
          tpu.enqueue_dma source(%dma_start3A_52 : memref<8x625xi32, #tpu.memory_space<hbm>>) target(%arg13 : memref<8x625xi32, #tpu.memory_space<vmem>>) target_semaphore(%run_scoped3A : memref<!tpu.dma_semaphore, #tpu.memory_space<semaphore_mem>>)
          %dma_wait3A = arith.constant 0 : i32
          %dma_wait3A_53 = arith.constant 0 : i32
          %dma_wait3A_54 = tpu.memref_slice %arg6[%add3A_33, %dma_wait3A, %dma_wait3A_53] : memref<64x8x625xi32, #tpu.memory_space<hbm>> -> memref<1x8x625xi32, #tpu.memory_space<hbm>>
          %dma_wait3A_55 = tpu.memref_squeeze %dma_wait3A_54 : memref<1x8x625xi32, #tpu.memory_space<hbm>> -> memref<8x625xi32, #tpu.memory_space<hbm>>
          %dma_wait3A_56 = arith.constant 0 : i32
          %dma_wait3A_57 = arith.constant 0 : i32
          %dma_wait3A_58 = tpu.memref_slice %arg6[%add3A_33, %dma_wait3A_56, %dma_wait3A_57] : memref<64x8x625xi32, #tpu.memory_space<hbm>> -> memref<1x8x625xi32, #tpu.memory_space<hbm>>
          %dma_wait3A_59 = tpu.memref_squeeze %dma_wait3A_58 : memref<1x8x625xi32, #tpu.memory_space<hbm>> -> memref<8x625xi32, #tpu.memory_space<hbm>>
          tpu.wait_dma2 semaphore(%run_scoped3A : memref<!tpu.dma_semaphore, #tpu.memory_space<semaphore_mem>>) src(%dma_wait3A_59 : memref<8x625xi32, #tpu.memory_space<hbm>>) dst(%arg13 : memref<8x625xi32, #tpu.memory_space<vmem>>)
          tpu.yield
        }) : () -> ()
        %dma_start3A = arith.constant 0 : i32
        %dma_start3A_34 = arith.constant 0 : i32
        %dma_start3A_35 = tpu.memref_slice %arg12[%dma_start3A, %dma_start3A_34] : memref<8x625xi32, #tpu.memory_space<vmem>> -> memref<1x625xi32, #tpu.memory_space<vmem>>
        %dma_start3A_36 = tpu.memref_squeeze %dma_start3A_35 : memref<1x625xi32, #tpu.memory_space<vmem>> -> memref<625xi32, #tpu.memory_space<vmem>>
        %dma_start3A_37 = arith.constant 0 : i32
        %dma_start3A_38 = arith.constant 0 : i32
        %dma_start3A_39 = tpu.memref_slice %arg4[%dma_start3A_37, %dma_start3A_38] : memref<10000x128xi16, #tpu.memory_space<hbm>> -> memref<10000x128xi16, #tpu.memory_space<hbm>>
        tpu.enqueue_indirect_dma source(%dma_start3A_39 : memref<10000x128xi16, #tpu.memory_space<hbm>>) target(%arg14 : memref<625x128xi16, #tpu.memory_space<vmem>>) offsets(%dma_start3A_36 : memref<625xi32, #tpu.memory_space<vmem>>) semaphore(%arg17 : memref<!tpu.dma_semaphore, #tpu.memory_space<semaphore_mem>>)
        %scan3A_40 = arith.constant 0 : i32
        %scan3A_41 = arith.constant 4 : i32
        %scan3A_42 = arith.addi %scan3A_40, %scan3A_41 : i32
        %scan3A_43 = arith.constant 1 : i32
        scf.for %scan3A_45 = %scan3A_40 to %scan3A_42 step %scan3A_43  : i32 {
          %mul3A_46 = arith.constant 1 : i32
          %mul3A_47 = arith.muli %scan3A_45, %mul3A_46 : i32
          %add3A_48 = arith.constant 0 : i32
          %add3A_49 = arith.addi %add3A_48, %mul3A_47 : i32
          %mul3A_50 = arith.constant 2 : i32
          %mul3A_51 = arith.muli %mul3A_50, %add3A_49 : i32
          %dma_wait3A = arith.constant 0 : i32
          %dma_wait3A_52 = tpu.memref_slice %arg12[%mul3A_51, %dma_wait3A] : memref<8x625xi32, #tpu.memory_space<vmem>> -> memref<1x625xi32, #tpu.memory_space<vmem>>
          %dma_wait3A_53 = tpu.memref_squeeze %dma_wait3A_52 : memref<1x625xi32, #tpu.memory_space<vmem>> -> memref<625xi32, #tpu.memory_space<vmem>>
          %dma_wait3A_54 = arith.constant 0 : i32
          %dma_wait3A_55 = arith.constant 0 : i32
          %dma_wait3A_56 = tpu.memref_slice %arg4[%dma_wait3A_54, %dma_wait3A_55] : memref<10000x128xi16, #tpu.memory_space<hbm>> -> memref<10000x128xi16, #tpu.memory_space<hbm>>
          tpu.wait_indirect_dma semaphore(%arg17 : memref<!tpu.dma_semaphore, #tpu.memory_space<semaphore_mem>>) src(%dma_wait3A_56 : memref<10000x128xi16, #tpu.memory_space<hbm>>) dst(%arg14 : memref<625x128xi16, #tpu.memory_space<vmem>>)
          %add3A_57 = arith.constant 1 : i32
          %add3A_58 = arith.addi %mul3A_51, %add3A_57 : i32
          %dma_start3A_59 = arith.constant 0 : i32
          %dma_start3A_60 = tpu.memref_slice %arg12[%add3A_58, %dma_start3A_59] : memref<8x625xi32, #tpu.memory_space<vmem>> -> memref<1x625xi32, #tpu.memory_space<vmem>>
          %dma_start3A_61 = tpu.memref_squeeze %dma_start3A_60 : memref<1x625xi32, #tpu.memory_space<vmem>> -> memref<625xi32, #tpu.memory_space<vmem>>
          %dma_start3A_62 = arith.constant 0 : i32
          %dma_start3A_63 = arith.constant 0 : i32
          %dma_start3A_64 = tpu.memref_slice %arg4[%dma_start3A_62, %dma_start3A_63] : memref<10000x128xi16, #tpu.memory_space<hbm>> -> memref<10000x128xi16, #tpu.memory_space<hbm>>
          tpu.enqueue_indirect_dma source(%dma_start3A_64 : memref<10000x128xi16, #tpu.memory_space<hbm>>) target(%arg15 : memref<625x128xi16, #tpu.memory_space<vmem>>) offsets(%dma_start3A_61 : memref<625xi32, #tpu.memory_space<vmem>>) semaphore(%arg18 : memref<!tpu.dma_semaphore, #tpu.memory_space<semaphore_mem>>)
          "tpu.region"() ({
            %run_scoped3A = tpu.sem_alloc : memref<!tpu.dma_semaphore, #tpu.memory_space<semaphore_mem>>
            %dma_start3A_79 = arith.constant 0 : i32
            %dma_start3A_80 = tpu.memref_slice %arg13[%mul3A_51, %dma_start3A_79] : memref<8x625xi32, #tpu.memory_space<vmem>> -> memref<1x625xi32, #tpu.memory_space<vmem>>
            %dma_start3A_81 = tpu.memref_squeeze %dma_start3A_80 : memref<1x625xi32, #tpu.memory_space<vmem>> -> memref<625xi32, #tpu.memory_space<vmem>>
            %dma_start3A_82 = arith.constant 0 : i32
            %dma_start3A_83 = arith.constant 0 : i32
            %dma_start3A_84 = tpu.memref_slice %arg16[%dma_start3A_82, %dma_start3A_83] : memref<10240x128xi16, #tpu.memory_space<vmem_shared>> -> memref<10240x128xi16, #tpu.memory_space<vmem_shared>>
            tpu.enqueue_indirect_dma source(%arg14 : memref<625x128xi16, #tpu.memory_space<vmem>>) target(%dma_start3A_84 : memref<10240x128xi16, #tpu.memory_space<vmem_shared>>) offsets(%dma_start3A_81 : memref<625xi32, #tpu.memory_space<vmem>>) semaphore(%run_scoped3A : memref<!tpu.dma_semaphore, #tpu.memory_space<semaphore_mem>>) {add = true}
            %dma_wait3A_85 = arith.constant 0 : i32
            %dma_wait3A_86 = tpu.memref_slice %arg13[%mul3A_51, %dma_wait3A_85] : memref<8x625xi32, #tpu.memory_space<vmem>> -> memref<1x625xi32, #tpu.memory_space<vmem>>
            %dma_wait3A_87 = tpu.memref_squeeze %dma_wait3A_86 : memref<1x625xi32, #tpu.memory_space<vmem>> -> memref<625xi32, #tpu.memory_space<vmem>>
            %dma_wait3A_88 = arith.constant 0 : i32
            %dma_wait3A_89 = arith.constant 0 : i32
            %dma_wait3A_90 = tpu.memref_slice %arg16[%dma_wait3A_88, %dma_wait3A_89] : memref<10240x128xi16, #tpu.memory_space<vmem_shared>> -> memref<10240x128xi16, #tpu.memory_space<vmem_shared>>
            tpu.wait_indirect_dma semaphore(%run_scoped3A : memref<!tpu.dma_semaphore, #tpu.memory_space<semaphore_mem>>) src(%arg14 : memref<625x128xi16, #tpu.memory_space<vmem>>) dst(%dma_wait3A_90 : memref<10240x128xi16, #tpu.memory_space<vmem_shared>>)
            tpu.yield
          }) : () -> ()
          %add3A_65 = arith.constant 1 : i32
          %add3A_66 = arith.addi %mul3A_51, %add3A_65 : i32
          %dma_wait3A_67 = arith.constant 0 : i32
          %dma_wait3A_68 = tpu.memref_slice %arg12[%add3A_66, %dma_wait3A_67] : memref<8x625xi32, #tpu.memory_space<vmem>> -> memref<1x625xi32, #tpu.memory_space<vmem>>
          %dma_wait3A_69 = tpu.memref_squeeze %dma_wait3A_68 : memref<1x625xi32, #tpu.memory_space<vmem>> -> memref<625xi32, #tpu.memory_space<vmem>>
          %dma_wait3A_70 = arith.constant 0 : i32
          %dma_wait3A_71 = arith.constant 0 : i32
          %dma_wait3A_72 = tpu.memref_slice %arg4[%dma_wait3A_70, %dma_wait3A_71] : memref<10000x128xi16, #tpu.memory_space<hbm>> -> memref<10000x128xi16, #tpu.memory_space<hbm>>
          tpu.wait_indirect_dma semaphore(%arg18 : memref<!tpu.dma_semaphore, #tpu.memory_space<semaphore_mem>>) src(%dma_wait3A_72 : memref<10000x128xi16, #tpu.memory_space<hbm>>) dst(%arg15 : memref<625x128xi16, #tpu.memory_space<vmem>>)
          %lt3A = arith.constant 3 : i32
          %lt3A_73 = arith.cmpi slt, %add3A_49, %lt3A : i32
          %convert_element_type3A_74 = arith.extui %lt3A_73 : i1 to i32
          %cond3A_75 = arith.constant 0 : i32
          %cond3A_76 = arith.cmpi ne, %convert_element_type3A_74, %cond3A_75 : i32
          scf.if %cond3A_76 {
            %add3A_79 = arith.constant 2 : i32
            %add3A_80 = arith.addi %mul3A_51, %add3A_79 : i32
            %dma_start3A_81 = arith.constant 0 : i32
            %dma_start3A_82 = tpu.memref_slice %arg12[%add3A_80, %dma_start3A_81] : memref<8x625xi32, #tpu.memory_space<vmem>> -> memref<1x625xi32, #tpu.memory_space<vmem>>
            %dma_start3A_83 = tpu.memref_squeeze %dma_start3A_82 : memref<1x625xi32, #tpu.memory_space<vmem>> -> memref<625xi32, #tpu.memory_space<vmem>>
            %dma_start3A_84 = arith.constant 0 : i32
            %dma_start3A_85 = arith.constant 0 : i32
            %dma_start3A_86 = tpu.memref_slice %arg4[%dma_start3A_84, %dma_start3A_85] : memref<10000x128xi16, #tpu.memory_space<hbm>> -> memref<10000x128xi16, #tpu.memory_space<hbm>>
            tpu.enqueue_indirect_dma source(%dma_start3A_86 : memref<10000x128xi16, #tpu.memory_space<hbm>>) target(%arg14 : memref<625x128xi16, #tpu.memory_space<vmem>>) offsets(%dma_start3A_83 : memref<625xi32, #tpu.memory_space<vmem>>) semaphore(%arg17 : memref<!tpu.dma_semaphore, #tpu.memory_space<semaphore_mem>>)
          } else {
          }
          %add3A_77 = arith.constant 1 : i32
          %add3A_78 = arith.addi %mul3A_51, %add3A_77 : i32
          "tpu.region"() ({
            %run_scoped3A = tpu.sem_alloc : memref<!tpu.dma_semaphore, #tpu.memory_space<semaphore_mem>>
            %dma_start3A_79 = arith.constant 0 : i32
            %dma_start3A_80 = tpu.memref_slice %arg13[%add3A_78, %dma_start3A_79] : memref<8x625xi32, #tpu.memory_space<vmem>> -> memref<1x625xi32, #tpu.memory_space<vmem>>
            %dma_start3A_81 = tpu.memref_squeeze %dma_start3A_80 : memref<1x625xi32, #tpu.memory_space<vmem>> -> memref<625xi32, #tpu.memory_space<vmem>>
            %dma_start3A_82 = arith.constant 0 : i32
            %dma_start3A_83 = arith.constant 0 : i32
            %dma_start3A_84 = tpu.memref_slice %arg16[%dma_start3A_82, %dma_start3A_83] : memref<10240x128xi16, #tpu.memory_space<vmem_shared>> -> memref<10240x128xi16, #tpu.memory_space<vmem_shared>>
            tpu.enqueue_indirect_dma source(%arg15 : memref<625x128xi16, #tpu.memory_space<vmem>>) target(%dma_start3A_84 : memref<10240x128xi16, #tpu.memory_space<vmem_shared>>) offsets(%dma_start3A_81 : memref<625xi32, #tpu.memory_space<vmem>>) semaphore(%run_scoped3A : memref<!tpu.dma_semaphore, #tpu.memory_space<semaphore_mem>>) {add = true}
            %dma_wait3A_85 = arith.constant 0 : i32
            %dma_wait3A_86 = tpu.memref_slice %arg13[%add3A_78, %dma_wait3A_85] : memref<8x625xi32, #tpu.memory_space<vmem>> -> memref<1x625xi32, #tpu.memory_space<vmem>>
            %dma_wait3A_87 = tpu.memref_squeeze %dma_wait3A_86 : memref<1x625xi32, #tpu.memory_space<vmem>> -> memref<625xi32, #tpu.memory_space<vmem>>
            %dma_wait3A_88 = arith.constant 0 : i32
            %dma_wait3A_89 = arith.constant 0 : i32
            %dma_wait3A_90 = tpu.memref_slice %arg16[%dma_wait3A_88, %dma_wait3A_89] : memref<10240x128xi16, #tpu.memory_space<vmem_shared>> -> memref<10240x128xi16, #tpu.memory_space<vmem_shared>>
            tpu.wait_indirect_dma semaphore(%run_scoped3A : memref<!tpu.dma_semaphore, #tpu.memory_space<semaphore_mem>>) src(%arg15 : memref<625x128xi16, #tpu.memory_space<vmem>>) dst(%dma_wait3A_90 : memref<10240x128xi16, #tpu.memory_space<vmem_shared>>)
            tpu.yield
          }) : () -> ()
        }
        %scan3A_44 = arith.constant 4 : i32
      }
      %scan3A_24 = arith.constant 2 : i32
      %barrier3A_25 = arith.constant 0 : index
      tpu.barrier barrier_id(%barrier3A_25)
      "tpu.region"() ({
        %run_scoped3A = tpu.sem_alloc : memref<!tpu.dma_semaphore, #tpu.memory_space<semaphore_mem>>
        %dma_start3A = arith.constant 0 : i32
        %dma_start3A_27 = tpu.memref_slice %arg11[%mul3A_0, %dma_start3A] : memref<10240x128xi16, #tpu.memory_space<hbm>> -> memref<640x128xi16, #tpu.memory_space<hbm>>
        %dma_start3A_28 = arith.constant 0 : i32
        %dma_start3A_29 = tpu.memref_slice %arg16[%mul3A_0, %dma_start3A_28] : memref<10240x128xi16, #tpu.memory_space<vmem_shared>> -> memref<640x128xi16, #tpu.memory_space<vmem_shared>>
        tpu.enqueue_dma source(%dma_start3A_29 : memref<640x128xi16, #tpu.memory_space<vmem_shared>>) target(%dma_start3A_27 : memref<640x128xi16, #tpu.memory_space<hbm>>) target_semaphore(%run_scoped3A : memref<!tpu.dma_semaphore, #tpu.memory_space<semaphore_mem>>)
        %dma_wait3A = arith.constant 0 : i32
        %dma_wait3A_30 = tpu.memref_slice %arg11[%mul3A_0, %dma_wait3A] : memref<10240x128xi16, #tpu.memory_space<hbm>> -> memref<640x128xi16, #tpu.memory_space<hbm>>
        %dma_wait3A_31 = arith.constant 0 : i32
        %dma_wait3A_32 = tpu.memref_slice %arg16[%mul3A_0, %dma_wait3A_31] : memref<10240x128xi16, #tpu.memory_space<vmem_shared>> -> memref<640x128xi16, #tpu.memory_space<vmem_shared>>
        tpu.wait_dma2 semaphore(%run_scoped3A : memref<!tpu.dma_semaphore, #tpu.memory_space<semaphore_mem>>) src(%dma_wait3A_32 : memref<640x128xi16, #tpu.memory_space<vmem_shared>>) dst(%dma_wait3A_30 : memref<640x128xi16, #tpu.memory_space<hbm>>)
        tpu.yield
      }) : () -> ()
      %barrier3A_26 = arith.constant 0 : index
      tpu.barrier barrier_id(%barrier3A_26)
    } else {
    }
    return
  }
}

#map = affine_map<(d0, d1) -> (0, 0, 0)>
#map1 = affine_map<(d0, d1) -> (0, 0)>
module attributes {stable_mosaic.version = 14 : i64} {
  func.func @body(%arg0: i32, %arg1: i32, %arg2: memref<64x8x625xi32, #tpu.memory_space<hbm>>, %arg3: memref<625x16xf32, #tpu.memory_space<hbm>>, %arg4: memref<640x16xf32, #tpu.memory_space<hbm>>, %arg5: memref<10240x16xf32, #tpu.memory_space<hbm>>, %arg6: memref<10240x16xf32, #tpu.memory_space<hbm>>, %arg7: memref<8x625xi32, #tpu.memory_space<vmem>>, %arg8: memref<625x16xf32, #tpu.memory_space<vmem>>, %arg9: memref<10240x16xf32, #tpu.memory_space<vmem_shared>>) attributes {dimension_semantics = [#tpu.dimension_semantics<core_parallel>, #tpu.dimension_semantics<subcore_parallel>], iteration_bounds = array<i64: 2, 16>, scalar_prefetch = 0 : i64, scratch_operands = 3 : i64, tpu.core_type = #tpu.core_type<sc_vector_subcore>, window_params = [{transform_indices = #map}, {transform_indices = #map1}, {transform_indices = #map1}, {transform_indices = #map1}, {transform_indices = #map1}]} {
    %mul3A = arith.constant 640 : i32
    %mul3A_0 = arith.muli %arg1, %mul3A : i32
    "tpu.region"() ({
      %run_scoped3A = tpu.sem_alloc : memref<!tpu.dma_semaphore, #tpu.memory_space<semaphore_mem>>
      tpu.enqueue_dma source(%arg3 : memref<625x16xf32, #tpu.memory_space<hbm>>) target(%arg8 : memref<625x16xf32, #tpu.memory_space<vmem>>) target_semaphore(%run_scoped3A : memref<!tpu.dma_semaphore, #tpu.memory_space<semaphore_mem>>)
      tpu.wait_dma2 semaphore(%run_scoped3A : memref<!tpu.dma_semaphore, #tpu.memory_space<semaphore_mem>>) src(%arg3 : memref<625x16xf32, #tpu.memory_space<hbm>>) dst(%arg8 : memref<625x16xf32, #tpu.memory_space<vmem>>)
      tpu.yield
    }) : () -> ()
    "tpu.region"() ({
      %run_scoped3A = tpu.sem_alloc : memref<!tpu.dma_semaphore, #tpu.memory_space<semaphore_mem>>
      %dma_start3A = arith.constant 0 : i32
      %dma_start3A_13 = tpu.memref_slice %arg9[%mul3A_0, %dma_start3A] : memref<10240x16xf32, #tpu.memory_space<vmem_shared>> -> memref<640x16xf32, #tpu.memory_space<vmem_shared>>
      tpu.enqueue_dma source(%arg4 : memref<640x16xf32, #tpu.memory_space<hbm>>) target(%dma_start3A_13 : memref<640x16xf32, #tpu.memory_space<vmem_shared>>) target_semaphore(%run_scoped3A : memref<!tpu.dma_semaphore, #tpu.memory_space<semaphore_mem>>)
      %dma_wait3A = arith.constant 0 : i32
      %dma_wait3A_14 = tpu.memref_slice %arg9[%mul3A_0, %dma_wait3A] : memref<10240x16xf32, #tpu.memory_space<vmem_shared>> -> memref<640x16xf32, #tpu.memory_space<vmem_shared>>
      tpu.wait_dma2 semaphore(%run_scoped3A : memref<!tpu.dma_semaphore, #tpu.memory_space<semaphore_mem>>) src(%arg4 : memref<640x16xf32, #tpu.memory_space<hbm>>) dst(%dma_wait3A_14 : memref<640x16xf32, #tpu.memory_space<vmem_shared>>)
      tpu.yield
    }) : () -> ()
    %barrier3A = arith.constant 0 : index
    tpu.barrier barrier_id(%barrier3A)
    %scan3A = arith.constant 0 : i32
    %scan3A_1 = arith.constant 2 : i32
    %scan3A_2 = arith.addi %scan3A, %scan3A_1 : i32
    %scan3A_3 = arith.constant 1 : i32
    scf.for %scan3A_13 = %scan3A to %scan3A_2 step %scan3A_3  : i32 {
      %mul3A_14 = arith.constant 1 : i32
      %mul3A_15 = arith.muli %scan3A_13, %mul3A_14 : i32
      %add3A = arith.constant 0 : i32
      %add3A_16 = arith.addi %add3A, %mul3A_15 : i32
      %mul3A_17 = arith.constant 16 : i32
      %mul3A_18 = arith.muli %arg0, %mul3A_17 : i32
      %add3A_19 = arith.addi %mul3A_18, %arg1 : i32
      %mul3A_20 = arith.constant 2 : i32
      %mul3A_21 = arith.muli %add3A_19, %mul3A_20 : i32
      %add3A_22 = arith.addi %mul3A_21, %add3A_16 : i32
      "tpu.region"() ({
        %run_scoped3A = tpu.sem_alloc : memref<!tpu.dma_semaphore, #tpu.memory_space<semaphore_mem>>
        %dma_start3A = arith.constant 0 : i32
        %dma_start3A_28 = arith.constant 0 : i32
        %dma_start3A_29 = tpu.memref_slice %arg2[%add3A_22, %dma_start3A, %dma_start3A_28] : memref<64x8x625xi32, #tpu.memory_space<hbm>> -> memref<1x8x625xi32, #tpu.memory_space<hbm>>
        %dma_start3A_30 = tpu.memref_squeeze %dma_start3A_29 : memref<1x8x625xi32, #tpu.memory_space<hbm>> -> memref<8x625xi32, #tpu.memory_space<hbm>>
        %dma_start3A_31 = arith.constant 0 : i32
        %dma_start3A_32 = arith.constant 0 : i32
        %dma_start3A_33 = tpu.memref_slice %arg2[%add3A_22, %dma_start3A_31, %dma_start3A_32] : memref<64x8x625xi32, #tpu.memory_space<hbm>> -> memref<1x8x625xi32, #tpu.memory_space<hbm>>
        %dma_start3A_34 = tpu.memref_squeeze %dma_start3A_33 : memref<1x8x625xi32, #tpu.memory_space<hbm>> -> memref<8x625xi32, #tpu.memory_space<hbm>>
        tpu.enqueue_dma source(%dma_start3A_34 : memref<8x625xi32, #tpu.memory_space<hbm>>) target(%arg7 : memref<8x625xi32, #tpu.memory_space<vmem>>) target_semaphore(%run_scoped3A : memref<!tpu.dma_semaphore, #tpu.memory_space<semaphore_mem>>)
        %dma_wait3A = arith.constant 0 : i32
        %dma_wait3A_35 = arith.constant 0 : i32
        %dma_wait3A_36 = tpu.memref_slice %arg2[%add3A_22, %dma_wait3A, %dma_wait3A_35] : memref<64x8x625xi32, #tpu.memory_space<hbm>> -> memref<1x8x625xi32, #tpu.memory_space<hbm>>
        %dma_wait3A_37 = tpu.memref_squeeze %dma_wait3A_36 : memref<1x8x625xi32, #tpu.memory_space<hbm>> -> memref<8x625xi32, #tpu.memory_space<hbm>>
        %dma_wait3A_38 = arith.constant 0 : i32
        %dma_wait3A_39 = arith.constant 0 : i32
        %dma_wait3A_40 = tpu.memref_slice %arg2[%add3A_22, %dma_wait3A_38, %dma_wait3A_39] : memref<64x8x625xi32, #tpu.memory_space<hbm>> -> memref<1x8x625xi32, #tpu.memory_space<hbm>>
        %dma_wait3A_41 = tpu.memref_squeeze %dma_wait3A_40 : memref<1x8x625xi32, #tpu.memory_space<hbm>> -> memref<8x625xi32, #tpu.memory_space<hbm>>
        tpu.wait_dma2 semaphore(%run_scoped3A : memref<!tpu.dma_semaphore, #tpu.memory_space<semaphore_mem>>) src(%dma_wait3A_41 : memref<8x625xi32, #tpu.memory_space<hbm>>) dst(%arg7 : memref<8x625xi32, #tpu.memory_space<vmem>>)
        tpu.yield
      }) : () -> ()
      %scan3A_23 = arith.constant 0 : i32
      %scan3A_24 = arith.constant 8 : i32
      %scan3A_25 = arith.addi %scan3A_23, %scan3A_24 : i32
      %scan3A_26 = arith.constant 1 : i32
      scf.for %scan3A_28 = %scan3A_23 to %scan3A_25 step %scan3A_26  : i32 {
        %mul3A_29 = arith.constant 1 : i32
        %mul3A_30 = arith.muli %scan3A_28, %mul3A_29 : i32
        %add3A_31 = arith.constant 0 : i32
        %add3A_32 = arith.addi %add3A_31, %mul3A_30 : i32
        "tpu.region"() ({
          %run_scoped3A = tpu.sem_alloc : memref<!tpu.dma_semaphore, #tpu.memory_space<semaphore_mem>>
          %dma_start3A = arith.constant 0 : i32
          %dma_start3A_33 = tpu.memref_slice %arg7[%add3A_32, %dma_start3A] : memref<8x625xi32, #tpu.memory_space<vmem>> -> memref<1x625xi32, #tpu.memory_space<vmem>>
          %dma_start3A_34 = tpu.memref_squeeze %dma_start3A_33 : memref<1x625xi32, #tpu.memory_space<vmem>> -> memref<625xi32, #tpu.memory_space<vmem>>
          %dma_start3A_35 = arith.constant 0 : i32
          %dma_start3A_36 = arith.constant 0 : i32
          %dma_start3A_37 = tpu.memref_slice %arg9[%dma_start3A_35, %dma_start3A_36] : memref<10240x16xf32, #tpu.memory_space<vmem_shared>> -> memref<10240x16xf32, #tpu.memory_space<vmem_shared>>
          tpu.enqueue_indirect_dma source(%arg8 : memref<625x16xf32, #tpu.memory_space<vmem>>) target(%dma_start3A_37 : memref<10240x16xf32, #tpu.memory_space<vmem_shared>>) offsets(%dma_start3A_34 : memref<625xi32, #tpu.memory_space<vmem>>) semaphore(%run_scoped3A : memref<!tpu.dma_semaphore, #tpu.memory_space<semaphore_mem>>) {add = true}
          %dma_wait3A = arith.constant 0 : i32
          %dma_wait3A_38 = tpu.memref_slice %arg7[%add3A_32, %dma_wait3A] : memref<8x625xi32, #tpu.memory_space<vmem>> -> memref<1x625xi32, #tpu.memory_space<vmem>>
          %dma_wait3A_39 = tpu.memref_squeeze %dma_wait3A_38 : memref<1x625xi32, #tpu.memory_space<vmem>> -> memref<625xi32, #tpu.memory_space<vmem>>
          %dma_wait3A_40 = arith.constant 0 : i32
          %dma_wait3A_41 = arith.constant 0 : i32
          %dma_wait3A_42 = tpu.memref_slice %arg9[%dma_wait3A_40, %dma_wait3A_41] : memref<10240x16xf32, #tpu.memory_space<vmem_shared>> -> memref<10240x16xf32, #tpu.memory_space<vmem_shared>>
          tpu.wait_indirect_dma semaphore(%run_scoped3A : memref<!tpu.dma_semaphore, #tpu.memory_space<semaphore_mem>>) src(%arg8 : memref<625x16xf32, #tpu.memory_space<vmem>>) dst(%dma_wait3A_42 : memref<10240x16xf32, #tpu.memory_space<vmem_shared>>)
          tpu.yield
        }) : () -> ()
      }
      %scan3A_27 = arith.constant 8 : i32
    }
    %scan3A_4 = arith.constant 2 : i32
    %barrier3A_5 = arith.constant 0 : index
    tpu.barrier barrier_id(%barrier3A_5)
    %eq3A = arith.constant 0 : i32
    %eq3A_6 = arith.cmpi eq, %arg0, %eq3A : i32
    %convert_element_type3A = arith.extui %eq3A_6 : i1 to i32
    %cond3A = arith.constant 0 : i32
    %cond3A_7 = arith.cmpi ne, %convert_element_type3A, %cond3A : i32
    scf.if %cond3A_7 {
      "tpu.region"() ({
        %run_scoped3A = tpu.sem_alloc : memref<!tpu.dma_semaphore, #tpu.memory_space<semaphore_mem>>
        %dma_start3A = arith.constant 0 : i32
        %dma_start3A_13 = tpu.memref_slice %arg5[%mul3A_0, %dma_start3A] : memref<10240x16xf32, #tpu.memory_space<hbm>> -> memref<640x16xf32, #tpu.memory_space<hbm>>
        %dma_start3A_14 = arith.constant 0 : i32
        %dma_start3A_15 = tpu.memref_slice %arg9[%mul3A_0, %dma_start3A_14] : memref<10240x16xf32, #tpu.memory_space<vmem_shared>> -> memref<640x16xf32, #tpu.memory_space<vmem_shared>>
        tpu.enqueue_dma source(%dma_start3A_15 : memref<640x16xf32, #tpu.memory_space<vmem_shared>>) target(%dma_start3A_13 : memref<640x16xf32, #tpu.memory_space<hbm>>) target_semaphore(%run_scoped3A : memref<!tpu.dma_semaphore, #tpu.memory_space<semaphore_mem>>)
        %dma_wait3A = arith.constant 0 : i32
        %dma_wait3A_16 = tpu.memref_slice %arg5[%mul3A_0, %dma_wait3A] : memref<10240x16xf32, #tpu.memory_space<hbm>> -> memref<640x16xf32, #tpu.memory_space<hbm>>
        %dma_wait3A_17 = arith.constant 0 : i32
        %dma_wait3A_18 = tpu.memref_slice %arg9[%mul3A_0, %dma_wait3A_17] : memref<10240x16xf32, #tpu.memory_space<vmem_shared>> -> memref<640x16xf32, #tpu.memory_space<vmem_shared>>
        tpu.wait_dma2 semaphore(%run_scoped3A : memref<!tpu.dma_semaphore, #tpu.memory_space<semaphore_mem>>) src(%dma_wait3A_18 : memref<640x16xf32, #tpu.memory_space<vmem_shared>>) dst(%dma_wait3A_16 : memref<640x16xf32, #tpu.memory_space<hbm>>)
        tpu.yield
      }) : () -> ()
    } else {
    }
    %eq3A_8 = arith.constant 1 : i32
    %eq3A_9 = arith.cmpi eq, %arg0, %eq3A_8 : i32
    %convert_element_type3A_10 = arith.extui %eq3A_9 : i1 to i32
    %cond3A_11 = arith.constant 0 : i32
    %cond3A_12 = arith.cmpi ne, %convert_element_type3A_10, %cond3A_11 : i32
    scf.if %cond3A_12 {
      "tpu.region"() ({
        %run_scoped3A = tpu.sem_alloc : memref<!tpu.dma_semaphore, #tpu.memory_space<semaphore_mem>>
        %dma_start3A = arith.constant 0 : i32
        %dma_start3A_13 = tpu.memref_slice %arg6[%mul3A_0, %dma_start3A] : memref<10240x16xf32, #tpu.memory_space<hbm>> -> memref<640x16xf32, #tpu.memory_space<hbm>>
        %dma_start3A_14 = arith.constant 0 : i32
        %dma_start3A_15 = tpu.memref_slice %arg9[%mul3A_0, %dma_start3A_14] : memref<10240x16xf32, #tpu.memory_space<vmem_shared>> -> memref<640x16xf32, #tpu.memory_space<vmem_shared>>
        tpu.enqueue_dma source(%dma_start3A_15 : memref<640x16xf32, #tpu.memory_space<vmem_shared>>) target(%dma_start3A_13 : memref<640x16xf32, #tpu.memory_space<hbm>>) target_semaphore(%run_scoped3A : memref<!tpu.dma_semaphore, #tpu.memory_space<semaphore_mem>>)
        %dma_wait3A = arith.constant 0 : i32
        %dma_wait3A_16 = tpu.memref_slice %arg6[%mul3A_0, %dma_wait3A] : memref<10240x16xf32, #tpu.memory_space<hbm>> -> memref<640x16xf32, #tpu.memory_space<hbm>>
        %dma_wait3A_17 = arith.constant 0 : i32
        %dma_wait3A_18 = tpu.memref_slice %arg9[%mul3A_0, %dma_wait3A_17] : memref<10240x16xf32, #tpu.memory_space<vmem_shared>> -> memref<640x16xf32, #tpu.memory_space<vmem_shared>>
        tpu.wait_dma2 semaphore(%run_scoped3A : memref<!tpu.dma_semaphore, #tpu.memory_space<semaphore_mem>>) src(%dma_wait3A_18 : memref<640x16xf32, #tpu.memory_space<vmem_shared>>) dst(%dma_wait3A_16 : memref<640x16xf32, #tpu.memory_space<hbm>>)
        tpu.yield
      }) : () -> ()
    } else {
    }
    return
  }
}

#map = affine_map<(d0, d1) -> (0, 0)>
#map1 = affine_map<(d0, d1) -> (0, 0, 0)>
module attributes {stable_mosaic.version = 14 : i64} {
  func.func @body(%arg0: i32, %arg1: i32, %arg2: memref<10000x128xi16, #tpu.memory_space<hbm>>, %arg3: memref<10000x128xi16, #tpu.memory_space<hbm>>, %arg4: memref<10000x128xi16, #tpu.memory_space<hbm>>, %arg5: memref<64x8x625xi32, #tpu.memory_space<hbm>>, %arg6: memref<64x8x625xi32, #tpu.memory_space<hbm>>, %arg7: memref<640x128xi16, #tpu.memory_space<hbm>>, %arg8: memref<10240x128xi16, #tpu.memory_space<hbm>>, %arg9: memref<10240x128xi16, #tpu.memory_space<hbm>>, %arg10: memref<10240x128xi16, #tpu.memory_space<hbm>>, %arg11: memref<10240x128xi16, #tpu.memory_space<hbm>>, %arg12: memref<8x625xi32, #tpu.memory_space<vmem>>, %arg13: memref<8x625xi32, #tpu.memory_space<vmem>>, %arg14: memref<625x128xi16, #tpu.memory_space<vmem>>, %arg15: memref<625x128xi16, #tpu.memory_space<vmem>>, %arg16: memref<10240x128xi16, #tpu.memory_space<vmem_shared>>, %arg17: memref<!tpu.dma_semaphore, #tpu.memory_space<semaphore_mem>>, %arg18: memref<!tpu.dma_semaphore, #tpu.memory_space<semaphore_mem>>) attributes {dimension_semantics = [#tpu.dimension_semantics<core_parallel>, #tpu.dimension_semantics<subcore_parallel>], iteration_bounds = array<i64: 2, 16>, scalar_prefetch = 0 : i64, scratch_operands = 7 : i64, tpu.core_type = #tpu.core_type<sc_vector_subcore>, window_params = [{transform_indices = #map}, {transform_indices = #map}, {transform_indices = #map}, {transform_indices = #map1}, {transform_indices = #map1}, {transform_indices = #map}, {transform_indices = #map}, {transform_indices = #map}, {transform_indices = #map}, {transform_indices = #map}]} {
    %mul3A = arith.constant 640 : i32
    %mul3A_0 = arith.muli %arg1, %mul3A : i32
    %eq3A = arith.constant 0 : i32
    %eq3A_1 = arith.cmpi eq, %arg0, %eq3A : i32
    %convert_element_type3A = arith.extui %eq3A_1 : i1 to i32
    %cond3A = arith.constant 0 : i32
    %cond3A_2 = arith.cmpi ne, %convert_element_type3A, %cond3A : i32
    scf.if %cond3A_2 {
      %mul3A_8 = arith.constant 4 : i32
      %mul3A_9 = arith.muli %arg1, %mul3A_8 : i32
      "tpu.region"() ({
        %run_scoped3A = tpu.sem_alloc : memref<!tpu.dma_semaphore, #tpu.memory_space<semaphore_mem>>
        %dma_start3A = arith.constant 0 : i32
        %dma_start3A_26 = tpu.memref_slice %arg16[%mul3A_0, %dma_start3A] : memref<10240x128xi16, #tpu.memory_space<vmem_shared>> -> memref<640x128xi16, #tpu.memory_space<vmem_shared>>
        tpu.enqueue_dma source(%arg7 : memref<640x128xi16, #tpu.memory_space<hbm>>) target(%dma_start3A_26 : memref<640x128xi16, #tpu.memory_space<vmem_shared>>) target_semaphore(%run_scoped3A : memref<!tpu.dma_semaphore, #tpu.memory_space<semaphore_mem>>)
        %dma_wait3A = arith.constant 0 : i32
        %dma_wait3A_27 = tpu.memref_slice %arg16[%mul3A_0, %dma_wait3A] : memref<10240x128xi16, #tpu.memory_space<vmem_shared>> -> memref<640x128xi16, #tpu.memory_space<vmem_shared>>
        tpu.wait_dma2 semaphore(%run_scoped3A : memref<!tpu.dma_semaphore, #tpu.memory_space<semaphore_mem>>) src(%arg7 : memref<640x128xi16, #tpu.memory_space<hbm>>) dst(%dma_wait3A_27 : memref<640x128xi16, #tpu.memory_space<vmem_shared>>)
        tpu.yield
      }) : () -> ()
      %barrier3A = arith.constant 0 : index
      tpu.barrier barrier_id(%barrier3A)
      %scan3A = arith.constant 0 : i32
      %scan3A_10 = arith.constant 4 : i32
      %scan3A_11 = arith.addi %scan3A, %scan3A_10 : i32
      %scan3A_12 = arith.constant 1 : i32
      scf.for %scan3A_26 = %scan3A to %scan3A_11 step %scan3A_12  : i32 {
        %mul3A_27 = arith.constant 1 : i32
        %mul3A_28 = arith.muli %scan3A_26, %mul3A_27 : i32
        %add3A = arith.constant 0 : i32
        %add3A_29 = arith.addi %add3A, %mul3A_28 : i32
        %add3A_30 = arith.addi %mul3A_9, %add3A_29 : i32
        "tpu.region"() ({
          %run_scoped3A = tpu.sem_alloc : memref<!tpu.dma_semaphore, #tpu.memory_space<semaphore_mem>>
          %dma_start3A_43 = arith.constant 0 : i32
          %dma_start3A_44 = arith.constant 0 : i32
          %dma_start3A_45 = tpu.memref_slice %arg5[%add3A_30, %dma_start3A_43, %dma_start3A_44] : memref<64x8x625xi32, #tpu.memory_space<hbm>> -> memref<1x8x625xi32, #tpu.memory_space<hbm>>
          %dma_start3A_46 = tpu.memref_squeeze %dma_start3A_45 : memref<1x8x625xi32, #tpu.memory_space<hbm>> -> memref<8x625xi32, #tpu.memory_space<hbm>>
          %dma_start3A_47 = arith.constant 0 : i32
          %dma_start3A_48 = arith.constant 0 : i32
          %dma_start3A_49 = tpu.memref_slice %arg5[%add3A_30, %dma_start3A_47, %dma_start3A_48] : memref<64x8x625xi32, #tpu.memory_space<hbm>> -> memref<1x8x625xi32, #tpu.memory_space<hbm>>
          %dma_start3A_50 = tpu.memref_squeeze %dma_start3A_49 : memref<1x8x625xi32, #tpu.memory_space<hbm>> -> memref<8x625xi32, #tpu.memory_space<hbm>>
          tpu.enqueue_dma source(%dma_start3A_50 : memref<8x625xi32, #tpu.memory_space<hbm>>) target(%arg12 : memref<8x625xi32, #tpu.memory_space<vmem>>) target_semaphore(%run_scoped3A : memref<!tpu.dma_semaphore, #tpu.memory_space<semaphore_mem>>)
          %dma_wait3A = arith.constant 0 : i32
          %dma_wait3A_51 = arith.constant 0 : i32
          %dma_wait3A_52 = tpu.memref_slice %arg5[%add3A_30, %dma_wait3A, %dma_wait3A_51] : memref<64x8x625xi32, #tpu.memory_space<hbm>> -> memref<1x8x625xi32, #tpu.memory_space<hbm>>
          %dma_wait3A_53 = tpu.memref_squeeze %dma_wait3A_52 : memref<1x8x625xi32, #tpu.memory_space<hbm>> -> memref<8x625xi32, #tpu.memory_space<hbm>>
          %dma_wait3A_54 = arith.constant 0 : i32
          %dma_wait3A_55 = arith.constant 0 : i32
          %dma_wait3A_56 = tpu.memref_slice %arg5[%add3A_30, %dma_wait3A_54, %dma_wait3A_55] : memref<64x8x625xi32, #tpu.memory_space<hbm>> -> memref<1x8x625xi32, #tpu.memory_space<hbm>>
          %dma_wait3A_57 = tpu.memref_squeeze %dma_wait3A_56 : memref<1x8x625xi32, #tpu.memory_space<hbm>> -> memref<8x625xi32, #tpu.memory_space<hbm>>
          tpu.wait_dma2 semaphore(%run_scoped3A : memref<!tpu.dma_semaphore, #tpu.memory_space<semaphore_mem>>) src(%dma_wait3A_57 : memref<8x625xi32, #tpu.memory_space<hbm>>) dst(%arg12 : memref<8x625xi32, #tpu.memory_space<vmem>>)
          tpu.yield
        }) : () -> ()
        %add3A_31 = arith.addi %mul3A_9, %add3A_29 : i32
        "tpu.region"() ({
          %run_scoped3A = tpu.sem_alloc : memref<!tpu.dma_semaphore, #tpu.memory_space<semaphore_mem>>
          %dma_start3A_43 = arith.constant 0 : i32
          %dma_start3A_44 = arith.constant 0 : i32
          %dma_start3A_45 = tpu.memref_slice %arg6[%add3A_31, %dma_start3A_43, %dma_start3A_44] : memref<64x8x625xi32, #tpu.memory_space<hbm>> -> memref<1x8x625xi32, #tpu.memory_space<hbm>>
          %dma_start3A_46 = tpu.memref_squeeze %dma_start3A_45 : memref<1x8x625xi32, #tpu.memory_space<hbm>> -> memref<8x625xi32, #tpu.memory_space<hbm>>
          %dma_start3A_47 = arith.constant 0 : i32
          %dma_start3A_48 = arith.constant 0 : i32
          %dma_start3A_49 = tpu.memref_slice %arg6[%add3A_31, %dma_start3A_47, %dma_start3A_48] : memref<64x8x625xi32, #tpu.memory_space<hbm>> -> memref<1x8x625xi32, #tpu.memory_space<hbm>>
          %dma_start3A_50 = tpu.memref_squeeze %dma_start3A_49 : memref<1x8x625xi32, #tpu.memory_space<hbm>> -> memref<8x625xi32, #tpu.memory_space<hbm>>
          tpu.enqueue_dma source(%dma_start3A_50 : memref<8x625xi32, #tpu.memory_space<hbm>>) target(%arg13 : memref<8x625xi32, #tpu.memory_space<vmem>>) target_semaphore(%run_scoped3A : memref<!tpu.dma_semaphore, #tpu.memory_space<semaphore_mem>>)
          %dma_wait3A = arith.constant 0 : i32
          %dma_wait3A_51 = arith.constant 0 : i32
          %dma_wait3A_52 = tpu.memref_slice %arg6[%add3A_31, %dma_wait3A, %dma_wait3A_51] : memref<64x8x625xi32, #tpu.memory_space<hbm>> -> memref<1x8x625xi32, #tpu.memory_space<hbm>>
          %dma_wait3A_53 = tpu.memref_squeeze %dma_wait3A_52 : memref<1x8x625xi32, #tpu.memory_space<hbm>> -> memref<8x625xi32, #tpu.memory_space<hbm>>
          %dma_wait3A_54 = arith.constant 0 : i32
          %dma_wait3A_55 = arith.constant 0 : i32
          %dma_wait3A_56 = tpu.memref_slice %arg6[%add3A_31, %dma_wait3A_54, %dma_wait3A_55] : memref<64x8x625xi32, #tpu.memory_space<hbm>> -> memref<1x8x625xi32, #tpu.memory_space<hbm>>
          %dma_wait3A_57 = tpu.memref_squeeze %dma_wait3A_56 : memref<1x8x625xi32, #tpu.memory_space<hbm>> -> memref<8x625xi32, #tpu.memory_space<hbm>>
          tpu.wait_dma2 semaphore(%run_scoped3A : memref<!tpu.dma_semaphore, #tpu.memory_space<semaphore_mem>>) src(%dma_wait3A_57 : memref<8x625xi32, #tpu.memory_space<hbm>>) dst(%arg13 : memref<8x625xi32, #tpu.memory_space<vmem>>)
          tpu.yield
        }) : () -> ()
        %dma_start3A = arith.constant 0 : i32
        %dma_start3A_32 = arith.constant 0 : i32
        %dma_start3A_33 = tpu.memref_slice %arg12[%dma_start3A, %dma_start3A_32] : memref<8x625xi32, #tpu.memory_space<vmem>> -> memref<1x625xi32, #tpu.memory_space<vmem>>
        %dma_start3A_34 = tpu.memref_squeeze %dma_start3A_33 : memref<1x625xi32, #tpu.memory_space<vmem>> -> memref<625xi32, #tpu.memory_space<vmem>>
        %dma_start3A_35 = arith.constant 0 : i32
        %dma_start3A_36 = arith.constant 0 : i32
        %dma_start3A_37 = tpu.memref_slice %arg2[%dma_start3A_35, %dma_start3A_36] : memref<10000x128xi16, #tpu.memory_space<hbm>> -> memref<10000x128xi16, #tpu.memory_space<hbm>>
        tpu.enqueue_indirect_dma source(%dma_start3A_37 : memref<10000x128xi16, #tpu.memory_space<hbm>>) target(%arg14 : memref<625x128xi16, #tpu.memory_space<vmem>>) offsets(%dma_start3A_34 : memref<625xi32, #tpu.memory_space<vmem>>) semaphore(%arg17 : memref<!tpu.dma_semaphore, #tpu.memory_space<semaphore_mem>>)
        %scan3A_38 = arith.constant 0 : i32
        %scan3A_39 = arith.constant 4 : i32
        %scan3A_40 = arith.addi %scan3A_38, %scan3A_39 : i32
        %scan3A_41 = arith.constant 1 : i32
        scf.for %scan3A_43 = %scan3A_38 to %scan3A_40 step %scan3A_41  : i32 {
          %mul3A_44 = arith.constant 1 : i32
          %mul3A_45 = arith.muli %scan3A_43, %mul3A_44 : i32
          %add3A_46 = arith.constant 0 : i32
          %add3A_47 = arith.addi %add3A_46, %mul3A_45 : i32
          %mul3A_48 = arith.constant 2 : i32
          %mul3A_49 = arith.muli %mul3A_48, %add3A_47 : i32
          %dma_wait3A = arith.constant 0 : i32
          %dma_wait3A_50 = tpu.memref_slice %arg12[%mul3A_49, %dma_wait3A] : memref<8x625xi32, #tpu.memory_space<vmem>> -> memref<1x625xi32, #tpu.memory_space<vmem>>
          %dma_wait3A_51 = tpu.memref_squeeze %dma_wait3A_50 : memref<1x625xi32, #tpu.memory_space<vmem>> -> memref<625xi32, #tpu.memory_space<vmem>>
          %dma_wait3A_52 = arith.constant 0 : i32
          %dma_wait3A_53 = arith.constant 0 : i32
          %dma_wait3A_54 = tpu.memref_slice %arg2[%dma_wait3A_52, %dma_wait3A_53] : memref<10000x128xi16, #tpu.memory_space<hbm>> -> memref<10000x128xi16, #tpu.memory_space<hbm>>
          tpu.wait_indirect_dma semaphore(%arg17 : memref<!tpu.dma_semaphore, #tpu.memory_space<semaphore_mem>>) src(%dma_wait3A_54 : memref<10000x128xi16, #tpu.memory_space<hbm>>) dst(%arg14 : memref<625x128xi16, #tpu.memory_space<vmem>>)
          %add3A_55 = arith.constant 1 : i32
          %add3A_56 = arith.addi %mul3A_49, %add3A_55 : i32
          %dma_start3A_57 = arith.constant 0 : i32
          %dma_start3A_58 = tpu.memref_slice %arg12[%add3A_56, %dma_start3A_57] : memref<8x625xi32, #tpu.memory_space<vmem>> -> memref<1x625xi32, #tpu.memory_space<vmem>>
          %dma_start3A_59 = tpu.memref_squeeze %dma_start3A_58 : memref<1x625xi32, #tpu.memory_space<vmem>> -> memref<625xi32, #tpu.memory_space<vmem>>
          %dma_start3A_60 = arith.constant 0 : i32
          %dma_start3A_61 = arith.constant 0 : i32
          %dma_start3A_62 = tpu.memref_slice %arg2[%dma_start3A_60, %dma_start3A_61] : memref<10000x128xi16, #tpu.memory_space<hbm>> -> memref<10000x128xi16, #tpu.memory_space<hbm>>
          tpu.enqueue_indirect_dma source(%dma_start3A_62 : memref<10000x128xi16, #tpu.memory_space<hbm>>) target(%arg15 : memref<625x128xi16, #tpu.memory_space<vmem>>) offsets(%dma_start3A_59 : memref<625xi32, #tpu.memory_space<vmem>>) semaphore(%arg18 : memref<!tpu.dma_semaphore, #tpu.memory_space<semaphore_mem>>)
          "tpu.region"() ({
            %run_scoped3A = tpu.sem_alloc : memref<!tpu.dma_semaphore, #tpu.memory_space<semaphore_mem>>
            %dma_start3A_77 = arith.constant 0 : i32
            %dma_start3A_78 = tpu.memref_slice %arg13[%mul3A_49, %dma_start3A_77] : memref<8x625xi32, #tpu.memory_space<vmem>> -> memref<1x625xi32, #tpu.memory_space<vmem>>
            %dma_start3A_79 = tpu.memref_squeeze %dma_start3A_78 : memref<1x625xi32, #tpu.memory_space<vmem>> -> memref<625xi32, #tpu.memory_space<vmem>>
            %dma_start3A_80 = arith.constant 0 : i32
            %dma_start3A_81 = arith.constant 0 : i32
            %dma_start3A_82 = tpu.memref_slice %arg16[%dma_start3A_80, %dma_start3A_81] : memref<10240x128xi16, #tpu.memory_space<vmem_shared>> -> memref<10240x128xi16, #tpu.memory_space<vmem_shared>>
            tpu.enqueue_indirect_dma source(%arg14 : memref<625x128xi16, #tpu.memory_space<vmem>>) target(%dma_start3A_82 : memref<10240x128xi16, #tpu.memory_space<vmem_shared>>) offsets(%dma_start3A_79 : memref<625xi32, #tpu.memory_space<vmem>>) semaphore(%run_scoped3A : memref<!tpu.dma_semaphore, #tpu.memory_space<semaphore_mem>>) {add = true}
            %dma_wait3A_83 = arith.constant 0 : i32
            %dma_wait3A_84 = tpu.memref_slice %arg13[%mul3A_49, %dma_wait3A_83] : memref<8x625xi32, #tpu.memory_space<vmem>> -> memref<1x625xi32, #tpu.memory_space<vmem>>
            %dma_wait3A_85 = tpu.memref_squeeze %dma_wait3A_84 : memref<1x625xi32, #tpu.memory_space<vmem>> -> memref<625xi32, #tpu.memory_space<vmem>>
            %dma_wait3A_86 = arith.constant 0 : i32
            %dma_wait3A_87 = arith.constant 0 : i32
            %dma_wait3A_88 = tpu.memref_slice %arg16[%dma_wait3A_86, %dma_wait3A_87] : memref<10240x128xi16, #tpu.memory_space<vmem_shared>> -> memref<10240x128xi16, #tpu.memory_space<vmem_shared>>
            tpu.wait_indirect_dma semaphore(%run_scoped3A : memref<!tpu.dma_semaphore, #tpu.memory_space<semaphore_mem>>) src(%arg14 : memref<625x128xi16, #tpu.memory_space<vmem>>) dst(%dma_wait3A_88 : memref<10240x128xi16, #tpu.memory_space<vmem_shared>>)
            tpu.yield
          }) : () -> ()
          %add3A_63 = arith.constant 1 : i32
          %add3A_64 = arith.addi %mul3A_49, %add3A_63 : i32
          %dma_wait3A_65 = arith.constant 0 : i32
          %dma_wait3A_66 = tpu.memref_slice %arg12[%add3A_64, %dma_wait3A_65] : memref<8x625xi32, #tpu.memory_space<vmem>> -> memref<1x625xi32, #tpu.memory_space<vmem>>
          %dma_wait3A_67 = tpu.memref_squeeze %dma_wait3A_66 : memref<1x625xi32, #tpu.memory_space<vmem>> -> memref<625xi32, #tpu.memory_space<vmem>>
          %dma_wait3A_68 = arith.constant 0 : i32
          %dma_wait3A_69 = arith.constant 0 : i32
          %dma_wait3A_70 = tpu.memref_slice %arg2[%dma_wait3A_68, %dma_wait3A_69] : memref<10000x128xi16, #tpu.memory_space<hbm>> -> memref<10000x128xi16, #tpu.memory_space<hbm>>
          tpu.wait_indirect_dma semaphore(%arg18 : memref<!tpu.dma_semaphore, #tpu.memory_space<semaphore_mem>>) src(%dma_wait3A_70 : memref<10000x128xi16, #tpu.memory_space<hbm>>) dst(%arg15 : memref<625x128xi16, #tpu.memory_space<vmem>>)
          %lt3A = arith.constant 3 : i32
          %lt3A_71 = arith.cmpi slt, %add3A_47, %lt3A : i32
          %convert_element_type3A_72 = arith.extui %lt3A_71 : i1 to i32
          %cond3A_73 = arith.constant 0 : i32
          %cond3A_74 = arith.cmpi ne, %convert_element_type3A_72, %cond3A_73 : i32
          scf.if %cond3A_74 {
            %add3A_77 = arith.constant 2 : i32
            %add3A_78 = arith.addi %mul3A_49, %add3A_77 : i32
            %dma_start3A_79 = arith.constant 0 : i32
            %dma_start3A_80 = tpu.memref_slice %arg12[%add3A_78, %dma_start3A_79] : memref<8x625xi32, #tpu.memory_space<vmem>> -> memref<1x625xi32, #tpu.memory_space<vmem>>
            %dma_start3A_81 = tpu.memref_squeeze %dma_start3A_80 : memref<1x625xi32, #tpu.memory_space<vmem>> -> memref<625xi32, #tpu.memory_space<vmem>>
            %dma_start3A_82 = arith.constant 0 : i32
            %dma_start3A_83 = arith.constant 0 : i32
            %dma_start3A_84 = tpu.memref_slice %arg2[%dma_start3A_82, %dma_start3A_83] : memref<10000x128xi16, #tpu.memory_space<hbm>> -> memref<10000x128xi16, #tpu.memory_space<hbm>>
            tpu.enqueue_indirect_dma source(%dma_start3A_84 : memref<10000x128xi16, #tpu.memory_space<hbm>>) target(%arg14 : memref<625x128xi16, #tpu.memory_space<vmem>>) offsets(%dma_start3A_81 : memref<625xi32, #tpu.memory_space<vmem>>) semaphore(%arg17 : memref<!tpu.dma_semaphore, #tpu.memory_space<semaphore_mem>>)
          } else {
          }
          %add3A_75 = arith.constant 1 : i32
          %add3A_76 = arith.addi %mul3A_49, %add3A_75 : i32
          "tpu.region"() ({
            %run_scoped3A = tpu.sem_alloc : memref<!tpu.dma_semaphore, #tpu.memory_space<semaphore_mem>>
            %dma_start3A_77 = arith.constant 0 : i32
            %dma_start3A_78 = tpu.memref_slice %arg13[%add3A_76, %dma_start3A_77] : memref<8x625xi32, #tpu.memory_space<vmem>> -> memref<1x625xi32, #tpu.memory_space<vmem>>
            %dma_start3A_79 = tpu.memref_squeeze %dma_start3A_78 : memref<1x625xi32, #tpu.memory_space<vmem>> -> memref<625xi32, #tpu.memory_space<vmem>>
            %dma_start3A_80 = arith.constant 0 : i32
            %dma_start3A_81 = arith.constant 0 : i32
            %dma_start3A_82 = tpu.memref_slice %arg16[%dma_start3A_80, %dma_start3A_81] : memref<10240x128xi16, #tpu.memory_space<vmem_shared>> -> memref<10240x128xi16, #tpu.memory_space<vmem_shared>>
            tpu.enqueue_indirect_dma source(%arg15 : memref<625x128xi16, #tpu.memory_space<vmem>>) target(%dma_start3A_82 : memref<10240x128xi16, #tpu.memory_space<vmem_shared>>) offsets(%dma_start3A_79 : memref<625xi32, #tpu.memory_space<vmem>>) semaphore(%run_scoped3A : memref<!tpu.dma_semaphore, #tpu.memory_space<semaphore_mem>>) {add = true}
            %dma_wait3A_83 = arith.constant 0 : i32
            %dma_wait3A_84 = tpu.memref_slice %arg13[%add3A_76, %dma_wait3A_83] : memref<8x625xi32, #tpu.memory_space<vmem>> -> memref<1x625xi32, #tpu.memory_space<vmem>>
            %dma_wait3A_85 = tpu.memref_squeeze %dma_wait3A_84 : memref<1x625xi32, #tpu.memory_space<vmem>> -> memref<625xi32, #tpu.memory_space<vmem>>
            %dma_wait3A_86 = arith.constant 0 : i32
            %dma_wait3A_87 = arith.constant 0 : i32
            %dma_wait3A_88 = tpu.memref_slice %arg16[%dma_wait3A_86, %dma_wait3A_87] : memref<10240x128xi16, #tpu.memory_space<vmem_shared>> -> memref<10240x128xi16, #tpu.memory_space<vmem_shared>>
            tpu.wait_indirect_dma semaphore(%run_scoped3A : memref<!tpu.dma_semaphore, #tpu.memory_space<semaphore_mem>>) src(%arg15 : memref<625x128xi16, #tpu.memory_space<vmem>>) dst(%dma_wait3A_88 : memref<10240x128xi16, #tpu.memory_space<vmem_shared>>)
            tpu.yield
          }) : () -> ()
        }
        %scan3A_42 = arith.constant 4 : i32
      }
      %scan3A_13 = arith.constant 4 : i32
      %barrier3A_14 = arith.constant 0 : index
      tpu.barrier barrier_id(%barrier3A_14)
      "tpu.region"() ({
        %run_scoped3A = tpu.sem_alloc : memref<!tpu.dma_semaphore, #tpu.memory_space<semaphore_mem>>
        %dma_start3A = arith.constant 0 : i32
        %dma_start3A_26 = tpu.memref_slice %arg8[%mul3A_0, %dma_start3A] : memref<10240x128xi16, #tpu.memory_space<hbm>> -> memref<640x128xi16, #tpu.memory_space<hbm>>
        %dma_start3A_27 = arith.constant 0 : i32
        %dma_start3A_28 = tpu.memref_slice %arg16[%mul3A_0, %dma_start3A_27] : memref<10240x128xi16, #tpu.memory_space<vmem_shared>> -> memref<640x128xi16, #tpu.memory_space<vmem_shared>>
        tpu.enqueue_dma source(%dma_start3A_28 : memref<640x128xi16, #tpu.memory_space<vmem_shared>>) target(%dma_start3A_26 : memref<640x128xi16, #tpu.memory_space<hbm>>) target_semaphore(%run_scoped3A : memref<!tpu.dma_semaphore, #tpu.memory_space<semaphore_mem>>)
        %dma_wait3A = arith.constant 0 : i32
        %dma_wait3A_29 = tpu.memref_slice %arg8[%mul3A_0, %dma_wait3A] : memref<10240x128xi16, #tpu.memory_space<hbm>> -> memref<640x128xi16, #tpu.memory_space<hbm>>
        %dma_wait3A_30 = arith.constant 0 : i32
        %dma_wait3A_31 = tpu.memref_slice %arg16[%mul3A_0, %dma_wait3A_30] : memref<10240x128xi16, #tpu.memory_space<vmem_shared>> -> memref<640x128xi16, #tpu.memory_space<vmem_shared>>
        tpu.wait_dma2 semaphore(%run_scoped3A : memref<!tpu.dma_semaphore, #tpu.memory_space<semaphore_mem>>) src(%dma_wait3A_31 : memref<640x128xi16, #tpu.memory_space<vmem_shared>>) dst(%dma_wait3A_29 : memref<640x128xi16, #tpu.memory_space<hbm>>)
        tpu.yield
      }) : () -> ()
      %barrier3A_15 = arith.constant 0 : index
      tpu.barrier barrier_id(%barrier3A_15)
      %mul3A_16 = arith.constant 2 : i32
      %mul3A_17 = arith.muli %arg1, %mul3A_16 : i32
      "tpu.region"() ({
        %run_scoped3A = tpu.sem_alloc : memref<!tpu.dma_semaphore, #tpu.memory_space<semaphore_mem>>
        %dma_start3A = arith.constant 0 : i32
        %dma_start3A_26 = tpu.memref_slice %arg16[%mul3A_0, %dma_start3A] : memref<10240x128xi16, #tpu.memory_space<vmem_shared>> -> memref<640x128xi16, #tpu.memory_space<vmem_shared>>
        tpu.enqueue_dma source(%arg7 : memref<640x128xi16, #tpu.memory_space<hbm>>) target(%dma_start3A_26 : memref<640x128xi16, #tpu.memory_space<vmem_shared>>) target_semaphore(%run_scoped3A : memref<!tpu.dma_semaphore, #tpu.memory_space<semaphore_mem>>)
        %dma_wait3A = arith.constant 0 : i32
        %dma_wait3A_27 = tpu.memref_slice %arg16[%mul3A_0, %dma_wait3A] : memref<10240x128xi16, #tpu.memory_space<vmem_shared>> -> memref<640x128xi16, #tpu.memory_space<vmem_shared>>
        tpu.wait_dma2 semaphore(%run_scoped3A : memref<!tpu.dma_semaphore, #tpu.memory_space<semaphore_mem>>) src(%arg7 : memref<640x128xi16, #tpu.memory_space<hbm>>) dst(%dma_wait3A_27 : memref<640x128xi16, #tpu.memory_space<vmem_shared>>)
        tpu.yield
      }) : () -> ()
      %barrier3A_18 = arith.constant 0 : index
      tpu.barrier barrier_id(%barrier3A_18)
      %scan3A_19 = arith.constant 0 : i32
      %scan3A_20 = arith.constant 2 : i32
      %scan3A_21 = arith.addi %scan3A_19, %scan3A_20 : i32
      %scan3A_22 = arith.constant 1 : i32
      scf.for %scan3A_26 = %scan3A_19 to %scan3A_21 step %scan3A_22  : i32 {
        %mul3A_27 = arith.constant 1 : i32
        %mul3A_28 = arith.muli %scan3A_26, %mul3A_27 : i32
        %add3A = arith.constant 0 : i32
        %add3A_29 = arith.addi %add3A, %mul3A_28 : i32
        %add3A_30 = arith.addi %mul3A_17, %add3A_29 : i32
        "tpu.region"() ({
          %run_scoped3A = tpu.sem_alloc : memref<!tpu.dma_semaphore, #tpu.memory_space<semaphore_mem>>
          %dma_start3A_43 = arith.constant 0 : i32
          %dma_start3A_44 = arith.constant 0 : i32
          %dma_start3A_45 = tpu.memref_slice %arg5[%add3A_30, %dma_start3A_43, %dma_start3A_44] : memref<64x8x625xi32, #tpu.memory_space<hbm>> -> memref<1x8x625xi32, #tpu.memory_space<hbm>>
          %dma_start3A_46 = tpu.memref_squeeze %dma_start3A_45 : memref<1x8x625xi32, #tpu.memory_space<hbm>> -> memref<8x625xi32, #tpu.memory_space<hbm>>
          %dma_start3A_47 = arith.constant 0 : i32
          %dma_start3A_48 = arith.constant 0 : i32
          %dma_start3A_49 = tpu.memref_slice %arg5[%add3A_30, %dma_start3A_47, %dma_start3A_48] : memref<64x8x625xi32, #tpu.memory_space<hbm>> -> memref<1x8x625xi32, #tpu.memory_space<hbm>>
          %dma_start3A_50 = tpu.memref_squeeze %dma_start3A_49 : memref<1x8x625xi32, #tpu.memory_space<hbm>> -> memref<8x625xi32, #tpu.memory_space<hbm>>
          tpu.enqueue_dma source(%dma_start3A_50 : memref<8x625xi32, #tpu.memory_space<hbm>>) target(%arg12 : memref<8x625xi32, #tpu.memory_space<vmem>>) target_semaphore(%run_scoped3A : memref<!tpu.dma_semaphore, #tpu.memory_space<semaphore_mem>>)
          %dma_wait3A = arith.constant 0 : i32
          %dma_wait3A_51 = arith.constant 0 : i32
          %dma_wait3A_52 = tpu.memref_slice %arg5[%add3A_30, %dma_wait3A, %dma_wait3A_51] : memref<64x8x625xi32, #tpu.memory_space<hbm>> -> memref<1x8x625xi32, #tpu.memory_space<hbm>>
          %dma_wait3A_53 = tpu.memref_squeeze %dma_wait3A_52 : memref<1x8x625xi32, #tpu.memory_space<hbm>> -> memref<8x625xi32, #tpu.memory_space<hbm>>
          %dma_wait3A_54 = arith.constant 0 : i32
          %dma_wait3A_55 = arith.constant 0 : i32
          %dma_wait3A_56 = tpu.memref_slice %arg5[%add3A_30, %dma_wait3A_54, %dma_wait3A_55] : memref<64x8x625xi32, #tpu.memory_space<hbm>> -> memref<1x8x625xi32, #tpu.memory_space<hbm>>
          %dma_wait3A_57 = tpu.memref_squeeze %dma_wait3A_56 : memref<1x8x625xi32, #tpu.memory_space<hbm>> -> memref<8x625xi32, #tpu.memory_space<hbm>>
          tpu.wait_dma2 semaphore(%run_scoped3A : memref<!tpu.dma_semaphore, #tpu.memory_space<semaphore_mem>>) src(%dma_wait3A_57 : memref<8x625xi32, #tpu.memory_space<hbm>>) dst(%arg12 : memref<8x625xi32, #tpu.memory_space<vmem>>)
          tpu.yield
        }) : () -> ()
        %add3A_31 = arith.addi %mul3A_17, %add3A_29 : i32
        "tpu.region"() ({
          %run_scoped3A = tpu.sem_alloc : memref<!tpu.dma_semaphore, #tpu.memory_space<semaphore_mem>>
          %dma_start3A_43 = arith.constant 0 : i32
          %dma_start3A_44 = arith.constant 0 : i32
          %dma_start3A_45 = tpu.memref_slice %arg6[%add3A_31, %dma_start3A_43, %dma_start3A_44] : memref<64x8x625xi32, #tpu.memory_space<hbm>> -> memref<1x8x625xi32, #tpu.memory_space<hbm>>
          %dma_start3A_46 = tpu.memref_squeeze %dma_start3A_45 : memref<1x8x625xi32, #tpu.memory_space<hbm>> -> memref<8x625xi32, #tpu.memory_space<hbm>>
          %dma_start3A_47 = arith.constant 0 : i32
          %dma_start3A_48 = arith.constant 0 : i32
          %dma_start3A_49 = tpu.memref_slice %arg6[%add3A_31, %dma_start3A_47, %dma_start3A_48] : memref<64x8x625xi32, #tpu.memory_space<hbm>> -> memref<1x8x625xi32, #tpu.memory_space<hbm>>
          %dma_start3A_50 = tpu.memref_squeeze %dma_start3A_49 : memref<1x8x625xi32, #tpu.memory_space<hbm>> -> memref<8x625xi32, #tpu.memory_space<hbm>>
          tpu.enqueue_dma source(%dma_start3A_50 : memref<8x625xi32, #tpu.memory_space<hbm>>) target(%arg13 : memref<8x625xi32, #tpu.memory_space<vmem>>) target_semaphore(%run_scoped3A : memref<!tpu.dma_semaphore, #tpu.memory_space<semaphore_mem>>)
          %dma_wait3A = arith.constant 0 : i32
          %dma_wait3A_51 = arith.constant 0 : i32
          %dma_wait3A_52 = tpu.memref_slice %arg6[%add3A_31, %dma_wait3A, %dma_wait3A_51] : memref<64x8x625xi32, #tpu.memory_space<hbm>> -> memref<1x8x625xi32, #tpu.memory_space<hbm>>
          %dma_wait3A_53 = tpu.memref_squeeze %dma_wait3A_52 : memref<1x8x625xi32, #tpu.memory_space<hbm>> -> memref<8x625xi32, #tpu.memory_space<hbm>>
          %dma_wait3A_54 = arith.constant 0 : i32
          %dma_wait3A_55 = arith.constant 0 : i32
          %dma_wait3A_56 = tpu.memref_slice %arg6[%add3A_31, %dma_wait3A_54, %dma_wait3A_55] : memref<64x8x625xi32, #tpu.memory_space<hbm>> -> memref<1x8x625xi32, #tpu.memory_space<hbm>>
          %dma_wait3A_57 = tpu.memref_squeeze %dma_wait3A_56 : memref<1x8x625xi32, #tpu.memory_space<hbm>> -> memref<8x625xi32, #tpu.memory_space<hbm>>
          tpu.wait_dma2 semaphore(%run_scoped3A : memref<!tpu.dma_semaphore, #tpu.memory_space<semaphore_mem>>) src(%dma_wait3A_57 : memref<8x625xi32, #tpu.memory_space<hbm>>) dst(%arg13 : memref<8x625xi32, #tpu.memory_space<vmem>>)
          tpu.yield
        }) : () -> ()
        %dma_start3A = arith.constant 0 : i32
        %dma_start3A_32 = arith.constant 0 : i32
        %dma_start3A_33 = tpu.memref_slice %arg12[%dma_start3A, %dma_start3A_32] : memref<8x625xi32, #tpu.memory_space<vmem>> -> memref<1x625xi32, #tpu.memory_space<vmem>>
        %dma_start3A_34 = tpu.memref_squeeze %dma_start3A_33 : memref<1x625xi32, #tpu.memory_space<vmem>> -> memref<625xi32, #tpu.memory_space<vmem>>
        %dma_start3A_35 = arith.constant 0 : i32
        %dma_start3A_36 = arith.constant 0 : i32
        %dma_start3A_37 = tpu.memref_slice %arg4[%dma_start3A_35, %dma_start3A_36] : memref<10000x128xi16, #tpu.memory_space<hbm>> -> memref<10000x128xi16, #tpu.memory_space<hbm>>
        tpu.enqueue_indirect_dma source(%dma_start3A_37 : memref<10000x128xi16, #tpu.memory_space<hbm>>) target(%arg14 : memref<625x128xi16, #tpu.memory_space<vmem>>) offsets(%dma_start3A_34 : memref<625xi32, #tpu.memory_space<vmem>>) semaphore(%arg17 : memref<!tpu.dma_semaphore, #tpu.memory_space<semaphore_mem>>)
        %scan3A_38 = arith.constant 0 : i32
        %scan3A_39 = arith.constant 4 : i32
        %scan3A_40 = arith.addi %scan3A_38, %scan3A_39 : i32
        %scan3A_41 = arith.constant 1 : i32
        scf.for %scan3A_43 = %scan3A_38 to %scan3A_40 step %scan3A_41  : i32 {
          %mul3A_44 = arith.constant 1 : i32
          %mul3A_45 = arith.muli %scan3A_43, %mul3A_44 : i32
          %add3A_46 = arith.constant 0 : i32
          %add3A_47 = arith.addi %add3A_46, %mul3A_45 : i32
          %mul3A_48 = arith.constant 2 : i32
          %mul3A_49 = arith.muli %mul3A_48, %add3A_47 : i32
          %dma_wait3A = arith.constant 0 : i32
          %dma_wait3A_50 = tpu.memref_slice %arg12[%mul3A_49, %dma_wait3A] : memref<8x625xi32, #tpu.memory_space<vmem>> -> memref<1x625xi32, #tpu.memory_space<vmem>>
          %dma_wait3A_51 = tpu.memref_squeeze %dma_wait3A_50 : memref<1x625xi32, #tpu.memory_space<vmem>> -> memref<625xi32, #tpu.memory_space<vmem>>
          %dma_wait3A_52 = arith.constant 0 : i32
          %dma_wait3A_53 = arith.constant 0 : i32
          %dma_wait3A_54 = tpu.memref_slice %arg4[%dma_wait3A_52, %dma_wait3A_53] : memref<10000x128xi16, #tpu.memory_space<hbm>> -> memref<10000x128xi16, #tpu.memory_space<hbm>>
          tpu.wait_indirect_dma semaphore(%arg17 : memref<!tpu.dma_semaphore, #tpu.memory_space<semaphore_mem>>) src(%dma_wait3A_54 : memref<10000x128xi16, #tpu.memory_space<hbm>>) dst(%arg14 : memref<625x128xi16, #tpu.memory_space<vmem>>)
          %add3A_55 = arith.constant 1 : i32
          %add3A_56 = arith.addi %mul3A_49, %add3A_55 : i32
          %dma_start3A_57 = arith.constant 0 : i32
          %dma_start3A_58 = tpu.memref_slice %arg12[%add3A_56, %dma_start3A_57] : memref<8x625xi32, #tpu.memory_space<vmem>> -> memref<1x625xi32, #tpu.memory_space<vmem>>
          %dma_start3A_59 = tpu.memref_squeeze %dma_start3A_58 : memref<1x625xi32, #tpu.memory_space<vmem>> -> memref<625xi32, #tpu.memory_space<vmem>>
          %dma_start3A_60 = arith.constant 0 : i32
          %dma_start3A_61 = arith.constant 0 : i32
          %dma_start3A_62 = tpu.memref_slice %arg4[%dma_start3A_60, %dma_start3A_61] : memref<10000x128xi16, #tpu.memory_space<hbm>> -> memref<10000x128xi16, #tpu.memory_space<hbm>>
          tpu.enqueue_indirect_dma source(%dma_start3A_62 : memref<10000x128xi16, #tpu.memory_space<hbm>>) target(%arg15 : memref<625x128xi16, #tpu.memory_space<vmem>>) offsets(%dma_start3A_59 : memref<625xi32, #tpu.memory_space<vmem>>) semaphore(%arg18 : memref<!tpu.dma_semaphore, #tpu.memory_space<semaphore_mem>>)
          "tpu.region"() ({
            %run_scoped3A = tpu.sem_alloc : memref<!tpu.dma_semaphore, #tpu.memory_space<semaphore_mem>>
            %dma_start3A_77 = arith.constant 0 : i32
            %dma_start3A_78 = tpu.memref_slice %arg13[%mul3A_49, %dma_start3A_77] : memref<8x625xi32, #tpu.memory_space<vmem>> -> memref<1x625xi32, #tpu.memory_space<vmem>>
            %dma_start3A_79 = tpu.memref_squeeze %dma_start3A_78 : memref<1x625xi32, #tpu.memory_space<vmem>> -> memref<625xi32, #tpu.memory_space<vmem>>
            %dma_start3A_80 = arith.constant 0 : i32
            %dma_start3A_81 = arith.constant 0 : i32
            %dma_start3A_82 = tpu.memref_slice %arg16[%dma_start3A_80, %dma_start3A_81] : memref<10240x128xi16, #tpu.memory_space<vmem_shared>> -> memref<10240x128xi16, #tpu.memory_space<vmem_shared>>
            tpu.enqueue_indirect_dma source(%arg14 : memref<625x128xi16, #tpu.memory_space<vmem>>) target(%dma_start3A_82 : memref<10240x128xi16, #tpu.memory_space<vmem_shared>>) offsets(%dma_start3A_79 : memref<625xi32, #tpu.memory_space<vmem>>) semaphore(%run_scoped3A : memref<!tpu.dma_semaphore, #tpu.memory_space<semaphore_mem>>) {add = true}
            %dma_wait3A_83 = arith.constant 0 : i32
            %dma_wait3A_84 = tpu.memref_slice %arg13[%mul3A_49, %dma_wait3A_83] : memref<8x625xi32, #tpu.memory_space<vmem>> -> memref<1x625xi32, #tpu.memory_space<vmem>>
            %dma_wait3A_85 = tpu.memref_squeeze %dma_wait3A_84 : memref<1x625xi32, #tpu.memory_space<vmem>> -> memref<625xi32, #tpu.memory_space<vmem>>
            %dma_wait3A_86 = arith.constant 0 : i32
            %dma_wait3A_87 = arith.constant 0 : i32
            %dma_wait3A_88 = tpu.memref_slice %arg16[%dma_wait3A_86, %dma_wait3A_87] : memref<10240x128xi16, #tpu.memory_space<vmem_shared>> -> memref<10240x128xi16, #tpu.memory_space<vmem_shared>>
            tpu.wait_indirect_dma semaphore(%run_scoped3A : memref<!tpu.dma_semaphore, #tpu.memory_space<semaphore_mem>>) src(%arg14 : memref<625x128xi16, #tpu.memory_space<vmem>>) dst(%dma_wait3A_88 : memref<10240x128xi16, #tpu.memory_space<vmem_shared>>)
            tpu.yield
          }) : () -> ()
          %add3A_63 = arith.constant 1 : i32
          %add3A_64 = arith.addi %mul3A_49, %add3A_63 : i32
          %dma_wait3A_65 = arith.constant 0 : i32
          %dma_wait3A_66 = tpu.memref_slice %arg12[%add3A_64, %dma_wait3A_65] : memref<8x625xi32, #tpu.memory_space<vmem>> -> memref<1x625xi32, #tpu.memory_space<vmem>>
          %dma_wait3A_67 = tpu.memref_squeeze %dma_wait3A_66 : memref<1x625xi32, #tpu.memory_space<vmem>> -> memref<625xi32, #tpu.memory_space<vmem>>
          %dma_wait3A_68 = arith.constant 0 : i32
          %dma_wait3A_69 = arith.constant 0 : i32
          %dma_wait3A_70 = tpu.memref_slice %arg4[%dma_wait3A_68, %dma_wait3A_69] : memref<10000x128xi16, #tpu.memory_space<hbm>> -> memref<10000x128xi16, #tpu.memory_space<hbm>>
          tpu.wait_indirect_dma semaphore(%arg18 : memref<!tpu.dma_semaphore, #tpu.memory_space<semaphore_mem>>) src(%dma_wait3A_70 : memref<10000x128xi16, #tpu.memory_space<hbm>>) dst(%arg15 : memref<625x128xi16, #tpu.memory_space<vmem>>)
          %lt3A = arith.constant 3 : i32
          %lt3A_71 = arith.cmpi slt, %add3A_47, %lt3A : i32
          %convert_element_type3A_72 = arith.extui %lt3A_71 : i1 to i32
          %cond3A_73 = arith.constant 0 : i32
          %cond3A_74 = arith.cmpi ne, %convert_element_type3A_72, %cond3A_73 : i32
          scf.if %cond3A_74 {
            %add3A_77 = arith.constant 2 : i32
            %add3A_78 = arith.addi %mul3A_49, %add3A_77 : i32
            %dma_start3A_79 = arith.constant 0 : i32
            %dma_start3A_80 = tpu.memref_slice %arg12[%add3A_78, %dma_start3A_79] : memref<8x625xi32, #tpu.memory_space<vmem>> -> memref<1x625xi32, #tpu.memory_space<vmem>>
            %dma_start3A_81 = tpu.memref_squeeze %dma_start3A_80 : memref<1x625xi32, #tpu.memory_space<vmem>> -> memref<625xi32, #tpu.memory_space<vmem>>
            %dma_start3A_82 = arith.constant 0 : i32
            %dma_start3A_83 = arith.constant 0 : i32
            %dma_start3A_84 = tpu.memref_slice %arg4[%dma_start3A_82, %dma_start3A_83] : memref<10000x128xi16, #tpu.memory_space<hbm>> -> memref<10000x128xi16, #tpu.memory_space<hbm>>
            tpu.enqueue_indirect_dma source(%dma_start3A_84 : memref<10000x128xi16, #tpu.memory_space<hbm>>) target(%arg14 : memref<625x128xi16, #tpu.memory_space<vmem>>) offsets(%dma_start3A_81 : memref<625xi32, #tpu.memory_space<vmem>>) semaphore(%arg17 : memref<!tpu.dma_semaphore, #tpu.memory_space<semaphore_mem>>)
          } else {
          }
          %add3A_75 = arith.constant 1 : i32
          %add3A_76 = arith.addi %mul3A_49, %add3A_75 : i32
          "tpu.region"() ({
            %run_scoped3A = tpu.sem_alloc : memref<!tpu.dma_semaphore, #tpu.memory_space<semaphore_mem>>
            %dma_start3A_77 = arith.constant 0 : i32
            %dma_start3A_78 = tpu.memref_slice %arg13[%add3A_76, %dma_start3A_77] : memref<8x625xi32, #tpu.memory_space<vmem>> -> memref<1x625xi32, #tpu.memory_space<vmem>>
            %dma_start3A_79 = tpu.memref_squeeze %dma_start3A_78 : memref<1x625xi32, #tpu.memory_space<vmem>> -> memref<625xi32, #tpu.memory_space<vmem>>
            %dma_start3A_80 = arith.constant 0 : i32
            %dma_start3A_81 = arith.constant 0 : i32
            %dma_start3A_82 = tpu.memref_slice %arg16[%dma_start3A_80, %dma_start3A_81] : memref<10240x128xi16, #tpu.memory_space<vmem_shared>> -> memref<10240x128xi16, #tpu.memory_space<vmem_shared>>
            tpu.enqueue_indirect_dma source(%arg15 : memref<625x128xi16, #tpu.memory_space<vmem>>) target(%dma_start3A_82 : memref<10240x128xi16, #tpu.memory_space<vmem_shared>>) offsets(%dma_start3A_79 : memref<625xi32, #tpu.memory_space<vmem>>) semaphore(%run_scoped3A : memref<!tpu.dma_semaphore, #tpu.memory_space<semaphore_mem>>) {add = true}
            %dma_wait3A_83 = arith.constant 0 : i32
            %dma_wait3A_84 = tpu.memref_slice %arg13[%add3A_76, %dma_wait3A_83] : memref<8x625xi32, #tpu.memory_space<vmem>> -> memref<1x625xi32, #tpu.memory_space<vmem>>
            %dma_wait3A_85 = tpu.memref_squeeze %dma_wait3A_84 : memref<1x625xi32, #tpu.memory_space<vmem>> -> memref<625xi32, #tpu.memory_space<vmem>>
            %dma_wait3A_86 = arith.constant 0 : i32
            %dma_wait3A_87 = arith.constant 0 : i32
            %dma_wait3A_88 = tpu.memref_slice %arg16[%dma_wait3A_86, %dma_wait3A_87] : memref<10240x128xi16, #tpu.memory_space<vmem_shared>> -> memref<10240x128xi16, #tpu.memory_space<vmem_shared>>
            tpu.wait_indirect_dma semaphore(%run_scoped3A : memref<!tpu.dma_semaphore, #tpu.memory_space<semaphore_mem>>) src(%arg15 : memref<625x128xi16, #tpu.memory_space<vmem>>) dst(%dma_wait3A_88 : memref<10240x128xi16, #tpu.memory_space<vmem_shared>>)
            tpu.yield
          }) : () -> ()
        }
        %scan3A_42 = arith.constant 4 : i32
      }
      %scan3A_23 = arith.constant 2 : i32
      %barrier3A_24 = arith.constant 0 : index
      tpu.barrier barrier_id(%barrier3A_24)
      "tpu.region"() ({
        %run_scoped3A = tpu.sem_alloc : memref<!tpu.dma_semaphore, #tpu.memory_space<semaphore_mem>>
        %dma_start3A = arith.constant 0 : i32
        %dma_start3A_26 = tpu.memref_slice %arg10[%mul3A_0, %dma_start3A] : memref<10240x128xi16, #tpu.memory_space<hbm>> -> memref<640x128xi16, #tpu.memory_space<hbm>>
        %dma_start3A_27 = arith.constant 0 : i32
        %dma_start3A_28 = tpu.memref_slice %arg16[%mul3A_0, %dma_start3A_27] : memref<10240x128xi16, #tpu.memory_space<vmem_shared>> -> memref<640x128xi16, #tpu.memory_space<vmem_shared>>
        tpu.enqueue_dma source(%dma_start3A_28 : memref<640x128xi16, #tpu.memory_space<vmem_shared>>) target(%dma_start3A_26 : memref<640x128xi16, #tpu.memory_space<hbm>>) target_semaphore(%run_scoped3A : memref<!tpu.dma_semaphore, #tpu.memory_space<semaphore_mem>>)
        %dma_wait3A = arith.constant 0 : i32
        %dma_wait3A_29 = tpu.memref_slice %arg10[%mul3A_0, %dma_wait3A] : memref<10240x128xi16, #tpu.memory_space<hbm>> -> memref<640x128xi16, #tpu.memory_space<hbm>>
        %dma_wait3A_30 = arith.constant 0 : i32
        %dma_wait3A_31 = tpu.memref_slice %arg16[%mul3A_0, %dma_wait3A_30] : memref<10240x128xi16, #tpu.memory_space<vmem_shared>> -> memref<640x128xi16, #tpu.memory_space<vmem_shared>>
        tpu.wait_dma2 semaphore(%run_scoped3A : memref<!tpu.dma_semaphore, #tpu.memory_space<semaphore_mem>>) src(%dma_wait3A_31 : memref<640x128xi16, #tpu.memory_space<vmem_shared>>) dst(%dma_wait3A_29 : memref<640x128xi16, #tpu.memory_space<hbm>>)
        tpu.yield
      }) : () -> ()
      %barrier3A_25 = arith.constant 0 : index
      tpu.barrier barrier_id(%barrier3A_25)
    } else {
    }
    %eq3A_3 = arith.constant 1 : i32
    %eq3A_4 = arith.cmpi eq, %arg0, %eq3A_3 : i32
    %convert_element_type3A_5 = arith.extui %eq3A_4 : i1 to i32
    %cond3A_6 = arith.constant 0 : i32
    %cond3A_7 = arith.cmpi ne, %convert_element_type3A_5, %cond3A_6 : i32
    scf.if %cond3A_7 {
      %mul3A_8 = arith.constant 4 : i32
      %mul3A_9 = arith.muli %arg1, %mul3A_8 : i32
      "tpu.region"() ({
        %run_scoped3A = tpu.sem_alloc : memref<!tpu.dma_semaphore, #tpu.memory_space<semaphore_mem>>
        %dma_start3A = arith.constant 0 : i32
        %dma_start3A_27 = tpu.memref_slice %arg16[%mul3A_0, %dma_start3A] : memref<10240x128xi16, #tpu.memory_space<vmem_shared>> -> memref<640x128xi16, #tpu.memory_space<vmem_shared>>
        tpu.enqueue_dma source(%arg7 : memref<640x128xi16, #tpu.memory_space<hbm>>) target(%dma_start3A_27 : memref<640x128xi16, #tpu.memory_space<vmem_shared>>) target_semaphore(%run_scoped3A : memref<!tpu.dma_semaphore, #tpu.memory_space<semaphore_mem>>)
        %dma_wait3A = arith.constant 0 : i32
        %dma_wait3A_28 = tpu.memref_slice %arg16[%mul3A_0, %dma_wait3A] : memref<10240x128xi16, #tpu.memory_space<vmem_shared>> -> memref<640x128xi16, #tpu.memory_space<vmem_shared>>
        tpu.wait_dma2 semaphore(%run_scoped3A : memref<!tpu.dma_semaphore, #tpu.memory_space<semaphore_mem>>) src(%arg7 : memref<640x128xi16, #tpu.memory_space<hbm>>) dst(%dma_wait3A_28 : memref<640x128xi16, #tpu.memory_space<vmem_shared>>)
        tpu.yield
      }) : () -> ()
      %barrier3A = arith.constant 0 : index
      tpu.barrier barrier_id(%barrier3A)
      %scan3A = arith.constant 0 : i32
      %scan3A_10 = arith.constant 4 : i32
      %scan3A_11 = arith.addi %scan3A, %scan3A_10 : i32
      %scan3A_12 = arith.constant 1 : i32
      scf.for %scan3A_27 = %scan3A to %scan3A_11 step %scan3A_12  : i32 {
        %mul3A_28 = arith.constant 1 : i32
        %mul3A_29 = arith.muli %scan3A_27, %mul3A_28 : i32
        %add3A_30 = arith.constant 0 : i32
        %add3A_31 = arith.addi %add3A_30, %mul3A_29 : i32
        %add3A_32 = arith.addi %mul3A_9, %add3A_31 : i32
        "tpu.region"() ({
          %run_scoped3A = tpu.sem_alloc : memref<!tpu.dma_semaphore, #tpu.memory_space<semaphore_mem>>
          %dma_start3A_45 = arith.constant 0 : i32
          %dma_start3A_46 = arith.constant 0 : i32
          %dma_start3A_47 = tpu.memref_slice %arg5[%add3A_32, %dma_start3A_45, %dma_start3A_46] : memref<64x8x625xi32, #tpu.memory_space<hbm>> -> memref<1x8x625xi32, #tpu.memory_space<hbm>>
          %dma_start3A_48 = tpu.memref_squeeze %dma_start3A_47 : memref<1x8x625xi32, #tpu.memory_space<hbm>> -> memref<8x625xi32, #tpu.memory_space<hbm>>
          %dma_start3A_49 = arith.constant 0 : i32
          %dma_start3A_50 = arith.constant 0 : i32
          %dma_start3A_51 = tpu.memref_slice %arg5[%add3A_32, %dma_start3A_49, %dma_start3A_50] : memref<64x8x625xi32, #tpu.memory_space<hbm>> -> memref<1x8x625xi32, #tpu.memory_space<hbm>>
          %dma_start3A_52 = tpu.memref_squeeze %dma_start3A_51 : memref<1x8x625xi32, #tpu.memory_space<hbm>> -> memref<8x625xi32, #tpu.memory_space<hbm>>
          tpu.enqueue_dma source(%dma_start3A_52 : memref<8x625xi32, #tpu.memory_space<hbm>>) target(%arg12 : memref<8x625xi32, #tpu.memory_space<vmem>>) target_semaphore(%run_scoped3A : memref<!tpu.dma_semaphore, #tpu.memory_space<semaphore_mem>>)
          %dma_wait3A = arith.constant 0 : i32
          %dma_wait3A_53 = arith.constant 0 : i32
          %dma_wait3A_54 = tpu.memref_slice %arg5[%add3A_32, %dma_wait3A, %dma_wait3A_53] : memref<64x8x625xi32, #tpu.memory_space<hbm>> -> memref<1x8x625xi32, #tpu.memory_space<hbm>>
          %dma_wait3A_55 = tpu.memref_squeeze %dma_wait3A_54 : memref<1x8x625xi32, #tpu.memory_space<hbm>> -> memref<8x625xi32, #tpu.memory_space<hbm>>
          %dma_wait3A_56 = arith.constant 0 : i32
          %dma_wait3A_57 = arith.constant 0 : i32
          %dma_wait3A_58 = tpu.memref_slice %arg5[%add3A_32, %dma_wait3A_56, %dma_wait3A_57] : memref<64x8x625xi32, #tpu.memory_space<hbm>> -> memref<1x8x625xi32, #tpu.memory_space<hbm>>
          %dma_wait3A_59 = tpu.memref_squeeze %dma_wait3A_58 : memref<1x8x625xi32, #tpu.memory_space<hbm>> -> memref<8x625xi32, #tpu.memory_space<hbm>>
          tpu.wait_dma2 semaphore(%run_scoped3A : memref<!tpu.dma_semaphore, #tpu.memory_space<semaphore_mem>>) src(%dma_wait3A_59 : memref<8x625xi32, #tpu.memory_space<hbm>>) dst(%arg12 : memref<8x625xi32, #tpu.memory_space<vmem>>)
          tpu.yield
        }) : () -> ()
        %add3A_33 = arith.addi %mul3A_9, %add3A_31 : i32
        "tpu.region"() ({
          %run_scoped3A = tpu.sem_alloc : memref<!tpu.dma_semaphore, #tpu.memory_space<semaphore_mem>>
          %dma_start3A_45 = arith.constant 0 : i32
          %dma_start3A_46 = arith.constant 0 : i32
          %dma_start3A_47 = tpu.memref_slice %arg6[%add3A_33, %dma_start3A_45, %dma_start3A_46] : memref<64x8x625xi32, #tpu.memory_space<hbm>> -> memref<1x8x625xi32, #tpu.memory_space<hbm>>
          %dma_start3A_48 = tpu.memref_squeeze %dma_start3A_47 : memref<1x8x625xi32, #tpu.memory_space<hbm>> -> memref<8x625xi32, #tpu.memory_space<hbm>>
          %dma_start3A_49 = arith.constant 0 : i32
          %dma_start3A_50 = arith.constant 0 : i32
          %dma_start3A_51 = tpu.memref_slice %arg6[%add3A_33, %dma_start3A_49, %dma_start3A_50] : memref<64x8x625xi32, #tpu.memory_space<hbm>> -> memref<1x8x625xi32, #tpu.memory_space<hbm>>
          %dma_start3A_52 = tpu.memref_squeeze %dma_start3A_51 : memref<1x8x625xi32, #tpu.memory_space<hbm>> -> memref<8x625xi32, #tpu.memory_space<hbm>>
          tpu.enqueue_dma source(%dma_start3A_52 : memref<8x625xi32, #tpu.memory_space<hbm>>) target(%arg13 : memref<8x625xi32, #tpu.memory_space<vmem>>) target_semaphore(%run_scoped3A : memref<!tpu.dma_semaphore, #tpu.memory_space<semaphore_mem>>)
          %dma_wait3A = arith.constant 0 : i32
          %dma_wait3A_53 = arith.constant 0 : i32
          %dma_wait3A_54 = tpu.memref_slice %arg6[%add3A_33, %dma_wait3A, %dma_wait3A_53] : memref<64x8x625xi32, #tpu.memory_space<hbm>> -> memref<1x8x625xi32, #tpu.memory_space<hbm>>
          %dma_wait3A_55 = tpu.memref_squeeze %dma_wait3A_54 : memref<1x8x625xi32, #tpu.memory_space<hbm>> -> memref<8x625xi32, #tpu.memory_space<hbm>>
          %dma_wait3A_56 = arith.constant 0 : i32
          %dma_wait3A_57 = arith.constant 0 : i32
          %dma_wait3A_58 = tpu.memref_slice %arg6[%add3A_33, %dma_wait3A_56, %dma_wait3A_57] : memref<64x8x625xi32, #tpu.memory_space<hbm>> -> memref<1x8x625xi32, #tpu.memory_space<hbm>>
          %dma_wait3A_59 = tpu.memref_squeeze %dma_wait3A_58 : memref<1x8x625xi32, #tpu.memory_space<hbm>> -> memref<8x625xi32, #tpu.memory_space<hbm>>
          tpu.wait_dma2 semaphore(%run_scoped3A : memref<!tpu.dma_semaphore, #tpu.memory_space<semaphore_mem>>) src(%dma_wait3A_59 : memref<8x625xi32, #tpu.memory_space<hbm>>) dst(%arg13 : memref<8x625xi32, #tpu.memory_space<vmem>>)
          tpu.yield
        }) : () -> ()
        %dma_start3A = arith.constant 0 : i32
        %dma_start3A_34 = arith.constant 0 : i32
        %dma_start3A_35 = tpu.memref_slice %arg12[%dma_start3A, %dma_start3A_34] : memref<8x625xi32, #tpu.memory_space<vmem>> -> memref<1x625xi32, #tpu.memory_space<vmem>>
        %dma_start3A_36 = tpu.memref_squeeze %dma_start3A_35 : memref<1x625xi32, #tpu.memory_space<vmem>> -> memref<625xi32, #tpu.memory_space<vmem>>
        %dma_start3A_37 = arith.constant 0 : i32
        %dma_start3A_38 = arith.constant 0 : i32
        %dma_start3A_39 = tpu.memref_slice %arg3[%dma_start3A_37, %dma_start3A_38] : memref<10000x128xi16, #tpu.memory_space<hbm>> -> memref<10000x128xi16, #tpu.memory_space<hbm>>
        tpu.enqueue_indirect_dma source(%dma_start3A_39 : memref<10000x128xi16, #tpu.memory_space<hbm>>) target(%arg14 : memref<625x128xi16, #tpu.memory_space<vmem>>) offsets(%dma_start3A_36 : memref<625xi32, #tpu.memory_space<vmem>>) semaphore(%arg17 : memref<!tpu.dma_semaphore, #tpu.memory_space<semaphore_mem>>)
        %scan3A_40 = arith.constant 0 : i32
        %scan3A_41 = arith.constant 4 : i32
        %scan3A_42 = arith.addi %scan3A_40, %scan3A_41 : i32
        %scan3A_43 = arith.constant 1 : i32
        scf.for %scan3A_45 = %scan3A_40 to %scan3A_42 step %scan3A_43  : i32 {
          %mul3A_46 = arith.constant 1 : i32
          %mul3A_47 = arith.muli %scan3A_45, %mul3A_46 : i32
          %add3A_48 = arith.constant 0 : i32
          %add3A_49 = arith.addi %add3A_48, %mul3A_47 : i32
          %mul3A_50 = arith.constant 2 : i32
          %mul3A_51 = arith.muli %mul3A_50, %add3A_49 : i32
          %dma_wait3A = arith.constant 0 : i32
          %dma_wait3A_52 = tpu.memref_slice %arg12[%mul3A_51, %dma_wait3A] : memref<8x625xi32, #tpu.memory_space<vmem>> -> memref<1x625xi32, #tpu.memory_space<vmem>>
          %dma_wait3A_53 = tpu.memref_squeeze %dma_wait3A_52 : memref<1x625xi32, #tpu.memory_space<vmem>> -> memref<625xi32, #tpu.memory_space<vmem>>
          %dma_wait3A_54 = arith.constant 0 : i32
          %dma_wait3A_55 = arith.constant 0 : i32
          %dma_wait3A_56 = tpu.memref_slice %arg3[%dma_wait3A_54, %dma_wait3A_55] : memref<10000x128xi16, #tpu.memory_space<hbm>> -> memref<10000x128xi16, #tpu.memory_space<hbm>>
          tpu.wait_indirect_dma semaphore(%arg17 : memref<!tpu.dma_semaphore, #tpu.memory_space<semaphore_mem>>) src(%dma_wait3A_56 : memref<10000x128xi16, #tpu.memory_space<hbm>>) dst(%arg14 : memref<625x128xi16, #tpu.memory_space<vmem>>)
          %add3A_57 = arith.constant 1 : i32
          %add3A_58 = arith.addi %mul3A_51, %add3A_57 : i32
          %dma_start3A_59 = arith.constant 0 : i32
          %dma_start3A_60 = tpu.memref_slice %arg12[%add3A_58, %dma_start3A_59] : memref<8x625xi32, #tpu.memory_space<vmem>> -> memref<1x625xi32, #tpu.memory_space<vmem>>
          %dma_start3A_61 = tpu.memref_squeeze %dma_start3A_60 : memref<1x625xi32, #tpu.memory_space<vmem>> -> memref<625xi32, #tpu.memory_space<vmem>>
          %dma_start3A_62 = arith.constant 0 : i32
          %dma_start3A_63 = arith.constant 0 : i32
          %dma_start3A_64 = tpu.memref_slice %arg3[%dma_start3A_62, %dma_start3A_63] : memref<10000x128xi16, #tpu.memory_space<hbm>> -> memref<10000x128xi16, #tpu.memory_space<hbm>>
          tpu.enqueue_indirect_dma source(%dma_start3A_64 : memref<10000x128xi16, #tpu.memory_space<hbm>>) target(%arg15 : memref<625x128xi16, #tpu.memory_space<vmem>>) offsets(%dma_start3A_61 : memref<625xi32, #tpu.memory_space<vmem>>) semaphore(%arg18 : memref<!tpu.dma_semaphore, #tpu.memory_space<semaphore_mem>>)
          "tpu.region"() ({
            %run_scoped3A = tpu.sem_alloc : memref<!tpu.dma_semaphore, #tpu.memory_space<semaphore_mem>>
            %dma_start3A_79 = arith.constant 0 : i32
            %dma_start3A_80 = tpu.memref_slice %arg13[%mul3A_51, %dma_start3A_79] : memref<8x625xi32, #tpu.memory_space<vmem>> -> memref<1x625xi32, #tpu.memory_space<vmem>>
            %dma_start3A_81 = tpu.memref_squeeze %dma_start3A_80 : memref<1x625xi32, #tpu.memory_space<vmem>> -> memref<625xi32, #tpu.memory_space<vmem>>
            %dma_start3A_82 = arith.constant 0 : i32
            %dma_start3A_83 = arith.constant 0 : i32
            %dma_start3A_84 = tpu.memref_slice %arg16[%dma_start3A_82, %dma_start3A_83] : memref<10240x128xi16, #tpu.memory_space<vmem_shared>> -> memref<10240x128xi16, #tpu.memory_space<vmem_shared>>
            tpu.enqueue_indirect_dma source(%arg14 : memref<625x128xi16, #tpu.memory_space<vmem>>) target(%dma_start3A_84 : memref<10240x128xi16, #tpu.memory_space<vmem_shared>>) offsets(%dma_start3A_81 : memref<625xi32, #tpu.memory_space<vmem>>) semaphore(%run_scoped3A : memref<!tpu.dma_semaphore, #tpu.memory_space<semaphore_mem>>) {add = true}
            %dma_wait3A_85 = arith.constant 0 : i32
            %dma_wait3A_86 = tpu.memref_slice %arg13[%mul3A_51, %dma_wait3A_85] : memref<8x625xi32, #tpu.memory_space<vmem>> -> memref<1x625xi32, #tpu.memory_space<vmem>>
            %dma_wait3A_87 = tpu.memref_squeeze %dma_wait3A_86 : memref<1x625xi32, #tpu.memory_space<vmem>> -> memref<625xi32, #tpu.memory_space<vmem>>
            %dma_wait3A_88 = arith.constant 0 : i32
            %dma_wait3A_89 = arith.constant 0 : i32
            %dma_wait3A_90 = tpu.memref_slice %arg16[%dma_wait3A_88, %dma_wait3A_89] : memref<10240x128xi16, #tpu.memory_space<vmem_shared>> -> memref<10240x128xi16, #tpu.memory_space<vmem_shared>>
            tpu.wait_indirect_dma semaphore(%run_scoped3A : memref<!tpu.dma_semaphore, #tpu.memory_space<semaphore_mem>>) src(%arg14 : memref<625x128xi16, #tpu.memory_space<vmem>>) dst(%dma_wait3A_90 : memref<10240x128xi16, #tpu.memory_space<vmem_shared>>)
            tpu.yield
          }) : () -> ()
          %add3A_65 = arith.constant 1 : i32
          %add3A_66 = arith.addi %mul3A_51, %add3A_65 : i32
          %dma_wait3A_67 = arith.constant 0 : i32
          %dma_wait3A_68 = tpu.memref_slice %arg12[%add3A_66, %dma_wait3A_67] : memref<8x625xi32, #tpu.memory_space<vmem>> -> memref<1x625xi32, #tpu.memory_space<vmem>>
          %dma_wait3A_69 = tpu.memref_squeeze %dma_wait3A_68 : memref<1x625xi32, #tpu.memory_space<vmem>> -> memref<625xi32, #tpu.memory_space<vmem>>
          %dma_wait3A_70 = arith.constant 0 : i32
          %dma_wait3A_71 = arith.constant 0 : i32
          %dma_wait3A_72 = tpu.memref_slice %arg3[%dma_wait3A_70, %dma_wait3A_71] : memref<10000x128xi16, #tpu.memory_space<hbm>> -> memref<10000x128xi16, #tpu.memory_space<hbm>>
          tpu.wait_indirect_dma semaphore(%arg18 : memref<!tpu.dma_semaphore, #tpu.memory_space<semaphore_mem>>) src(%dma_wait3A_72 : memref<10000x128xi16, #tpu.memory_space<hbm>>) dst(%arg15 : memref<625x128xi16, #tpu.memory_space<vmem>>)
          %lt3A = arith.constant 3 : i32
          %lt3A_73 = arith.cmpi slt, %add3A_49, %lt3A : i32
          %convert_element_type3A_74 = arith.extui %lt3A_73 : i1 to i32
          %cond3A_75 = arith.constant 0 : i32
          %cond3A_76 = arith.cmpi ne, %convert_element_type3A_74, %cond3A_75 : i32
          scf.if %cond3A_76 {
            %add3A_79 = arith.constant 2 : i32
            %add3A_80 = arith.addi %mul3A_51, %add3A_79 : i32
            %dma_start3A_81 = arith.constant 0 : i32
            %dma_start3A_82 = tpu.memref_slice %arg12[%add3A_80, %dma_start3A_81] : memref<8x625xi32, #tpu.memory_space<vmem>> -> memref<1x625xi32, #tpu.memory_space<vmem>>
            %dma_start3A_83 = tpu.memref_squeeze %dma_start3A_82 : memref<1x625xi32, #tpu.memory_space<vmem>> -> memref<625xi32, #tpu.memory_space<vmem>>
            %dma_start3A_84 = arith.constant 0 : i32
            %dma_start3A_85 = arith.constant 0 : i32
            %dma_start3A_86 = tpu.memref_slice %arg3[%dma_start3A_84, %dma_start3A_85] : memref<10000x128xi16, #tpu.memory_space<hbm>> -> memref<10000x128xi16, #tpu.memory_space<hbm>>
            tpu.enqueue_indirect_dma source(%dma_start3A_86 : memref<10000x128xi16, #tpu.memory_space<hbm>>) target(%arg14 : memref<625x128xi16, #tpu.memory_space<vmem>>) offsets(%dma_start3A_83 : memref<625xi32, #tpu.memory_space<vmem>>) semaphore(%arg17 : memref<!tpu.dma_semaphore, #tpu.memory_space<semaphore_mem>>)
          } else {
          }
          %add3A_77 = arith.constant 1 : i32
          %add3A_78 = arith.addi %mul3A_51, %add3A_77 : i32
          "tpu.region"() ({
            %run_scoped3A = tpu.sem_alloc : memref<!tpu.dma_semaphore, #tpu.memory_space<semaphore_mem>>
            %dma_start3A_79 = arith.constant 0 : i32
            %dma_start3A_80 = tpu.memref_slice %arg13[%add3A_78, %dma_start3A_79] : memref<8x625xi32, #tpu.memory_space<vmem>> -> memref<1x625xi32, #tpu.memory_space<vmem>>
            %dma_start3A_81 = tpu.memref_squeeze %dma_start3A_80 : memref<1x625xi32, #tpu.memory_space<vmem>> -> memref<625xi32, #tpu.memory_space<vmem>>
            %dma_start3A_82 = arith.constant 0 : i32
            %dma_start3A_83 = arith.constant 0 : i32
            %dma_start3A_84 = tpu.memref_slice %arg16[%dma_start3A_82, %dma_start3A_83] : memref<10240x128xi16, #tpu.memory_space<vmem_shared>> -> memref<10240x128xi16, #tpu.memory_space<vmem_shared>>
            tpu.enqueue_indirect_dma source(%arg15 : memref<625x128xi16, #tpu.memory_space<vmem>>) target(%dma_start3A_84 : memref<10240x128xi16, #tpu.memory_space<vmem_shared>>) offsets(%dma_start3A_81 : memref<625xi32, #tpu.memory_space<vmem>>) semaphore(%run_scoped3A : memref<!tpu.dma_semaphore, #tpu.memory_space<semaphore_mem>>) {add = true}
            %dma_wait3A_85 = arith.constant 0 : i32
            %dma_wait3A_86 = tpu.memref_slice %arg13[%add3A_78, %dma_wait3A_85] : memref<8x625xi32, #tpu.memory_space<vmem>> -> memref<1x625xi32, #tpu.memory_space<vmem>>
            %dma_wait3A_87 = tpu.memref_squeeze %dma_wait3A_86 : memref<1x625xi32, #tpu.memory_space<vmem>> -> memref<625xi32, #tpu.memory_space<vmem>>
            %dma_wait3A_88 = arith.constant 0 : i32
            %dma_wait3A_89 = arith.constant 0 : i32
            %dma_wait3A_90 = tpu.memref_slice %arg16[%dma_wait3A_88, %dma_wait3A_89] : memref<10240x128xi16, #tpu.memory_space<vmem_shared>> -> memref<10240x128xi16, #tpu.memory_space<vmem_shared>>
            tpu.wait_indirect_dma semaphore(%run_scoped3A : memref<!tpu.dma_semaphore, #tpu.memory_space<semaphore_mem>>) src(%arg15 : memref<625x128xi16, #tpu.memory_space<vmem>>) dst(%dma_wait3A_90 : memref<10240x128xi16, #tpu.memory_space<vmem_shared>>)
            tpu.yield
          }) : () -> ()
        }
        %scan3A_44 = arith.constant 4 : i32
      }
      %scan3A_13 = arith.constant 4 : i32
      %barrier3A_14 = arith.constant 0 : index
      tpu.barrier barrier_id(%barrier3A_14)
      "tpu.region"() ({
        %run_scoped3A = tpu.sem_alloc : memref<!tpu.dma_semaphore, #tpu.memory_space<semaphore_mem>>
        %dma_start3A = arith.constant 0 : i32
        %dma_start3A_27 = tpu.memref_slice %arg9[%mul3A_0, %dma_start3A] : memref<10240x128xi16, #tpu.memory_space<hbm>> -> memref<640x128xi16, #tpu.memory_space<hbm>>
        %dma_start3A_28 = arith.constant 0 : i32
        %dma_start3A_29 = tpu.memref_slice %arg16[%mul3A_0, %dma_start3A_28] : memref<10240x128xi16, #tpu.memory_space<vmem_shared>> -> memref<640x128xi16, #tpu.memory_space<vmem_shared>>
        tpu.enqueue_dma source(%dma_start3A_29 : memref<640x128xi16, #tpu.memory_space<vmem_shared>>) target(%dma_start3A_27 : memref<640x128xi16, #tpu.memory_space<hbm>>) target_semaphore(%run_scoped3A : memref<!tpu.dma_semaphore, #tpu.memory_space<semaphore_mem>>)
        %dma_wait3A = arith.constant 0 : i32
        %dma_wait3A_30 = tpu.memref_slice %arg9[%mul3A_0, %dma_wait3A] : memref<10240x128xi16, #tpu.memory_space<hbm>> -> memref<640x128xi16, #tpu.memory_space<hbm>>
        %dma_wait3A_31 = arith.constant 0 : i32
        %dma_wait3A_32 = tpu.memref_slice %arg16[%mul3A_0, %dma_wait3A_31] : memref<10240x128xi16, #tpu.memory_space<vmem_shared>> -> memref<640x128xi16, #tpu.memory_space<vmem_shared>>
        tpu.wait_dma2 semaphore(%run_scoped3A : memref<!tpu.dma_semaphore, #tpu.memory_space<semaphore_mem>>) src(%dma_wait3A_32 : memref<640x128xi16, #tpu.memory_space<vmem_shared>>) dst(%dma_wait3A_30 : memref<640x128xi16, #tpu.memory_space<hbm>>)
        tpu.yield
      }) : () -> ()
      %barrier3A_15 = arith.constant 0 : index
      tpu.barrier barrier_id(%barrier3A_15)
      %add3A = arith.constant 16 : i32
      %add3A_16 = arith.addi %add3A, %arg1 : i32
      %mul3A_17 = arith.constant 2 : i32
      %mul3A_18 = arith.muli %add3A_16, %mul3A_17 : i32
      "tpu.region"() ({
        %run_scoped3A = tpu.sem_alloc : memref<!tpu.dma_semaphore, #tpu.memory_space<semaphore_mem>>
        %dma_start3A = arith.constant 0 : i32
        %dma_start3A_27 = tpu.memref_slice %arg16[%mul3A_0, %dma_start3A] : memref<10240x128xi16, #tpu.memory_space<vmem_shared>> -> memref<640x128xi16, #tpu.memory_space<vmem_shared>>
        tpu.enqueue_dma source(%arg7 : memref<640x128xi16, #tpu.memory_space<hbm>>) target(%dma_start3A_27 : memref<640x128xi16, #tpu.memory_space<vmem_shared>>) target_semaphore(%run_scoped3A : memref<!tpu.dma_semaphore, #tpu.memory_space<semaphore_mem>>)
        %dma_wait3A = arith.constant 0 : i32
        %dma_wait3A_28 = tpu.memref_slice %arg16[%mul3A_0, %dma_wait3A] : memref<10240x128xi16, #tpu.memory_space<vmem_shared>> -> memref<640x128xi16, #tpu.memory_space<vmem_shared>>
        tpu.wait_dma2 semaphore(%run_scoped3A : memref<!tpu.dma_semaphore, #tpu.memory_space<semaphore_mem>>) src(%arg7 : memref<640x128xi16, #tpu.memory_space<hbm>>) dst(%dma_wait3A_28 : memref<640x128xi16, #tpu.memory_space<vmem_shared>>)
        tpu.yield
      }) : () -> ()
      %barrier3A_19 = arith.constant 0 : index
      tpu.barrier barrier_id(%barrier3A_19)
      %scan3A_20 = arith.constant 0 : i32
      %scan3A_21 = arith.constant 2 : i32
      %scan3A_22 = arith.addi %scan3A_20, %scan3A_21 : i32
      %scan3A_23 = arith.constant 1 : i32
      scf.for %scan3A_27 = %scan3A_20 to %scan3A_22 step %scan3A_23  : i32 {
        %mul3A_28 = arith.constant 1 : i32
        %mul3A_29 = arith.muli %scan3A_27, %mul3A_28 : i32
        %add3A_30 = arith.constant 0 : i32
        %add3A_31 = arith.addi %add3A_30, %mul3A_29 : i32
        %add3A_32 = arith.addi %mul3A_18, %add3A_31 : i32
        "tpu.region"() ({
          %run_scoped3A = tpu.sem_alloc : memref<!tpu.dma_semaphore, #tpu.memory_space<semaphore_mem>>
          %dma_start3A_45 = arith.constant 0 : i32
          %dma_start3A_46 = arith.constant 0 : i32
          %dma_start3A_47 = tpu.memref_slice %arg5[%add3A_32, %dma_start3A_45, %dma_start3A_46] : memref<64x8x625xi32, #tpu.memory_space<hbm>> -> memref<1x8x625xi32, #tpu.memory_space<hbm>>
          %dma_start3A_48 = tpu.memref_squeeze %dma_start3A_47 : memref<1x8x625xi32, #tpu.memory_space<hbm>> -> memref<8x625xi32, #tpu.memory_space<hbm>>
          %dma_start3A_49 = arith.constant 0 : i32
          %dma_start3A_50 = arith.constant 0 : i32
          %dma_start3A_51 = tpu.memref_slice %arg5[%add3A_32, %dma_start3A_49, %dma_start3A_50] : memref<64x8x625xi32, #tpu.memory_space<hbm>> -> memref<1x8x625xi32, #tpu.memory_space<hbm>>
          %dma_start3A_52 = tpu.memref_squeeze %dma_start3A_51 : memref<1x8x625xi32, #tpu.memory_space<hbm>> -> memref<8x625xi32, #tpu.memory_space<hbm>>
          tpu.enqueue_dma source(%dma_start3A_52 : memref<8x625xi32, #tpu.memory_space<hbm>>) target(%arg12 : memref<8x625xi32, #tpu.memory_space<vmem>>) target_semaphore(%run_scoped3A : memref<!tpu.dma_semaphore, #tpu.memory_space<semaphore_mem>>)
          %dma_wait3A = arith.constant 0 : i32
          %dma_wait3A_53 = arith.constant 0 : i32
          %dma_wait3A_54 = tpu.memref_slice %arg5[%add3A_32, %dma_wait3A, %dma_wait3A_53] : memref<64x8x625xi32, #tpu.memory_space<hbm>> -> memref<1x8x625xi32, #tpu.memory_space<hbm>>
          %dma_wait3A_55 = tpu.memref_squeeze %dma_wait3A_54 : memref<1x8x625xi32, #tpu.memory_space<hbm>> -> memref<8x625xi32, #tpu.memory_space<hbm>>
          %dma_wait3A_56 = arith.constant 0 : i32
          %dma_wait3A_57 = arith.constant 0 : i32
          %dma_wait3A_58 = tpu.memref_slice %arg5[%add3A_32, %dma_wait3A_56, %dma_wait3A_57] : memref<64x8x625xi32, #tpu.memory_space<hbm>> -> memref<1x8x625xi32, #tpu.memory_space<hbm>>
          %dma_wait3A_59 = tpu.memref_squeeze %dma_wait3A_58 : memref<1x8x625xi32, #tpu.memory_space<hbm>> -> memref<8x625xi32, #tpu.memory_space<hbm>>
          tpu.wait_dma2 semaphore(%run_scoped3A : memref<!tpu.dma_semaphore, #tpu.memory_space<semaphore_mem>>) src(%dma_wait3A_59 : memref<8x625xi32, #tpu.memory_space<hbm>>) dst(%arg12 : memref<8x625xi32, #tpu.memory_space<vmem>>)
          tpu.yield
        }) : () -> ()
        %add3A_33 = arith.addi %mul3A_18, %add3A_31 : i32
        "tpu.region"() ({
          %run_scoped3A = tpu.sem_alloc : memref<!tpu.dma_semaphore, #tpu.memory_space<semaphore_mem>>
          %dma_start3A_45 = arith.constant 0 : i32
          %dma_start3A_46 = arith.constant 0 : i32
          %dma_start3A_47 = tpu.memref_slice %arg6[%add3A_33, %dma_start3A_45, %dma_start3A_46] : memref<64x8x625xi32, #tpu.memory_space<hbm>> -> memref<1x8x625xi32, #tpu.memory_space<hbm>>
          %dma_start3A_48 = tpu.memref_squeeze %dma_start3A_47 : memref<1x8x625xi32, #tpu.memory_space<hbm>> -> memref<8x625xi32, #tpu.memory_space<hbm>>
          %dma_start3A_49 = arith.constant 0 : i32
          %dma_start3A_50 = arith.constant 0 : i32
          %dma_start3A_51 = tpu.memref_slice %arg6[%add3A_33, %dma_start3A_49, %dma_start3A_50] : memref<64x8x625xi32, #tpu.memory_space<hbm>> -> memref<1x8x625xi32, #tpu.memory_space<hbm>>
          %dma_start3A_52 = tpu.memref_squeeze %dma_start3A_51 : memref<1x8x625xi32, #tpu.memory_space<hbm>> -> memref<8x625xi32, #tpu.memory_space<hbm>>
          tpu.enqueue_dma source(%dma_start3A_52 : memref<8x625xi32, #tpu.memory_space<hbm>>) target(%arg13 : memref<8x625xi32, #tpu.memory_space<vmem>>) target_semaphore(%run_scoped3A : memref<!tpu.dma_semaphore, #tpu.memory_space<semaphore_mem>>)
          %dma_wait3A = arith.constant 0 : i32
          %dma_wait3A_53 = arith.constant 0 : i32
          %dma_wait3A_54 = tpu.memref_slice %arg6[%add3A_33, %dma_wait3A, %dma_wait3A_53] : memref<64x8x625xi32, #tpu.memory_space<hbm>> -> memref<1x8x625xi32, #tpu.memory_space<hbm>>
          %dma_wait3A_55 = tpu.memref_squeeze %dma_wait3A_54 : memref<1x8x625xi32, #tpu.memory_space<hbm>> -> memref<8x625xi32, #tpu.memory_space<hbm>>
          %dma_wait3A_56 = arith.constant 0 : i32
          %dma_wait3A_57 = arith.constant 0 : i32
          %dma_wait3A_58 = tpu.memref_slice %arg6[%add3A_33, %dma_wait3A_56, %dma_wait3A_57] : memref<64x8x625xi32, #tpu.memory_space<hbm>> -> memref<1x8x625xi32, #tpu.memory_space<hbm>>
          %dma_wait3A_59 = tpu.memref_squeeze %dma_wait3A_58 : memref<1x8x625xi32, #tpu.memory_space<hbm>> -> memref<8x625xi32, #tpu.memory_space<hbm>>
          tpu.wait_dma2 semaphore(%run_scoped3A : memref<!tpu.dma_semaphore, #tpu.memory_space<semaphore_mem>>) src(%dma_wait3A_59 : memref<8x625xi32, #tpu.memory_space<hbm>>) dst(%arg13 : memref<8x625xi32, #tpu.memory_space<vmem>>)
          tpu.yield
        }) : () -> ()
        %dma_start3A = arith.constant 0 : i32
        %dma_start3A_34 = arith.constant 0 : i32
        %dma_start3A_35 = tpu.memref_slice %arg12[%dma_start3A, %dma_start3A_34] : memref<8x625xi32, #tpu.memory_space<vmem>> -> memref<1x625xi32, #tpu.memory_space<vmem>>
        %dma_start3A_36 = tpu.memref_squeeze %dma_start3A_35 : memref<1x625xi32, #tpu.memory_space<vmem>> -> memref<625xi32, #tpu.memory_space<vmem>>
        %dma_start3A_37 = arith.constant 0 : i32
        %dma_start3A_38 = arith.constant 0 : i32
        %dma_start3A_39 = tpu.memref_slice %arg4[%dma_start3A_37, %dma_start3A_38] : memref<10000x128xi16, #tpu.memory_space<hbm>> -> memref<10000x128xi16, #tpu.memory_space<hbm>>
        tpu.enqueue_indirect_dma source(%dma_start3A_39 : memref<10000x128xi16, #tpu.memory_space<hbm>>) target(%arg14 : memref<625x128xi16, #tpu.memory_space<vmem>>) offsets(%dma_start3A_36 : memref<625xi32, #tpu.memory_space<vmem>>) semaphore(%arg17 : memref<!tpu.dma_semaphore, #tpu.memory_space<semaphore_mem>>)
        %scan3A_40 = arith.constant 0 : i32
        %scan3A_41 = arith.constant 4 : i32
        %scan3A_42 = arith.addi %scan3A_40, %scan3A_41 : i32
        %scan3A_43 = arith.constant 1 : i32
        scf.for %scan3A_45 = %scan3A_40 to %scan3A_42 step %scan3A_43  : i32 {
          %mul3A_46 = arith.constant 1 : i32
          %mul3A_47 = arith.muli %scan3A_45, %mul3A_46 : i32
          %add3A_48 = arith.constant 0 : i32
          %add3A_49 = arith.addi %add3A_48, %mul3A_47 : i32
          %mul3A_50 = arith.constant 2 : i32
          %mul3A_51 = arith.muli %mul3A_50, %add3A_49 : i32
          %dma_wait3A = arith.constant 0 : i32
          %dma_wait3A_52 = tpu.memref_slice %arg12[%mul3A_51, %dma_wait3A] : memref<8x625xi32, #tpu.memory_space<vmem>> -> memref<1x625xi32, #tpu.memory_space<vmem>>
          %dma_wait3A_53 = tpu.memref_squeeze %dma_wait3A_52 : memref<1x625xi32, #tpu.memory_space<vmem>> -> memref<625xi32, #tpu.memory_space<vmem>>
          %dma_wait3A_54 = arith.constant 0 : i32
          %dma_wait3A_55 = arith.constant 0 : i32
          %dma_wait3A_56 = tpu.memref_slice %arg4[%dma_wait3A_54, %dma_wait3A_55] : memref<10000x128xi16, #tpu.memory_space<hbm>> -> memref<10000x128xi16, #tpu.memory_space<hbm>>
          tpu.wait_indirect_dma semaphore(%arg17 : memref<!tpu.dma_semaphore, #tpu.memory_space<semaphore_mem>>) src(%dma_wait3A_56 : memref<10000x128xi16, #tpu.memory_space<hbm>>) dst(%arg14 : memref<625x128xi16, #tpu.memory_space<vmem>>)
          %add3A_57 = arith.constant 1 : i32
          %add3A_58 = arith.addi %mul3A_51, %add3A_57 : i32
          %dma_start3A_59 = arith.constant 0 : i32
          %dma_start3A_60 = tpu.memref_slice %arg12[%add3A_58, %dma_start3A_59] : memref<8x625xi32, #tpu.memory_space<vmem>> -> memref<1x625xi32, #tpu.memory_space<vmem>>
          %dma_start3A_61 = tpu.memref_squeeze %dma_start3A_60 : memref<1x625xi32, #tpu.memory_space<vmem>> -> memref<625xi32, #tpu.memory_space<vmem>>
          %dma_start3A_62 = arith.constant 0 : i32
          %dma_start3A_63 = arith.constant 0 : i32
          %dma_start3A_64 = tpu.memref_slice %arg4[%dma_start3A_62, %dma_start3A_63] : memref<10000x128xi16, #tpu.memory_space<hbm>> -> memref<10000x128xi16, #tpu.memory_space<hbm>>
          tpu.enqueue_indirect_dma source(%dma_start3A_64 : memref<10000x128xi16, #tpu.memory_space<hbm>>) target(%arg15 : memref<625x128xi16, #tpu.memory_space<vmem>>) offsets(%dma_start3A_61 : memref<625xi32, #tpu.memory_space<vmem>>) semaphore(%arg18 : memref<!tpu.dma_semaphore, #tpu.memory_space<semaphore_mem>>)
          "tpu.region"() ({
            %run_scoped3A = tpu.sem_alloc : memref<!tpu.dma_semaphore, #tpu.memory_space<semaphore_mem>>
            %dma_start3A_79 = arith.constant 0 : i32
            %dma_start3A_80 = tpu.memref_slice %arg13[%mul3A_51, %dma_start3A_79] : memref<8x625xi32, #tpu.memory_space<vmem>> -> memref<1x625xi32, #tpu.memory_space<vmem>>
            %dma_start3A_81 = tpu.memref_squeeze %dma_start3A_80 : memref<1x625xi32, #tpu.memory_space<vmem>> -> memref<625xi32, #tpu.memory_space<vmem>>
            %dma_start3A_82 = arith.constant 0 : i32
            %dma_start3A_83 = arith.constant 0 : i32
            %dma_start3A_84 = tpu.memref_slice %arg16[%dma_start3A_82, %dma_start3A_83] : memref<10240x128xi16, #tpu.memory_space<vmem_shared>> -> memref<10240x128xi16, #tpu.memory_space<vmem_shared>>
            tpu.enqueue_indirect_dma source(%arg14 : memref<625x128xi16, #tpu.memory_space<vmem>>) target(%dma_start3A_84 : memref<10240x128xi16, #tpu.memory_space<vmem_shared>>) offsets(%dma_start3A_81 : memref<625xi32, #tpu.memory_space<vmem>>) semaphore(%run_scoped3A : memref<!tpu.dma_semaphore, #tpu.memory_space<semaphore_mem>>) {add = true}
            %dma_wait3A_85 = arith.constant 0 : i32
            %dma_wait3A_86 = tpu.memref_slice %arg13[%mul3A_51, %dma_wait3A_85] : memref<8x625xi32, #tpu.memory_space<vmem>> -> memref<1x625xi32, #tpu.memory_space<vmem>>
            %dma_wait3A_87 = tpu.memref_squeeze %dma_wait3A_86 : memref<1x625xi32, #tpu.memory_space<vmem>> -> memref<625xi32, #tpu.memory_space<vmem>>
            %dma_wait3A_88 = arith.constant 0 : i32
            %dma_wait3A_89 = arith.constant 0 : i32
            %dma_wait3A_90 = tpu.memref_slice %arg16[%dma_wait3A_88, %dma_wait3A_89] : memref<10240x128xi16, #tpu.memory_space<vmem_shared>> -> memref<10240x128xi16, #tpu.memory_space<vmem_shared>>
            tpu.wait_indirect_dma semaphore(%run_scoped3A : memref<!tpu.dma_semaphore, #tpu.memory_space<semaphore_mem>>) src(%arg14 : memref<625x128xi16, #tpu.memory_space<vmem>>) dst(%dma_wait3A_90 : memref<10240x128xi16, #tpu.memory_space<vmem_shared>>)
            tpu.yield
          }) : () -> ()
          %add3A_65 = arith.constant 1 : i32
          %add3A_66 = arith.addi %mul3A_51, %add3A_65 : i32
          %dma_wait3A_67 = arith.constant 0 : i32
          %dma_wait3A_68 = tpu.memref_slice %arg12[%add3A_66, %dma_wait3A_67] : memref<8x625xi32, #tpu.memory_space<vmem>> -> memref<1x625xi32, #tpu.memory_space<vmem>>
          %dma_wait3A_69 = tpu.memref_squeeze %dma_wait3A_68 : memref<1x625xi32, #tpu.memory_space<vmem>> -> memref<625xi32, #tpu.memory_space<vmem>>
          %dma_wait3A_70 = arith.constant 0 : i32
          %dma_wait3A_71 = arith.constant 0 : i32
          %dma_wait3A_72 = tpu.memref_slice %arg4[%dma_wait3A_70, %dma_wait3A_71] : memref<10000x128xi16, #tpu.memory_space<hbm>> -> memref<10000x128xi16, #tpu.memory_space<hbm>>
          tpu.wait_indirect_dma semaphore(%arg18 : memref<!tpu.dma_semaphore, #tpu.memory_space<semaphore_mem>>) src(%dma_wait3A_72 : memref<10000x128xi16, #tpu.memory_space<hbm>>) dst(%arg15 : memref<625x128xi16, #tpu.memory_space<vmem>>)
          %lt3A = arith.constant 3 : i32
          %lt3A_73 = arith.cmpi slt, %add3A_49, %lt3A : i32
          %convert_element_type3A_74 = arith.extui %lt3A_73 : i1 to i32
          %cond3A_75 = arith.constant 0 : i32
          %cond3A_76 = arith.cmpi ne, %convert_element_type3A_74, %cond3A_75 : i32
          scf.if %cond3A_76 {
            %add3A_79 = arith.constant 2 : i32
            %add3A_80 = arith.addi %mul3A_51, %add3A_79 : i32
            %dma_start3A_81 = arith.constant 0 : i32
            %dma_start3A_82 = tpu.memref_slice %arg12[%add3A_80, %dma_start3A_81] : memref<8x625xi32, #tpu.memory_space<vmem>> -> memref<1x625xi32, #tpu.memory_space<vmem>>
            %dma_start3A_83 = tpu.memref_squeeze %dma_start3A_82 : memref<1x625xi32, #tpu.memory_space<vmem>> -> memref<625xi32, #tpu.memory_space<vmem>>
            %dma_start3A_84 = arith.constant 0 : i32
            %dma_start3A_85 = arith.constant 0 : i32
            %dma_start3A_86 = tpu.memref_slice %arg4[%dma_start3A_84, %dma_start3A_85] : memref<10000x128xi16, #tpu.memory_space<hbm>> -> memref<10000x128xi16, #tpu.memory_space<hbm>>
            tpu.enqueue_indirect_dma source(%dma_start3A_86 : memref<10000x128xi16, #tpu.memory_space<hbm>>) target(%arg14 : memref<625x128xi16, #tpu.memory_space<vmem>>) offsets(%dma_start3A_83 : memref<625xi32, #tpu.memory_space<vmem>>) semaphore(%arg17 : memref<!tpu.dma_semaphore, #tpu.memory_space<semaphore_mem>>)
          } else {
          }
          %add3A_77 = arith.constant 1 : i32
          %add3A_78 = arith.addi %mul3A_51, %add3A_77 : i32
          "tpu.region"() ({
            %run_scoped3A = tpu.sem_alloc : memref<!tpu.dma_semaphore, #tpu.memory_space<semaphore_mem>>
            %dma_start3A_79 = arith.constant 0 : i32
            %dma_start3A_80 = tpu.memref_slice %arg13[%add3A_78, %dma_start3A_79] : memref<8x625xi32, #tpu.memory_space<vmem>> -> memref<1x625xi32, #tpu.memory_space<vmem>>
            %dma_start3A_81 = tpu.memref_squeeze %dma_start3A_80 : memref<1x625xi32, #tpu.memory_space<vmem>> -> memref<625xi32, #tpu.memory_space<vmem>>
            %dma_start3A_82 = arith.constant 0 : i32
            %dma_start3A_83 = arith.constant 0 : i32
            %dma_start3A_84 = tpu.memref_slice %arg16[%dma_start3A_82, %dma_start3A_83] : memref<10240x128xi16, #tpu.memory_space<vmem_shared>> -> memref<10240x128xi16, #tpu.memory_space<vmem_shared>>
            tpu.enqueue_indirect_dma source(%arg15 : memref<625x128xi16, #tpu.memory_space<vmem>>) target(%dma_start3A_84 : memref<10240x128xi16, #tpu.memory_space<vmem_shared>>) offsets(%dma_start3A_81 : memref<625xi32, #tpu.memory_space<vmem>>) semaphore(%run_scoped3A : memref<!tpu.dma_semaphore, #tpu.memory_space<semaphore_mem>>) {add = true}
            %dma_wait3A_85 = arith.constant 0 : i32
            %dma_wait3A_86 = tpu.memref_slice %arg13[%add3A_78, %dma_wait3A_85] : memref<8x625xi32, #tpu.memory_space<vmem>> -> memref<1x625xi32, #tpu.memory_space<vmem>>
            %dma_wait3A_87 = tpu.memref_squeeze %dma_wait3A_86 : memref<1x625xi32, #tpu.memory_space<vmem>> -> memref<625xi32, #tpu.memory_space<vmem>>
            %dma_wait3A_88 = arith.constant 0 : i32
            %dma_wait3A_89 = arith.constant 0 : i32
            %dma_wait3A_90 = tpu.memref_slice %arg16[%dma_wait3A_88, %dma_wait3A_89] : memref<10240x128xi16, #tpu.memory_space<vmem_shared>> -> memref<10240x128xi16, #tpu.memory_space<vmem_shared>>
            tpu.wait_indirect_dma semaphore(%run_scoped3A : memref<!tpu.dma_semaphore, #tpu.memory_space<semaphore_mem>>) src(%arg15 : memref<625x128xi16, #tpu.memory_space<vmem>>) dst(%dma_wait3A_90 : memref<10240x128xi16, #tpu.memory_space<vmem_shared>>)
            tpu.yield
          }) : () -> ()
        }
        %scan3A_44 = arith.constant 4 : i32
      }
      %scan3A_24 = arith.constant 2 : i32
      %barrier3A_25 = arith.constant 0 : index
      tpu.barrier barrier_id(%barrier3A_25)
      "tpu.region"() ({
        %run_scoped3A = tpu.sem_alloc : memref<!tpu.dma_semaphore, #tpu.memory_space<semaphore_mem>>
        %dma_start3A = arith.constant 0 : i32
        %dma_start3A_27 = tpu.memref_slice %arg11[%mul3A_0, %dma_start3A] : memref<10240x128xi16, #tpu.memory_space<hbm>> -> memref<640x128xi16, #tpu.memory_space<hbm>>
        %dma_start3A_28 = arith.constant 0 : i32
        %dma_start3A_29 = tpu.memref_slice %arg16[%mul3A_0, %dma_start3A_28] : memref<10240x128xi16, #tpu.memory_space<vmem_shared>> -> memref<640x128xi16, #tpu.memory_space<vmem_shared>>
        tpu.enqueue_dma source(%dma_start3A_29 : memref<640x128xi16, #tpu.memory_space<vmem_shared>>) target(%dma_start3A_27 : memref<640x128xi16, #tpu.memory_space<hbm>>) target_semaphore(%run_scoped3A : memref<!tpu.dma_semaphore, #tpu.memory_space<semaphore_mem>>)
        %dma_wait3A = arith.constant 0 : i32
        %dma_wait3A_30 = tpu.memref_slice %arg11[%mul3A_0, %dma_wait3A] : memref<10240x128xi16, #tpu.memory_space<hbm>> -> memref<640x128xi16, #tpu.memory_space<hbm>>
        %dma_wait3A_31 = arith.constant 0 : i32
        %dma_wait3A_32 = tpu.memref_slice %arg16[%mul3A_0, %dma_wait3A_31] : memref<10240x128xi16, #tpu.memory_space<vmem_shared>> -> memref<640x128xi16, #tpu.memory_space<vmem_shared>>
        tpu.wait_dma2 semaphore(%run_scoped3A : memref<!tpu.dma_semaphore, #tpu.memory_space<semaphore_mem>>) src(%dma_wait3A_32 : memref<640x128xi16, #tpu.memory_space<vmem_shared>>) dst(%dma_wait3A_30 : memref<640x128xi16, #tpu.memory_space<hbm>>)
        tpu.yield
      }) : () -> ()
      %barrier3A_26 = arith.constant 0 : index
      tpu.barrier barrier_id(%barrier3A_26)
    } else {
    }
    return
  }
}

module attributes {stable_mosaic.version = 14 : i64} {
  func.func @body(%arg0: i32, %arg1: memref<1000x128xf32, #tpu.memory_space<vmem>>, %arg2: memref<128x384xbf16, #tpu.memory_space<vmem>>, %arg3: memref<1000x16xf32, #tpu.memory_space<vmem>>, %arg4: memref<1000x16xf32, #tpu.memory_space<vmem>>, %arg5: memref<1000x128xi16, #tpu.memory_space<vmem>>, %arg6: memref<1000x128xi16, #tpu.memory_space<vmem>>, %arg7: memref<1000x128xi16, #tpu.memory_space<vmem>>, %arg8: memref<1000x1xf32, #tpu.memory_space<vmem>>) attributes {dimension_semantics = [#tpu.dimension_semantics<arbitrary>], iteration_bounds = array<i64: 10>, scalar_prefetch = 0 : i64, scratch_operands = 0 : i64, tpu.core_type = #tpu.core_type<tc>, window_params = [{transform_indices = @transform_0, window_bounds = array<i64: 1000, 128>}, {pipeline_mode = #tpu.pipeline_mode<synchronous>, transform_indices = @transform_1, window_bounds = array<i64: 128, 384>}, {transform_indices = @transform_2, window_bounds = array<i64: 1000, 16>}, {transform_indices = @transform_3, window_bounds = array<i64: 1000, 16>}, {transform_indices = @transform_4, window_bounds = array<i64: 1000, 128>}, {transform_indices = @transform_5, window_bounds = array<i64: 1000, 128>}, {transform_indices = @transform_6, window_bounds = array<i64: 1000, 128>}, {transform_indices = @transform_7, window_bounds = array<i64: 1000, 1>}]} {
    %get3A = arith.constant 0 : index
    %get3A_0 = arith.constant 0 : index
    %get3A_1 = vector.load %arg3[%get3A, %get3A_0] : memref<1000x16xf32, #tpu.memory_space<vmem>>, vector<1000x1xf32>
    %get3A_2 = arith.constant 0 : index
    %get3A_3 = arith.constant 0 : index
    %get3A_4 = vector.load %arg4[%get3A_2, %get3A_3] : memref<1000x16xf32, #tpu.memory_space<vmem>>, vector<1000x1xf32>
    %add3A = arith.addf %get3A_1, %get3A_4 : vector<1000x1xf32>
    %add3A_5 = arith.constant 1.000000e+00 : f32
    %add3A_6 = vector.broadcast %add3A_5 : f32 to vector<1000x1xf32>
    %add3A_7 = arith.addf %add3A, %add3A_6 : vector<1000x1xf32>
    %max3A = arith.constant 1.000000e+00 : f32
    %max3A_8 = vector.broadcast %max3A : f32 to vector<1000x1xf32>
    %max3A_9 = arith.maximumf %add3A_7, %max3A_8 : vector<1000x1xf32>
    %rsqrt3A = math.rsqrt %max3A_9 : vector<1000x1xf32>
    %get3A_10 = arith.constant 0 : index
    %get3A_11 = arith.constant 0 : index
    %get3A_12 = vector.load %arg1[%get3A_10, %get3A_11] : memref<1000x128xf32, #tpu.memory_space<vmem>>, vector<1000x128xf32>
    %convert_element_type3A = arith.truncf %get3A_12 : vector<1000x128xf32> to vector<1000x128xbf16>
    %get3A_13 = arith.constant 0 : index
    %get3A_14 = arith.constant 0 : index
    %get3A_15 = vector.load %arg2[%get3A_13, %get3A_14] : memref<128x384xbf16, #tpu.memory_space<vmem>>, vector<128x384xbf16>
    %dot_general3A = arith.constant dense<0.000000e+00> : vector<1000x384xf32>
    %dot_general3A_16 = tpu.matmul %convert_element_type3A, %get3A_15, %dot_general3A {dimension_numbers = #tpu.dot_dimension_numbers<[1], [0], [0], [1], [0, 0, 1, 1], [], []>, transpose_lhs_hint = false} : vector<1000x128xbf16>, vector<128x384xbf16>, vector<1000x384xf32> -> vector<1000x384xf32>
    %mul3A = vector.broadcast %rsqrt3A : vector<1000x1xf32> to vector<1000x384xf32>
    %mul3A_17 = arith.mulf %dot_general3A_16, %mul3A : vector<1000x384xf32>
    %mul3A_18 = arith.constant 2.048000e+03 : f32
    %mul3A_19 = vector.broadcast %mul3A_18 : f32 to vector<1000x384xf32>
    %mul3A_20 = arith.mulf %mul3A_17, %mul3A_19 : vector<1000x384xf32>
    %add3A_21 = arith.constant 5.000000e-01 : f32
    %add3A_22 = vector.broadcast %add3A_21 : f32 to vector<1000x384xf32>
    %add3A_23 = arith.addf %mul3A_20, %add3A_22 : vector<1000x384xf32>
    %floor3A = math.floor %add3A_23 : vector<1000x384xf32>
    %jit3A = arith.constant -3.276700e+04 : f32
    %jit3A_24 = arith.constant 3.276700e+04 : f32
    %max3A_25 = vector.broadcast %jit3A : f32 to vector<1000x384xf32>
    %max3A_26 = arith.maximumf %max3A_25, %floor3A : vector<1000x384xf32>
    %min3A = vector.broadcast %jit3A_24 : f32 to vector<1000x384xf32>
    %min3A_27 = arith.minimumf %min3A, %max3A_26 : vector<1000x384xf32>
    %convert_element_type3A_28 = arith.fptosi %min3A_27 : vector<1000x384xf32> to vector<1000x384xi16>
    %slice3A = vector.extract_strided_slice %convert_element_type3A_28 {offsets = [0, 0], sizes = [1000, 128], strides = [1, 1]} : vector<1000x384xi16> to vector<1000x128xi16>
    %swap3A = arith.constant 0 : index
    %swap3A_29 = arith.constant 0 : index
    %swap3A_30 = vector.load %arg5[%swap3A, %swap3A_29] : memref<1000x128xi16, #tpu.memory_space<vmem>>, vector<1000x128xi16>
    tpu.vector_store %arg5[%swap3A, %swap3A_29], %slice3A {strides = array<i32>} : memref<1000x128xi16, #tpu.memory_space<vmem>>, vector<1000x128xi16>,
    %slice3A_31 = vector.extract_strided_slice %convert_element_type3A_28 {offsets = [0, 128], sizes = [1000, 128], strides = [1, 1]} : vector<1000x384xi16> to vector<1000x128xi16>
    %swap3A_32 = arith.constant 0 : index
    %swap3A_33 = arith.constant 0 : index
    %swap3A_34 = vector.load %arg6[%swap3A_32, %swap3A_33] : memref<1000x128xi16, #tpu.memory_space<vmem>>, vector<1000x128xi16>
    tpu.vector_store %arg6[%swap3A_32, %swap3A_33], %slice3A_31 {strides = array<i32>} : memref<1000x128xi16, #tpu.memory_space<vmem>>, vector<1000x128xi16>,
    %slice3A_35 = vector.extract_strided_slice %convert_element_type3A_28 {offsets = [0, 256], sizes = [1000, 128], strides = [1, 1]} : vector<1000x384xi16> to vector<1000x128xi16>
    %swap3A_36 = arith.constant 0 : index
    %swap3A_37 = arith.constant 0 : index
    %swap3A_38 = vector.load %arg7[%swap3A_36, %swap3A_37] : memref<1000x128xi16, #tpu.memory_space<vmem>>, vector<1000x128xi16>
    tpu.vector_store %arg7[%swap3A_36, %swap3A_37], %slice3A_35 {strides = array<i32>} : memref<1000x128xi16, #tpu.memory_space<vmem>>, vector<1000x128xi16>,
    %swap3A_39 = arith.constant 0 : index
    %swap3A_40 = arith.constant 0 : index
    %swap3A_41 = vector.load %arg8[%swap3A_39, %swap3A_40] : memref<1000x1xf32, #tpu.memory_space<vmem>>, vector<1000x1xf32>
    tpu.vector_store %arg8[%swap3A_39, %swap3A_40], %rsqrt3A {strides = array<i32>} : memref<1000x1xf32, #tpu.memory_space<vmem>>, vector<1000x1xf32>,
    return
  }
  func.func @transform_0(%arg0: i32) -> (i32, i32) {
    %c0_i32 = arith.constant 0 : i32
    %c0_i32_0 = arith.constant 0 : i32
    return %arg0, %c0_i32 : i32, i32
  }
  func.func @transform_1(%arg0: i32) -> (i32, i32) {
    %c0_i32 = arith.constant 0 : i32
    %c0_i32_0 = arith.constant 0 : i32
    %c0_i32_1 = arith.constant 0 : i32
    return %c0_i32, %c0_i32_0 : i32, i32
  }
  func.func @transform_2(%arg0: i32) -> (i32, i32) {
    %c0_i32 = arith.constant 0 : i32
    %c0_i32_0 = arith.constant 0 : i32
    return %arg0, %c0_i32 : i32, i32
  }
  func.func @transform_3(%arg0: i32) -> (i32, i32) {
    %c0_i32 = arith.constant 0 : i32
    %c0_i32_0 = arith.constant 0 : i32
    return %arg0, %c0_i32 : i32, i32
  }
  func.func @transform_4(%arg0: i32) -> (i32, i32) {
    %c0_i32 = arith.constant 0 : i32
    %c0_i32_0 = arith.constant 0 : i32
    return %arg0, %c0_i32 : i32, i32
  }
  func.func @transform_5(%arg0: i32) -> (i32, i32) {
    %c0_i32 = arith.constant 0 : i32
    %c0_i32_0 = arith.constant 0 : i32
    return %arg0, %c0_i32 : i32, i32
  }
  func.func @transform_6(%arg0: i32) -> (i32, i32) {
    %c0_i32 = arith.constant 0 : i32
    %c0_i32_0 = arith.constant 0 : i32
    return %arg0, %c0_i32 : i32, i32
  }
  func.func @transform_7(%arg0: i32) -> (i32, i32) {
    %c0_i32 = arith.constant 0 : i32
    %c0_i32_0 = arith.constant 0 : i32
    return %arg0, %c0_i32 : i32, i32
  }
}

module attributes {stable_mosaic.version = 14 : i64} {
  func.func @body(%arg0: i32, %arg1: memref<1000x128xi16, #tpu.memory_space<vmem>>, %arg2: memref<1000x128xi16, #tpu.memory_space<vmem>>, %arg3: memref<1000x128xi16, #tpu.memory_space<vmem>>, %arg4: memref<1000x128xi16, #tpu.memory_space<vmem>>, %arg5: memref<1000x128xi16, #tpu.memory_space<vmem>>, %arg6: memref<1000x128xi16, #tpu.memory_space<vmem>>, %arg7: memref<1000x128xi16, #tpu.memory_space<vmem>>, %arg8: memref<1000x1xf32, #tpu.memory_space<vmem>>, %arg9: memref<1x384xf32, #tpu.memory_space<vmem>>, %arg10: memref<384x384xbf16, #tpu.memory_space<vmem>>, %arg11: memref<1000x128xi16, #tpu.memory_space<vmem>>, %arg12: memref<1000x128xi16, #tpu.memory_space<vmem>>, %arg13: memref<1000x128xi16, #tpu.memory_space<vmem>>) attributes {dimension_semantics = [#tpu.dimension_semantics<arbitrary>], iteration_bounds = array<i64: 10>, scalar_prefetch = 0 : i64, scratch_operands = 0 : i64, tpu.core_type = #tpu.core_type<tc>, window_params = [{transform_indices = @transform_0, window_bounds = array<i64: 1000, 128>}, {transform_indices = @transform_1, window_bounds = array<i64: 1000, 128>}, {transform_indices = @transform_2, window_bounds = array<i64: 1000, 128>}, {transform_indices = @transform_3, window_bounds = array<i64: 1000, 128>}, {transform_indices = @transform_4, window_bounds = array<i64: 1000, 128>}, {transform_indices = @transform_5, window_bounds = array<i64: 1000, 128>}, {transform_indices = @transform_6, window_bounds = array<i64: 1000, 128>}, {transform_indices = @transform_7, window_bounds = array<i64: 1000, 1>}, {pipeline_mode = #tpu.pipeline_mode<synchronous>, transform_indices = @transform_8, window_bounds = array<i64: 1, 384>}, {pipeline_mode = #tpu.pipeline_mode<synchronous>, transform_indices = @transform_9, window_bounds = array<i64: 384, 384>}, {transform_indices = @transform_10, window_bounds = array<i64: 1000, 128>}, {transform_indices = @transform_11, window_bounds = array<i64: 1000, 128>}, {transform_indices = @transform_12, window_bounds = array<i64: 1000, 128>}]} {
    %get3A = arith.constant 0 : index
    %get3A_0 = arith.constant 0 : index
    %get3A_1 = vector.load %arg1[%get3A, %get3A_0] : memref<1000x128xi16, #tpu.memory_space<vmem>>, vector<1000x128xi16>
    %convert_element_type3A = arith.sitofp %get3A_1 : vector<1000x128xi16> to vector<1000x128xf32>
    %get3A_2 = arith.constant 0 : index
    %get3A_3 = arith.constant 0 : index
    %get3A_4 = vector.load %arg5[%get3A_2, %get3A_3] : memref<1000x128xi16, #tpu.memory_space<vmem>>, vector<1000x128xi16>
    %convert_element_type3A_5 = arith.sitofp %get3A_4 : vector<1000x128xi16> to vector<1000x128xf32>
    %add3A = arith.addf %convert_element_type3A, %convert_element_type3A_5 : vector<1000x128xf32>
    %get3A_6 = arith.constant 0 : index
    %get3A_7 = arith.constant 0 : index
    %get3A_8 = vector.load %arg2[%get3A_6, %get3A_7] : memref<1000x128xi16, #tpu.memory_space<vmem>>, vector<1000x128xi16>
    %convert_element_type3A_9 = arith.sitofp %get3A_8 : vector<1000x128xi16> to vector<1000x128xf32>
    %get3A_10 = arith.constant 0 : index
    %get3A_11 = arith.constant 0 : index
    %get3A_12 = vector.load %arg6[%get3A_10, %get3A_11] : memref<1000x128xi16, #tpu.memory_space<vmem>>, vector<1000x128xi16>
    %convert_element_type3A_13 = arith.sitofp %get3A_12 : vector<1000x128xi16> to vector<1000x128xf32>
    %add3A_14 = arith.addf %convert_element_type3A_9, %convert_element_type3A_13 : vector<1000x128xf32>
    %get3A_15 = arith.constant 0 : index
    %get3A_16 = arith.constant 0 : index
    %get3A_17 = vector.load %arg3[%get3A_15, %get3A_16] : memref<1000x128xi16, #tpu.memory_space<vmem>>, vector<1000x128xi16>
    %convert_element_type3A_18 = arith.sitofp %get3A_17 : vector<1000x128xi16> to vector<1000x128xf32>
    %get3A_19 = arith.constant 0 : index
    %get3A_20 = arith.constant 0 : index
    %get3A_21 = vector.load %arg4[%get3A_19, %get3A_20] : memref<1000x128xi16, #tpu.memory_space<vmem>>, vector<1000x128xi16>
    %convert_element_type3A_22 = arith.sitofp %get3A_21 : vector<1000x128xi16> to vector<1000x128xf32>
    %add3A_23 = arith.addf %convert_element_type3A_18, %convert_element_type3A_22 : vector<1000x128xf32>
    %get3A_24 = arith.constant 0 : index
    %get3A_25 = arith.constant 0 : index
    %get3A_26 = vector.load %arg7[%get3A_24, %get3A_25] : memref<1000x128xi16, #tpu.memory_space<vmem>>, vector<1000x128xi16>
    %convert_element_type3A_27 = arith.sitofp %get3A_26 : vector<1000x128xi16> to vector<1000x128xf32>
    %add3A_28 = arith.addf %add3A_23, %convert_element_type3A_27 : vector<1000x128xf32>
    %concatenate3A = tpu.concatenate %add3A, %add3A_14, %add3A_28 in 1 : vector<1000x128xf32>, vector<1000x128xf32>, vector<1000x128xf32> -> vector<1000x384xf32>
    %get3A_29 = arith.constant 0 : index
    %get3A_30 = arith.constant 0 : index
    %get3A_31 = vector.load %arg8[%get3A_29, %get3A_30] : memref<1000x1xf32, #tpu.memory_space<vmem>>, vector<1000x1xf32>
    %mul3A = arith.constant 4.8828125E-4 : f32
    %mul3A_32 = vector.broadcast %mul3A : f32 to vector<1000x1xf32>
    %mul3A_33 = arith.mulf %get3A_31, %mul3A_32 : vector<1000x1xf32>
    %mul3A_34 = vector.broadcast %mul3A_33 : vector<1000x1xf32> to vector<1000x384xf32>
    %mul3A_35 = arith.mulf %concatenate3A, %mul3A_34 : vector<1000x384xf32>
    %get3A_36 = arith.constant 0 : index
    %get3A_37 = arith.constant 0 : index
    %get3A_38 = vector.load %arg9[%get3A_36, %get3A_37] : memref<1x384xf32, #tpu.memory_space<vmem>>, vector<1x384xf32>
    %add3A_39 = vector.broadcast %get3A_38 : vector<1x384xf32> to vector<1000x384xf32>
    %add3A_40 = arith.addf %mul3A_35, %add3A_39 : vector<1000x384xf32>
    %max3A = arith.constant 0.000000e+00 : f32
    %max3A_41 = vector.broadcast %max3A : f32 to vector<1000x384xf32>
    %max3A_42 = arith.maximumf %add3A_40, %max3A_41 : vector<1000x384xf32>
    %convert_element_type3A_43 = arith.truncf %max3A_42 : vector<1000x384xf32> to vector<1000x384xbf16>
    %get3A_44 = arith.constant 0 : index
    %get3A_45 = arith.constant 0 : index
    %get3A_46 = vector.load %arg10[%get3A_44, %get3A_45] : memref<384x384xbf16, #tpu.memory_space<vmem>>, vector<384x384xbf16>
    %dot_general3A = arith.constant dense<0.000000e+00> : vector<1000x384xf32>
    %dot_general3A_47 = tpu.matmul %convert_element_type3A_43, %get3A_46, %dot_general3A {dimension_numbers = #tpu.dot_dimension_numbers<[1], [0], [0], [1], [0, 0, 1, 1], [], []>, transpose_lhs_hint = false} : vector<1000x384xbf16>, vector<384x384xbf16>, vector<1000x384xf32> -> vector<1000x384xf32>
    %mul3A_48 = vector.broadcast %get3A_31 : vector<1000x1xf32> to vector<1000x384xf32>
    %mul3A_49 = arith.mulf %dot_general3A_47, %mul3A_48 : vector<1000x384xf32>
    %mul3A_50 = arith.constant 4.096000e+03 : f32
    %mul3A_51 = vector.broadcast %mul3A_50 : f32 to vector<1000x384xf32>
    %mul3A_52 = arith.mulf %mul3A_49, %mul3A_51 : vector<1000x384xf32>
    %add3A_53 = arith.constant 5.000000e-01 : f32
    %add3A_54 = vector.broadcast %add3A_53 : f32 to vector<1000x384xf32>
    %add3A_55 = arith.addf %mul3A_52, %add3A_54 : vector<1000x384xf32>
    %floor3A = math.floor %add3A_55 : vector<1000x384xf32>
    %jit3A = arith.constant -3.276700e+04 : f32
    %jit3A_56 = arith.constant 3.276700e+04 : f32
    %max3A_57 = vector.broadcast %jit3A : f32 to vector<1000x384xf32>
    %max3A_58 = arith.maximumf %max3A_57, %floor3A : vector<1000x384xf32>
    %min3A = vector.broadcast %jit3A_56 : f32 to vector<1000x384xf32>
    %min3A_59 = arith.minimumf %min3A, %max3A_58 : vector<1000x384xf32>
    %convert_element_type3A_60 = arith.fptosi %min3A_59 : vector<1000x384xf32> to vector<1000x384xi16>
    %slice3A = vector.extract_strided_slice %convert_element_type3A_60 {offsets = [0, 0], sizes = [1000, 128], strides = [1, 1]} : vector<1000x384xi16> to vector<1000x128xi16>
    %swap3A = arith.constant 0 : index
    %swap3A_61 = arith.constant 0 : index
    %swap3A_62 = vector.load %arg11[%swap3A, %swap3A_61] : memref<1000x128xi16, #tpu.memory_space<vmem>>, vector<1000x128xi16>
    tpu.vector_store %arg11[%swap3A, %swap3A_61], %slice3A {strides = array<i32>} : memref<1000x128xi16, #tpu.memory_space<vmem>>, vector<1000x128xi16>,
    %slice3A_63 = vector.extract_strided_slice %convert_element_type3A_60 {offsets = [0, 128], sizes = [1000, 128], strides = [1, 1]} : vector<1000x384xi16> to vector<1000x128xi16>
    %swap3A_64 = arith.constant 0 : index
    %swap3A_65 = arith.constant 0 : index
    %swap3A_66 = vector.load %arg12[%swap3A_64, %swap3A_65] : memref<1000x128xi16, #tpu.memory_space<vmem>>, vector<1000x128xi16>
    tpu.vector_store %arg12[%swap3A_64, %swap3A_65], %slice3A_63 {strides = array<i32>} : memref<1000x128xi16, #tpu.memory_space<vmem>>, vector<1000x128xi16>,
    %slice3A_67 = vector.extract_strided_slice %convert_element_type3A_60 {offsets = [0, 256], sizes = [1000, 128], strides = [1, 1]} : vector<1000x384xi16> to vector<1000x128xi16>
    %swap3A_68 = arith.constant 0 : index
    %swap3A_69 = arith.constant 0 : index
    %swap3A_70 = vector.load %arg13[%swap3A_68, %swap3A_69] : memref<1000x128xi16, #tpu.memory_space<vmem>>, vector<1000x128xi16>
    tpu.vector_store %arg13[%swap3A_68, %swap3A_69], %slice3A_67 {strides = array<i32>} : memref<1000x128xi16, #tpu.memory_space<vmem>>, vector<1000x128xi16>,
    return
  }
  func.func @transform_0(%arg0: i32) -> (i32, i32) {
    %c0_i32 = arith.constant 0 : i32
    %c0_i32_0 = arith.constant 0 : i32
    return %arg0, %c0_i32 : i32, i32
  }
  func.func @transform_1(%arg0: i32) -> (i32, i32) {
    %c0_i32 = arith.constant 0 : i32
    %c0_i32_0 = arith.constant 0 : i32
    return %arg0, %c0_i32 : i32, i32
  }
  func.func @transform_2(%arg0: i32) -> (i32, i32) {
    %c0_i32 = arith.constant 0 : i32
    %c0_i32_0 = arith.constant 0 : i32
    return %arg0, %c0_i32 : i32, i32
  }
  func.func @transform_3(%arg0: i32) -> (i32, i32) {
    %c0_i32 = arith.constant 0 : i32
    %c0_i32_0 = arith.constant 0 : i32
    return %arg0, %c0_i32 : i32, i32
  }
  func.func @transform_4(%arg0: i32) -> (i32, i32) {
    %c0_i32 = arith.constant 0 : i32
    %c0_i32_0 = arith.constant 0 : i32
    return %arg0, %c0_i32 : i32, i32
  }
  func.func @transform_5(%arg0: i32) -> (i32, i32) {
    %c0_i32 = arith.constant 0 : i32
    %c0_i32_0 = arith.constant 0 : i32
    return %arg0, %c0_i32 : i32, i32
  }
  func.func @transform_6(%arg0: i32) -> (i32, i32) {
    %c0_i32 = arith.constant 0 : i32
    %c0_i32_0 = arith.constant 0 : i32
    return %arg0, %c0_i32 : i32, i32
  }
  func.func @transform_7(%arg0: i32) -> (i32, i32) {
    %c0_i32 = arith.constant 0 : i32
    %c0_i32_0 = arith.constant 0 : i32
    return %arg0, %c0_i32 : i32, i32
  }
  func.func @transform_8(%arg0: i32) -> (i32, i32) {
    %c0_i32 = arith.constant 0 : i32
    %c0_i32_0 = arith.constant 0 : i32
    %c0_i32_1 = arith.constant 0 : i32
    return %c0_i32, %c0_i32_0 : i32, i32
  }
  func.func @transform_9(%arg0: i32) -> (i32, i32) {
    %c0_i32 = arith.constant 0 : i32
    %c0_i32_0 = arith.constant 0 : i32
    %c0_i32_1 = arith.constant 0 : i32
    return %c0_i32, %c0_i32_0 : i32, i32
  }
  func.func @transform_10(%arg0: i32) -> (i32, i32) {
    %c0_i32 = arith.constant 0 : i32
    %c0_i32_0 = arith.constant 0 : i32
    return %arg0, %c0_i32 : i32, i32
  }
  func.func @transform_11(%arg0: i32) -> (i32, i32) {
    %c0_i32 = arith.constant 0 : i32
    %c0_i32_0 = arith.constant 0 : i32
    return %arg0, %c0_i32 : i32, i32
  }
  func.func @transform_12(%arg0: i32) -> (i32, i32) {
    %c0_i32 = arith.constant 0 : i32
    %c0_i32_0 = arith.constant 0 : i32
    return %arg0, %c0_i32 : i32, i32
  }
}

module attributes {stable_mosaic.version = 14 : i64} {
  func.func @body(%arg0: i32, %arg1: memref<1000x128xi16, #tpu.memory_space<vmem>>, %arg2: memref<1000x128xi16, #tpu.memory_space<vmem>>, %arg3: memref<1000x128xi16, #tpu.memory_space<vmem>>, %arg4: memref<1000x128xi16, #tpu.memory_space<vmem>>, %arg5: memref<1000x128xi16, #tpu.memory_space<vmem>>, %arg6: memref<1000x128xi16, #tpu.memory_space<vmem>>, %arg7: memref<1000x128xi16, #tpu.memory_space<vmem>>, %arg8: memref<1000x1xf32, #tpu.memory_space<vmem>>, %arg9: memref<1x384xf32, #tpu.memory_space<vmem>>, %arg10: memref<384x128xbf16, #tpu.memory_space<vmem>>, %arg11: memref<1000x128xi16, #tpu.memory_space<vmem>>) attributes {dimension_semantics = [#tpu.dimension_semantics<arbitrary>], iteration_bounds = array<i64: 10>, scalar_prefetch = 0 : i64, scratch_operands = 0 : i64, tpu.core_type = #tpu.core_type<tc>, window_params = [{transform_indices = @transform_0, window_bounds = array<i64: 1000, 128>}, {transform_indices = @transform_1, window_bounds = array<i64: 1000, 128>}, {transform_indices = @transform_2, window_bounds = array<i64: 1000, 128>}, {transform_indices = @transform_3, window_bounds = array<i64: 1000, 128>}, {transform_indices = @transform_4, window_bounds = array<i64: 1000, 128>}, {transform_indices = @transform_5, window_bounds = array<i64: 1000, 128>}, {transform_indices = @transform_6, window_bounds = array<i64: 1000, 128>}, {transform_indices = @transform_7, window_bounds = array<i64: 1000, 1>}, {pipeline_mode = #tpu.pipeline_mode<synchronous>, transform_indices = @transform_8, window_bounds = array<i64: 1, 384>}, {pipeline_mode = #tpu.pipeline_mode<synchronous>, transform_indices = @transform_9, window_bounds = array<i64: 384, 128>}, {transform_indices = @transform_10, window_bounds = array<i64: 1000, 128>}]} {
    %get3A = arith.constant 0 : index
    %get3A_0 = arith.constant 0 : index
    %get3A_1 = vector.load %arg1[%get3A, %get3A_0] : memref<1000x128xi16, #tpu.memory_space<vmem>>, vector<1000x128xi16>
    %convert_element_type3A = arith.sitofp %get3A_1 : vector<1000x128xi16> to vector<1000x128xf32>
    %get3A_2 = arith.constant 0 : index
    %get3A_3 = arith.constant 0 : index
    %get3A_4 = vector.load %arg5[%get3A_2, %get3A_3] : memref<1000x128xi16, #tpu.memory_space<vmem>>, vector<1000x128xi16>
    %convert_element_type3A_5 = arith.sitofp %get3A_4 : vector<1000x128xi16> to vector<1000x128xf32>
    %add3A = arith.addf %convert_element_type3A, %convert_element_type3A_5 : vector<1000x128xf32>
    %get3A_6 = arith.constant 0 : index
    %get3A_7 = arith.constant 0 : index
    %get3A_8 = vector.load %arg2[%get3A_6, %get3A_7] : memref<1000x128xi16, #tpu.memory_space<vmem>>, vector<1000x128xi16>
    %convert_element_type3A_9 = arith.sitofp %get3A_8 : vector<1000x128xi16> to vector<1000x128xf32>
    %get3A_10 = arith.constant 0 : index
    %get3A_11 = arith.constant 0 : index
    %get3A_12 = vector.load %arg6[%get3A_10, %get3A_11] : memref<1000x128xi16, #tpu.memory_space<vmem>>, vector<1000x128xi16>
    %convert_element_type3A_13 = arith.sitofp %get3A_12 : vector<1000x128xi16> to vector<1000x128xf32>
    %add3A_14 = arith.addf %convert_element_type3A_9, %convert_element_type3A_13 : vector<1000x128xf32>
    %get3A_15 = arith.constant 0 : index
    %get3A_16 = arith.constant 0 : index
    %get3A_17 = vector.load %arg3[%get3A_15, %get3A_16] : memref<1000x128xi16, #tpu.memory_space<vmem>>, vector<1000x128xi16>
    %convert_element_type3A_18 = arith.sitofp %get3A_17 : vector<1000x128xi16> to vector<1000x128xf32>
    %get3A_19 = arith.constant 0 : index
    %get3A_20 = arith.constant 0 : index
    %get3A_21 = vector.load %arg4[%get3A_19, %get3A_20] : memref<1000x128xi16, #tpu.memory_space<vmem>>, vector<1000x128xi16>
    %convert_element_type3A_22 = arith.sitofp %get3A_21 : vector<1000x128xi16> to vector<1000x128xf32>
    %add3A_23 = arith.addf %convert_element_type3A_18, %convert_element_type3A_22 : vector<1000x128xf32>
    %get3A_24 = arith.constant 0 : index
    %get3A_25 = arith.constant 0 : index
    %get3A_26 = vector.load %arg7[%get3A_24, %get3A_25] : memref<1000x128xi16, #tpu.memory_space<vmem>>, vector<1000x128xi16>
    %convert_element_type3A_27 = arith.sitofp %get3A_26 : vector<1000x128xi16> to vector<1000x128xf32>
    %add3A_28 = arith.addf %add3A_23, %convert_element_type3A_27 : vector<1000x128xf32>
    %concatenate3A = tpu.concatenate %add3A, %add3A_14, %add3A_28 in 1 : vector<1000x128xf32>, vector<1000x128xf32>, vector<1000x128xf32> -> vector<1000x384xf32>
    %get3A_29 = arith.constant 0 : index
    %get3A_30 = arith.constant 0 : index
    %get3A_31 = vector.load %arg8[%get3A_29, %get3A_30] : memref<1000x1xf32, #tpu.memory_space<vmem>>, vector<1000x1xf32>
    %mul3A = arith.constant 2.44140625E-4 : f32
    %mul3A_32 = vector.broadcast %mul3A : f32 to vector<1000x1xf32>
    %mul3A_33 = arith.mulf %get3A_31, %mul3A_32 : vector<1000x1xf32>
    %mul3A_34 = vector.broadcast %mul3A_33 : vector<1000x1xf32> to vector<1000x384xf32>
    %mul3A_35 = arith.mulf %concatenate3A, %mul3A_34 : vector<1000x384xf32>
    %get3A_36 = arith.constant 0 : index
    %get3A_37 = arith.constant 0 : index
    %get3A_38 = vector.load %arg9[%get3A_36, %get3A_37] : memref<1x384xf32, #tpu.memory_space<vmem>>, vector<1x384xf32>
    %add3A_39 = vector.broadcast %get3A_38 : vector<1x384xf32> to vector<1000x384xf32>
    %add3A_40 = arith.addf %mul3A_35, %add3A_39 : vector<1000x384xf32>
    %max3A = arith.constant 0.000000e+00 : f32
    %max3A_41 = vector.broadcast %max3A : f32 to vector<1000x384xf32>
    %max3A_42 = arith.maximumf %add3A_40, %max3A_41 : vector<1000x384xf32>
    %convert_element_type3A_43 = arith.truncf %max3A_42 : vector<1000x384xf32> to vector<1000x384xbf16>
    %get3A_44 = arith.constant 0 : index
    %get3A_45 = arith.constant 0 : index
    %get3A_46 = vector.load %arg10[%get3A_44, %get3A_45] : memref<384x128xbf16, #tpu.memory_space<vmem>>, vector<384x128xbf16>
    %dot_general3A = arith.constant dense<0.000000e+00> : vector<1000x128xf32>
    %dot_general3A_47 = tpu.matmul %convert_element_type3A_43, %get3A_46, %dot_general3A {dimension_numbers = #tpu.dot_dimension_numbers<[1], [0], [0], [1], [0, 0, 1, 1], [], []>, transpose_lhs_hint = false} : vector<1000x384xbf16>, vector<384x128xbf16>, vector<1000x128xf32> -> vector<1000x128xf32>
    %mul3A_48 = vector.broadcast %get3A_31 : vector<1000x1xf32> to vector<1000x128xf32>
    %mul3A_49 = arith.mulf %dot_general3A_47, %mul3A_48 : vector<1000x128xf32>
    %mul3A_50 = arith.constant 8.192000e+03 : f32
    %mul3A_51 = vector.broadcast %mul3A_50 : f32 to vector<1000x128xf32>
    %mul3A_52 = arith.mulf %mul3A_49, %mul3A_51 : vector<1000x128xf32>
    %add3A_53 = arith.constant 5.000000e-01 : f32
    %add3A_54 = vector.broadcast %add3A_53 : f32 to vector<1000x128xf32>
    %add3A_55 = arith.addf %mul3A_52, %add3A_54 : vector<1000x128xf32>
    %floor3A = math.floor %add3A_55 : vector<1000x128xf32>
    %jit3A = arith.constant -3.276700e+04 : f32
    %jit3A_56 = arith.constant 3.276700e+04 : f32
    %max3A_57 = vector.broadcast %jit3A : f32 to vector<1000x128xf32>
    %max3A_58 = arith.maximumf %max3A_57, %floor3A : vector<1000x128xf32>
    %min3A = vector.broadcast %jit3A_56 : f32 to vector<1000x128xf32>
    %min3A_59 = arith.minimumf %min3A, %max3A_58 : vector<1000x128xf32>
    %convert_element_type3A_60 = arith.fptosi %min3A_59 : vector<1000x128xf32> to vector<1000x128xi16>
    %swap3A = arith.constant 0 : index
    %swap3A_61 = arith.constant 0 : index
    %swap3A_62 = vector.load %arg11[%swap3A, %swap3A_61] : memref<1000x128xi16, #tpu.memory_space<vmem>>, vector<1000x128xi16>
    tpu.vector_store %arg11[%swap3A, %swap3A_61], %convert_element_type3A_60 {strides = array<i32>} : memref<1000x128xi16, #tpu.memory_space<vmem>>, vector<1000x128xi16>,
    return
  }
  func.func @transform_0(%arg0: i32) -> (i32, i32) {
    %c0_i32 = arith.constant 0 : i32
    %c0_i32_0 = arith.constant 0 : i32
    return %arg0, %c0_i32 : i32, i32
  }
  func.func @transform_1(%arg0: i32) -> (i32, i32) {
    %c0_i32 = arith.constant 0 : i32
    %c0_i32_0 = arith.constant 0 : i32
    return %arg0, %c0_i32 : i32, i32
  }
  func.func @transform_2(%arg0: i32) -> (i32, i32) {
    %c0_i32 = arith.constant 0 : i32
    %c0_i32_0 = arith.constant 0 : i32
    return %arg0, %c0_i32 : i32, i32
  }
  func.func @transform_3(%arg0: i32) -> (i32, i32) {
    %c0_i32 = arith.constant 0 : i32
    %c0_i32_0 = arith.constant 0 : i32
    return %arg0, %c0_i32 : i32, i32
  }
  func.func @transform_4(%arg0: i32) -> (i32, i32) {
    %c0_i32 = arith.constant 0 : i32
    %c0_i32_0 = arith.constant 0 : i32
    return %arg0, %c0_i32 : i32, i32
  }
  func.func @transform_5(%arg0: i32) -> (i32, i32) {
    %c0_i32 = arith.constant 0 : i32
    %c0_i32_0 = arith.constant 0 : i32
    return %arg0, %c0_i32 : i32, i32
  }
  func.func @transform_6(%arg0: i32) -> (i32, i32) {
    %c0_i32 = arith.constant 0 : i32
    %c0_i32_0 = arith.constant 0 : i32
    return %arg0, %c0_i32 : i32, i32
  }
  func.func @transform_7(%arg0: i32) -> (i32, i32) {
    %c0_i32 = arith.constant 0 : i32
    %c0_i32_0 = arith.constant 0 : i32
    return %arg0, %c0_i32 : i32, i32
  }
  func.func @transform_8(%arg0: i32) -> (i32, i32) {
    %c0_i32 = arith.constant 0 : i32
    %c0_i32_0 = arith.constant 0 : i32
    %c0_i32_1 = arith.constant 0 : i32
    return %c0_i32, %c0_i32_0 : i32, i32
  }
  func.func @transform_9(%arg0: i32) -> (i32, i32) {
    %c0_i32 = arith.constant 0 : i32
    %c0_i32_0 = arith.constant 0 : i32
    %c0_i32_1 = arith.constant 0 : i32
    return %c0_i32, %c0_i32_0 : i32, i32
  }
  func.func @transform_10(%arg0: i32) -> (i32, i32) {
    %c0_i32 = arith.constant 0 : i32
    %c0_i32_0 = arith.constant 0 : i32
    return %arg0, %c0_i32 : i32, i32
  }
}

module attributes {stable_mosaic.version = 14 : i64} {
  func.func @body(%arg0: i32, %arg1: memref<1000x128xi16, #tpu.memory_space<vmem>>, %arg2: memref<1000x128xi16, #tpu.memory_space<vmem>>, %arg3: memref<1000x128xi16, #tpu.memory_space<vmem>>, %arg4: memref<1000x1xf32, #tpu.memory_space<vmem>>, %arg5: memref<1x40xf32, #tpu.memory_space<vmem>>, %arg6: memref<1000x40xf32, #tpu.memory_space<vmem>>) attributes {dimension_semantics = [#tpu.dimension_semantics<arbitrary>], iteration_bounds = array<i64: 10>, scalar_prefetch = 0 : i64, scratch_operands = 0 : i64, tpu.core_type = #tpu.core_type<tc>, window_params = [{transform_indices = @transform_0, window_bounds = array<i64: 1000, 128>}, {transform_indices = @transform_1, window_bounds = array<i64: 1000, 128>}, {transform_indices = @transform_2, window_bounds = array<i64: 1000, 128>}, {transform_indices = @transform_3, window_bounds = array<i64: 1000, 1>}, {pipeline_mode = #tpu.pipeline_mode<synchronous>, transform_indices = @transform_4, window_bounds = array<i64: 1, 40>}, {transform_indices = @transform_5, window_bounds = array<i64: 1000, 40>}]} {
    %get3A = arith.constant 0 : index
    %get3A_0 = arith.constant 0 : index
    %get3A_1 = vector.load %arg1[%get3A, %get3A_0] : memref<1000x128xi16, #tpu.memory_space<vmem>>, vector<1000x128xi16>
    %convert_element_type3A = arith.sitofp %get3A_1 : vector<1000x128xi16> to vector<1000x128xf32>
    %get3A_2 = arith.constant 0 : index
    %get3A_3 = arith.constant 0 : index
    %get3A_4 = vector.load %arg2[%get3A_2, %get3A_3] : memref<1000x128xi16, #tpu.memory_space<vmem>>, vector<1000x128xi16>
    %convert_element_type3A_5 = arith.sitofp %get3A_4 : vector<1000x128xi16> to vector<1000x128xf32>
    %add3A = arith.addf %convert_element_type3A, %convert_element_type3A_5 : vector<1000x128xf32>
    %get3A_6 = arith.constant 0 : index
    %get3A_7 = arith.constant 0 : index
    %get3A_8 = vector.load %arg3[%get3A_6, %get3A_7] : memref<1000x128xi16, #tpu.memory_space<vmem>>, vector<1000x128xi16>
    %convert_element_type3A_9 = arith.sitofp %get3A_8 : vector<1000x128xi16> to vector<1000x128xf32>
    %add3A_10 = arith.addf %add3A, %convert_element_type3A_9 : vector<1000x128xf32>
    %get3A_11 = arith.constant 0 : index
    %get3A_12 = arith.constant 0 : index
    %get3A_13 = vector.load %arg4[%get3A_11, %get3A_12] : memref<1000x1xf32, #tpu.memory_space<vmem>>, vector<1000x1xf32>
    %mul3A = arith.constant 1.22070313E-4 : f32
    %mul3A_14 = vector.broadcast %mul3A : f32 to vector<1000x1xf32>
    %mul3A_15 = arith.mulf %get3A_13, %mul3A_14 : vector<1000x1xf32>
    %mul3A_16 = vector.broadcast %mul3A_15 : vector<1000x1xf32> to vector<1000x128xf32>
    %mul3A_17 = arith.mulf %add3A_10, %mul3A_16 : vector<1000x128xf32>
    %slice3A = vector.extract_strided_slice %mul3A_17 {offsets = [0, 0], sizes = [1000, 40], strides = [1, 1]} : vector<1000x128xf32> to vector<1000x40xf32>
    %get3A_18 = arith.constant 0 : index
    %get3A_19 = arith.constant 0 : index
    %get3A_20 = vector.load %arg5[%get3A_18, %get3A_19] : memref<1x40xf32, #tpu.memory_space<vmem>>, vector<1x40xf32>
    %add3A_21 = vector.broadcast %get3A_20 : vector<1x40xf32> to vector<1000x40xf32>
    %add3A_22 = arith.addf %slice3A, %add3A_21 : vector<1000x40xf32>
    %swap3A = arith.constant 0 : index
    %swap3A_23 = arith.constant 0 : index
    %swap3A_24 = vector.load %arg6[%swap3A, %swap3A_23] : memref<1000x40xf32, #tpu.memory_space<vmem>>, vector<1000x40xf32>
    tpu.vector_store %arg6[%swap3A, %swap3A_23], %add3A_22 {strides = array<i32>} : memref<1000x40xf32, #tpu.memory_space<vmem>>, vector<1000x40xf32>,
    return
  }
  func.func @transform_0(%arg0: i32) -> (i32, i32) {
    %c0_i32 = arith.constant 0 : i32
    %c0_i32_0 = arith.constant 0 : i32
    return %arg0, %c0_i32 : i32, i32
  }
  func.func @transform_1(%arg0: i32) -> (i32, i32) {
    %c0_i32 = arith.constant 0 : i32
    %c0_i32_0 = arith.constant 0 : i32
    return %arg0, %c0_i32 : i32, i32
  }
  func.func @transform_2(%arg0: i32) -> (i32, i32) {
    %c0_i32 = arith.constant 0 : i32
    %c0_i32_0 = arith.constant 0 : i32
    return %arg0, %c0_i32 : i32, i32
  }
  func.func @transform_3(%arg0: i32) -> (i32, i32) {
    %c0_i32 = arith.constant 0 : i32
    %c0_i32_0 = arith.constant 0 : i32
    return %arg0, %c0_i32 : i32, i32
  }
  func.func @transform_4(%arg0: i32) -> (i32, i32) {
    %c0_i32 = arith.constant 0 : i32
    %c0_i32_0 = arith.constant 0 : i32
    %c0_i32_1 = arith.constant 0 : i32
    return %c0_i32, %c0_i32_0 : i32, i32
  }
  func.func @transform_5(%arg0: i32) -> (i32, i32) {
    %c0_i32 = arith.constant 0 : i32
    %c0_i32_0 = arith.constant 0 : i32
    return %arg0, %c0_i32 : i32, i32
  }
}

</mosaic_0001>

<sc_bundles>
// kernel: kernel.10.cloned.1.call-start
scs
__scs_entry_jumppad:
0x0: {  	(pc) =	sbr.rel $0x88, $3  }
0x1: {  	(tag) =	ssettag $0x0;
	lr =	simm.s32 $0x1  }
0x2: {  	[smem:$0x3F99] =	sst lr;
	_ =	strace $0xD0000000  }
0x3: {  	_ = 	snop  }
0x4: {  	_ = 	snop  }
0x5: {  	_ = 	snop  }
0x6: {  	_ = 	snop  }
0x7: {  	_ = 	snop  }
__scs_overlays_trampoline_lowered:
0x8: {  	[smem:$0x3FA8] =	sst s0  }
0x9: {  	[smem:$0x3FA9] =	sst s1  }
0xa: {  	[smem:$0x3FAA] =	sst s2  }
0xb: {  	[smem:$0x3FAB] =	sst s3  }
0xc: {  	[smem:$0x3FAC] =	sst s4  }
0xd: {  	[smem:$0x3FAD] =	sst s5  }
0xe: {  	[smem:$0x3FAE] =	sst s6  }
0xf: {  	[smem:$0x3FAF] =	sst s7  }
0x10: {  	[smem:$0x3FB0] =	sst s8  }
0x11: {  	[smem:$0x3FB1] =	sst s9;
	s0 =	simm.s32 @!p0 $0x0  }
0x12: {  	s1 =	sld [smem:$0x3F97];
	s0 =	simm.s32 @p0 $0x1  }
0x13: {  	[smem:$0x3FB2] =	sst s0;
	s0 =	simm.s32 @!p1 $0x0  }
0x14: {  	s2 =	sld [smem:$0x3F96];
	s0 =	simm.s32 @p1 $0x1  }
0x15: {  	[smem:$0x3FB3] =	sst s0;
	s0 =	simm.s32 @!p2 $0x0  }
0x16: {  	s3 =	sld [smem:$0x3FDB];
	s0 =	simm.s32 @p2 $0x1  }
0x17: {  	s4 =	simm.s32 $0x1BF5;
	[smem:$0x3FB5] =	sst s0  }
0x18: {  	s0 =	sld [smem:$0x3F98];
	_ =	swait.ge [sflag:s4], $0x0  }
0x19: {  	s7 =	sld [smem:$0x3F99]  }
0x1a: {  	s8 =	sadd.s32 $0xFFFFE003, lr  }
0x1b: {  	s9 =	sadd.s32 $0xFFFFFEF7, lr;
	s5 =	simm.s32 $0xFFFFFFFF;
	p2 =	slt.u32 s8, $0xFFFFF086  }
0x1c: {  	p1 =	slt.u32 s9, $0xF7A;
	s5 =	simm.s32 @!p2 $0x0  }
0x1d: {  	s5 =	simm.s32 @p1 $0x1;
	p0 =	seq.s32 s7, s2  }
0x1e: {  	s7 =	smul.u32 @!p0 $0xF7A, s2;
	p2 =	seq.s32 @!p0 s5, $0x0  }
0x1f: {  	s9 =	smul.u32 $0xF7A, s1;
	s8 =	simm.s32 @!p0 $0x1BF5;
	p2 =	por !p2, p0  }
0x20: {  	[sflag:s8] =	ssyncset.s32 @!p0 $0xFFFFF086;
	s6 =	sadd.s32 @!p0 s3, s7;
	s7 =	simm.s32 @!p0 $0x108  }
0x21: {  	s3 =	sadd.s32 s3, s9;
	s6 =	sadd.s32 @!p0 $0x88, s6;
	s7 =	simm.s32 @p2 $0x1082  }
0x22: {  	[simem:s7], [sflag:s8] =	dma.local @!p0 [hbm:s6], $0xF7A  }
0x23: {  	s9 =	sor.u32 $0xD0000000, s2;
	s6 =	simm.s32 $0x108;
	_ =	swait.ge @!p0 [sflag:s8], $0x0  }
0x24: {  	s3 =	sadd.s32 $0x88, s3;
	s6 =	simm.s32 @!p1 $0x1082;
	[sflag:s4] =	ssyncset.s32 $0xFFFFF086  }
0x25: {  	[simem:s6], [sflag:s4] =	dma.local [hbm:s3], $0xF7A  }
0x26: {  	[smem:$0x3F99] =	sst s1;
	(tag) =	ssettag s2;
	_ =	strace s9  }
0x27: {  	s1 =	sld [smem:$0x3FA9]  }
0x28: {  	s2 =	sld [smem:$0x3FAA]  }
0x29: {  	s4 =	sld [smem:$0x3FAC]  }
0x2a: {  	p0 =	seq.s32 s5, $0x0;
	s5 =	sld [smem:$0x3FAD]  }
0x2b: {  	s6 =	sld [smem:$0x3FAE]  }
0x2c: {  	s7 =	sld [smem:$0x3FAF]  }
0x2d: {  	s3 =	simm.s32 $0x108;
	s8 =	sld [smem:$0x3FB0]  }
0x2e: {  	s3 =	simm.s32 @!p0 $0x1082;
	s9 =	sld [smem:$0x3FB1]  }
0x2f: {  	lr =	sadd.s32 s0, s3;
	s0 =	sld [smem:$0x3FA8]  }
0x30: {  	s3 =	sld [smem:$0x3FAB]  }
0x31: {  	[smem:$0x3FB4] =	sst s10  }
0x32: {  	s10 =	sld [smem:$0x3FB2];
	_ =	sdelay $0x3  }
0x33: {  	p0 =	seq.s32 s10, $0x1;
	s10 =	sld [smem:$0x3FB4];
	_ =	sdelay $0x3  }
0x34: {  	[smem:$0x3FB4] =	sst s10  }
0x35: {  	s10 =	sld [smem:$0x3FB3];
	_ =	sdelay $0x3  }
0x36: {  	p1 =	seq.s32 s10, $0x1;
	s10 =	sld [smem:$0x3FB4];
	_ =	sdelay $0x3  }
0x37: {  	[smem:$0x3FB4] =	sst s10  }
0x38: {  	s10 =	sld [smem:$0x3FB5]  }
0x39: {  	_ = 	snop;
	(pc) =	sbr.ind lr, $3  }
0x3a: {  	_ = 	snop  }
0x3b: {  	_ = 	snop  }
0x3c: {  	p2 =	seq.s32 s10, $0x1;
	s10 =	sld [smem:$0x3FB4]  }
0x3d: {  	_ =	shalt  }
0x3e: {  	_ =	shalt  }
0x3f: {  	_ =	shalt  }
0x40: {  	_ =	shalt  }
0x41: {  	_ =	shalt  }
0x42: {  	_ =	shalt  }
0x43: {  	_ =	shalt  }
0x44: {  	_ =	shalt  }
0x45: {  	_ =	shalt  }
0x46: {  	_ =	shalt  }
0x47: {  	_ =	shalt  }
0x48: {  	_ =	shalt  }
0x49: {  	_ =	shalt  }
0x4a: {  	_ =	shalt  }
0x4b: {  	_ =	shalt  }
0x4c: {  	_ =	shalt  }
0x4d: {  	_ =	shalt  }
0x4e: {  	_ =	shalt  }
0x4f: {  	_ =	shalt  }
0x50: {  	_ =	shalt  }
0x51: {  	_ =	shalt  }
0x52: {  	_ =	shalt  }
0x53: {  	_ =	shalt  }
0x54: {  	_ =	shalt  }
0x55: {  	_ =	shalt  }
0x56: {  	_ =	shalt  }
0x57: {  	_ =	shalt  }
0x58: {  	_ =	shalt  }
0x59: {  	_ =	shalt  }
0x5a: {  	_ =	shalt  }
0x5b: {  	_ =	shalt  }
0x5c: {  	_ =	shalt  }
0x5d: {  	_ =	shalt  }
0x5e: {  	_ =	shalt  }
0x5f: {  	_ =	shalt  }
0x60: {  	_ =	shalt  }
0x61: {  	_ =	shalt  }
0x62: {  	_ =	shalt  }
0x63: {  	_ =	shalt  }
0x64: {  	_ =	shalt  }
0x65: {  	_ =	shalt  }
0x66: {  	_ =	shalt  }
0x67: {  	_ =	shalt  }
0x68: {  	_ =	shalt  }
0x69: {  	_ =	shalt  }
0x6a: {  	_ =	shalt  }
0x6b: {  	_ =	shalt  }
0x6c: {  	_ =	shalt  }
0x6d: {  	_ =	shalt  }
0x6e: {  	_ =	shalt  }
0x6f: {  	_ =	shalt  }
0x70: {  	_ =	shalt  }
0x71: {  	_ =	shalt  }
0x72: {  	_ =	shalt  }
0x73: {  	_ =	shalt  }
0x74: {  	_ =	shalt  }
0x75: {  	_ =	shalt  }
0x76: {  	_ =	shalt  }
0x77: {  	_ =	shalt  }
0x78: {  	_ =	shalt  }
0x79: {  	_ =	shalt  }
0x7a: {  	_ =	shalt  }
0x7b: {  	_ =	shalt  }
0x7c: {  	_ =	shalt  }
0x7d: {  	_ =	shalt  }
0x7e: {  	_ =	shalt  }
0x7f: {  	_ =	shalt  }
0x80: {  	_ =	shalt  }
0x81: {  	_ =	shalt  }
0x82: {  	_ =	shalt  }
0x83: {  	_ =	shalt  }
0x84: {  	_ =	shalt  }
0x85: {  	_ =	shalt  }
0x86: {  	_ =	shalt  }
0x87: {  	_ =	shalt  }
.Lfunc_end0:
.L_simem_size_0:
called_computation_lowered:
.L_overlay_start_0:
0x88: {  	s2 =	sld [smem:$0x3FD9]  }
0x89: {  	s3 =	sld [smem:$0x3FFE];
	_ =	sdelay $0x1  }
0x8a: {  	s1 =	srdreg.scid  }
0x8b: {  	s0 =	sand.u32 $0x1, s1  }
0x8c: {  	s17 =	sshll.u32 s0, $0xA;
	s2 =	sadd.s32 s3, s2  }
0x8d: {  	s2 =	sadd.s32 s2, s17  }
0x8e: {  	[smem:$0x3FC0] =	sst s2  }
0x8f: {  	_ = 	snop  }
0x90: {  	s2 =	sld [smem:$0x3FD0];
	(tm) =	ssettm $0x1  }
0x91: {  	s18 =	sld [smem:$0x3FFB];
	_ =	sdelay $0x3  }
0x92: {  	_ =	strace s18  }
0x93: {  	s3 =	sld [smem:$0x3FFC];
	_ =	sdelay $0x3  }
0x94: {  	_ =	strace s3  }
0x95: {  	s3 =	sld [smem:$0x3FFD];
	_ =	sdelay $0x3  }
0x96: {  	_ =	strace s3  }
0x97: {  	_ =	strace $0x8FFFFFFF  }
0x98: {  	s19 =	sld [smem:$0x3FDB];
	_ =	sdelay $0x1  }
0x99: {  	s4 =	simm.s32 $_scs_section_size  }
0x9a: {  	s5 =	simm.s32 $_size__tile_overlayer_lowered;
	s6 =	simm.s32 $_tile_overlayer_lowered  }
0x9b: {  	s22 =	simm.s32 $0x1BFF;
	s21 =	sshll.u32 s6, $0x1;
	s3 =	sadd.s32 s4, s19  }
0x9c: {  	s7 =	simm.s32 $0x0;
	s20 =	sshll.u32 s5, $0x1;
	s5 =	sadd.s32 s21, s3  }
0x9d: {  	[timem:s7], [sflag:s22] =	dma.local [hbm:s5], s20  }
0x9e: {  	_ =	swait.ge [sflag:s22], s20  }
0x9f: {  	s4 =	ssub.s32 $0x0, s20;
	[sflag:s22] =	ssyncset.done $0x0  }
0xa0: {  	[sflag:s22] =	ssyncadd.s32 s4;
	_ =	sdelay $0x1  }
0xa1: {  	s23 =	simm.s32 $0x1B8B  }
0xa2: {  	_ =	swait.ge [sflag:s23], $0x1  }
0xa3: {  	[sflag:s23] =	ssyncset.done $0x0  }
0xa4: {  	s25 =	simm.s32 $0x1B8E;
	s24 =	sld [smem:$0x3FFE];
	[sflag:s23] =	ssyncadd.s32 $0xFFFFFFFF  }
0xa5: {  	s26 =	simm.s32 $execute0_lowered;
	[smem:$0x3FD2] =	sst s25  }
0xa6: {  	s5 =	sshll.u32 s26, $0x1;
	_ =	strace $0x80000046;
	[dreg:$0x1] =	wrdreg $0xFFFFFFFF  }
0xa7: {  	s28 =	simm.s32 $_size_execute0_lowered;
	s3 =	sadd.s32 s3, s5;
	[dreg:$0x0] =	wrdreg $0x0  }
0xa8: {  	s5 =	sshll.u32 s28, $0x1;
	[dreg:$0x2] =	wrdreg s3  }
0xa9: {  	[dreg:$0x3] =	wrdreg s5  }
0xaa: {  	[dreg:$0x4] =	wrdreg $0xC0  }
0xab: {  	_ =	task [dreg:s7], $0x5FFFF  }
0xac: {  	[dreg:$0x1] =	wrdreg $0xFFFFFFFF  }
0xad: {  	[dreg:$0x0] =	wrdreg $0x60  }
0xae: {  	[dreg:$0x2] =	wrdreg s2  }
0xaf: {  	[dreg:$0x3] =	wrdreg s24  }
0xb0: {  	[dreg:$0x4] =	wrdreg $0x3AD00  }
0xb1: {  	[dreg:$0x5] =	wrdreg $0x9  }
0xb2: {  	_ =	task.clear_ibuf [dreg:s7], $0x6FFFF;
	_ =	strace $0x90000046  }
0xb3: {  	s29 =	simm.s32 $0x9;
	_ =	strace $0x80000048  }
0xb4: {  	_ =	swait.ge [sflag:s29], $0x1  }
0xb5: {  	[sflag:s29] =	ssyncadd.s32 $0xFFFFFFFF  }
0xb6: {  	_ =	strace $0x90000048  }
0xb7: {  	_ =	sfence  }
0xb8: {  	s30 =	sld [smem:$0x0];
	_ =	sdelay $0x2  }
0xb9: {  	s31 =	sshll.u32 s1, $0xD;
	s1 =	sshrl.u32 s1, $0x2  }
0xba: {  	s3 =	sand.u32 $0x4000, s31;
	s1 =	sadd.s32 s1, s30  }
0xbb: {  	s0 =	sor.u32 s3, s0;
	s1 =	sshll.u32 s1, $0x11  }
0xbc: {  	s0 =	sor.u32 s1, s0  }
0xbd: {  	s0 =	sadd.s32 $0x8F2B, s0  }
0xbe: {  	[sflag:s0] =	ssyncadd.remote.s32 $0x1  }
0xbf: {  	_ =	sfence.sel $0xFFFF  }
0xc0: {  	[dreg:$0x0] =	wrdreg $0xFFFFFFFF;
	(pc) =	sbr.abs _section_cstart, $3  }
0xc1: {  	[dreg:$0x1] =	wrdreg $0xFFFFFFFF  }
0xc2: {  	_ =	task.clear_ibuf [dreg:s7], $0x2FFFF;
	_ =	strace $0x9FFFFFFF  }
0xc3: {  	(tm) =	ssettm $0x7FFFFFFF  }
tec
execute0_lowered:
.L_overlay_start_1:
0x0: {  	(tag) =	ssettag $0x1  }
0x1: {  	s10 =	rddreg [dreg:$0x0]  }
0x2: {  	s20 =	rddreg [dreg:$0x1]  }
0x3: {  	s1 =	rddreg [dreg:$0x2]  }
0x4: {  	s0 =	rddreg [dreg:$0x3];
	s2 =	simm.s32 $0x0;
	s6 =	srdreg.scid  }
0x5: {  	s3 =	stileid.u32;
	s7 =	simm.s32 $0x13C0;
	[smem:$0x7FF] =	sst s2  }
0x6: {  	s4 =	sadd.s32 $0x5000, s20;
	s5 =	sadd.s32 $0x4A00, s20;
	s22 =	sand.u32 $0x1, s6  }
0x7: {  	s21 =	smul.u32 $0x2800, s3;
	s6 =	simm.s32 $0x1;
	_ =	strace $0x80000047  }
0x8: {  	[tilespmem:s7], [sflag:$0x1] =	stream.linear.gather [hbm4b:s4+s2], $0x2710, $0x38;
	[tilespmem:$0x62D0] =	vst v63  }
0x9: {  	s12 =	sshll.u32 s3, $0x1;
	s8 =	sshll.u32 s3, $0x6;
	_ =	swait.ge [sflag:s6], $0x2710  }
0xa: {  	s11 =	sshll.u32 s22, $0x5;
	s9 =	sadd.s32 s21, s1;
	[sflag:s6] =	ssyncset.done $0x0  }
0xb: {  	s8 =	sor.u32 $0x1C01, s8;
	s9 =	sshrl.u32 s9, $0x3;
	[sflag:s6] =	ssyncadd.s32 $0xFFFFD8F0  }
0xc: {  	[spmem:s9], [sflag:s8] =	dma.local [hbm:s5], $0x500  }
0xd: {  	s11 =	sor.u32 s12, s11;
	_ =	swait.ge [sflag:s6], $0x500  }
0xe: {  	s11 =	smul.u32 $0x278, s11;
	[sflag:s6] =	ssyncset.done $0x0  }
0xf: {  	[sflag:s6] =	ssyncadd.s32 $0xFFFFFB00  }
0x10: {  	s10 =	sadd.s32 s10, s11;
	[bflag:$0x0] =	sbarrier.arrive $0xFFFF  }
0x11: {  	[tilespmem:s2], [sflag:$0x1] =	stream.linear.gather [hbm4b:s10+s2], $0x13C0, $0x38;
	[tilespmem:$0x62D0] =	vst v63  }
0x12: {  	_ =	swait.ge [sflag:s6], $0x13C0  }
0x13: {  	[sflag:s6] =	ssyncset.done $0x0  }
0x14: {  	s11 =	simm.s32 $0x271;
	[sflag:s6] =	ssyncadd.s32 $0xFFFFEC40  }
0x15: {  	[spmem:s1] =	stream.indirect.scatter.add.f32 [tilespmem:s7], [sflag:$0x1], $0x10, s2, s11, $0xb8;
	[tilespmem:$0x62D0] =	vst v63  }
0x16: {  	_ =	swait.ge [sflag:s6], $0x2710  }
0x17: {  	[sflag:s6] =	ssyncset.done $0x0  }
0x18: {  	s12 =	simm.s32 $0x278;
	[sflag:s6] =	ssyncadd.s32 $0xFFFFD8F0  }
0x19: {  	[spmem:s1] =	stream.indirect.scatter.add.f32 [tilespmem:s7], [sflag:$0x1], $0x10, s12, s11, $0xb8;
	[tilespmem:$0x62D0] =	vst v63  }
0x1a: {  	_ =	swait.ge [sflag:s6], $0x2710  }
0x1b: {  	[sflag:s6] =	ssyncset.done $0x0  }
0x1c: {  	s13 =	simm.s32 $0x4F0;
	[sflag:s6] =	ssyncadd.s32 $0xFFFFD8F0  }
0x1d: {  	[spmem:s1] =	stream.indirect.scatter.add.f32 [tilespmem:s7], [sflag:$0x1], $0x10, s13, s11, $0xb8;
	[tilespmem:$0x62D0] =	vst v63  }
0x1e: {  	_ =	swait.ge [sflag:s6], $0x2710  }
0x1f: {  	[sflag:s6] =	ssyncset.done $0x0  }
0x20: {  	s14 =	simm.s32 $0x768;
	[sflag:s6] =	ssyncadd.s32 $0xFFFFD8F0  }
0x21: {  	[spmem:s1] =	stream.indirect.scatter.add.f32 [tilespmem:s7], [sflag:$0x1], $0x10, s14, s11, $0xb8;
	[tilespmem:$0x62D0] =	vst v63  }
0x22: {  	_ =	swait.ge [sflag:s6], $0x2710  }
0x23: {  	[sflag:s6] =	ssyncset.done $0x0  }
0x24: {  	s15 =	simm.s32 $0x9E0;
	[sflag:s6] =	ssyncadd.s32 $0xFFFFD8F0  }
0x25: {  	[spmem:s1] =	stream.indirect.scatter.add.f32 [tilespmem:s7], [sflag:$0x1], $0x10, s15, s11, $0xb8;
	[tilespmem:$0x62D0] =	vst v63  }
0x26: {  	_ =	swait.ge [sflag:s6], $0x2710  }
0x27: {  	[sflag:s6] =	ssyncset.done $0x0  }
0x28: {  	s16 =	simm.s32 $0xC58;
	[sflag:s6] =	ssyncadd.s32 $0xFFFFD8F0  }
0x29: {  	[spmem:s1] =	stream.indirect.scatter.add.f32 [tilespmem:s7], [sflag:$0x1], $0x10, s16, s11, $0xb8;
	[tilespmem:$0x62D0] =	vst v63  }
0x2a: {  	_ =	swait.ge [sflag:s6], $0x2710  }
0x2b: {  	[sflag:s6] =	ssyncset.done $0x0  }
0x2c: {  	s17 =	simm.s32 $0xED0;
	[sflag:s6] =	ssyncadd.s32 $0xFFFFD8F0  }
0x2d: {  	[spmem:s1] =	stream.indirect.scatter.add.f32 [tilespmem:s7], [sflag:$0x1], $0x10, s17, s11, $0xb8;
	[tilespmem:$0x62D0] =	vst v63  }
0x2e: {  	_ =	swait.ge [sflag:s6], $0x2710  }
0x2f: {  	[sflag:s6] =	ssyncset.done $0x0  }
0x30: {  	s18 =	simm.s32 $0x1148;
	[sflag:s6] =	ssyncadd.s32 $0xFFFFD8F0  }
0x31: {  	[spmem:s1] =	stream.indirect.scatter.add.f32 [tilespmem:s7], [sflag:$0x1], $0x10, s18, s11, $0xb8;
	[tilespmem:$0x62D0] =	vst v63  }
0x32: {  	_ =	swait.ge [sflag:s6], $0x2710  }
0x33: {  	[sflag:s6] =	ssyncset.done $0x0  }
0x34: {  	s19 =	sadd.s32 $0x278, s10;
	[sflag:s6] =	ssyncadd.s32 $0xFFFFD8F0  }
0x35: {  	[tilespmem:s2], [sflag:$0x1] =	stream.linear.gather [hbm4b:s19+s2], $0x13C0, $0x38;
	[tilespmem:$0x62D0] =	vst v63  }
0x36: {  	_ =	swait.ge [sflag:s6], $0x13C0  }
0x37: {  	[sflag:s6] =	ssyncset.done $0x0  }
0x38: {  	[sflag:s6] =	ssyncadd.s32 $0xFFFFEC40  }
0x39: {  	[spmem:s1] =	stream.indirect.scatter.add.f32 [tilespmem:s7], [sflag:$0x1], $0x10, s2, s11, $0xb8;
	[tilespmem:$0x62D0] =	vst v63  }
0x3a: {  	_ =	swait.ge [sflag:s6], $0x2710  }
0x3b: {  	[sflag:s6] =	ssyncset.done $0x0  }
0x3c: {  	[sflag:s6] =	ssyncadd.s32 $0xFFFFD8F0  }
0x3d: {  	[spmem:s1] =	stream.indirect.scatter.add.f32 [tilespmem:s7], [sflag:$0x1], $0x10, s12, s11, $0xb8;
	[tilespmem:$0x62D0] =	vst v63  }
0x3e: {  	_ =	swait.ge [sflag:s6], $0x2710  }
0x3f: {  	[sflag:s6] =	ssyncset.done $0x0  }
0x40: {  	[sflag:s6] =	ssyncadd.s32 $0xFFFFD8F0  }
0x41: {  	[spmem:s1] =	stream.indirect.scatter.add.f32 [tilespmem:s7], [sflag:$0x1], $0x10, s13, s11, $0xb8;
	[tilespmem:$0x62D0] =	vst v63  }
0x42: {  	_ =	swait.ge [sflag:s6], $0x2710  }
0x43: {  	[sflag:s6] =	ssyncset.done $0x0  }
0x44: {  	[sflag:s6] =	ssyncadd.s32 $0xFFFFD8F0  }
0x45: {  	[spmem:s1] =	stream.indirect.scatter.add.f32 [tilespmem:s7], [sflag:$0x1], $0x10, s14, s11, $0xb8;
	[tilespmem:$0x62D0] =	vst v63  }
0x46: {  	_ =	swait.ge [sflag:s6], $0x2710  }
0x47: {  	[sflag:s6] =	ssyncset.done $0x0  }
0x48: {  	[sflag:s6] =	ssyncadd.s32 $0xFFFFD8F0  }
0x49: {  	[spmem:s1] =	stream.indirect.scatter.add.f32 [tilespmem:s7], [sflag:$0x1], $0x10, s15, s11, $0xb8;
	[tilespmem:$0x62D0] =	vst v63  }
0x4a: {  	_ =	swait.ge [sflag:s6], $0x2710  }
0x4b: {  	[sflag:s6] =	ssyncset.done $0x0  }
0x4c: {  	[sflag:s6] =	ssyncadd.s32 $0xFFFFD8F0  }
0x4d: {  	[spmem:s1] =	stream.indirect.scatter.add.f32 [tilespmem:s7], [sflag:$0x1], $0x10, s16, s11, $0xb8;
	[tilespmem:$0x62D0] =	vst v63  }
0x4e: {  	_ =	swait.ge [sflag:s6], $0x2710  }
0x4f: {  	[sflag:s6] =	ssyncset.done $0x0  }
0x50: {  	[sflag:s6] =	ssyncadd.s32 $0xFFFFD8F0  }
0x51: {  	[spmem:s1] =	stream.indirect.scatter.add.f32 [tilespmem:s7], [sflag:$0x1], $0x10, s17, s11, $0xb8;
	[tilespmem:$0x62D0] =	vst v63  }
0x52: {  	s23 =	ssub.s32 $0x2, s22;
	_ =	swait.ge [sflag:s6], $0x2710  }
0x53: {  	p0 =	seq.s32 s22, $0x1;
	s24 =	sshrl.u32 s23, $0x1;
	[sflag:s6] =	ssyncset.done $0x0  }
0x54: {  	s22 =	simm.s32 $0x5600;
	s23 =	ssub.s32 s23, s24;
	[sflag:s6] =	ssyncadd.s32 $0xFFFFD8F0  }
0x55: {  	[spmem:s1] =	stream.indirect.scatter.add.f32 [tilespmem:s7], [sflag:$0x1], $0x10, s18, s11, $0xb8;
	[tilespmem:$0x62D0] =	vst v63  }
0x56: {  	s22 =	simm.s32 @!p0 $0xA600;
	s31 =	smax.u32 s23, $0x1;
	_ =	swait.ge [sflag:s6], $0x2710  }
0x57: {  	s21 =	sshrl.u32 s21, $0x3;
	p0 =	sne.s32 s31, $0x1;
	[sflag:s6] =	ssyncset.done $0x0  }
.Ltmp0:
0x58: {  	s20 =	sadd.s32 s22, s20;
	[sflag:s6] =	ssyncadd.s32 $0xFFFFD8F0;
	(pc) =	sbr.rel @!p0 .LBB2_2-.Ltmp0, $4  }
0x59: {  	s20 =	sadd.s32 s20, s21;
	[bflag:$0x0] =	sbarrier.arrive $0xFFFF  }
0x5a: {  	[hbm:s20], [sflag:s8] =	dma.local [spmem:s9], $0x500  }
0x5b: {  	_ =	swait.ge [sflag:s6], $0x500  }
0x5c: {  	s21 =	sadd.s32 $0xFFFFFFFF, s31;
	[sflag:s6] =	ssyncset.done $0x0  }
.LBB2_1:
0x5d: {  	p0 =	sne.s32 s21, $0x1;
	s21 =	sadd.s32 $0xFFFFFFFF, s21;
	[sflag:s6] =	ssyncadd.s32 $0xFFFFFB00  }
0x5e: {  	[tilespmem:s7], [sflag:$0x1] =	stream.linear.gather [hbm4b:s4+s2], $0x2710, $0x38;
	[tilespmem:$0x62D0] =	vst v63  }
0x5f: {  	_ =	swait.ge [sflag:s6], $0x2710  }
0x60: {  	[sflag:s6] =	ssyncset.done $0x0  }
0x61: {  	[sflag:s6] =	ssyncadd.s32 $0xFFFFD8F0  }
0x62: {  	[spmem:s9], [sflag:s8] =	dma.local [hbm:s5], $0x500  }
0x63: {  	_ =	swait.ge [sflag:s6], $0x500  }
0x64: {  	[sflag:s6] =	ssyncset.done $0x0  }
0x65: {  	[sflag:s6] =	ssyncadd.s32 $0xFFFFFB00  }
0x66: {  	[bflag:$0x0] =	sbarrier.arrive $0xFFFF  }
0x67: {  	[tilespmem:s2], [sflag:$0x1] =	stream.linear.gather [hbm4b:s10+s2], $0x13C0, $0x38;
	[tilespmem:$0x62D0] =	vst v63  }
0x68: {  	_ =	swait.ge [sflag:s6], $0x13C0  }
0x69: {  	[sflag:s6] =	ssyncset.done $0x0  }
0x6a: {  	[sflag:s6] =	ssyncadd.s32 $0xFFFFEC40  }
0x6b: {  	[spmem:s1] =	stream.indirect.scatter.add.f32 [tilespmem:s7], [sflag:$0x1], $0x10, s2, s11, $0xb8;
	[tilespmem:$0x62D0] =	vst v63  }
0x6c: {  	_ =	swait.ge [sflag:s6], $0x2710  }
0x6d: {  	[sflag:s6] =	ssyncset.done $0x0  }
0x6e: {  	[sflag:s6] =	ssyncadd.s32 $0xFFFFD8F0  }
0x6f: {  	[spmem:s1] =	stream.indirect.scatter.add.f32 [tilespmem:s7], [sflag:$0x1], $0x10, s12, s11, $0xb8;
	[tilespmem:$0x62D0] =	vst v63  }
0x70: {  	_ =	swait.ge [sflag:s6], $0x2710  }
0x71: {  	[sflag:s6] =	ssyncset.done $0x0  }
0x72: {  	[sflag:s6] =	ssyncadd.s32 $0xFFFFD8F0  }
0x73: {  	[spmem:s1] =	stream.indirect.scatter.add.f32 [tilespmem:s7], [sflag:$0x1], $0x10, s13, s11, $0xb8;
	[tilespmem:$0x62D0] =	vst v63  }
0x74: {  	_ =	swait.ge [sflag:s6], $0x2710  }
0x75: {  	[sflag:s6] =	ssyncset.done $0x0  }
0x76: {  	[sflag:s6] =	ssyncadd.s32 $0xFFFFD8F0  }
0x77: {  	[spmem:s1] =	stream.indirect.scatter.add.f32 [tilespmem:s7], [sflag:$0x1], $0x10, s14, s11, $0xb8;
	[tilespmem:$0x62D0] =	vst v63  }
0x78: {  	_ =	swait.ge [sflag:s6], $0x2710  }
0x79: {  	[sflag:s6] =	ssyncset.done $0x0  }
0x7a: {  	[sflag:s6] =	ssyncadd.s32 $0xFFFFD8F0  }
0x7b: {  	[spmem:s1] =	stream.indirect.scatter.add.f32 [tilespmem:s7], [sflag:$0x1], $0x10, s15, s11, $0xb8;
	[tilespmem:$0x62D0] =	vst v63  }
0x7c: {  	_ =	swait.ge [sflag:s6], $0x2710  }
0x7d: {  	[sflag:s6] =	ssyncset.done $0x0  }
0x7e: {  	[sflag:s6] =	ssyncadd.s32 $0xFFFFD8F0  }
0x7f: {  	[spmem:s1] =	stream.indirect.scatter.add.f32 [tilespmem:s7], [sflag:$0x1], $0x10, s16, s11, $0xb8;
	[tilespmem:$0x62D0] =	vst v63  }
0x80: {  	_ =	swait.ge [sflag:s6], $0x2710  }
0x81: {  	[sflag:s6] =	ssyncset.done $0x0  }
0x82: {  	[sflag:s6] =	ssyncadd.s32 $0xFFFFD8F0  }
0x83: {  	[spmem:s1] =	stream.indirect.scatter.add.f32 [tilespmem:s7], [sflag:$0x1], $0x10, s17, s11, $0xb8;
	[tilespmem:$0x62D0] =	vst v63  }
0x84: {  	_ =	swait.ge [sflag:s6], $0x2710  }
0x85: {  	[sflag:s6] =	ssyncset.done $0x0  }
0x86: {  	[sflag:s6] =	ssyncadd.s32 $0xFFFFD8F0  }
0x87: {  	[spmem:s1] =	stream.indirect.scatter.add.f32 [tilespmem:s7], [sflag:$0x1], $0x10, s18, s11, $0xb8;
	[tilespmem:$0x62D0] =	vst v63  }
0x88: {  	_ =	swait.ge [sflag:s6], $0x2710  }
0x89: {  	[sflag:s6] =	ssyncset.done $0x0  }
0x8a: {  	[sflag:s6] =	ssyncadd.s32 $0xFFFFD8F0  }
0x8b: {  	[tilespmem:s2], [sflag:$0x1] =	stream.linear.gather [hbm4b:s19+s2], $0x13C0, $0x38;
	[tilespmem:$0x62D0] =	vst v63  }
0x8c: {  	_ =	swait.ge [sflag:s6], $0x13C0  }
0x8d: {  	[sflag:s6] =	ssyncset.done $0x0  }
0x8e: {  	[sflag:s6] =	ssyncadd.s32 $0xFFFFEC40  }
0x8f: {  	[spmem:s1] =	stream.indirect.scatter.add.f32 [tilespmem:s7], [sflag:$0x1], $0x10, s2, s11, $0xb8;
	[tilespmem:$0x62D0] =	vst v63  }
0x90: {  	_ =	swait.ge [sflag:s6], $0x2710  }
0x91: {  	[sflag:s6] =	ssyncset.done $0x0  }
0x92: {  	[sflag:s6] =	ssyncadd.s32 $0xFFFFD8F0  }
0x93: {  	[spmem:s1] =	stream.indirect.scatter.add.f32 [tilespmem:s7], [sflag:$0x1], $0x10, s12, s11, $0xb8;
	[tilespmem:$0x62D0] =	vst v63  }
0x94: {  	_ =	swait.ge [sflag:s6], $0x2710  }
0x95: {  	[sflag:s6] =	ssyncset.done $0x0  }
0x96: {  	[sflag:s6] =	ssyncadd.s32 $0xFFFFD8F0  }
0x97: {  	[spmem:s1] =	stream.indirect.scatter.add.f32 [tilespmem:s7], [sflag:$0x1], $0x10, s13, s11, $0xb8;
	[tilespmem:$0x62D0] =	vst v63  }
0x98: {  	_ =	swait.ge [sflag:s6], $0x2710  }
0x99: {  	[sflag:s6] =	ssyncset.done $0x0  }
0x9a: {  	[sflag:s6] =	ssyncadd.s32 $0xFFFFD8F0  }
0x9b: {  	[spmem:s1] =	stream.indirect.scatter.add.f32 [tilespmem:s7], [sflag:$0x1], $0x10, s14, s11, $0xb8;
	[tilespmem:$0x62D0] =	vst v63  }
0x9c: {  	_ =	swait.ge [sflag:s6], $0x2710  }
0x9d: {  	[sflag:s6] =	ssyncset.done $0x0  }
0x9e: {  	[sflag:s6] =	ssyncadd.s32 $0xFFFFD8F0  }
0x9f: {  	[spmem:s1] =	stream.indirect.scatter.add.f32 [tilespmem:s7], [sflag:$0x1], $0x10, s15, s11, $0xb8;
	[tilespmem:$0x62D0] =	vst v63  }
0xa0: {  	_ =	swait.ge [sflag:s6], $0x2710  }
0xa1: {  	[sflag:s6] =	ssyncset.done $0x0  }
0xa2: {  	[sflag:s6] =	ssyncadd.s32 $0xFFFFD8F0  }
0xa3: {  	[spmem:s1] =	stream.indirect.scatter.add.f32 [tilespmem:s7], [sflag:$0x1], $0x10, s16, s11, $0xb8;
	[tilespmem:$0x62D0] =	vst v63  }
0xa4: {  	_ =	swait.ge [sflag:s6], $0x2710  }
0xa5: {  	[sflag:s6] =	ssyncset.done $0x0  }
0xa6: {  	[sflag:s6] =	ssyncadd.s32 $0xFFFFD8F0  }
0xa7: {  	[spmem:s1] =	stream.indirect.scatter.add.f32 [tilespmem:s7], [sflag:$0x1], $0x10, s17, s11, $0xb8;
	[tilespmem:$0x62D0] =	vst v63  }
0xa8: {  	_ =	swait.ge [sflag:s6], $0x2710  }
0xa9: {  	[sflag:s6] =	ssyncset.done $0x0  }
0xaa: {  	[sflag:s6] =	ssyncadd.s32 $0xFFFFD8F0  }
0xab: {  	[spmem:s1] =	stream.indirect.scatter.add.f32 [tilespmem:s7], [sflag:$0x1], $0x10, s18, s11, $0xb8;
	[tilespmem:$0x62D0] =	vst v63  }
0xac: {  	_ =	swait.ge [sflag:s6], $0x2710  }
0xad: {  	[sflag:s6] =	ssyncset.done $0x0  }
.Ltmp1:
0xae: {  	[sflag:s6] =	ssyncadd.s32 $0xFFFFD8F0;
	(pc) =	sbr.rel @p0 .LBB2_1-.Ltmp1, $4  }
0xaf: {  	[bflag:$0x0] =	sbarrier.arrive $0xFFFF  }
0xb0: {  	[hbm:s20], [sflag:s8] =	dma.local [spmem:s9], $0x500  }
0xb1: {  	_ =	swait.ge [sflag:s6], $0x500  }
0xb2: {  	[sflag:s6] =	ssyncset.done $0x0  }
.LBB2_2:
0xb3: {  	[sflag:s6] =	ssyncadd.s32 $0xFFFFFB00  }
0xb4: {  	_ =	sfence.sel $0x180000  }
0xb5: {  	[bflag:$0x0] =	sbarrier.arrive $0xFFFF  }
0xb6: {  	p0 =	sne.s32 s3, $0x0;
	_ =	strace $0x90000047  }
0xb7: {  	s0 =	sadd.s32 @!p0 $0x100000, s0;
	[bflag:$0x2] =	sbarrier.arrive $0xFFFF  }
0xb8: {  	[sflag:s0] =	ssyncadd.tile.s32 @!p0 $0x1;
	_ =	shalt  }
.Lfunc_end2:
_tile_overlayer_lowered:
.L_overlay_start_2:
0xb9: {  	(tag) =	ssettag $0x2  }
0xba: {  	s0 =	rddreg [dreg:$0x0];
	s2 =	stileid.u32  }
0xbb: {  	s1 =	rddreg [dreg:$0x1];
	p0 =	sne.s32 s2, $0x0  }
0xbc: {  	s3 =	rddreg [dreg:$0x2];
	[bflag:$0x3] =	sbarrier.arrive $0xFFFF;
	s2 =	simm.s32 @!p0 $0x1C01  }
0xbd: {  	[timem:s3], [sflag:s2] =	dma.local @!p0 [hbm:s0], s1  }
0xbe: {  	s0 =	simm.s32 @!p0 $0x1  }
0xbf: {  	_ =	swait.ge @!p0 [sflag:s0], s1  }
0xc0: {  	s1 =	ssub.s32 @!p0 $0x0, s1;
	[sflag:s0] =	ssyncset.done @!p0 $0x0  }
0xc1: {  	[sflag:s0] =	ssyncadd.s32 @!p0 s1  }
0xc2: {  	[bflag:$0x3] =	sbarrier.arrive $0xFFFF  }
0xc3: {  	_ =	shalt  }

// kernel: kernel.13.cloned.1.call-start
scs
__scs_entry_jumppad:
0x0: {  	(pc) =	sbr.rel $0x88, $3  }
0x1: {  	(tag) =	ssettag $0x0;
	lr =	simm.s32 $0x1  }
0x2: {  	[smem:$0x3F99] =	sst lr;
	_ =	strace $0xD0000000  }
0x3: {  	_ = 	snop  }
0x4: {  	_ = 	snop  }
0x5: {  	_ = 	snop  }
0x6: {  	_ = 	snop  }
0x7: {  	_ = 	snop  }
__scs_overlays_trampoline_lowered:
0x8: {  	[smem:$0x3FA8] =	sst s0  }
0x9: {  	[smem:$0x3FA9] =	sst s1  }
0xa: {  	[smem:$0x3FAA] =	sst s2  }
0xb: {  	[smem:$0x3FAB] =	sst s3  }
0xc: {  	[smem:$0x3FAC] =	sst s4  }
0xd: {  	[smem:$0x3FAD] =	sst s5  }
0xe: {  	[smem:$0x3FAE] =	sst s6  }
0xf: {  	[smem:$0x3FAF] =	sst s7  }
0x10: {  	[smem:$0x3FB0] =	sst s8  }
0x11: {  	[smem:$0x3FB1] =	sst s9;
	s0 =	simm.s32 @!p0 $0x0  }
0x12: {  	s1 =	sld [smem:$0x3F97];
	s0 =	simm.s32 @p0 $0x1  }
0x13: {  	[smem:$0x3FB2] =	sst s0;
	s0 =	simm.s32 @!p1 $0x0  }
0x14: {  	s2 =	sld [smem:$0x3F96];
	s0 =	simm.s32 @p1 $0x1  }
0x15: {  	[smem:$0x3FB3] =	sst s0;
	s0 =	simm.s32 @!p2 $0x0  }
0x16: {  	s3 =	sld [smem:$0x3FDB];
	s0 =	simm.s32 @p2 $0x1  }
0x17: {  	s4 =	simm.s32 $0x1BF5;
	[smem:$0x3FB5] =	sst s0  }
0x18: {  	s0 =	sld [smem:$0x3F98];
	_ =	swait.ge [sflag:s4], $0x0  }
0x19: {  	s7 =	sld [smem:$0x3F99]  }
0x1a: {  	s8 =	sadd.s32 $0xFFFFE003, lr  }
0x1b: {  	s9 =	sadd.s32 $0xFFFFFEF7, lr;
	s5 =	simm.s32 $0xFFFFFFFF;
	p2 =	slt.u32 s8, $0xFFFFF086  }
0x1c: {  	p1 =	slt.u32 s9, $0xF7A;
	s5 =	simm.s32 @!p2 $0x0  }
0x1d: {  	s5 =	simm.s32 @p1 $0x1;
	p0 =	seq.s32 s7, s2  }
0x1e: {  	s7 =	smul.u32 @!p0 $0xF7A, s2;
	p2 =	seq.s32 @!p0 s5, $0x0  }
0x1f: {  	s9 =	smul.u32 $0xF7A, s1;
	s8 =	simm.s32 @!p0 $0x1BF5;
	p2 =	por !p2, p0  }
0x20: {  	[sflag:s8] =	ssyncset.s32 @!p0 $0xFFFFF086;
	s6 =	sadd.s32 @!p0 s3, s7;
	s7 =	simm.s32 @!p0 $0x108  }
0x21: {  	s3 =	sadd.s32 s3, s9;
	s6 =	sadd.s32 @!p0 $0x88, s6;
	s7 =	simm.s32 @p2 $0x1082  }
0x22: {  	[simem:s7], [sflag:s8] =	dma.local @!p0 [hbm:s6], $0xF7A  }
0x23: {  	s9 =	sor.u32 $0xD0000000, s2;
	s6 =	simm.s32 $0x108;
	_ =	swait.ge @!p0 [sflag:s8], $0x0  }
0x24: {  	s3 =	sadd.s32 $0x88, s3;
	s6 =	simm.s32 @!p1 $0x1082;
	[sflag:s4] =	ssyncset.s32 $0xFFFFF086  }
0x25: {  	[simem:s6], [sflag:s4] =	dma.local [hbm:s3], $0xF7A  }
0x26: {  	[smem:$0x3F99] =	sst s1;
	(tag) =	ssettag s2;
	_ =	strace s9  }
0x27: {  	s1 =	sld [smem:$0x3FA9]  }
0x28: {  	s2 =	sld [smem:$0x3FAA]  }
0x29: {  	s4 =	sld [smem:$0x3FAC]  }
0x2a: {  	p0 =	seq.s32 s5, $0x0;
	s5 =	sld [smem:$0x3FAD]  }
0x2b: {  	s6 =	sld [smem:$0x3FAE]  }
0x2c: {  	s7 =	sld [smem:$0x3FAF]  }
0x2d: {  	s3 =	simm.s32 $0x108;
	s8 =	sld [smem:$0x3FB0]  }
0x2e: {  	s3 =	simm.s32 @!p0 $0x1082;
	s9 =	sld [smem:$0x3FB1]  }
0x2f: {  	lr =	sadd.s32 s0, s3;
	s0 =	sld [smem:$0x3FA8]  }
0x30: {  	s3 =	sld [smem:$0x3FAB]  }
0x31: {  	[smem:$0x3FB4] =	sst s10  }
0x32: {  	s10 =	sld [smem:$0x3FB2];
	_ =	sdelay $0x3  }
0x33: {  	p0 =	seq.s32 s10, $0x1;
	s10 =	sld [smem:$0x3FB4];
	_ =	sdelay $0x3  }
0x34: {  	[smem:$0x3FB4] =	sst s10  }
0x35: {  	s10 =	sld [smem:$0x3FB3];
	_ =	sdelay $0x3  }
0x36: {  	p1 =	seq.s32 s10, $0x1;
	s10 =	sld [smem:$0x3FB4];
	_ =	sdelay $0x3  }
0x37: {  	[smem:$0x3FB4] =	sst s10  }
0x38: {  	s10 =	sld [smem:$0x3FB5]  }
0x39: {  	_ = 	snop;
	(pc) =	sbr.ind lr, $3  }
0x3a: {  	_ = 	snop  }
0x3b: {  	_ = 	snop  }
0x3c: {  	p2 =	seq.s32 s10, $0x1;
	s10 =	sld [smem:$0x3FB4]  }
0x3d: {  	_ =	shalt  }
0x3e: {  	_ =	shalt  }
0x3f: {  	_ =	shalt  }
0x40: {  	_ =	shalt  }
0x41: {  	_ =	shalt  }
0x42: {  	_ =	shalt  }
0x43: {  	_ =	shalt  }
0x44: {  	_ =	shalt  }
0x45: {  	_ =	shalt  }
0x46: {  	_ =	shalt  }
0x47: {  	_ =	shalt  }
0x48: {  	_ =	shalt  }
0x49: {  	_ =	shalt  }
0x4a: {  	_ =	shalt  }
0x4b: {  	_ =	shalt  }
0x4c: {  	_ =	shalt  }
0x4d: {  	_ =	shalt  }
0x4e: {  	_ =	shalt  }
0x4f: {  	_ =	shalt  }
0x50: {  	_ =	shalt  }
0x51: {  	_ =	shalt  }
0x52: {  	_ =	shalt  }
0x53: {  	_ =	shalt  }
0x54: {  	_ =	shalt  }
0x55: {  	_ =	shalt  }
0x56: {  	_ =	shalt  }
0x57: {  	_ =	shalt  }
0x58: {  	_ =	shalt  }
0x59: {  	_ =	shalt  }
0x5a: {  	_ =	shalt  }
0x5b: {  	_ =	shalt  }
0x5c: {  	_ =	shalt  }
0x5d: {  	_ =	shalt  }
0x5e: {  	_ =	shalt  }
0x5f: {  	_ =	shalt  }
0x60: {  	_ =	shalt  }
0x61: {  	_ =	shalt  }
0x62: {  	_ =	shalt  }
0x63: {  	_ =	shalt  }
0x64: {  	_ =	shalt  }
0x65: {  	_ =	shalt  }
0x66: {  	_ =	shalt  }
0x67: {  	_ =	shalt  }
0x68: {  	_ =	shalt  }
0x69: {  	_ =	shalt  }
0x6a: {  	_ =	shalt  }
0x6b: {  	_ =	shalt  }
0x6c: {  	_ =	shalt  }
0x6d: {  	_ =	shalt  }
0x6e: {  	_ =	shalt  }
0x6f: {  	_ =	shalt  }
0x70: {  	_ =	shalt  }
0x71: {  	_ =	shalt  }
0x72: {  	_ =	shalt  }
0x73: {  	_ =	shalt  }
0x74: {  	_ =	shalt  }
0x75: {  	_ =	shalt  }
0x76: {  	_ =	shalt  }
0x77: {  	_ =	shalt  }
0x78: {  	_ =	shalt  }
0x79: {  	_ =	shalt  }
0x7a: {  	_ =	shalt  }
0x7b: {  	_ =	shalt  }
0x7c: {  	_ =	shalt  }
0x7d: {  	_ =	shalt  }
0x7e: {  	_ =	shalt  }
0x7f: {  	_ =	shalt  }
0x80: {  	_ =	shalt  }
0x81: {  	_ =	shalt  }
0x82: {  	_ =	shalt  }
0x83: {  	_ =	shalt  }
0x84: {  	_ =	shalt  }
0x85: {  	_ =	shalt  }
0x86: {  	_ =	shalt  }
0x87: {  	_ =	shalt  }
.Lfunc_end0:
.L_simem_size_0:
called_computation.1_lowered:
.L_overlay_start_0:
0x88: {  	s2 =	sld [smem:$0x3FD9]  }
0x89: {  	s3 =	sld [smem:$0x3FFE];
	_ =	sdelay $0x1  }
0x8a: {  	s1 =	srdreg.scid  }
0x8b: {  	s0 =	sand.u32 $0x1, s1  }
0x8c: {  	s17 =	sshll.u32 s0, $0xA;
	s2 =	sadd.s32 s3, s2  }
0x8d: {  	s2 =	sadd.s32 s2, s17  }
0x8e: {  	[smem:$0x3FC0] =	sst s2  }
0x8f: {  	_ = 	snop  }
0x90: {  	s2 =	sld [smem:$0x3FD0];
	(tm) =	ssettm $0x1  }
0x91: {  	s18 =	sld [smem:$0x3FFB];
	_ =	sdelay $0x3  }
0x92: {  	_ =	strace s18  }
0x93: {  	s3 =	sld [smem:$0x3FFC];
	_ =	sdelay $0x3  }
0x94: {  	_ =	strace s3  }
0x95: {  	s3 =	sld [smem:$0x3FFD];
	_ =	sdelay $0x3  }
0x96: {  	_ =	strace s3  }
0x97: {  	_ =	strace $0x8FFFFFFF  }
0x98: {  	s19 =	sld [smem:$0x3FDB];
	_ =	sdelay $0x1  }
0x99: {  	s4 =	simm.s32 $_scs_section_size  }
0x9a: {  	s5 =	simm.s32 $_size__tile_overlayer_lowered;
	s6 =	simm.s32 $_tile_overlayer_lowered  }
0x9b: {  	s22 =	simm.s32 $0x1BFF;
	s21 =	sshll.u32 s6, $0x1;
	s3 =	sadd.s32 s4, s19  }
0x9c: {  	s7 =	simm.s32 $0x0;
	s20 =	sshll.u32 s5, $0x1;
	s5 =	sadd.s32 s21, s3  }
0x9d: {  	[timem:s7], [sflag:s22] =	dma.local [hbm:s5], s20  }
0x9e: {  	_ =	swait.ge [sflag:s22], s20  }
0x9f: {  	s4 =	ssub.s32 $0x0, s20;
	[sflag:s22] =	ssyncset.done $0x0  }
0xa0: {  	[sflag:s22] =	ssyncadd.s32 s4;
	_ =	sdelay $0x1  }
0xa1: {  	s23 =	simm.s32 $0x1B8B  }
0xa2: {  	_ =	swait.ge [sflag:s23], $0x1  }
0xa3: {  	[sflag:s23] =	ssyncset.done $0x0  }
0xa4: {  	s25 =	simm.s32 $0x1B8E;
	s24 =	sld [smem:$0x3FFE];
	[sflag:s23] =	ssyncadd.s32 $0xFFFFFFFF  }
0xa5: {  	s26 =	simm.s32 $execute0_lowered;
	[smem:$0x3FD2] =	sst s25  }
0xa6: {  	s5 =	sshll.u32 s26, $0x1;
	_ =	strace $0x80000049;
	[dreg:$0x1] =	wrdreg $0xFFFFFFFF  }
0xa7: {  	s28 =	simm.s32 $_size_execute0_lowered;
	s3 =	sadd.s32 s3, s5;
	[dreg:$0x0] =	wrdreg $0x0  }
0xa8: {  	s5 =	sshll.u32 s28, $0x1;
	[dreg:$0x2] =	wrdreg s3  }
0xa9: {  	[dreg:$0x3] =	wrdreg s5  }
0xaa: {  	[dreg:$0x4] =	wrdreg $0xC0  }
0xab: {  	_ =	task [dreg:s7], $0x5FFFF  }
0xac: {  	[dreg:$0x1] =	wrdreg $0xFFFFFFFF  }
0xad: {  	[dreg:$0x0] =	wrdreg $0x60  }
0xae: {  	[dreg:$0x2] =	wrdreg s24  }
0xaf: {  	[dreg:$0x3] =	wrdreg s2  }
0xb0: {  	[dreg:$0x4] =	wrdreg $0x160000  }
0xb1: {  	[dreg:$0x5] =	wrdreg $0x9  }
0xb2: {  	_ =	task.clear_ibuf [dreg:s7], $0x6FFFF;
	_ =	strace $0x90000049  }
0xb3: {  	s29 =	simm.s32 $0x9;
	_ =	strace $0x8000004B  }
0xb4: {  	_ =	swait.ge [sflag:s29], $0x1  }
0xb5: {  	[sflag:s29] =	ssyncadd.s32 $0xFFFFFFFF  }
0xb6: {  	_ =	strace $0x9000004B  }
0xb7: {  	_ =	sfence  }
0xb8: {  	s30 =	sld [smem:$0x0];
	_ =	sdelay $0x2  }
0xb9: {  	s31 =	sshll.u32 s1, $0xD;
	s1 =	sshrl.u32 s1, $0x2  }
0xba: {  	s3 =	sand.u32 $0x4000, s31;
	s1 =	sadd.s32 s1, s30  }
0xbb: {  	s0 =	sor.u32 s3, s0;
	s1 =	sshll.u32 s1, $0x11  }
0xbc: {  	s0 =	sor.u32 s1, s0  }
0xbd: {  	s0 =	sadd.s32 $0x8F2B, s0  }
0xbe: {  	[sflag:s0] =	ssyncadd.remote.s32 $0x1  }
0xbf: {  	_ =	sfence.sel $0xFFFF  }
0xc0: {  	[dreg:$0x0] =	wrdreg $0xFFFFFFFF;
	(pc) =	sbr.abs _section_cstart, $3  }
0xc1: {  	[dreg:$0x1] =	wrdreg $0xFFFFFFFF  }
0xc2: {  	_ =	task.clear_ibuf [dreg:s7], $0x2FFFF;
	_ =	strace $0x9FFFFFFF  }
0xc3: {  	(tm) =	ssettm $0x7FFFFFFF  }
tec
execute0_lowered:
.L_overlay_start_1:
0x0: {  	(tag) =	ssettag $0x1  }
0x1: {  	s0 =	rddreg [dreg:$0x0]  }
0x2: {  	s7 =	rddreg [dreg:$0x1]  }
0x3: {  	s3 =	rddreg [dreg:$0x2]  }
0x4: {  	s4 =	simm.s32 $0x0;
	s10 =	stileid.u32;
	s2 =	srdreg.scid  }
0x5: {  	s28 =	simm.s32 $0xC3C0;
	s29 =	simm.s32 $0x2;
	s30 =	simm.s32 $0x4F0  }
0x6: {  	s31 =	simm.s32 $0x1638;
	s13 =	simm.s32 $0x9E0;
	s15 =	simm.s32 $0x1DA0  }
0x7: {  	s16 =	simm.s32 $0xED0;
	s17 =	simm.s32 $0x2290;
	[smem:$0x7FF] =	sst s4  }
0x8: {  	s5 =	sadd.s32 $0x68E00, s0;
	s1 =	smul.u32 $0x14000, s10;
	s6 =	sadd.s32 $0x55400, s0  }
0x9: {  	s14 =	sadd.s32 $0x41A00, s0;
	s8 =	sadd.s32 $0xF600, s0;
	s2 =	sand.u32 $0x1, s2  }
0xa: {  	s9 =	sadd.s32 $0x19400, s0;
	s19 =	sadd.s32 $0x90800, s0;
	s22 =	smul.u32 $0x9E0, s10  }
0xb: {  	s23 =	sshll.u32 s10, $0x1;
	_ =	strace $0x8000004A;
	[dreg:$0x7] =	wrdreg s9  }
0xc: {  	s25 =	sshll.u32 s10, $0x6;
	s10 =	simm.s32 $0x1148;
	[dreg:$0x8] =	wrdreg s19  }
0xd: {  	s18 =	ssub.s32 $0x2, s2;
	p0 =	seq.s32 s2, $0x1;
	[dreg:$0xb] =	wrdreg s23  }
0xe: {  	s26 =	sor.u32 $0x1C03, s25;
	s23 =	simm.s32 $0x271;
	s25 =	simm.s32 $0x1  }
0xf: {  	s2 =	simm.s32 $0x18B0;
	s9 =	simm.s32 $0x2018;
	[dreg:$0x4] =	wrdreg s14  }
0x10: {  	[dreg:$0x5] =	wrdreg s8;
	s11 =	sshrl.u32 s1, $0x4;
	s20 =	sshrl.u32 s18, $0x1  }
0x11: {  	s1 =	sshrl.u32 s1, $0x1;
	[dreg:$0xe] =	wrdreg s26;
	s19 =	sadd.s32 s22, s7  }
0x12: {  	s26 =	simm.s32 $0x0;
	[dreg:$0x6] =	wrdreg s11;
	s12 =	sadd.s32 s11, s0  }
0x13: {  	s0 =	sadd.s32 $0x7C800, s0;
	s1 =	sadd.s32 s1, s3;
	s11 =	simm.s32 $0x1B28  }
0x14: {  	[dreg:$0x9] =	wrdreg s0;
	s0 =	ssub.s32 s18, s20;
	s21 =	sadd.s32 $0xB8800, s12  }
.Ltmp0:
0x15: {  	s24 =	sadd.s32 $0xA4800, s12;
	s18 =	sadd.s32 s22, s8;
	(pc) =	sbr.rel .LBB2_1-.Ltmp0, $4  }
0x16: {  	s7 =	sshrl.u32 s1, $0x3;
	s22 =	simm.s32 $0x13C0;
	[dreg:$0xa] =	wrdreg s21  }
0x17: {  	s12 =	simm.s32 $0xC58;
	s20 =	simm.s32 $0x2508;
	[dreg:$0xc] =	wrdreg s24  }
0x18: {  	s0 =	smax.u32 s0, $0x1;
	s21 =	simm.s32 $0x3;
	[dreg:$0xf] =	wrdreg s7  }
0x19: {  	s24 =	simm.s32 $0x2780;
	[dreg:$0xd] =	wrdreg s0;
	s0 =	simm.s32 $0x768  }
.LBB2_12:
0x1a: {  	s7 =	rddreg [dreg:$0x6]  }
0x1b: {  	s1 =	sadd.s32 s1, s7  }
0x1c: {  	[dreg:$0x11] =	wrdreg s1  }
0x1d: {  	[bflag:$0x0] =	sbarrier.arrive $0xFFFF  }
0x1e: {  	s1 =	rddreg [dreg:$0x11]  }
0x1f: {  	s14 =	rddreg [dreg:$0xf]  }
0x20: {  	s8 =	rddreg [dreg:$0xe]  }
0x21: {  	[hbm:s1], [sflag:s8] =	dma.local [spmem:s14], $0x1400  }
0x22: {  	s7 =	rddreg [dreg:$0xf];
	_ =	swait.ge [sflag:s21], $0x1400  }
0x23: {  	s26 =	sadd.s32 $0x1, s26;
	s14 =	rddreg [dreg:$0xd]  }
0x24: {  	p1 =	sne.s32 s26, s14  }
.Ltmp1:
0x25: {  	_ = 	snop;
	(pc) =	sbr.rel @!p1 .LBB2_13-.Ltmp1, $3  }
0x26: {  	[sflag:s21] =	ssyncset.done $0x0  }
0x27: {  	[sflag:s21] =	ssyncadd.s32 $0xFFFFEC00  }
0x28: {  	[bflag:$0x0] =	sbarrier.arrive $0xFFFF;
	_ =	sdelay $0x1  }
.LBB2_1:
0x29: {  	[dreg:$0x10] =	wrdreg s26  }
0x2a: {  	s1 =	rddreg [dreg:$0x7]  }
0x2b: {  	s8 =	rddreg [dreg:$0xe]  }
0x2c: {  	[spmem:s7], [sflag:s8] =	dma.local [hbm:s1], $0x1400  }
.Ltmp2:
0x2d: {  	_ =	swait.ge [sflag:s21], $0x1400;
	(pc) =	sbr.rel @!p0 .LBB2_2-.Ltmp2, $4  }
0x2e: {  	[sflag:s21] =	ssyncset.done $0x0  }
0x2f: {  	[sflag:s21] =	ssyncadd.s32 $0xFFFFEC00  }
0x30: {  	[bflag:$0x0] =	sbarrier.arrive $0xFFFF  }
0x31: {  	s1 =	sadd.s32 $0x0, s18  }
0x32: {  	[tilespmem:s4], [sflag:$0x3] =	stream.linear.gather [hbm4b:s1+s4], $0x13C0, $0x38;
	v63 =	vld [tilespmem:$0x0]  }
0x33: {  	_ =	swait.ge [sflag:s21], $0x13C0  }
0x34: {  	[sflag:s21] =	ssyncset.done $0x0  }
0x35: {  	s14 =	sadd.s32 $0x0, s19;
	[sflag:s21] =	ssyncadd.s32 $0xFFFFEC40  }
0x36: {  	[tilespmem:s22], [sflag:$0x3] =	stream.linear.gather [hbm4b:s14+s4], $0x13C0, $0x38;
	v63 =	vld [tilespmem:$0x0]  }
0x37: {  	_ =	swait.ge [sflag:s21], $0x13C0  }
0x38: {  	[sflag:s21] =	ssyncset.done $0x0  }
0x39: {  	[sflag:s21] =	ssyncadd.s32 $0xFFFFEC40  }
0x3a: {  	[tilespmem:s24], [sflag:$0x1] =	stream.indirect.gather [hbm4b:s6+s23], $0x40, s4, s23, $0xb8;
	v63 =	vld [tilespmem:$0x0]  }
0x3b: {  	_ =	swait.ge [sflag:s25], $0x9C40  }
0x3c: {  	[sflag:s25] =	ssyncset.done $0x0  }
0x3d: {  	s26 =	simm.s32 $0x278;
	[sflag:s25] =	ssyncadd.s32 $0xFFFF63C0  }
0x3e: {  	[tilespmem:s28], [sflag:$0x2] =	stream.indirect.gather [hbm4b:s6+s23], $0x40, s26, s23, $0xb8;
	v63 =	vld [tilespmem:$0x0]  }
0x3f: {  	_ = 	snop  }
0x40: {  	[spmem:s3] =	stream.indirect.scatter.add.s16 [tilespmem:s24], [sflag:$0x3], $0x40, s22, s23, $0xb8;
	v63 =	vld [tilespmem:$0x0]  }
0x41: {  	_ =	swait.ge [sflag:s21], $0x9C40  }
0x42: {  	[sflag:s21] =	ssyncset.done $0x0  }
0x43: {  	[sflag:s21] =	ssyncadd.s32 $0xFFFF63C0  }
0x44: {  	_ =	swait.ge [sflag:s29], $0x9C40  }
0x45: {  	[sflag:s29] =	ssyncset.done $0x0  }
0x46: {  	[sflag:s29] =	ssyncadd.s32 $0xFFFF63C0  }
0x47: {  	[tilespmem:s24], [sflag:$0x1] =	stream.indirect.gather [hbm4b:s6+s23], $0x40, s30, s23, $0xb8;
	v63 =	vld [tilespmem:$0x0]  }
0x48: {  	_ = 	snop  }
0x49: {  	[spmem:s3] =	stream.indirect.scatter.add.s16 [tilespmem:s28], [sflag:$0x3], $0x40, s31, s23, $0xb8;
	v63 =	vld [tilespmem:$0x0]  }
0x4a: {  	_ =	swait.ge [sflag:s21], $0x9C40  }
0x4b: {  	[sflag:s21] =	ssyncset.done $0x0  }
0x4c: {  	[sflag:s21] =	ssyncadd.s32 $0xFFFF63C0  }
0x4d: {  	_ =	swait.ge [sflag:s25], $0x9C40  }
0x4e: {  	[sflag:s25] =	ssyncset.done $0x0  }
0x4f: {  	[sflag:s25] =	ssyncadd.s32 $0xFFFF63C0  }
0x50: {  	[tilespmem:s28], [sflag:$0x2] =	stream.indirect.gather [hbm4b:s6+s23], $0x40, s0, s23, $0xb8;
	v63 =	vld [tilespmem:$0x0]  }
0x51: {  	_ = 	snop  }
0x52: {  	[spmem:s3] =	stream.indirect.scatter.add.s16 [tilespmem:s24], [sflag:$0x3], $0x40, s2, s23, $0xb8;
	v63 =	vld [tilespmem:$0x0]  }
0x53: {  	_ =	swait.ge [sflag:s21], $0x9C40  }
0x54: {  	[sflag:s21] =	ssyncset.done $0x0  }
0x55: {  	[sflag:s21] =	ssyncadd.s32 $0xFFFF63C0  }
0x56: {  	_ =	swait.ge [sflag:s29], $0x9C40  }
0x57: {  	[sflag:s29] =	ssyncset.done $0x0  }
0x58: {  	[sflag:s29] =	ssyncadd.s32 $0xFFFF63C0  }
0x59: {  	[tilespmem:s24], [sflag:$0x1] =	stream.indirect.gather [hbm4b:s6+s23], $0x40, s13, s23, $0xb8;
	v63 =	vld [tilespmem:$0x0]  }
0x5a: {  	_ = 	snop  }
0x5b: {  	[spmem:s3] =	stream.indirect.scatter.add.s16 [tilespmem:s28], [sflag:$0x3], $0x40, s11, s23, $0xb8;
	v63 =	vld [tilespmem:$0x0]  }
0x5c: {  	_ =	swait.ge [sflag:s21], $0x9C40  }
0x5d: {  	[sflag:s21] =	ssyncset.done $0x0  }
0x5e: {  	[sflag:s21] =	ssyncadd.s32 $0xFFFF63C0  }
0x5f: {  	_ =	swait.ge [sflag:s25], $0x9C40  }
0x60: {  	[sflag:s25] =	ssyncset.done $0x0  }
0x61: {  	[sflag:s25] =	ssyncadd.s32 $0xFFFF63C0  }
0x62: {  	[tilespmem:s28], [sflag:$0x2] =	stream.indirect.gather [hbm4b:s6+s23], $0x40, s12, s23, $0xb8;
	v63 =	vld [tilespmem:$0x0]  }
0x63: {  	_ = 	snop  }
0x64: {  	[spmem:s3] =	stream.indirect.scatter.add.s16 [tilespmem:s24], [sflag:$0x3], $0x40, s15, s23, $0xb8;
	v63 =	vld [tilespmem:$0x0]  }
0x65: {  	_ =	swait.ge [sflag:s21], $0x9C40  }
0x66: {  	[sflag:s21] =	ssyncset.done $0x0  }
0x67: {  	[sflag:s21] =	ssyncadd.s32 $0xFFFF63C0  }
0x68: {  	_ =	swait.ge [sflag:s29], $0x9C40  }
0x69: {  	[sflag:s29] =	ssyncset.done $0x0  }
0x6a: {  	[sflag:s29] =	ssyncadd.s32 $0xFFFF63C0  }
0x6b: {  	[tilespmem:s24], [sflag:$0x1] =	stream.indirect.gather [hbm4b:s6+s23], $0x40, s16, s23, $0xb8;
	v63 =	vld [tilespmem:$0x0]  }
0x6c: {  	_ = 	snop  }
0x6d: {  	[spmem:s3] =	stream.indirect.scatter.add.s16 [tilespmem:s28], [sflag:$0x3], $0x40, s9, s23, $0xb8;
	v63 =	vld [tilespmem:$0x0]  }
0x6e: {  	_ =	swait.ge [sflag:s21], $0x9C40  }
0x6f: {  	[sflag:s21] =	ssyncset.done $0x0  }
0x70: {  	[sflag:s21] =	ssyncadd.s32 $0xFFFF63C0  }
0x71: {  	_ =	swait.ge [sflag:s25], $0x9C40  }
0x72: {  	[sflag:s25] =	ssyncset.done $0x0  }
0x73: {  	[sflag:s25] =	ssyncadd.s32 $0xFFFF63C0  }
0x74: {  	[tilespmem:s28], [sflag:$0x2] =	stream.indirect.gather [hbm4b:s6+s23], $0x40, s10, s23, $0xb8;
	v63 =	vld [tilespmem:$0x0]  }
0x75: {  	_ = 	snop  }
0x76: {  	[spmem:s3] =	stream.indirect.scatter.add.s16 [tilespmem:s24], [sflag:$0x3], $0x40, s17, s23, $0xb8;
	v63 =	vld [tilespmem:$0x0]  }
0x77: {  	_ =	swait.ge [sflag:s21], $0x9C40  }
0x78: {  	[sflag:s21] =	ssyncset.done $0x0  }
0x79: {  	[sflag:s21] =	ssyncadd.s32 $0xFFFF63C0  }
0x7a: {  	_ =	swait.ge [sflag:s29], $0x9C40  }
0x7b: {  	[sflag:s29] =	ssyncset.done $0x0  }
0x7c: {  	[sflag:s29] =	ssyncadd.s32 $0xFFFF63C0  }
0x7d: {  	[spmem:s3] =	stream.indirect.scatter.add.s16 [tilespmem:s28], [sflag:$0x3], $0x40, s20, s23, $0xb8;
	v63 =	vld [tilespmem:$0x0]  }
0x7e: {  	_ =	swait.ge [sflag:s21], $0x9C40  }
0x7f: {  	s1 =	simm.s32 $0x278;
	s14 =	simm.s32 $0x4F0;
	[sflag:s21] =	ssyncset.done $0x0  }
.LBB2_8:
0x80: {  	s7 =	sadd.s32 s1, s18  }
0x81: {  	[sflag:s21] =	ssyncadd.s32 $0xFFFF63C0;
	s26 =	smov.u32 s14;
	s8 =	sadd.s32 $0x278, s14  }
0x82: {  	[tilespmem:s4], [sflag:$0x3] =	stream.linear.gather [hbm4b:s7+s4], $0x13C0, $0x38;
	v63 =	vld [tilespmem:$0x0]  }
0x83: {  	p1 =	sne.s32 s14, $0x768;
	_ =	swait.ge [sflag:s21], $0x13C0  }
0x84: {  	s7 =	sadd.s32 s1, s19;
	[sflag:s21] =	ssyncset.done $0x0  }
0x85: {  	s1 =	smov.u32 s26;
	s26 =	simm.s32 $0x278;
	[sflag:s21] =	ssyncadd.s32 $0xFFFFEC40  }
0x86: {  	[tilespmem:s22], [sflag:$0x3] =	stream.linear.gather [hbm4b:s7+s4], $0x13C0, $0x38;
	v63 =	vld [tilespmem:$0x0]  }
0x87: {  	_ =	swait.ge [sflag:s21], $0x13C0  }
0x88: {  	[sflag:s21] =	ssyncset.done $0x0  }
0x89: {  	[sflag:s21] =	ssyncadd.s32 $0xFFFFEC40  }
0x8a: {  	[tilespmem:s24], [sflag:$0x1] =	stream.indirect.gather [hbm4b:s6+s23], $0x40, s4, s23, $0xb8;
	v63 =	vld [tilespmem:$0x0]  }
0x8b: {  	_ =	swait.ge [sflag:s25], $0x9C40  }
0x8c: {  	[sflag:s25] =	ssyncset.done $0x0  }
0x8d: {  	[sflag:s25] =	ssyncadd.s32 $0xFFFF63C0  }
0x8e: {  	[tilespmem:s28], [sflag:$0x2] =	stream.indirect.gather [hbm4b:s6+s23], $0x40, s26, s23, $0xb8;
	v63 =	vld [tilespmem:$0x0]  }
0x8f: {  	_ = 	snop  }
0x90: {  	[spmem:s3] =	stream.indirect.scatter.add.s16 [tilespmem:s24], [sflag:$0x3], $0x40, s22, s23, $0xb8;
	v63 =	vld [tilespmem:$0x0]  }
0x91: {  	_ =	swait.ge [sflag:s21], $0x9C40  }
0x92: {  	[sflag:s21] =	ssyncset.done $0x0  }
0x93: {  	[sflag:s21] =	ssyncadd.s32 $0xFFFF63C0  }
0x94: {  	_ =	swait.ge [sflag:s29], $0x9C40  }
0x95: {  	[sflag:s29] =	ssyncset.done $0x0  }
0x96: {  	[sflag:s29] =	ssyncadd.s32 $0xFFFF63C0  }
0x97: {  	[tilespmem:s24], [sflag:$0x1] =	stream.indirect.gather [hbm4b:s6+s23], $0x40, s30, s23, $0xb8;
	v63 =	vld [tilespmem:$0x0]  }
0x98: {  	_ = 	snop  }
0x99: {  	[spmem:s3] =	stream.indirect.scatter.add.s16 [tilespmem:s28], [sflag:$0x3], $0x40, s31, s23, $0xb8;
	v63 =	vld [tilespmem:$0x0]  }
0x9a: {  	_ =	swait.ge [sflag:s21], $0x9C40  }
0x9b: {  	[sflag:s21] =	ssyncset.done $0x0  }
0x9c: {  	[sflag:s21] =	ssyncadd.s32 $0xFFFF63C0  }
0x9d: {  	_ =	swait.ge [sflag:s25], $0x9C40  }
0x9e: {  	[sflag:s25] =	ssyncset.done $0x0  }
0x9f: {  	[sflag:s25] =	ssyncadd.s32 $0xFFFF63C0  }
0xa0: {  	[tilespmem:s28], [sflag:$0x2] =	stream.indirect.gather [hbm4b:s6+s23], $0x40, s0, s23, $0xb8;
	v63 =	vld [tilespmem:$0x0]  }
0xa1: {  	_ = 	snop  }
0xa2: {  	[spmem:s3] =	stream.indirect.scatter.add.s16 [tilespmem:s24], [sflag:$0x3], $0x40, s2, s23, $0xb8;
	v63 =	vld [tilespmem:$0x0]  }
0xa3: {  	_ =	swait.ge [sflag:s21], $0x9C40  }
0xa4: {  	[sflag:s21] =	ssyncset.done $0x0  }
0xa5: {  	[sflag:s21] =	ssyncadd.s32 $0xFFFF63C0  }
0xa6: {  	_ =	swait.ge [sflag:s29], $0x9C40  }
0xa7: {  	[sflag:s29] =	ssyncset.done $0x0  }
0xa8: {  	[sflag:s29] =	ssyncadd.s32 $0xFFFF63C0  }
0xa9: {  	[tilespmem:s24], [sflag:$0x1] =	stream.indirect.gather [hbm4b:s6+s23], $0x40, s13, s23, $0xb8;
	v63 =	vld [tilespmem:$0x0]  }
0xaa: {  	_ = 	snop  }
0xab: {  	[spmem:s3] =	stream.indirect.scatter.add.s16 [tilespmem:s28], [sflag:$0x3], $0x40, s11, s23, $0xb8;
	v63 =	vld [tilespmem:$0x0]  }
0xac: {  	_ =	swait.ge [sflag:s21], $0x9C40  }
0xad: {  	[sflag:s21] =	ssyncset.done $0x0  }
0xae: {  	[sflag:s21] =	ssyncadd.s32 $0xFFFF63C0  }
0xaf: {  	_ =	swait.ge [sflag:s25], $0x9C40  }
0xb0: {  	[sflag:s25] =	ssyncset.done $0x0  }
0xb1: {  	[sflag:s25] =	ssyncadd.s32 $0xFFFF63C0  }
0xb2: {  	[tilespmem:s28], [sflag:$0x2] =	stream.indirect.gather [hbm4b:s6+s23], $0x40, s12, s23, $0xb8;
	v63 =	vld [tilespmem:$0x0]  }
0xb3: {  	_ = 	snop  }
0xb4: {  	[spmem:s3] =	stream.indirect.scatter.add.s16 [tilespmem:s24], [sflag:$0x3], $0x40, s15, s23, $0xb8;
	v63 =	vld [tilespmem:$0x0]  }
0xb5: {  	_ =	swait.ge [sflag:s21], $0x9C40  }
0xb6: {  	[sflag:s21] =	ssyncset.done $0x0  }
0xb7: {  	[sflag:s21] =	ssyncadd.s32 $0xFFFF63C0  }
0xb8: {  	_ =	swait.ge [sflag:s29], $0x9C40  }
0xb9: {  	[sflag:s29] =	ssyncset.done $0x0  }
0xba: {  	[sflag:s29] =	ssyncadd.s32 $0xFFFF63C0  }
0xbb: {  	[tilespmem:s24], [sflag:$0x1] =	stream.indirect.gather [hbm4b:s6+s23], $0x40, s16, s23, $0xb8;
	v63 =	vld [tilespmem:$0x0]  }
0xbc: {  	_ = 	snop  }
0xbd: {  	[spmem:s3] =	stream.indirect.scatter.add.s16 [tilespmem:s28], [sflag:$0x3], $0x40, s9, s23, $0xb8;
	v63 =	vld [tilespmem:$0x0]  }
0xbe: {  	_ =	swait.ge [sflag:s21], $0x9C40  }
0xbf: {  	[sflag:s21] =	ssyncset.done $0x0  }
0xc0: {  	[sflag:s21] =	ssyncadd.s32 $0xFFFF63C0  }
0xc1: {  	_ =	swait.ge [sflag:s25], $0x9C40  }
0xc2: {  	[sflag:s25] =	ssyncset.done $0x0  }
0xc3: {  	[sflag:s25] =	ssyncadd.s32 $0xFFFF63C0  }
0xc4: {  	[tilespmem:s28], [sflag:$0x2] =	stream.indirect.gather [hbm4b:s6+s23], $0x40, s10, s23, $0xb8;
	v63 =	vld [tilespmem:$0x0]  }
0xc5: {  	_ = 	snop  }
0xc6: {  	[spmem:s3] =	stream.indirect.scatter.add.s16 [tilespmem:s24], [sflag:$0x3], $0x40, s17, s23, $0xb8;
	v63 =	vld [tilespmem:$0x0]  }
0xc7: {  	_ =	swait.ge [sflag:s21], $0x9C40  }
0xc8: {  	[sflag:s21] =	ssyncset.done $0x0  }
0xc9: {  	[sflag:s21] =	ssyncadd.s32 $0xFFFF63C0  }
0xca: {  	_ =	swait.ge [sflag:s29], $0x9C40  }
.Ltmp3:
0xcb: {  	[sflag:s29] =	ssyncset.done $0x0;
	(pc) =	sbr.rel @p1 .LBB2_8-.Ltmp3, $4  }
0xcc: {  	[sflag:s29] =	ssyncadd.s32 $0xFFFF63C0  }
0xcd: {  	[spmem:s3] =	stream.indirect.scatter.add.s16 [tilespmem:s28], [sflag:$0x3], $0x40, s20, s23, $0xb8;
	v63 =	vld [tilespmem:$0x0]  }
0xce: {  	_ =	swait.ge [sflag:s21], $0x9C40  }
0xcf: {  	s14 =	smov.u32 s8;
	[sflag:s21] =	ssyncset.done $0x0  }
0xd0: {  	s7 =	sadd.s32 s1, s18;
	[sflag:s21] =	ssyncadd.s32 $0xFFFF63C0  }
0xd1: {  	[tilespmem:s4], [sflag:$0x3] =	stream.linear.gather [hbm4b:s7+s4], $0x13C0, $0x38;
	v63 =	vld [tilespmem:$0x0]  }
0xd2: {  	_ =	swait.ge [sflag:s21], $0x13C0  }
0xd3: {  	[sflag:s21] =	ssyncset.done $0x0  }
0xd4: {  	s14 =	sadd.s32 s1, s19;
	[sflag:s21] =	ssyncadd.s32 $0xFFFFEC40  }
0xd5: {  	[tilespmem:s22], [sflag:$0x3] =	stream.linear.gather [hbm4b:s14+s4], $0x13C0, $0x38;
	v63 =	vld [tilespmem:$0x0]  }
0xd6: {  	_ =	swait.ge [sflag:s21], $0x13C0  }
0xd7: {  	[sflag:s21] =	ssyncset.done $0x0  }
0xd8: {  	[sflag:s21] =	ssyncadd.s32 $0xFFFFEC40  }
0xd9: {  	[tilespmem:s24], [sflag:$0x1] =	stream.indirect.gather [hbm4b:s6+s23], $0x40, s4, s23, $0xb8;
	v63 =	vld [tilespmem:$0x0]  }
0xda: {  	_ =	swait.ge [sflag:s25], $0x9C40  }
0xdb: {  	[sflag:s25] =	ssyncset.done $0x0  }
0xdc: {  	[sflag:s25] =	ssyncadd.s32 $0xFFFF63C0  }
0xdd: {  	[tilespmem:s28], [sflag:$0x2] =	stream.indirect.gather [hbm4b:s6+s23], $0x40, s26, s23, $0xb8;
	v63 =	vld [tilespmem:$0x0]  }
0xde: {  	_ = 	snop  }
0xdf: {  	[spmem:s3] =	stream.indirect.scatter.add.s16 [tilespmem:s24], [sflag:$0x3], $0x40, s22, s23, $0xb8;
	v63 =	vld [tilespmem:$0x0]  }
0xe0: {  	_ =	swait.ge [sflag:s21], $0x9C40  }
0xe1: {  	[sflag:s21] =	ssyncset.done $0x0  }
0xe2: {  	[sflag:s21] =	ssyncadd.s32 $0xFFFF63C0  }
0xe3: {  	_ =	swait.ge [sflag:s29], $0x9C40  }
0xe4: {  	[sflag:s29] =	ssyncset.done $0x0  }
0xe5: {  	[sflag:s29] =	ssyncadd.s32 $0xFFFF63C0  }
0xe6: {  	[tilespmem:s24], [sflag:$0x1] =	stream.indirect.gather [hbm4b:s6+s23], $0x40, s30, s23, $0xb8;
	v63 =	vld [tilespmem:$0x0]  }
0xe7: {  	_ = 	snop  }
0xe8: {  	[spmem:s3] =	stream.indirect.scatter.add.s16 [tilespmem:s28], [sflag:$0x3], $0x40, s31, s23, $0xb8;
	v63 =	vld [tilespmem:$0x0]  }
0xe9: {  	_ =	swait.ge [sflag:s21], $0x9C40  }
0xea: {  	[sflag:s21] =	ssyncset.done $0x0  }
0xeb: {  	[sflag:s21] =	ssyncadd.s32 $0xFFFF63C0  }
0xec: {  	_ =	swait.ge [sflag:s25], $0x9C40  }
0xed: {  	[sflag:s25] =	ssyncset.done $0x0  }
0xee: {  	[sflag:s25] =	ssyncadd.s32 $0xFFFF63C0  }
0xef: {  	[tilespmem:s28], [sflag:$0x2] =	stream.indirect.gather [hbm4b:s6+s23], $0x40, s0, s23, $0xb8;
	v63 =	vld [tilespmem:$0x0]  }
0xf0: {  	_ = 	snop  }
0xf1: {  	[spmem:s3] =	stream.indirect.scatter.add.s16 [tilespmem:s24], [sflag:$0x3], $0x40, s2, s23, $0xb8;
	v63 =	vld [tilespmem:$0x0]  }
0xf2: {  	_ =	swait.ge [sflag:s21], $0x9C40  }
0xf3: {  	[sflag:s21] =	ssyncset.done $0x0  }
0xf4: {  	[sflag:s21] =	ssyncadd.s32 $0xFFFF63C0  }
0xf5: {  	_ =	swait.ge [sflag:s29], $0x9C40  }
0xf6: {  	[sflag:s29] =	ssyncset.done $0x0  }
0xf7: {  	[sflag:s29] =	ssyncadd.s32 $0xFFFF63C0  }
0xf8: {  	[tilespmem:s24], [sflag:$0x1] =	stream.indirect.gather [hbm4b:s6+s23], $0x40, s13, s23, $0xb8;
	v63 =	vld [tilespmem:$0x0]  }
0xf9: {  	_ = 	snop  }
0xfa: {  	[spmem:s3] =	stream.indirect.scatter.add.s16 [tilespmem:s28], [sflag:$0x3], $0x40, s11, s23, $0xb8;
	v63 =	vld [tilespmem:$0x0]  }
0xfb: {  	_ =	swait.ge [sflag:s21], $0x9C40  }
0xfc: {  	[sflag:s21] =	ssyncset.done $0x0  }
0xfd: {  	[sflag:s21] =	ssyncadd.s32 $0xFFFF63C0  }
0xfe: {  	_ =	swait.ge [sflag:s25], $0x9C40  }
0xff: {  	[sflag:s25] =	ssyncset.done $0x0  }
0x100: {  	[sflag:s25] =	ssyncadd.s32 $0xFFFF63C0  }
0x101: {  	[tilespmem:s28], [sflag:$0x2] =	stream.indirect.gather [hbm4b:s6+s23], $0x40, s12, s23, $0xb8;
	v63 =	vld [tilespmem:$0x0]  }
0x102: {  	_ = 	snop  }
0x103: {  	[spmem:s3] =	stream.indirect.scatter.add.s16 [tilespmem:s24], [sflag:$0x3], $0x40, s15, s23, $0xb8;
	v63 =	vld [tilespmem:$0x0]  }
0x104: {  	_ =	swait.ge [sflag:s21], $0x9C40  }
0x105: {  	[sflag:s21] =	ssyncset.done $0x0  }
0x106: {  	[sflag:s21] =	ssyncadd.s32 $0xFFFF63C0  }
0x107: {  	_ =	swait.ge [sflag:s29], $0x9C40  }
0x108: {  	[sflag:s29] =	ssyncset.done $0x0  }
0x109: {  	[sflag:s29] =	ssyncadd.s32 $0xFFFF63C0  }
0x10a: {  	[tilespmem:s24], [sflag:$0x1] =	stream.indirect.gather [hbm4b:s6+s23], $0x40, s16, s23, $0xb8;
	v63 =	vld [tilespmem:$0x0]  }
0x10b: {  	_ = 	snop  }
0x10c: {  	[spmem:s3] =	stream.indirect.scatter.add.s16 [tilespmem:s28], [sflag:$0x3], $0x40, s9, s23, $0xb8;
	v63 =	vld [tilespmem:$0x0]  }
0x10d: {  	_ =	swait.ge [sflag:s21], $0x9C40  }
0x10e: {  	[sflag:s21] =	ssyncset.done $0x0  }
0x10f: {  	[sflag:s21] =	ssyncadd.s32 $0xFFFF63C0  }
0x110: {  	_ =	swait.ge [sflag:s25], $0x9C40  }
0x111: {  	[sflag:s25] =	ssyncset.done $0x0  }
0x112: {  	[sflag:s25] =	ssyncadd.s32 $0xFFFF63C0  }
0x113: {  	[tilespmem:s28], [sflag:$0x2] =	stream.indirect.gather [hbm4b:s6+s23], $0x40, s10, s23, $0xb8;
	v63 =	vld [tilespmem:$0x0]  }
0x114: {  	_ = 	snop  }
0x115: {  	[spmem:s3] =	stream.indirect.scatter.add.s16 [tilespmem:s24], [sflag:$0x3], $0x40, s17, s23, $0xb8;
	v63 =	vld [tilespmem:$0x0]  }
0x116: {  	_ =	swait.ge [sflag:s21], $0x9C40  }
0x117: {  	[sflag:s21] =	ssyncset.done $0x0  }
0x118: {  	[sflag:s21] =	ssyncadd.s32 $0xFFFF63C0  }
0x119: {  	_ =	swait.ge [sflag:s29], $0x9C40  }
0x11a: {  	[sflag:s29] =	ssyncset.done $0x0  }
0x11b: {  	[sflag:s29] =	ssyncadd.s32 $0xFFFF63C0  }
0x11c: {  	[spmem:s3] =	stream.indirect.scatter.add.s16 [tilespmem:s28], [sflag:$0x3], $0x40, s20, s23, $0xb8;
	v63 =	vld [tilespmem:$0x0]  }
0x11d: {  	_ =	swait.ge [sflag:s21], $0x9C40  }
0x11e: {  	[sflag:s21] =	ssyncset.done $0x0  }
0x11f: {  	[sflag:s21] =	ssyncadd.s32 $0xFFFF63C0  }
0x120: {  	[bflag:$0x0] =	sbarrier.arrive $0xFFFF  }
0x121: {  	s7 =	rddreg [dreg:$0xc]  }
0x122: {  	s14 =	rddreg [dreg:$0xe]  }
0x123: {  	s8 =	rddreg [dreg:$0xf]  }
0x124: {  	[hbm:s7], [sflag:s14] =	dma.local [spmem:s8], $0x1400  }
0x125: {  	_ =	swait.ge [sflag:s21], $0x1400  }
0x126: {  	[sflag:s21] =	ssyncset.done $0x0  }
0x127: {  	[sflag:s21] =	ssyncadd.s32 $0xFFFFEC00  }
0x128: {  	[bflag:$0x0] =	sbarrier.arrive $0xFFFF  }
0x129: {  	s26 =	rddreg [dreg:$0x7]  }
0x12a: {  	[spmem:s8], [sflag:s14] =	dma.local [hbm:s26], $0x1400  }
0x12b: {  	_ =	swait.ge [sflag:s21], $0x1400  }
0x12c: {  	[sflag:s21] =	ssyncset.done $0x0  }
0x12d: {  	[sflag:s21] =	ssyncadd.s32 $0xFFFFEC00  }
0x12e: {  	[bflag:$0x0] =	sbarrier.arrive $0xFFFF  }
0x12f: {  	s14 =	rddreg [dreg:$0x4]  }
0x130: {  	s8 =	rddreg [dreg:$0x5]  }
0x131: {  	s1 =	simm.s32 $0x0;
	p1 =	por $0x1, $0x1;
	s26 =	rddreg [dreg:$0xb]  }
.LBB2_10:
0x132: {  	s1 =	sor.u32 s26, s1  }
0x133: {  	s1 =	smul.u32 $0x278, s1;
	_ =	sdelay $0x1  }
0x134: {  	s1 =	sadd.s32 $0x4F00, s1  }
0x135: {  	s7 =	sadd.s32 s8, s1  }
0x136: {  	[tilespmem:s4], [sflag:$0x3] =	stream.linear.gather [hbm4b:s7+s4], $0x13C0, $0x38;
	v63 =	vld [tilespmem:$0x0]  }
0x137: {  	_ =	swait.ge [sflag:s21], $0x13C0  }
0x138: {  	[sflag:s21] =	ssyncset.done $0x0  }
0x139: {  	[sflag:s21] =	ssyncadd.s32 $0xFFFFEC40  }
0x13a: {  	s7 =	rddreg [dreg:$0x1]  }
0x13b: {  	s1 =	sadd.s32 s7, s1  }
0x13c: {  	[tilespmem:s22], [sflag:$0x3] =	stream.linear.gather [hbm4b:s1+s4], $0x13C0, $0x38;
	v63 =	vld [tilespmem:$0x0]  }
0x13d: {  	_ =	swait.ge [sflag:s21], $0x13C0  }
0x13e: {  	[sflag:s21] =	ssyncset.done $0x0  }
0x13f: {  	s1 =	simm.s32 $0x1;
	[sflag:s21] =	ssyncadd.s32 $0xFFFFEC40  }
0x140: {  	[tilespmem:s24], [sflag:$0x1] =	stream.indirect.gather [hbm4b:s14+s23], $0x40, s4, s23, $0xb8;
	v63 =	vld [tilespmem:$0x0]  }
0x141: {  	_ =	swait.ge [sflag:s1], $0x9C40  }
0x142: {  	[sflag:s1] =	ssyncset.done $0x0  }
0x143: {  	s7 =	simm.s32 $0x278;
	[sflag:s1] =	ssyncadd.s32 $0xFFFF63C0  }
0x144: {  	[tilespmem:s28], [sflag:$0x2] =	stream.indirect.gather [hbm4b:s14+s23], $0x40, s7, s23, $0xb8;
	v63 =	vld [tilespmem:$0x0]  }
0x145: {  	_ = 	snop  }
0x146: {  	[spmem:s3] =	stream.indirect.scatter.add.s16 [tilespmem:s24], [sflag:$0x3], $0x40, s22, s23, $0xb8;
	v63 =	vld [tilespmem:$0x0]  }
0x147: {  	_ =	swait.ge [sflag:s21], $0x9C40  }
0x148: {  	[sflag:s21] =	ssyncset.done $0x0  }
0x149: {  	[sflag:s21] =	ssyncadd.s32 $0xFFFF63C0  }
0x14a: {  	_ =	swait.ge [sflag:s29], $0x9C40  }
0x14b: {  	[sflag:s29] =	ssyncset.done $0x0  }
0x14c: {  	[sflag:s29] =	ssyncadd.s32 $0xFFFF63C0  }
0x14d: {  	[tilespmem:s24], [sflag:$0x1] =	stream.indirect.gather [hbm4b:s14+s23], $0x40, s30, s23, $0xb8;
	v63 =	vld [tilespmem:$0x0]  }
0x14e: {  	_ = 	snop  }
0x14f: {  	[spmem:s3] =	stream.indirect.scatter.add.s16 [tilespmem:s28], [sflag:$0x3], $0x40, s31, s23, $0xb8;
	v63 =	vld [tilespmem:$0x0]  }
0x150: {  	_ =	swait.ge [sflag:s21], $0x9C40  }
0x151: {  	[sflag:s21] =	ssyncset.done $0x0  }
0x152: {  	[sflag:s21] =	ssyncadd.s32 $0xFFFF63C0  }
0x153: {  	_ =	swait.ge [sflag:s1], $0x9C40  }
0x154: {  	[sflag:s1] =	ssyncset.done $0x0  }
0x155: {  	[sflag:s1] =	ssyncadd.s32 $0xFFFF63C0  }
0x156: {  	[tilespmem:s28], [sflag:$0x2] =	stream.indirect.gather [hbm4b:s14+s23], $0x40, s0, s23, $0xb8;
	v63 =	vld [tilespmem:$0x0]  }
0x157: {  	_ = 	snop  }
0x158: {  	[spmem:s3] =	stream.indirect.scatter.add.s16 [tilespmem:s24], [sflag:$0x3], $0x40, s2, s23, $0xb8;
	v63 =	vld [tilespmem:$0x0]  }
0x159: {  	_ =	swait.ge [sflag:s21], $0x9C40  }
0x15a: {  	[sflag:s21] =	ssyncset.done $0x0  }
0x15b: {  	[sflag:s21] =	ssyncadd.s32 $0xFFFF63C0  }
0x15c: {  	_ =	swait.ge [sflag:s29], $0x9C40  }
0x15d: {  	[sflag:s29] =	ssyncset.done $0x0  }
0x15e: {  	[sflag:s29] =	ssyncadd.s32 $0xFFFF63C0  }
0x15f: {  	[tilespmem:s24], [sflag:$0x1] =	stream.indirect.gather [hbm4b:s14+s23], $0x40, s13, s23, $0xb8;
	v63 =	vld [tilespmem:$0x0]  }
0x160: {  	_ = 	snop  }
0x161: {  	[spmem:s3] =	stream.indirect.scatter.add.s16 [tilespmem:s28], [sflag:$0x3], $0x40, s11, s23, $0xb8;
	v63 =	vld [tilespmem:$0x0]  }
0x162: {  	_ =	swait.ge [sflag:s21], $0x9C40  }
0x163: {  	[sflag:s21] =	ssyncset.done $0x0  }
0x164: {  	[sflag:s21] =	ssyncadd.s32 $0xFFFF63C0  }
0x165: {  	_ =	swait.ge [sflag:s1], $0x9C40  }
0x166: {  	[sflag:s1] =	ssyncset.done $0x0  }
0x167: {  	[sflag:s1] =	ssyncadd.s32 $0xFFFF63C0  }
0x168: {  	[tilespmem:s28], [sflag:$0x2] =	stream.indirect.gather [hbm4b:s14+s23], $0x40, s12, s23, $0xb8;
	v63 =	vld [tilespmem:$0x0]  }
0x169: {  	_ = 	snop  }
0x16a: {  	[spmem:s3] =	stream.indirect.scatter.add.s16 [tilespmem:s24], [sflag:$0x3], $0x40, s15, s23, $0xb8;
	v63 =	vld [tilespmem:$0x0]  }
0x16b: {  	_ =	swait.ge [sflag:s21], $0x9C40  }
0x16c: {  	[sflag:s21] =	ssyncset.done $0x0  }
0x16d: {  	[sflag:s21] =	ssyncadd.s32 $0xFFFF63C0  }
0x16e: {  	_ =	swait.ge [sflag:s29], $0x9C40  }
0x16f: {  	[sflag:s29] =	ssyncset.done $0x0  }
0x170: {  	[sflag:s29] =	ssyncadd.s32 $0xFFFF63C0  }
0x171: {  	[tilespmem:s24], [sflag:$0x1] =	stream.indirect.gather [hbm4b:s14+s23], $0x40, s16, s23, $0xb8;
	v63 =	vld [tilespmem:$0x0]  }
0x172: {  	_ = 	snop  }
0x173: {  	[spmem:s3] =	stream.indirect.scatter.add.s16 [tilespmem:s28], [sflag:$0x3], $0x40, s9, s23, $0xb8;
	v63 =	vld [tilespmem:$0x0]  }
0x174: {  	_ =	swait.ge [sflag:s21], $0x9C40  }
0x175: {  	[sflag:s21] =	ssyncset.done $0x0  }
0x176: {  	[sflag:s21] =	ssyncadd.s32 $0xFFFF63C0  }
0x177: {  	_ =	swait.ge [sflag:s1], $0x9C40  }
0x178: {  	[sflag:s1] =	ssyncset.done $0x0  }
0x179: {  	[sflag:s1] =	ssyncadd.s32 $0xFFFF63C0  }
0x17a: {  	[tilespmem:s28], [sflag:$0x2] =	stream.indirect.gather [hbm4b:s14+s23], $0x40, s10, s23, $0xb8;
	v63 =	vld [tilespmem:$0x0]  }
0x17b: {  	_ = 	snop  }
0x17c: {  	[spmem:s3] =	stream.indirect.scatter.add.s16 [tilespmem:s24], [sflag:$0x3], $0x40, s17, s23, $0xb8;
	v63 =	vld [tilespmem:$0x0]  }
0x17d: {  	_ =	swait.ge [sflag:s21], $0x9C40  }
0x17e: {  	[sflag:s21] =	ssyncset.done $0x0  }
0x17f: {  	[sflag:s21] =	ssyncadd.s32 $0xFFFF63C0  }
0x180: {  	_ =	swait.ge [sflag:s29], $0x9C40  }
0x181: {  	p2 =	por p1, p1;
	[sflag:s29] =	ssyncset.done $0x0  }
.Ltmp4:
0x182: {  	[sflag:s29] =	ssyncadd.s32 $0xFFFF63C0;
	(pc) =	sbr.rel @p2 .LBB2_10-.Ltmp4, $4  }
0x183: {  	[spmem:s3] =	stream.indirect.scatter.add.s16 [tilespmem:s28], [sflag:$0x3], $0x40, s20, s23, $0xb8;
	v63 =	vld [tilespmem:$0x0]  }
0x184: {  	_ =	swait.ge [sflag:s21], $0x9C40  }
0x185: {  	[sflag:s21] =	ssyncset.done $0x0  }
0x186: {  	p1 =	por $0x0, $0x0;
	[sflag:s21] =	ssyncadd.s32 $0xFFFF63C0  }
.Ltmp5:
0x187: {  	(pc) =	sbr.rel .LBB2_12-.Ltmp5, $3  }
0x188: {  	_ =	sdelay $0x1  }
0x189: {  	s1 =	rddreg [dreg:$0x9]  }
0x18a: {  	s26 =	rddreg [dreg:$0x10]  }
.LBB2_2:
0x18b: {  	[tilespmem:s4], [sflag:$0x3] =	stream.linear.gather [hbm4b:s1+s4], $0x13C0, $0x38;
	v63 =	vld [tilespmem:$0x0]  }
0x18c: {  	_ =	swait.ge [sflag:s21], $0x13C0  }
0x18d: {  	[sflag:s21] =	ssyncset.done $0x0  }
0x18e: {  	s14 =	sadd.s32 $0x0, s19;
	[sflag:s21] =	ssyncadd.s32 $0xFFFFEC40  }
0x18f: {  	[tilespmem:s22], [sflag:$0x3] =	stream.linear.gather [hbm4b:s14+s4], $0x13C0, $0x38;
	v63 =	vld [tilespmem:$0x0]  }
0x190: {  	_ =	swait.ge [sflag:s21], $0x13C0  }
0x191: {  	[sflag:s21] =	ssyncset.done $0x0  }
0x192: {  	[sflag:s21] =	ssyncadd.s32 $0xFFFFEC40  }
0x193: {  	[tilespmem:s24], [sflag:$0x1] =	stream.indirect.gather [hbm4b:s5+s23], $0x40, s4, s23, $0xb8;
	v63 =	vld [tilespmem:$0x0]  }
0x194: {  	_ =	swait.ge [sflag:s25], $0x9C40  }
0x195: {  	[sflag:s25] =	ssyncset.done $0x0  }
0x196: {  	s26 =	simm.s32 $0x278;
	[sflag:s25] =	ssyncadd.s32 $0xFFFF63C0  }
0x197: {  	[tilespmem:s28], [sflag:$0x2] =	stream.indirect.gather [hbm4b:s5+s23], $0x40, s26, s23, $0xb8;
	v63 =	vld [tilespmem:$0x0]  }
0x198: {  	_ = 	snop  }
0x199: {  	[spmem:s3] =	stream.indirect.scatter.add.s16 [tilespmem:s24], [sflag:$0x3], $0x40, s22, s23, $0xb8;
	v63 =	vld [tilespmem:$0x0]  }
0x19a: {  	_ =	swait.ge [sflag:s21], $0x9C40  }
0x19b: {  	[sflag:s21] =	ssyncset.done $0x0  }
0x19c: {  	[sflag:s21] =	ssyncadd.s32 $0xFFFF63C0  }
0x19d: {  	_ =	swait.ge [sflag:s29], $0x9C40  }
0x19e: {  	[sflag:s29] =	ssyncset.done $0x0  }
0x19f: {  	[sflag:s29] =	ssyncadd.s32 $0xFFFF63C0  }
0x1a0: {  	[tilespmem:s24], [sflag:$0x1] =	stream.indirect.gather [hbm4b:s5+s23], $0x40, s30, s23, $0xb8;
	v63 =	vld [tilespmem:$0x0]  }
0x1a1: {  	_ = 	snop  }
0x1a2: {  	[spmem:s3] =	stream.indirect.scatter.add.s16 [tilespmem:s28], [sflag:$0x3], $0x40, s31, s23, $0xb8;
	v63 =	vld [tilespmem:$0x0]  }
0x1a3: {  	_ =	swait.ge [sflag:s21], $0x9C40  }
0x1a4: {  	[sflag:s21] =	ssyncset.done $0x0  }
0x1a5: {  	[sflag:s21] =	ssyncadd.s32 $0xFFFF63C0  }
0x1a6: {  	_ =	swait.ge [sflag:s25], $0x9C40  }
0x1a7: {  	[sflag:s25] =	ssyncset.done $0x0  }
0x1a8: {  	[sflag:s25] =	ssyncadd.s32 $0xFFFF63C0  }
0x1a9: {  	[tilespmem:s28], [sflag:$0x2] =	stream.indirect.gather [hbm4b:s5+s23], $0x40, s0, s23, $0xb8;
	v63 =	vld [tilespmem:$0x0]  }
0x1aa: {  	_ = 	snop  }
0x1ab: {  	[spmem:s3] =	stream.indirect.scatter.add.s16 [tilespmem:s24], [sflag:$0x3], $0x40, s2, s23, $0xb8;
	v63 =	vld [tilespmem:$0x0]  }
0x1ac: {  	_ =	swait.ge [sflag:s21], $0x9C40  }
0x1ad: {  	[sflag:s21] =	ssyncset.done $0x0  }
0x1ae: {  	[sflag:s21] =	ssyncadd.s32 $0xFFFF63C0  }
0x1af: {  	_ =	swait.ge [sflag:s29], $0x9C40  }
0x1b0: {  	[sflag:s29] =	ssyncset.done $0x0  }
0x1b1: {  	[sflag:s29] =	ssyncadd.s32 $0xFFFF63C0  }
0x1b2: {  	[tilespmem:s24], [sflag:$0x1] =	stream.indirect.gather [hbm4b:s5+s23], $0x40, s13, s23, $0xb8;
	v63 =	vld [tilespmem:$0x0]  }
0x1b3: {  	_ = 	snop  }
0x1b4: {  	[spmem:s3] =	stream.indirect.scatter.add.s16 [tilespmem:s28], [sflag:$0x3], $0x40, s11, s23, $0xb8;
	v63 =	vld [tilespmem:$0x0]  }
0x1b5: {  	_ =	swait.ge [sflag:s21], $0x9C40  }
0x1b6: {  	[sflag:s21] =	ssyncset.done $0x0  }
0x1b7: {  	[sflag:s21] =	ssyncadd.s32 $0xFFFF63C0  }
0x1b8: {  	_ =	swait.ge [sflag:s25], $0x9C40  }
0x1b9: {  	[sflag:s25] =	ssyncset.done $0x0  }
0x1ba: {  	[sflag:s25] =	ssyncadd.s32 $0xFFFF63C0  }
0x1bb: {  	[tilespmem:s28], [sflag:$0x2] =	stream.indirect.gather [hbm4b:s5+s23], $0x40, s12, s23, $0xb8;
	v63 =	vld [tilespmem:$0x0]  }
0x1bc: {  	_ = 	snop  }
0x1bd: {  	[spmem:s3] =	stream.indirect.scatter.add.s16 [tilespmem:s24], [sflag:$0x3], $0x40, s15, s23, $0xb8;
	v63 =	vld [tilespmem:$0x0]  }
0x1be: {  	_ =	swait.ge [sflag:s21], $0x9C40  }
0x1bf: {  	[sflag:s21] =	ssyncset.done $0x0  }
0x1c0: {  	[sflag:s21] =	ssyncadd.s32 $0xFFFF63C0  }
0x1c1: {  	_ =	swait.ge [sflag:s29], $0x9C40  }
0x1c2: {  	[sflag:s29] =	ssyncset.done $0x0  }
0x1c3: {  	[sflag:s29] =	ssyncadd.s32 $0xFFFF63C0  }
0x1c4: {  	[tilespmem:s24], [sflag:$0x1] =	stream.indirect.gather [hbm4b:s5+s23], $0x40, s16, s23, $0xb8;
	v63 =	vld [tilespmem:$0x0]  }
0x1c5: {  	_ = 	snop  }
0x1c6: {  	[spmem:s3] =	stream.indirect.scatter.add.s16 [tilespmem:s28], [sflag:$0x3], $0x40, s9, s23, $0xb8;
	v63 =	vld [tilespmem:$0x0]  }
0x1c7: {  	_ =	swait.ge [sflag:s21], $0x9C40  }
0x1c8: {  	[sflag:s21] =	ssyncset.done $0x0  }
0x1c9: {  	[sflag:s21] =	ssyncadd.s32 $0xFFFF63C0  }
0x1ca: {  	_ =	swait.ge [sflag:s25], $0x9C40  }
0x1cb: {  	[sflag:s25] =	ssyncset.done $0x0  }
0x1cc: {  	[sflag:s25] =	ssyncadd.s32 $0xFFFF63C0  }
0x1cd: {  	[tilespmem:s28], [sflag:$0x2] =	stream.indirect.gather [hbm4b:s5+s23], $0x40, s10, s23, $0xb8;
	v63 =	vld [tilespmem:$0x0]  }
0x1ce: {  	_ = 	snop  }
0x1cf: {  	[spmem:s3] =	stream.indirect.scatter.add.s16 [tilespmem:s24], [sflag:$0x3], $0x40, s17, s23, $0xb8;
	v63 =	vld [tilespmem:$0x0]  }
0x1d0: {  	_ =	swait.ge [sflag:s21], $0x9C40  }
0x1d1: {  	[sflag:s21] =	ssyncset.done $0x0  }
0x1d2: {  	[sflag:s21] =	ssyncadd.s32 $0xFFFF63C0  }
0x1d3: {  	_ =	swait.ge [sflag:s29], $0x9C40  }
0x1d4: {  	[sflag:s29] =	ssyncset.done $0x0  }
0x1d5: {  	[sflag:s29] =	ssyncadd.s32 $0xFFFF63C0  }
0x1d6: {  	[spmem:s3] =	stream.indirect.scatter.add.s16 [tilespmem:s28], [sflag:$0x3], $0x40, s20, s23, $0xb8;
	v63 =	vld [tilespmem:$0x0]  }
0x1d7: {  	_ =	swait.ge [sflag:s21], $0x9C40  }
0x1d8: {  	s1 =	simm.s32 $0x278;
	s8 =	simm.s32 $0x4F0;
	[sflag:s21] =	ssyncset.done $0x0  }
.LBB2_3:
0x1d9: {  	s7 =	sadd.s32 s1, s18  }
0x1da: {  	[sflag:s21] =	ssyncadd.s32 $0xFFFF63C0;
	s26 =	smov.u32 s8;
	s14 =	sadd.s32 $0x278, s8  }
0x1db: {  	[tilespmem:s4], [sflag:$0x3] =	stream.linear.gather [hbm4b:s7+s4], $0x13C0, $0x38;
	v63 =	vld [tilespmem:$0x0]  }
0x1dc: {  	p1 =	sne.s32 s8, $0x768;
	_ =	swait.ge [sflag:s21], $0x13C0  }
0x1dd: {  	s7 =	sadd.s32 s1, s19;
	[sflag:s21] =	ssyncset.done $0x0  }
0x1de: {  	s1 =	smov.u32 s26;
	s26 =	simm.s32 $0x278;
	[sflag:s21] =	ssyncadd.s32 $0xFFFFEC40  }
0x1df: {  	[tilespmem:s22], [sflag:$0x3] =	stream.linear.gather [hbm4b:s7+s4], $0x13C0, $0x38;
	v63 =	vld [tilespmem:$0x0]  }
0x1e0: {  	_ =	swait.ge [sflag:s21], $0x13C0  }
0x1e1: {  	[sflag:s21] =	ssyncset.done $0x0  }
0x1e2: {  	[sflag:s21] =	ssyncadd.s32 $0xFFFFEC40  }
0x1e3: {  	[tilespmem:s24], [sflag:$0x1] =	stream.indirect.gather [hbm4b:s5+s23], $0x40, s4, s23, $0xb8;
	v63 =	vld [tilespmem:$0x0]  }
0x1e4: {  	_ =	swait.ge [sflag:s25], $0x9C40  }
0x1e5: {  	[sflag:s25] =	ssyncset.done $0x0  }
0x1e6: {  	[sflag:s25] =	ssyncadd.s32 $0xFFFF63C0  }
0x1e7: {  	[tilespmem:s28], [sflag:$0x2] =	stream.indirect.gather [hbm4b:s5+s23], $0x40, s26, s23, $0xb8;
	v63 =	vld [tilespmem:$0x0]  }
0x1e8: {  	_ = 	snop  }
0x1e9: {  	[spmem:s3] =	stream.indirect.scatter.add.s16 [tilespmem:s24], [sflag:$0x3], $0x40, s22, s23, $0xb8;
	v63 =	vld [tilespmem:$0x0]  }
0x1ea: {  	_ =	swait.ge [sflag:s21], $0x9C40  }
0x1eb: {  	[sflag:s21] =	ssyncset.done $0x0  }
0x1ec: {  	[sflag:s21] =	ssyncadd.s32 $0xFFFF63C0  }
0x1ed: {  	_ =	swait.ge [sflag:s29], $0x9C40  }
0x1ee: {  	[sflag:s29] =	ssyncset.done $0x0  }
0x1ef: {  	[sflag:s29] =	ssyncadd.s32 $0xFFFF63C0  }
0x1f0: {  	[tilespmem:s24], [sflag:$0x1] =	stream.indirect.gather [hbm4b:s5+s23], $0x40, s30, s23, $0xb8;
	v63 =	vld [tilespmem:$0x0]  }
0x1f1: {  	_ = 	snop  }
0x1f2: {  	[spmem:s3] =	stream.indirect.scatter.add.s16 [tilespmem:s28], [sflag:$0x3], $0x40, s31, s23, $0xb8;
	v63 =	vld [tilespmem:$0x0]  }
0x1f3: {  	_ =	swait.ge [sflag:s21], $0x9C40  }
0x1f4: {  	[sflag:s21] =	ssyncset.done $0x0  }
0x1f5: {  	[sflag:s21] =	ssyncadd.s32 $0xFFFF63C0  }
0x1f6: {  	_ =	swait.ge [sflag:s25], $0x9C40  }
0x1f7: {  	[sflag:s25] =	ssyncset.done $0x0  }
0x1f8: {  	[sflag:s25] =	ssyncadd.s32 $0xFFFF63C0  }
0x1f9: {  	[tilespmem:s28], [sflag:$0x2] =	stream.indirect.gather [hbm4b:s5+s23], $0x40, s0, s23, $0xb8;
	v63 =	vld [tilespmem:$0x0]  }
0x1fa: {  	_ = 	snop  }
0x1fb: {  	[spmem:s3] =	stream.indirect.scatter.add.s16 [tilespmem:s24], [sflag:$0x3], $0x40, s2, s23, $0xb8;
	v63 =	vld [tilespmem:$0x0]  }
0x1fc: {  	_ =	swait.ge [sflag:s21], $0x9C40  }
0x1fd: {  	[sflag:s21] =	ssyncset.done $0x0  }
0x1fe: {  	[sflag:s21] =	ssyncadd.s32 $0xFFFF63C0  }
0x1ff: {  	_ =	swait.ge [sflag:s29], $0x9C40  }
0x200: {  	[sflag:s29] =	ssyncset.done $0x0  }
0x201: {  	[sflag:s29] =	ssyncadd.s32 $0xFFFF63C0  }
0x202: {  	[tilespmem:s24], [sflag:$0x1] =	stream.indirect.gather [hbm4b:s5+s23], $0x40, s13, s23, $0xb8;
	v63 =	vld [tilespmem:$0x0]  }
0x203: {  	_ = 	snop  }
0x204: {  	[spmem:s3] =	stream.indirect.scatter.add.s16 [tilespmem:s28], [sflag:$0x3], $0x40, s11, s23, $0xb8;
	v63 =	vld [tilespmem:$0x0]  }
0x205: {  	_ =	swait.ge [sflag:s21], $0x9C40  }
0x206: {  	[sflag:s21] =	ssyncset.done $0x0  }
0x207: {  	[sflag:s21] =	ssyncadd.s32 $0xFFFF63C0  }
0x208: {  	_ =	swait.ge [sflag:s25], $0x9C40  }
0x209: {  	[sflag:s25] =	ssyncset.done $0x0  }
0x20a: {  	[sflag:s25] =	ssyncadd.s32 $0xFFFF63C0  }
0x20b: {  	[tilespmem:s28], [sflag:$0x2] =	stream.indirect.gather [hbm4b:s5+s23], $0x40, s12, s23, $0xb8;
	v63 =	vld [tilespmem:$0x0]  }
0x20c: {  	_ = 	snop  }
0x20d: {  	[spmem:s3] =	stream.indirect.scatter.add.s16 [tilespmem:s24], [sflag:$0x3], $0x40, s15, s23, $0xb8;
	v63 =	vld [tilespmem:$0x0]  }
0x20e: {  	_ =	swait.ge [sflag:s21], $0x9C40  }
0x20f: {  	[sflag:s21] =	ssyncset.done $0x0  }
0x210: {  	[sflag:s21] =	ssyncadd.s32 $0xFFFF63C0  }
0x211: {  	_ =	swait.ge [sflag:s29], $0x9C40  }
0x212: {  	[sflag:s29] =	ssyncset.done $0x0  }
0x213: {  	[sflag:s29] =	ssyncadd.s32 $0xFFFF63C0  }
0x214: {  	[tilespmem:s24], [sflag:$0x1] =	stream.indirect.gather [hbm4b:s5+s23], $0x40, s16, s23, $0xb8;
	v63 =	vld [tilespmem:$0x0]  }
0x215: {  	_ = 	snop  }
0x216: {  	[spmem:s3] =	stream.indirect.scatter.add.s16 [tilespmem:s28], [sflag:$0x3], $0x40, s9, s23, $0xb8;
	v63 =	vld [tilespmem:$0x0]  }
0x217: {  	_ =	swait.ge [sflag:s21], $0x9C40  }
0x218: {  	[sflag:s21] =	ssyncset.done $0x0  }
0x219: {  	[sflag:s21] =	ssyncadd.s32 $0xFFFF63C0  }
0x21a: {  	_ =	swait.ge [sflag:s25], $0x9C40  }
0x21b: {  	[sflag:s25] =	ssyncset.done $0x0  }
0x21c: {  	[sflag:s25] =	ssyncadd.s32 $0xFFFF63C0  }
0x21d: {  	[tilespmem:s28], [sflag:$0x2] =	stream.indirect.gather [hbm4b:s5+s23], $0x40, s10, s23, $0xb8;
	v63 =	vld [tilespmem:$0x0]  }
0x21e: {  	_ = 	snop  }
0x21f: {  	[spmem:s3] =	stream.indirect.scatter.add.s16 [tilespmem:s24], [sflag:$0x3], $0x40, s17, s23, $0xb8;
	v63 =	vld [tilespmem:$0x0]  }
0x220: {  	_ =	swait.ge [sflag:s21], $0x9C40  }
0x221: {  	[sflag:s21] =	ssyncset.done $0x0  }
0x222: {  	[sflag:s21] =	ssyncadd.s32 $0xFFFF63C0  }
0x223: {  	_ =	swait.ge [sflag:s29], $0x9C40  }
.Ltmp6:
0x224: {  	[sflag:s29] =	ssyncset.done $0x0;
	(pc) =	sbr.rel @p1 .LBB2_3-.Ltmp6, $4  }
0x225: {  	[sflag:s29] =	ssyncadd.s32 $0xFFFF63C0  }
0x226: {  	[spmem:s3] =	stream.indirect.scatter.add.s16 [tilespmem:s28], [sflag:$0x3], $0x40, s20, s23, $0xb8;
	v63 =	vld [tilespmem:$0x0]  }
0x227: {  	_ =	swait.ge [sflag:s21], $0x9C40  }
0x228: {  	s8 =	smov.u32 s14;
	[sflag:s21] =	ssyncset.done $0x0  }
0x229: {  	s7 =	sadd.s32 s1, s18;
	[sflag:s21] =	ssyncadd.s32 $0xFFFF63C0  }
0x22a: {  	[tilespmem:s4], [sflag:$0x3] =	stream.linear.gather [hbm4b:s7+s4], $0x13C0, $0x38;
	v63 =	vld [tilespmem:$0x0]  }
0x22b: {  	_ =	swait.ge [sflag:s21], $0x13C0  }
0x22c: {  	[sflag:s21] =	ssyncset.done $0x0  }
0x22d: {  	s14 =	sadd.s32 s1, s19;
	[sflag:s21] =	ssyncadd.s32 $0xFFFFEC40  }
0x22e: {  	[tilespmem:s22], [sflag:$0x3] =	stream.linear.gather [hbm4b:s14+s4], $0x13C0, $0x38;
	v63 =	vld [tilespmem:$0x0]  }
0x22f: {  	_ =	swait.ge [sflag:s21], $0x13C0  }
0x230: {  	[sflag:s21] =	ssyncset.done $0x0  }
0x231: {  	[sflag:s21] =	ssyncadd.s32 $0xFFFFEC40  }
0x232: {  	[tilespmem:s24], [sflag:$0x1] =	stream.indirect.gather [hbm4b:s5+s23], $0x40, s4, s23, $0xb8;
	v63 =	vld [tilespmem:$0x0]  }
0x233: {  	_ =	swait.ge [sflag:s25], $0x9C40  }
0x234: {  	[sflag:s25] =	ssyncset.done $0x0  }
0x235: {  	[sflag:s25] =	ssyncadd.s32 $0xFFFF63C0  }
0x236: {  	[tilespmem:s28], [sflag:$0x2] =	stream.indirect.gather [hbm4b:s5+s23], $0x40, s26, s23, $0xb8;
	v63 =	vld [tilespmem:$0x0]  }
0x237: {  	_ = 	snop  }
0x238: {  	[spmem:s3] =	stream.indirect.scatter.add.s16 [tilespmem:s24], [sflag:$0x3], $0x40, s22, s23, $0xb8;
	v63 =	vld [tilespmem:$0x0]  }
0x239: {  	_ =	swait.ge [sflag:s21], $0x9C40  }
0x23a: {  	[sflag:s21] =	ssyncset.done $0x0  }
0x23b: {  	[sflag:s21] =	ssyncadd.s32 $0xFFFF63C0  }
0x23c: {  	_ =	swait.ge [sflag:s29], $0x9C40  }
0x23d: {  	[sflag:s29] =	ssyncset.done $0x0  }
0x23e: {  	[sflag:s29] =	ssyncadd.s32 $0xFFFF63C0  }
0x23f: {  	[tilespmem:s24], [sflag:$0x1] =	stream.indirect.gather [hbm4b:s5+s23], $0x40, s30, s23, $0xb8;
	v63 =	vld [tilespmem:$0x0]  }
0x240: {  	_ = 	snop  }
0x241: {  	[spmem:s3] =	stream.indirect.scatter.add.s16 [tilespmem:s28], [sflag:$0x3], $0x40, s31, s23, $0xb8;
	v63 =	vld [tilespmem:$0x0]  }
0x242: {  	_ =	swait.ge [sflag:s21], $0x9C40  }
0x243: {  	[sflag:s21] =	ssyncset.done $0x0  }
0x244: {  	[sflag:s21] =	ssyncadd.s32 $0xFFFF63C0  }
0x245: {  	_ =	swait.ge [sflag:s25], $0x9C40  }
0x246: {  	[sflag:s25] =	ssyncset.done $0x0  }
0x247: {  	[sflag:s25] =	ssyncadd.s32 $0xFFFF63C0  }
0x248: {  	[tilespmem:s28], [sflag:$0x2] =	stream.indirect.gather [hbm4b:s5+s23], $0x40, s0, s23, $0xb8;
	v63 =	vld [tilespmem:$0x0]  }
0x249: {  	_ = 	snop  }
0x24a: {  	[spmem:s3] =	stream.indirect.scatter.add.s16 [tilespmem:s24], [sflag:$0x3], $0x40, s2, s23, $0xb8;
	v63 =	vld [tilespmem:$0x0]  }
0x24b: {  	_ =	swait.ge [sflag:s21], $0x9C40  }
0x24c: {  	[sflag:s21] =	ssyncset.done $0x0  }
0x24d: {  	[sflag:s21] =	ssyncadd.s32 $0xFFFF63C0  }
0x24e: {  	_ =	swait.ge [sflag:s29], $0x9C40  }
0x24f: {  	[sflag:s29] =	ssyncset.done $0x0  }
0x250: {  	[sflag:s29] =	ssyncadd.s32 $0xFFFF63C0  }
0x251: {  	[tilespmem:s24], [sflag:$0x1] =	stream.indirect.gather [hbm4b:s5+s23], $0x40, s13, s23, $0xb8;
	v63 =	vld [tilespmem:$0x0]  }
0x252: {  	_ = 	snop  }
0x253: {  	[spmem:s3] =	stream.indirect.scatter.add.s16 [tilespmem:s28], [sflag:$0x3], $0x40, s11, s23, $0xb8;
	v63 =	vld [tilespmem:$0x0]  }
0x254: {  	_ =	swait.ge [sflag:s21], $0x9C40  }
0x255: {  	[sflag:s21] =	ssyncset.done $0x0  }
0x256: {  	[sflag:s21] =	ssyncadd.s32 $0xFFFF63C0  }
0x257: {  	_ =	swait.ge [sflag:s25], $0x9C40  }
0x258: {  	[sflag:s25] =	ssyncset.done $0x0  }
0x259: {  	[sflag:s25] =	ssyncadd.s32 $0xFFFF63C0  }
0x25a: {  	[tilespmem:s28], [sflag:$0x2] =	stream.indirect.gather [hbm4b:s5+s23], $0x40, s12, s23, $0xb8;
	v63 =	vld [tilespmem:$0x0]  }
0x25b: {  	_ = 	snop  }
0x25c: {  	[spmem:s3] =	stream.indirect.scatter.add.s16 [tilespmem:s24], [sflag:$0x3], $0x40, s15, s23, $0xb8;
	v63 =	vld [tilespmem:$0x0]  }
0x25d: {  	_ =	swait.ge [sflag:s21], $0x9C40  }
0x25e: {  	[sflag:s21] =	ssyncset.done $0x0  }
0x25f: {  	[sflag:s21] =	ssyncadd.s32 $0xFFFF63C0  }
0x260: {  	_ =	swait.ge [sflag:s29], $0x9C40  }
0x261: {  	[sflag:s29] =	ssyncset.done $0x0  }
0x262: {  	[sflag:s29] =	ssyncadd.s32 $0xFFFF63C0  }
0x263: {  	[tilespmem:s24], [sflag:$0x1] =	stream.indirect.gather [hbm4b:s5+s23], $0x40, s16, s23, $0xb8;
	v63 =	vld [tilespmem:$0x0]  }
0x264: {  	_ = 	snop  }
0x265: {  	[spmem:s3] =	stream.indirect.scatter.add.s16 [tilespmem:s28], [sflag:$0x3], $0x40, s9, s23, $0xb8;
	v63 =	vld [tilespmem:$0x0]  }
0x266: {  	_ =	swait.ge [sflag:s21], $0x9C40  }
0x267: {  	[sflag:s21] =	ssyncset.done $0x0  }
0x268: {  	[sflag:s21] =	ssyncadd.s32 $0xFFFF63C0  }
0x269: {  	_ =	swait.ge [sflag:s25], $0x9C40  }
0x26a: {  	[sflag:s25] =	ssyncset.done $0x0  }
0x26b: {  	[sflag:s25] =	ssyncadd.s32 $0xFFFF63C0  }
0x26c: {  	[tilespmem:s28], [sflag:$0x2] =	stream.indirect.gather [hbm4b:s5+s23], $0x40, s10, s23, $0xb8;
	v63 =	vld [tilespmem:$0x0]  }
0x26d: {  	_ = 	snop  }
0x26e: {  	[spmem:s3] =	stream.indirect.scatter.add.s16 [tilespmem:s24], [sflag:$0x3], $0x40, s17, s23, $0xb8;
	v63 =	vld [tilespmem:$0x0]  }
0x26f: {  	_ =	swait.ge [sflag:s21], $0x9C40  }
0x270: {  	[sflag:s21] =	ssyncset.done $0x0  }
0x271: {  	[sflag:s21] =	ssyncadd.s32 $0xFFFF63C0  }
0x272: {  	_ =	swait.ge [sflag:s29], $0x9C40  }
0x273: {  	[sflag:s29] =	ssyncset.done $0x0  }
0x274: {  	[sflag:s29] =	ssyncadd.s32 $0xFFFF63C0  }
0x275: {  	[spmem:s3] =	stream.indirect.scatter.add.s16 [tilespmem:s28], [sflag:$0x3], $0x40, s20, s23, $0xb8;
	v63 =	vld [tilespmem:$0x0]  }
0x276: {  	_ =	swait.ge [sflag:s21], $0x9C40  }
0x277: {  	[sflag:s21] =	ssyncset.done $0x0  }
0x278: {  	[sflag:s21] =	ssyncadd.s32 $0xFFFF63C0  }
0x279: {  	[bflag:$0x0] =	sbarrier.arrive $0xFFFF  }
0x27a: {  	s7 =	rddreg [dreg:$0xa]  }
0x27b: {  	s14 =	rddreg [dreg:$0xe]  }
0x27c: {  	s8 =	rddreg [dreg:$0xf]  }
0x27d: {  	[hbm:s7], [sflag:s14] =	dma.local [spmem:s8], $0x1400  }
0x27e: {  	_ =	swait.ge [sflag:s21], $0x1400  }
0x27f: {  	[sflag:s21] =	ssyncset.done $0x0  }
0x280: {  	[sflag:s21] =	ssyncadd.s32 $0xFFFFEC00  }
0x281: {  	[bflag:$0x0] =	sbarrier.arrive $0xFFFF  }
0x282: {  	s26 =	rddreg [dreg:$0x7]  }
0x283: {  	[spmem:s8], [sflag:s14] =	dma.local [hbm:s26], $0x1400  }
0x284: {  	_ =	swait.ge [sflag:s21], $0x1400  }
0x285: {  	[sflag:s21] =	ssyncset.done $0x0  }
0x286: {  	[sflag:s21] =	ssyncadd.s32 $0xFFFFEC00  }
0x287: {  	[bflag:$0x0] =	sbarrier.arrive $0xFFFF  }
0x288: {  	s14 =	rddreg [dreg:$0x4]  }
0x289: {  	s8 =	rddreg [dreg:$0x5]  }
0x28a: {  	s1 =	simm.s32 $0x0;
	p1 =	por $0x1, $0x1;
	s26 =	rddreg [dreg:$0xb]  }
.LBB2_5:
0x28b: {  	s1 =	sor.u32 s26, s1  }
0x28c: {  	s1 =	smul.u32 $0x278, s1;
	_ =	sdelay $0x1  }
0x28d: {  	s7 =	sadd.s32 s8, s1  }
0x28e: {  	[tilespmem:s4], [sflag:$0x3] =	stream.linear.gather [hbm4b:s7+s4], $0x13C0, $0x38;
	v63 =	vld [tilespmem:$0x0]  }
0x28f: {  	_ =	swait.ge [sflag:s21], $0x13C0  }
0x290: {  	[sflag:s21] =	ssyncset.done $0x0  }
0x291: {  	[sflag:s21] =	ssyncadd.s32 $0xFFFFEC40  }
0x292: {  	s7 =	rddreg [dreg:$0x1]  }
0x293: {  	s1 =	sadd.s32 s7, s1  }
0x294: {  	[tilespmem:s22], [sflag:$0x3] =	stream.linear.gather [hbm4b:s1+s4], $0x13C0, $0x38;
	v63 =	vld [tilespmem:$0x0]  }
0x295: {  	_ =	swait.ge [sflag:s21], $0x13C0  }
0x296: {  	[sflag:s21] =	ssyncset.done $0x0  }
0x297: {  	s1 =	simm.s32 $0x1;
	[sflag:s21] =	ssyncadd.s32 $0xFFFFEC40  }
0x298: {  	[tilespmem:s24], [sflag:$0x1] =	stream.indirect.gather [hbm4b:s14+s23], $0x40, s4, s23, $0xb8;
	v63 =	vld [tilespmem:$0x0]  }
0x299: {  	_ =	swait.ge [sflag:s1], $0x9C40  }
0x29a: {  	[sflag:s1] =	ssyncset.done $0x0  }
0x29b: {  	s7 =	simm.s32 $0x278;
	[sflag:s1] =	ssyncadd.s32 $0xFFFF63C0  }
0x29c: {  	[tilespmem:s28], [sflag:$0x2] =	stream.indirect.gather [hbm4b:s14+s23], $0x40, s7, s23, $0xb8;
	v63 =	vld [tilespmem:$0x0]  }
0x29d: {  	_ = 	snop  }
0x29e: {  	[spmem:s3] =	stream.indirect.scatter.add.s16 [tilespmem:s24], [sflag:$0x3], $0x40, s22, s23, $0xb8;
	v63 =	vld [tilespmem:$0x0]  }
0x29f: {  	_ =	swait.ge [sflag:s21], $0x9C40  }
0x2a0: {  	[sflag:s21] =	ssyncset.done $0x0  }
0x2a1: {  	[sflag:s21] =	ssyncadd.s32 $0xFFFF63C0  }
0x2a2: {  	_ =	swait.ge [sflag:s29], $0x9C40  }
0x2a3: {  	[sflag:s29] =	ssyncset.done $0x0  }
0x2a4: {  	[sflag:s29] =	ssyncadd.s32 $0xFFFF63C0  }
0x2a5: {  	[tilespmem:s24], [sflag:$0x1] =	stream.indirect.gather [hbm4b:s14+s23], $0x40, s30, s23, $0xb8;
	v63 =	vld [tilespmem:$0x0]  }
0x2a6: {  	_ = 	snop  }
0x2a7: {  	[spmem:s3] =	stream.indirect.scatter.add.s16 [tilespmem:s28], [sflag:$0x3], $0x40, s31, s23, $0xb8;
	v63 =	vld [tilespmem:$0x0]  }
0x2a8: {  	_ =	swait.ge [sflag:s21], $0x9C40  }
0x2a9: {  	[sflag:s21] =	ssyncset.done $0x0  }
0x2aa: {  	[sflag:s21] =	ssyncadd.s32 $0xFFFF63C0  }
0x2ab: {  	_ =	swait.ge [sflag:s1], $0x9C40  }
0x2ac: {  	[sflag:s1] =	ssyncset.done $0x0  }
0x2ad: {  	[sflag:s1] =	ssyncadd.s32 $0xFFFF63C0  }
0x2ae: {  	[tilespmem:s28], [sflag:$0x2] =	stream.indirect.gather [hbm4b:s14+s23], $0x40, s0, s23, $0xb8;
	v63 =	vld [tilespmem:$0x0]  }
0x2af: {  	_ = 	snop  }
0x2b0: {  	[spmem:s3] =	stream.indirect.scatter.add.s16 [tilespmem:s24], [sflag:$0x3], $0x40, s2, s23, $0xb8;
	v63 =	vld [tilespmem:$0x0]  }
0x2b1: {  	_ =	swait.ge [sflag:s21], $0x9C40  }
0x2b2: {  	[sflag:s21] =	ssyncset.done $0x0  }
0x2b3: {  	[sflag:s21] =	ssyncadd.s32 $0xFFFF63C0  }
0x2b4: {  	_ =	swait.ge [sflag:s29], $0x9C40  }
0x2b5: {  	[sflag:s29] =	ssyncset.done $0x0  }
0x2b6: {  	[sflag:s29] =	ssyncadd.s32 $0xFFFF63C0  }
0x2b7: {  	[tilespmem:s24], [sflag:$0x1] =	stream.indirect.gather [hbm4b:s14+s23], $0x40, s13, s23, $0xb8;
	v63 =	vld [tilespmem:$0x0]  }
0x2b8: {  	_ = 	snop  }
0x2b9: {  	[spmem:s3] =	stream.indirect.scatter.add.s16 [tilespmem:s28], [sflag:$0x3], $0x40, s11, s23, $0xb8;
	v63 =	vld [tilespmem:$0x0]  }
0x2ba: {  	_ =	swait.ge [sflag:s21], $0x9C40  }
0x2bb: {  	[sflag:s21] =	ssyncset.done $0x0  }
0x2bc: {  	[sflag:s21] =	ssyncadd.s32 $0xFFFF63C0  }
0x2bd: {  	_ =	swait.ge [sflag:s1], $0x9C40  }
0x2be: {  	[sflag:s1] =	ssyncset.done $0x0  }
0x2bf: {  	[sflag:s1] =	ssyncadd.s32 $0xFFFF63C0  }
0x2c0: {  	[tilespmem:s28], [sflag:$0x2] =	stream.indirect.gather [hbm4b:s14+s23], $0x40, s12, s23, $0xb8;
	v63 =	vld [tilespmem:$0x0]  }
0x2c1: {  	_ = 	snop  }
0x2c2: {  	[spmem:s3] =	stream.indirect.scatter.add.s16 [tilespmem:s24], [sflag:$0x3], $0x40, s15, s23, $0xb8;
	v63 =	vld [tilespmem:$0x0]  }
0x2c3: {  	_ =	swait.ge [sflag:s21], $0x9C40  }
0x2c4: {  	[sflag:s21] =	ssyncset.done $0x0  }
0x2c5: {  	[sflag:s21] =	ssyncadd.s32 $0xFFFF63C0  }
0x2c6: {  	_ =	swait.ge [sflag:s29], $0x9C40  }
0x2c7: {  	[sflag:s29] =	ssyncset.done $0x0  }
0x2c8: {  	[sflag:s29] =	ssyncadd.s32 $0xFFFF63C0  }
0x2c9: {  	[tilespmem:s24], [sflag:$0x1] =	stream.indirect.gather [hbm4b:s14+s23], $0x40, s16, s23, $0xb8;
	v63 =	vld [tilespmem:$0x0]  }
0x2ca: {  	_ = 	snop  }
0x2cb: {  	[spmem:s3] =	stream.indirect.scatter.add.s16 [tilespmem:s28], [sflag:$0x3], $0x40, s9, s23, $0xb8;
	v63 =	vld [tilespmem:$0x0]  }
0x2cc: {  	_ =	swait.ge [sflag:s21], $0x9C40  }
0x2cd: {  	[sflag:s21] =	ssyncset.done $0x0  }
0x2ce: {  	[sflag:s21] =	ssyncadd.s32 $0xFFFF63C0  }
0x2cf: {  	_ =	swait.ge [sflag:s1], $0x9C40  }
0x2d0: {  	[sflag:s1] =	ssyncset.done $0x0  }
0x2d1: {  	[sflag:s1] =	ssyncadd.s32 $0xFFFF63C0  }
0x2d2: {  	[tilespmem:s28], [sflag:$0x2] =	stream.indirect.gather [hbm4b:s14+s23], $0x40, s10, s23, $0xb8;
	v63 =	vld [tilespmem:$0x0]  }
0x2d3: {  	_ = 	snop  }
0x2d4: {  	[spmem:s3] =	stream.indirect.scatter.add.s16 [tilespmem:s24], [sflag:$0x3], $0x40, s17, s23, $0xb8;
	v63 =	vld [tilespmem:$0x0]  }
0x2d5: {  	_ =	swait.ge [sflag:s21], $0x9C40  }
0x2d6: {  	[sflag:s21] =	ssyncset.done $0x0  }
0x2d7: {  	[sflag:s21] =	ssyncadd.s32 $0xFFFF63C0  }
0x2d8: {  	_ =	swait.ge [sflag:s29], $0x9C40  }
0x2d9: {  	p2 =	por p1, p1;
	[sflag:s29] =	ssyncset.done $0x0  }
.Ltmp7:
0x2da: {  	[sflag:s29] =	ssyncadd.s32 $0xFFFF63C0;
	(pc) =	sbr.rel @p2 .LBB2_5-.Ltmp7, $4  }
0x2db: {  	[spmem:s3] =	stream.indirect.scatter.add.s16 [tilespmem:s28], [sflag:$0x3], $0x40, s20, s23, $0xb8;
	v63 =	vld [tilespmem:$0x0]  }
0x2dc: {  	_ =	swait.ge [sflag:s21], $0x9C40  }
0x2dd: {  	[sflag:s21] =	ssyncset.done $0x0  }
0x2de: {  	p1 =	por $0x0, $0x0;
	[sflag:s21] =	ssyncadd.s32 $0xFFFF63C0  }
.Ltmp8:
0x2df: {  	(pc) =	sbr.rel .LBB2_12-.Ltmp8, $3  }
0x2e0: {  	_ =	sdelay $0x1  }
0x2e1: {  	s1 =	rddreg [dreg:$0x8]  }
0x2e2: {  	s26 =	rddreg [dreg:$0x10]  }
.LBB2_13:
0x2e3: {  	_ =	sfence.sel $0x180000  }
0x2e4: {  	[bflag:$0x0] =	sbarrier.arrive $0xFFFF  }
0x2e5: {  	_ =	strace $0x9000004A  }
0x2e6: {  	s0 =	stileid.u32;
	[bflag:$0x2] =	sbarrier.arrive $0xFFFF  }
0x2e7: {  	p0 =	sne.s32 s0, $0x0;
	s0 =	rddreg [dreg:$0x3]  }
0x2e8: {  	s0 =	sadd.s32 @!p0 $0x100000, s0  }
0x2e9: {  	[sflag:s0] =	ssyncadd.tile.s32 @!p0 $0x1;
	_ =	shalt  }
.Lfunc_end2:
_tile_overlayer_lowered:
.L_overlay_start_2:
0x2ea: {  	(tag) =	ssettag $0x2  }
0x2eb: {  	s0 =	rddreg [dreg:$0x0];
	s2 =	stileid.u32  }
0x2ec: {  	s1 =	rddreg [dreg:$0x1];
	p0 =	sne.s32 s2, $0x0  }
0x2ed: {  	s3 =	rddreg [dreg:$0x2];
	[bflag:$0x3] =	sbarrier.arrive $0xFFFF;
	s2 =	simm.s32 @!p0 $0x1C03  }
0x2ee: {  	[timem:s3], [sflag:s2] =	dma.local @!p0 [hbm:s0], s1  }
0x2ef: {  	s0 =	simm.s32 @!p0 $0x3  }
0x2f0: {  	_ =	swait.ge @!p0 [sflag:s0], s1  }
0x2f1: {  	s1 =	ssub.s32 @!p0 $0x0, s1;
	[sflag:s0] =	ssyncset.done @!p0 $0x0  }
0x2f2: {  	[sflag:s0] =	ssyncadd.s32 @!p0 s1  }
0x2f3: {  	[bflag:$0x3] =	sbarrier.arrive $0xFFFF  }
0x2f4: {  	_ =	shalt  }

// kernel: kernel.16.cloned.1.call-start
scs
__scs_entry_jumppad:
0x0: {  	(pc) =	sbr.rel $0x88, $3  }
0x1: {  	(tag) =	ssettag $0x0;
	lr =	simm.s32 $0x1  }
0x2: {  	[smem:$0x3F99] =	sst lr;
	_ =	strace $0xD0000000  }
0x3: {  	_ = 	snop  }
0x4: {  	_ = 	snop  }
0x5: {  	_ = 	snop  }
0x6: {  	_ = 	snop  }
0x7: {  	_ = 	snop  }
__scs_overlays_trampoline_lowered:
0x8: {  	[smem:$0x3FA8] =	sst s0  }
0x9: {  	[smem:$0x3FA9] =	sst s1  }
0xa: {  	[smem:$0x3FAA] =	sst s2  }
0xb: {  	[smem:$0x3FAB] =	sst s3  }
0xc: {  	[smem:$0x3FAC] =	sst s4  }
0xd: {  	[smem:$0x3FAD] =	sst s5  }
0xe: {  	[smem:$0x3FAE] =	sst s6  }
0xf: {  	[smem:$0x3FAF] =	sst s7  }
0x10: {  	[smem:$0x3FB0] =	sst s8  }
0x11: {  	[smem:$0x3FB1] =	sst s9;
	s0 =	simm.s32 @!p0 $0x0  }
0x12: {  	s1 =	sld [smem:$0x3F97];
	s0 =	simm.s32 @p0 $0x1  }
0x13: {  	[smem:$0x3FB2] =	sst s0;
	s0 =	simm.s32 @!p1 $0x0  }
0x14: {  	s2 =	sld [smem:$0x3F96];
	s0 =	simm.s32 @p1 $0x1  }
0x15: {  	[smem:$0x3FB3] =	sst s0;
	s0 =	simm.s32 @!p2 $0x0  }
0x16: {  	s3 =	sld [smem:$0x3FDB];
	s0 =	simm.s32 @p2 $0x1  }
0x17: {  	s4 =	simm.s32 $0x1BF5;
	[smem:$0x3FB5] =	sst s0  }
0x18: {  	s0 =	sld [smem:$0x3F98];
	_ =	swait.ge [sflag:s4], $0x0  }
0x19: {  	s7 =	sld [smem:$0x3F99]  }
0x1a: {  	s8 =	sadd.s32 $0xFFFFE003, lr  }
0x1b: {  	s9 =	sadd.s32 $0xFFFFFEF7, lr;
	s5 =	simm.s32 $0xFFFFFFFF;
	p2 =	slt.u32 s8, $0xFFFFF086  }
0x1c: {  	p1 =	slt.u32 s9, $0xF7A;
	s5 =	simm.s32 @!p2 $0x0  }
0x1d: {  	s5 =	simm.s32 @p1 $0x1;
	p0 =	seq.s32 s7, s2  }
0x1e: {  	s7 =	smul.u32 @!p0 $0xF7A, s2;
	p2 =	seq.s32 @!p0 s5, $0x0  }
0x1f: {  	s9 =	smul.u32 $0xF7A, s1;
	s8 =	simm.s32 @!p0 $0x1BF5;
	p2 =	por !p2, p0  }
0x20: {  	[sflag:s8] =	ssyncset.s32 @!p0 $0xFFFFF086;
	s6 =	sadd.s32 @!p0 s3, s7;
	s7 =	simm.s32 @!p0 $0x108  }
0x21: {  	s3 =	sadd.s32 s3, s9;
	s6 =	sadd.s32 @!p0 $0x88, s6;
	s7 =	simm.s32 @p2 $0x1082  }
0x22: {  	[simem:s7], [sflag:s8] =	dma.local @!p0 [hbm:s6], $0xF7A  }
0x23: {  	s9 =	sor.u32 $0xD0000000, s2;
	s6 =	simm.s32 $0x108;
	_ =	swait.ge @!p0 [sflag:s8], $0x0  }
0x24: {  	s3 =	sadd.s32 $0x88, s3;
	s6 =	simm.s32 @!p1 $0x1082;
	[sflag:s4] =	ssyncset.s32 $0xFFFFF086  }
0x25: {  	[simem:s6], [sflag:s4] =	dma.local [hbm:s3], $0xF7A  }
0x26: {  	[smem:$0x3F99] =	sst s1;
	(tag) =	ssettag s2;
	_ =	strace s9  }
0x27: {  	s1 =	sld [smem:$0x3FA9]  }
0x28: {  	s2 =	sld [smem:$0x3FAA]  }
0x29: {  	s4 =	sld [smem:$0x3FAC]  }
0x2a: {  	p0 =	seq.s32 s5, $0x0;
	s5 =	sld [smem:$0x3FAD]  }
0x2b: {  	s6 =	sld [smem:$0x3FAE]  }
0x2c: {  	s7 =	sld [smem:$0x3FAF]  }
0x2d: {  	s3 =	simm.s32 $0x108;
	s8 =	sld [smem:$0x3FB0]  }
0x2e: {  	s3 =	simm.s32 @!p0 $0x1082;
	s9 =	sld [smem:$0x3FB1]  }
0x2f: {  	lr =	sadd.s32 s0, s3;
	s0 =	sld [smem:$0x3FA8]  }
0x30: {  	s3 =	sld [smem:$0x3FAB]  }
0x31: {  	[smem:$0x3FB4] =	sst s10  }
0x32: {  	s10 =	sld [smem:$0x3FB2];
	_ =	sdelay $0x3  }
0x33: {  	p0 =	seq.s32 s10, $0x1;
	s10 =	sld [smem:$0x3FB4];
	_ =	sdelay $0x3  }
0x34: {  	[smem:$0x3FB4] =	sst s10  }
0x35: {  	s10 =	sld [smem:$0x3FB3];
	_ =	sdelay $0x3  }
0x36: {  	p1 =	seq.s32 s10, $0x1;
	s10 =	sld [smem:$0x3FB4];
	_ =	sdelay $0x3  }
0x37: {  	[smem:$0x3FB4] =	sst s10  }
0x38: {  	s10 =	sld [smem:$0x3FB5]  }
0x39: {  	_ = 	snop;
	(pc) =	sbr.ind lr, $3  }
0x3a: {  	_ = 	snop  }
0x3b: {  	_ = 	snop  }
0x3c: {  	p2 =	seq.s32 s10, $0x1;
	s10 =	sld [smem:$0x3FB4]  }
0x3d: {  	_ =	shalt  }
0x3e: {  	_ =	shalt  }
0x3f: {  	_ =	shalt  }
0x40: {  	_ =	shalt  }
0x41: {  	_ =	shalt  }
0x42: {  	_ =	shalt  }
0x43: {  	_ =	shalt  }
0x44: {  	_ =	shalt  }
0x45: {  	_ =	shalt  }
0x46: {  	_ =	shalt  }
0x47: {  	_ =	shalt  }
0x48: {  	_ =	shalt  }
0x49: {  	_ =	shalt  }
0x4a: {  	_ =	shalt  }
0x4b: {  	_ =	shalt  }
0x4c: {  	_ =	shalt  }
0x4d: {  	_ =	shalt  }
0x4e: {  	_ =	shalt  }
0x4f: {  	_ =	shalt  }
0x50: {  	_ =	shalt  }
0x51: {  	_ =	shalt  }
0x52: {  	_ =	shalt  }
0x53: {  	_ =	shalt  }
0x54: {  	_ =	shalt  }
0x55: {  	_ =	shalt  }
0x56: {  	_ =	shalt  }
0x57: {  	_ =	shalt  }
0x58: {  	_ =	shalt  }
0x59: {  	_ =	shalt  }
0x5a: {  	_ =	shalt  }
0x5b: {  	_ =	shalt  }
0x5c: {  	_ =	shalt  }
0x5d: {  	_ =	shalt  }
0x5e: {  	_ =	shalt  }
0x5f: {  	_ =	shalt  }
0x60: {  	_ =	shalt  }
0x61: {  	_ =	shalt  }
0x62: {  	_ =	shalt  }
0x63: {  	_ =	shalt  }
0x64: {  	_ =	shalt  }
0x65: {  	_ =	shalt  }
0x66: {  	_ =	shalt  }
0x67: {  	_ =	shalt  }
0x68: {  	_ =	shalt  }
0x69: {  	_ =	shalt  }
0x6a: {  	_ =	shalt  }
0x6b: {  	_ =	shalt  }
0x6c: {  	_ =	shalt  }
0x6d: {  	_ =	shalt  }
0x6e: {  	_ =	shalt  }
0x6f: {  	_ =	shalt  }
0x70: {  	_ =	shalt  }
0x71: {  	_ =	shalt  }
0x72: {  	_ =	shalt  }
0x73: {  	_ =	shalt  }
0x74: {  	_ =	shalt  }
0x75: {  	_ =	shalt  }
0x76: {  	_ =	shalt  }
0x77: {  	_ =	shalt  }
0x78: {  	_ =	shalt  }
0x79: {  	_ =	shalt  }
0x7a: {  	_ =	shalt  }
0x7b: {  	_ =	shalt  }
0x7c: {  	_ =	shalt  }
0x7d: {  	_ =	shalt  }
0x7e: {  	_ =	shalt  }
0x7f: {  	_ =	shalt  }
0x80: {  	_ =	shalt  }
0x81: {  	_ =	shalt  }
0x82: {  	_ =	shalt  }
0x83: {  	_ =	shalt  }
0x84: {  	_ =	shalt  }
0x85: {  	_ =	shalt  }
0x86: {  	_ =	shalt  }
0x87: {  	_ =	shalt  }
.Lfunc_end0:
.L_simem_size_0:
called_computation.2_lowered:
.L_overlay_start_0:
0x88: {  	s2 =	sld [smem:$0x3FD9]  }
0x89: {  	s3 =	sld [smem:$0x3FFE];
	_ =	sdelay $0x1  }
0x8a: {  	s1 =	srdreg.scid  }
0x8b: {  	s0 =	sand.u32 $0x1, s1  }
0x8c: {  	s17 =	sshll.u32 s0, $0xA;
	s2 =	sadd.s32 s3, s2  }
0x8d: {  	s2 =	sadd.s32 s2, s17  }
0x8e: {  	[smem:$0x3FC0] =	sst s2  }
0x8f: {  	_ = 	snop  }
0x90: {  	s2 =	sld [smem:$0x3FD0];
	(tm) =	ssettm $0x1  }
0x91: {  	s18 =	sld [smem:$0x3FFB];
	_ =	sdelay $0x3  }
0x92: {  	_ =	strace s18  }
0x93: {  	s3 =	sld [smem:$0x3FFC];
	_ =	sdelay $0x3  }
0x94: {  	_ =	strace s3  }
0x95: {  	s3 =	sld [smem:$0x3FFD];
	_ =	sdelay $0x3  }
0x96: {  	_ =	strace s3  }
0x97: {  	_ =	strace $0x8FFFFFFF  }
0x98: {  	s19 =	sld [smem:$0x3FDB];
	_ =	sdelay $0x1  }
0x99: {  	s4 =	simm.s32 $_scs_section_size  }
0x9a: {  	s5 =	simm.s32 $_size__tile_overlayer_lowered;
	s6 =	simm.s32 $_tile_overlayer_lowered  }
0x9b: {  	s22 =	simm.s32 $0x1BFF;
	s21 =	sshll.u32 s6, $0x1;
	s3 =	sadd.s32 s4, s19  }
0x9c: {  	s7 =	simm.s32 $0x0;
	s20 =	sshll.u32 s5, $0x1;
	s5 =	sadd.s32 s21, s3  }
0x9d: {  	[timem:s7], [sflag:s22] =	dma.local [hbm:s5], s20  }
0x9e: {  	_ =	swait.ge [sflag:s22], s20  }
0x9f: {  	s4 =	ssub.s32 $0x0, s20;
	[sflag:s22] =	ssyncset.done $0x0  }
0xa0: {  	[sflag:s22] =	ssyncadd.s32 s4;
	_ =	sdelay $0x1  }
0xa1: {  	s23 =	simm.s32 $0x1B8B  }
0xa2: {  	_ =	swait.ge [sflag:s23], $0x1  }
0xa3: {  	[sflag:s23] =	ssyncset.done $0x0  }
0xa4: {  	s25 =	simm.s32 $0x1B8E;
	s24 =	sld [smem:$0x3FFE];
	[sflag:s23] =	ssyncadd.s32 $0xFFFFFFFF  }
0xa5: {  	s26 =	simm.s32 $execute0_lowered;
	[smem:$0x3FD2] =	sst s25  }
0xa6: {  	s5 =	sshll.u32 s26, $0x1;
	_ =	strace $0x8000004C;
	[dreg:$0x1] =	wrdreg $0xFFFFFFFF  }
0xa7: {  	s28 =	simm.s32 $_size_execute0_lowered;
	s3 =	sadd.s32 s3, s5;
	[dreg:$0x0] =	wrdreg $0x0  }
0xa8: {  	s5 =	sshll.u32 s28, $0x1;
	[dreg:$0x2] =	wrdreg s3  }
0xa9: {  	[dreg:$0x3] =	wrdreg s5  }
0xaa: {  	[dreg:$0x4] =	wrdreg $0xC0  }
0xab: {  	_ =	task [dreg:s7], $0x5FFFF  }
0xac: {  	[dreg:$0x1] =	wrdreg $0xFFFFFFFF  }
0xad: {  	[dreg:$0x0] =	wrdreg $0x60  }
0xae: {  	[dreg:$0x2] =	wrdreg s24  }
0xaf: {  	[dreg:$0x3] =	wrdreg s2  }
0xb0: {  	[dreg:$0x4] =	wrdreg $0x160000  }
0xb1: {  	[dreg:$0x5] =	wrdreg $0x9  }
0xb2: {  	_ =	task.clear_ibuf [dreg:s7], $0x6FFFF;
	_ =	strace $0x9000004C  }
0xb3: {  	s29 =	simm.s32 $0x9;
	_ =	strace $0x8000004E  }
0xb4: {  	_ =	swait.ge [sflag:s29], $0x1  }
0xb5: {  	[sflag:s29] =	ssyncadd.s32 $0xFFFFFFFF  }
0xb6: {  	_ =	strace $0x9000004E  }
0xb7: {  	_ =	sfence  }
0xb8: {  	s30 =	sld [smem:$0x0];
	_ =	sdelay $0x2  }
0xb9: {  	s31 =	sshll.u32 s1, $0xD;
	s1 =	sshrl.u32 s1, $0x2  }
0xba: {  	s3 =	sand.u32 $0x4000, s31;
	s1 =	sadd.s32 s1, s30  }
0xbb: {  	s0 =	sor.u32 s3, s0;
	s1 =	sshll.u32 s1, $0x11  }
0xbc: {  	s0 =	sor.u32 s1, s0  }
0xbd: {  	s0 =	sadd.s32 $0x8F2B, s0  }
0xbe: {  	[sflag:s0] =	ssyncadd.remote.s32 $0x1  }
0xbf: {  	_ =	sfence.sel $0xFFFF  }
0xc0: {  	[dreg:$0x0] =	wrdreg $0xFFFFFFFF;
	(pc) =	sbr.abs _section_cstart, $3  }
0xc1: {  	[dreg:$0x1] =	wrdreg $0xFFFFFFFF  }
0xc2: {  	_ =	task.clear_ibuf [dreg:s7], $0x2FFFF;
	_ =	strace $0x9FFFFFFF  }
0xc3: {  	(tm) =	ssettm $0x7FFFFFFF  }
tec
execute0_lowered:
.L_overlay_start_1:
0x0: {  	(tag) =	ssettag $0x1  }
0x1: {  	s0 =	rddreg [dreg:$0x0]  }
0x2: {  	s7 =	rddreg [dreg:$0x1]  }
0x3: {  	s3 =	rddreg [dreg:$0x2]  }
0x4: {  	s4 =	simm.s32 $0x0;
	s10 =	stileid.u32;
	s2 =	srdreg.scid  }
0x5: {  	s28 =	simm.s32 $0xC3C0;
	s29 =	simm.s32 $0x2;
	s30 =	simm.s32 $0x4F0  }
0x6: {  	s31 =	simm.s32 $0x1638;
	s13 =	simm.s32 $0x9E0;
	s15 =	simm.s32 $0x1DA0  }
0x7: {  	s16 =	simm.s32 $0xED0;
	s17 =	simm.s32 $0x2290;
	[smem:$0x7FF] =	sst s4  }
0x8: {  	s5 =	sadd.s32 $0x68E00, s0;
	s1 =	smul.u32 $0x14000, s10;
	s6 =	sadd.s32 $0x55400, s0  }
0x9: {  	s14 =	sadd.s32 $0x41A00, s0;
	s8 =	sadd.s32 $0xF600, s0;
	s2 =	sand.u32 $0x1, s2  }
0xa: {  	s9 =	sadd.s32 $0x19400, s0;
	s19 =	sadd.s32 $0x90800, s0;
	s22 =	smul.u32 $0x9E0, s10  }
0xb: {  	s23 =	sshll.u32 s10, $0x1;
	_ =	strace $0x8000004D;
	[dreg:$0x7] =	wrdreg s9  }
0xc: {  	s25 =	sshll.u32 s10, $0x6;
	s10 =	simm.s32 $0x1148;
	[dreg:$0x8] =	wrdreg s19  }
0xd: {  	s18 =	ssub.s32 $0x2, s2;
	p0 =	seq.s32 s2, $0x1;
	[dreg:$0xb] =	wrdreg s23  }
0xe: {  	s26 =	sor.u32 $0x1C03, s25;
	s23 =	simm.s32 $0x271;
	s25 =	simm.s32 $0x1  }
0xf: {  	s2 =	simm.s32 $0x18B0;
	s9 =	simm.s32 $0x2018;
	[dreg:$0x4] =	wrdreg s14  }
0x10: {  	[dreg:$0x5] =	wrdreg s8;
	s11 =	sshrl.u32 s1, $0x4;
	s20 =	sshrl.u32 s18, $0x1  }
0x11: {  	s1 =	sshrl.u32 s1, $0x1;
	[dreg:$0xe] =	wrdreg s26;
	s19 =	sadd.s32 s22, s7  }
0x12: {  	s26 =	simm.s32 $0x0;
	[dreg:$0x6] =	wrdreg s11;
	s12 =	sadd.s32 s11, s0  }
0x13: {  	s0 =	sadd.s32 $0x7C800, s0;
	s1 =	sadd.s32 s1, s3;
	s11 =	simm.s32 $0x1B28  }
0x14: {  	[dreg:$0x9] =	wrdreg s0;
	s0 =	ssub.s32 s18, s20;
	s21 =	sadd.s32 $0xB8800, s12  }
.Ltmp0:
0x15: {  	s24 =	sadd.s32 $0xA4800, s12;
	s18 =	sadd.s32 s22, s8;
	(pc) =	sbr.rel .LBB2_1-.Ltmp0, $4  }
0x16: {  	s7 =	sshrl.u32 s1, $0x3;
	s22 =	simm.s32 $0x13C0;
	[dreg:$0xa] =	wrdreg s21  }
0x17: {  	s12 =	simm.s32 $0xC58;
	s20 =	simm.s32 $0x2508;
	[dreg:$0xc] =	wrdreg s24  }
0x18: {  	s0 =	smax.u32 s0, $0x1;
	s21 =	simm.s32 $0x3;
	[dreg:$0xf] =	wrdreg s7  }
0x19: {  	s24 =	simm.s32 $0x2780;
	[dreg:$0xd] =	wrdreg s0;
	s0 =	simm.s32 $0x768  }
.LBB2_12:
0x1a: {  	s7 =	rddreg [dreg:$0x6]  }
0x1b: {  	s1 =	sadd.s32 s1, s7  }
0x1c: {  	[dreg:$0x11] =	wrdreg s1  }
0x1d: {  	[bflag:$0x0] =	sbarrier.arrive $0xFFFF  }
0x1e: {  	s1 =	rddreg [dreg:$0x11]  }
0x1f: {  	s14 =	rddreg [dreg:$0xf]  }
0x20: {  	s8 =	rddreg [dreg:$0xe]  }
0x21: {  	[hbm:s1], [sflag:s8] =	dma.local [spmem:s14], $0x1400  }
0x22: {  	s7 =	rddreg [dreg:$0xf];
	_ =	swait.ge [sflag:s21], $0x1400  }
0x23: {  	s26 =	sadd.s32 $0x1, s26;
	s14 =	rddreg [dreg:$0xd]  }
0x24: {  	p1 =	sne.s32 s26, s14  }
.Ltmp1:
0x25: {  	_ = 	snop;
	(pc) =	sbr.rel @!p1 .LBB2_13-.Ltmp1, $3  }
0x26: {  	[sflag:s21] =	ssyncset.done $0x0  }
0x27: {  	[sflag:s21] =	ssyncadd.s32 $0xFFFFEC00  }
0x28: {  	[bflag:$0x0] =	sbarrier.arrive $0xFFFF;
	_ =	sdelay $0x1  }
.LBB2_1:
0x29: {  	[dreg:$0x10] =	wrdreg s26  }
0x2a: {  	s1 =	rddreg [dreg:$0x7]  }
0x2b: {  	s8 =	rddreg [dreg:$0xe]  }
0x2c: {  	[spmem:s7], [sflag:s8] =	dma.local [hbm:s1], $0x1400  }
.Ltmp2:
0x2d: {  	_ =	swait.ge [sflag:s21], $0x1400;
	(pc) =	sbr.rel @!p0 .LBB2_2-.Ltmp2, $4  }
0x2e: {  	[sflag:s21] =	ssyncset.done $0x0  }
0x2f: {  	[sflag:s21] =	ssyncadd.s32 $0xFFFFEC00  }
0x30: {  	[bflag:$0x0] =	sbarrier.arrive $0xFFFF  }
0x31: {  	s1 =	sadd.s32 $0x0, s18  }
0x32: {  	[tilespmem:s4], [sflag:$0x3] =	stream.linear.gather [hbm4b:s1+s4], $0x13C0, $0x38;
	v63 =	vld [tilespmem:$0x0]  }
0x33: {  	_ =	swait.ge [sflag:s21], $0x13C0  }
0x34: {  	[sflag:s21] =	ssyncset.done $0x0  }
0x35: {  	s14 =	sadd.s32 $0x0, s19;
	[sflag:s21] =	ssyncadd.s32 $0xFFFFEC40  }
0x36: {  	[tilespmem:s22], [sflag:$0x3] =	stream.linear.gather [hbm4b:s14+s4], $0x13C0, $0x38;
	v63 =	vld [tilespmem:$0x0]  }
0x37: {  	_ =	swait.ge [sflag:s21], $0x13C0  }
0x38: {  	[sflag:s21] =	ssyncset.done $0x0  }
0x39: {  	[sflag:s21] =	ssyncadd.s32 $0xFFFFEC40  }
0x3a: {  	[tilespmem:s24], [sflag:$0x1] =	stream.indirect.gather [hbm4b:s6+s23], $0x40, s4, s23, $0xb8;
	v63 =	vld [tilespmem:$0x0]  }
0x3b: {  	_ =	swait.ge [sflag:s25], $0x9C40  }
0x3c: {  	[sflag:s25] =	ssyncset.done $0x0  }
0x3d: {  	s26 =	simm.s32 $0x278;
	[sflag:s25] =	ssyncadd.s32 $0xFFFF63C0  }
0x3e: {  	[tilespmem:s28], [sflag:$0x2] =	stream.indirect.gather [hbm4b:s6+s23], $0x40, s26, s23, $0xb8;
	v63 =	vld [tilespmem:$0x0]  }
0x3f: {  	_ = 	snop  }
0x40: {  	[spmem:s3] =	stream.indirect.scatter.add.s16 [tilespmem:s24], [sflag:$0x3], $0x40, s22, s23, $0xb8;
	v63 =	vld [tilespmem:$0x0]  }
0x41: {  	_ =	swait.ge [sflag:s21], $0x9C40  }
0x42: {  	[sflag:s21] =	ssyncset.done $0x0  }
0x43: {  	[sflag:s21] =	ssyncadd.s32 $0xFFFF63C0  }
0x44: {  	_ =	swait.ge [sflag:s29], $0x9C40  }
0x45: {  	[sflag:s29] =	ssyncset.done $0x0  }
0x46: {  	[sflag:s29] =	ssyncadd.s32 $0xFFFF63C0  }
0x47: {  	[tilespmem:s24], [sflag:$0x1] =	stream.indirect.gather [hbm4b:s6+s23], $0x40, s30, s23, $0xb8;
	v63 =	vld [tilespmem:$0x0]  }
0x48: {  	_ = 	snop  }
0x49: {  	[spmem:s3] =	stream.indirect.scatter.add.s16 [tilespmem:s28], [sflag:$0x3], $0x40, s31, s23, $0xb8;
	v63 =	vld [tilespmem:$0x0]  }
0x4a: {  	_ =	swait.ge [sflag:s21], $0x9C40  }
0x4b: {  	[sflag:s21] =	ssyncset.done $0x0  }
0x4c: {  	[sflag:s21] =	ssyncadd.s32 $0xFFFF63C0  }
0x4d: {  	_ =	swait.ge [sflag:s25], $0x9C40  }
0x4e: {  	[sflag:s25] =	ssyncset.done $0x0  }
0x4f: {  	[sflag:s25] =	ssyncadd.s32 $0xFFFF63C0  }
0x50: {  	[tilespmem:s28], [sflag:$0x2] =	stream.indirect.gather [hbm4b:s6+s23], $0x40, s0, s23, $0xb8;
	v63 =	vld [tilespmem:$0x0]  }
0x51: {  	_ = 	snop  }
0x52: {  	[spmem:s3] =	stream.indirect.scatter.add.s16 [tilespmem:s24], [sflag:$0x3], $0x40, s2, s23, $0xb8;
	v63 =	vld [tilespmem:$0x0]  }
0x53: {  	_ =	swait.ge [sflag:s21], $0x9C40  }
0x54: {  	[sflag:s21] =	ssyncset.done $0x0  }
0x55: {  	[sflag:s21] =	ssyncadd.s32 $0xFFFF63C0  }
0x56: {  	_ =	swait.ge [sflag:s29], $0x9C40  }
0x57: {  	[sflag:s29] =	ssyncset.done $0x0  }
0x58: {  	[sflag:s29] =	ssyncadd.s32 $0xFFFF63C0  }
0x59: {  	[tilespmem:s24], [sflag:$0x1] =	stream.indirect.gather [hbm4b:s6+s23], $0x40, s13, s23, $0xb8;
	v63 =	vld [tilespmem:$0x0]  }
0x5a: {  	_ = 	snop  }
0x5b: {  	[spmem:s3] =	stream.indirect.scatter.add.s16 [tilespmem:s28], [sflag:$0x3], $0x40, s11, s23, $0xb8;
	v63 =	vld [tilespmem:$0x0]  }
0x5c: {  	_ =	swait.ge [sflag:s21], $0x9C40  }
0x5d: {  	[sflag:s21] =	ssyncset.done $0x0  }
0x5e: {  	[sflag:s21] =	ssyncadd.s32 $0xFFFF63C0  }
0x5f: {  	_ =	swait.ge [sflag:s25], $0x9C40  }
0x60: {  	[sflag:s25] =	ssyncset.done $0x0  }
0x61: {  	[sflag:s25] =	ssyncadd.s32 $0xFFFF63C0  }
0x62: {  	[tilespmem:s28], [sflag:$0x2] =	stream.indirect.gather [hbm4b:s6+s23], $0x40, s12, s23, $0xb8;
	v63 =	vld [tilespmem:$0x0]  }
0x63: {  	_ = 	snop  }
0x64: {  	[spmem:s3] =	stream.indirect.scatter.add.s16 [tilespmem:s24], [sflag:$0x3], $0x40, s15, s23, $0xb8;
	v63 =	vld [tilespmem:$0x0]  }
0x65: {  	_ =	swait.ge [sflag:s21], $0x9C40  }
0x66: {  	[sflag:s21] =	ssyncset.done $0x0  }
0x67: {  	[sflag:s21] =	ssyncadd.s32 $0xFFFF63C0  }
0x68: {  	_ =	swait.ge [sflag:s29], $0x9C40  }
0x69: {  	[sflag:s29] =	ssyncset.done $0x0  }
0x6a: {  	[sflag:s29] =	ssyncadd.s32 $0xFFFF63C0  }
0x6b: {  	[tilespmem:s24], [sflag:$0x1] =	stream.indirect.gather [hbm4b:s6+s23], $0x40, s16, s23, $0xb8;
	v63 =	vld [tilespmem:$0x0]  }
0x6c: {  	_ = 	snop  }
0x6d: {  	[spmem:s3] =	stream.indirect.scatter.add.s16 [tilespmem:s28], [sflag:$0x3], $0x40, s9, s23, $0xb8;
	v63 =	vld [tilespmem:$0x0]  }
0x6e: {  	_ =	swait.ge [sflag:s21], $0x9C40  }
0x6f: {  	[sflag:s21] =	ssyncset.done $0x0  }
0x70: {  	[sflag:s21] =	ssyncadd.s32 $0xFFFF63C0  }
0x71: {  	_ =	swait.ge [sflag:s25], $0x9C40  }
0x72: {  	[sflag:s25] =	ssyncset.done $0x0  }
0x73: {  	[sflag:s25] =	ssyncadd.s32 $0xFFFF63C0  }
0x74: {  	[tilespmem:s28], [sflag:$0x2] =	stream.indirect.gather [hbm4b:s6+s23], $0x40, s10, s23, $0xb8;
	v63 =	vld [tilespmem:$0x0]  }
0x75: {  	_ = 	snop  }
0x76: {  	[spmem:s3] =	stream.indirect.scatter.add.s16 [tilespmem:s24], [sflag:$0x3], $0x40, s17, s23, $0xb8;
	v63 =	vld [tilespmem:$0x0]  }
0x77: {  	_ =	swait.ge [sflag:s21], $0x9C40  }
0x78: {  	[sflag:s21] =	ssyncset.done $0x0  }
0x79: {  	[sflag:s21] =	ssyncadd.s32 $0xFFFF63C0  }
0x7a: {  	_ =	swait.ge [sflag:s29], $0x9C40  }
0x7b: {  	[sflag:s29] =	ssyncset.done $0x0  }
0x7c: {  	[sflag:s29] =	ssyncadd.s32 $0xFFFF63C0  }
0x7d: {  	[spmem:s3] =	stream.indirect.scatter.add.s16 [tilespmem:s28], [sflag:$0x3], $0x40, s20, s23, $0xb8;
	v63 =	vld [tilespmem:$0x0]  }
0x7e: {  	_ =	swait.ge [sflag:s21], $0x9C40  }
0x7f: {  	s1 =	simm.s32 $0x278;
	s14 =	simm.s32 $0x4F0;
	[sflag:s21] =	ssyncset.done $0x0  }
.LBB2_8:
0x80: {  	s7 =	sadd.s32 s1, s18  }
0x81: {  	[sflag:s21] =	ssyncadd.s32 $0xFFFF63C0;
	s26 =	smov.u32 s14;
	s8 =	sadd.s32 $0x278, s14  }
0x82: {  	[tilespmem:s4], [sflag:$0x3] =	stream.linear.gather [hbm4b:s7+s4], $0x13C0, $0x38;
	v63 =	vld [tilespmem:$0x0]  }
0x83: {  	p1 =	sne.s32 s14, $0x768;
	_ =	swait.ge [sflag:s21], $0x13C0  }
0x84: {  	s7 =	sadd.s32 s1, s19;
	[sflag:s21] =	ssyncset.done $0x0  }
0x85: {  	s1 =	smov.u32 s26;
	s26 =	simm.s32 $0x278;
	[sflag:s21] =	ssyncadd.s32 $0xFFFFEC40  }
0x86: {  	[tilespmem:s22], [sflag:$0x3] =	stream.linear.gather [hbm4b:s7+s4], $0x13C0, $0x38;
	v63 =	vld [tilespmem:$0x0]  }
0x87: {  	_ =	swait.ge [sflag:s21], $0x13C0  }
0x88: {  	[sflag:s21] =	ssyncset.done $0x0  }
0x89: {  	[sflag:s21] =	ssyncadd.s32 $0xFFFFEC40  }
0x8a: {  	[tilespmem:s24], [sflag:$0x1] =	stream.indirect.gather [hbm4b:s6+s23], $0x40, s4, s23, $0xb8;
	v63 =	vld [tilespmem:$0x0]  }
0x8b: {  	_ =	swait.ge [sflag:s25], $0x9C40  }
0x8c: {  	[sflag:s25] =	ssyncset.done $0x0  }
0x8d: {  	[sflag:s25] =	ssyncadd.s32 $0xFFFF63C0  }
0x8e: {  	[tilespmem:s28], [sflag:$0x2] =	stream.indirect.gather [hbm4b:s6+s23], $0x40, s26, s23, $0xb8;
	v63 =	vld [tilespmem:$0x0]  }
0x8f: {  	_ = 	snop  }
0x90: {  	[spmem:s3] =	stream.indirect.scatter.add.s16 [tilespmem:s24], [sflag:$0x3], $0x40, s22, s23, $0xb8;
	v63 =	vld [tilespmem:$0x0]  }
0x91: {  	_ =	swait.ge [sflag:s21], $0x9C40  }
0x92: {  	[sflag:s21] =	ssyncset.done $0x0  }
0x93: {  	[sflag:s21] =	ssyncadd.s32 $0xFFFF63C0  }
0x94: {  	_ =	swait.ge [sflag:s29], $0x9C40  }
0x95: {  	[sflag:s29] =	ssyncset.done $0x0  }
0x96: {  	[sflag:s29] =	ssyncadd.s32 $0xFFFF63C0  }
0x97: {  	[tilespmem:s24], [sflag:$0x1] =	stream.indirect.gather [hbm4b:s6+s23], $0x40, s30, s23, $0xb8;
	v63 =	vld [tilespmem:$0x0]  }
0x98: {  	_ = 	snop  }
0x99: {  	[spmem:s3] =	stream.indirect.scatter.add.s16 [tilespmem:s28], [sflag:$0x3], $0x40, s31, s23, $0xb8;
	v63 =	vld [tilespmem:$0x0]  }
0x9a: {  	_ =	swait.ge [sflag:s21], $0x9C40  }
0x9b: {  	[sflag:s21] =	ssyncset.done $0x0  }
0x9c: {  	[sflag:s21] =	ssyncadd.s32 $0xFFFF63C0  }
0x9d: {  	_ =	swait.ge [sflag:s25], $0x9C40  }
0x9e: {  	[sflag:s25] =	ssyncset.done $0x0  }
0x9f: {  	[sflag:s25] =	ssyncadd.s32 $0xFFFF63C0  }
0xa0: {  	[tilespmem:s28], [sflag:$0x2] =	stream.indirect.gather [hbm4b:s6+s23], $0x40, s0, s23, $0xb8;
	v63 =	vld [tilespmem:$0x0]  }
0xa1: {  	_ = 	snop  }
0xa2: {  	[spmem:s3] =	stream.indirect.scatter.add.s16 [tilespmem:s24], [sflag:$0x3], $0x40, s2, s23, $0xb8;
	v63 =	vld [tilespmem:$0x0]  }
0xa3: {  	_ =	swait.ge [sflag:s21], $0x9C40  }
0xa4: {  	[sflag:s21] =	ssyncset.done $0x0  }
0xa5: {  	[sflag:s21] =	ssyncadd.s32 $0xFFFF63C0  }
0xa6: {  	_ =	swait.ge [sflag:s29], $0x9C40  }
0xa7: {  	[sflag:s29] =	ssyncset.done $0x0  }
0xa8: {  	[sflag:s29] =	ssyncadd.s32 $0xFFFF63C0  }
0xa9: {  	[tilespmem:s24], [sflag:$0x1] =	stream.indirect.gather [hbm4b:s6+s23], $0x40, s13, s23, $0xb8;
	v63 =	vld [tilespmem:$0x0]  }
0xaa: {  	_ = 	snop  }
0xab: {  	[spmem:s3] =	stream.indirect.scatter.add.s16 [tilespmem:s28], [sflag:$0x3], $0x40, s11, s23, $0xb8;
	v63 =	vld [tilespmem:$0x0]  }
0xac: {  	_ =	swait.ge [sflag:s21], $0x9C40  }
0xad: {  	[sflag:s21] =	ssyncset.done $0x0  }
0xae: {  	[sflag:s21] =	ssyncadd.s32 $0xFFFF63C0  }
0xaf: {  	_ =	swait.ge [sflag:s25], $0x9C40  }
0xb0: {  	[sflag:s25] =	ssyncset.done $0x0  }
0xb1: {  	[sflag:s25] =	ssyncadd.s32 $0xFFFF63C0  }
0xb2: {  	[tilespmem:s28], [sflag:$0x2] =	stream.indirect.gather [hbm4b:s6+s23], $0x40, s12, s23, $0xb8;
	v63 =	vld [tilespmem:$0x0]  }
0xb3: {  	_ = 	snop  }
0xb4: {  	[spmem:s3] =	stream.indirect.scatter.add.s16 [tilespmem:s24], [sflag:$0x3], $0x40, s15, s23, $0xb8;
	v63 =	vld [tilespmem:$0x0]  }
0xb5: {  	_ =	swait.ge [sflag:s21], $0x9C40  }
0xb6: {  	[sflag:s21] =	ssyncset.done $0x0  }
0xb7: {  	[sflag:s21] =	ssyncadd.s32 $0xFFFF63C0  }
0xb8: {  	_ =	swait.ge [sflag:s29], $0x9C40  }
0xb9: {  	[sflag:s29] =	ssyncset.done $0x0  }
0xba: {  	[sflag:s29] =	ssyncadd.s32 $0xFFFF63C0  }
0xbb: {  	[tilespmem:s24], [sflag:$0x1] =	stream.indirect.gather [hbm4b:s6+s23], $0x40, s16, s23, $0xb8;
	v63 =	vld [tilespmem:$0x0]  }
0xbc: {  	_ = 	snop  }
0xbd: {  	[spmem:s3] =	stream.indirect.scatter.add.s16 [tilespmem:s28], [sflag:$0x3], $0x40, s9, s23, $0xb8;
	v63 =	vld [tilespmem:$0x0]  }
0xbe: {  	_ =	swait.ge [sflag:s21], $0x9C40  }
0xbf: {  	[sflag:s21] =	ssyncset.done $0x0  }
0xc0: {  	[sflag:s21] =	ssyncadd.s32 $0xFFFF63C0  }
0xc1: {  	_ =	swait.ge [sflag:s25], $0x9C40  }
0xc2: {  	[sflag:s25] =	ssyncset.done $0x0  }
0xc3: {  	[sflag:s25] =	ssyncadd.s32 $0xFFFF63C0  }
0xc4: {  	[tilespmem:s28], [sflag:$0x2] =	stream.indirect.gather [hbm4b:s6+s23], $0x40, s10, s23, $0xb8;
	v63 =	vld [tilespmem:$0x0]  }
0xc5: {  	_ = 	snop  }
0xc6: {  	[spmem:s3] =	stream.indirect.scatter.add.s16 [tilespmem:s24], [sflag:$0x3], $0x40, s17, s23, $0xb8;
	v63 =	vld [tilespmem:$0x0]  }
0xc7: {  	_ =	swait.ge [sflag:s21], $0x9C40  }
0xc8: {  	[sflag:s21] =	ssyncset.done $0x0  }
0xc9: {  	[sflag:s21] =	ssyncadd.s32 $0xFFFF63C0  }
0xca: {  	_ =	swait.ge [sflag:s29], $0x9C40  }
.Ltmp3:
0xcb: {  	[sflag:s29] =	ssyncset.done $0x0;
	(pc) =	sbr.rel @p1 .LBB2_8-.Ltmp3, $4  }
0xcc: {  	[sflag:s29] =	ssyncadd.s32 $0xFFFF63C0  }
0xcd: {  	[spmem:s3] =	stream.indirect.scatter.add.s16 [tilespmem:s28], [sflag:$0x3], $0x40, s20, s23, $0xb8;
	v63 =	vld [tilespmem:$0x0]  }
0xce: {  	_ =	swait.ge [sflag:s21], $0x9C40  }
0xcf: {  	s14 =	smov.u32 s8;
	[sflag:s21] =	ssyncset.done $0x0  }
0xd0: {  	s7 =	sadd.s32 s1, s18;
	[sflag:s21] =	ssyncadd.s32 $0xFFFF63C0  }
0xd1: {  	[tilespmem:s4], [sflag:$0x3] =	stream.linear.gather [hbm4b:s7+s4], $0x13C0, $0x38;
	v63 =	vld [tilespmem:$0x0]  }
0xd2: {  	_ =	swait.ge [sflag:s21], $0x13C0  }
0xd3: {  	[sflag:s21] =	ssyncset.done $0x0  }
0xd4: {  	s14 =	sadd.s32 s1, s19;
	[sflag:s21] =	ssyncadd.s32 $0xFFFFEC40  }
0xd5: {  	[tilespmem:s22], [sflag:$0x3] =	stream.linear.gather [hbm4b:s14+s4], $0x13C0, $0x38;
	v63 =	vld [tilespmem:$0x0]  }
0xd6: {  	_ =	swait.ge [sflag:s21], $0x13C0  }
0xd7: {  	[sflag:s21] =	ssyncset.done $0x0  }
0xd8: {  	[sflag:s21] =	ssyncadd.s32 $0xFFFFEC40  }
0xd9: {  	[tilespmem:s24], [sflag:$0x1] =	stream.indirect.gather [hbm4b:s6+s23], $0x40, s4, s23, $0xb8;
	v63 =	vld [tilespmem:$0x0]  }
0xda: {  	_ =	swait.ge [sflag:s25], $0x9C40  }
0xdb: {  	[sflag:s25] =	ssyncset.done $0x0  }
0xdc: {  	[sflag:s25] =	ssyncadd.s32 $0xFFFF63C0  }
0xdd: {  	[tilespmem:s28], [sflag:$0x2] =	stream.indirect.gather [hbm4b:s6+s23], $0x40, s26, s23, $0xb8;
	v63 =	vld [tilespmem:$0x0]  }
0xde: {  	_ = 	snop  }
0xdf: {  	[spmem:s3] =	stream.indirect.scatter.add.s16 [tilespmem:s24], [sflag:$0x3], $0x40, s22, s23, $0xb8;
	v63 =	vld [tilespmem:$0x0]  }
0xe0: {  	_ =	swait.ge [sflag:s21], $0x9C40  }
0xe1: {  	[sflag:s21] =	ssyncset.done $0x0  }
0xe2: {  	[sflag:s21] =	ssyncadd.s32 $0xFFFF63C0  }
0xe3: {  	_ =	swait.ge [sflag:s29], $0x9C40  }
0xe4: {  	[sflag:s29] =	ssyncset.done $0x0  }
0xe5: {  	[sflag:s29] =	ssyncadd.s32 $0xFFFF63C0  }
0xe6: {  	[tilespmem:s24], [sflag:$0x1] =	stream.indirect.gather [hbm4b:s6+s23], $0x40, s30, s23, $0xb8;
	v63 =	vld [tilespmem:$0x0]  }
0xe7: {  	_ = 	snop  }
0xe8: {  	[spmem:s3] =	stream.indirect.scatter.add.s16 [tilespmem:s28], [sflag:$0x3], $0x40, s31, s23, $0xb8;
	v63 =	vld [tilespmem:$0x0]  }
0xe9: {  	_ =	swait.ge [sflag:s21], $0x9C40  }
0xea: {  	[sflag:s21] =	ssyncset.done $0x0  }
0xeb: {  	[sflag:s21] =	ssyncadd.s32 $0xFFFF63C0  }
0xec: {  	_ =	swait.ge [sflag:s25], $0x9C40  }
0xed: {  	[sflag:s25] =	ssyncset.done $0x0  }
0xee: {  	[sflag:s25] =	ssyncadd.s32 $0xFFFF63C0  }
0xef: {  	[tilespmem:s28], [sflag:$0x2] =	stream.indirect.gather [hbm4b:s6+s23], $0x40, s0, s23, $0xb8;
	v63 =	vld [tilespmem:$0x0]  }
0xf0: {  	_ = 	snop  }
0xf1: {  	[spmem:s3] =	stream.indirect.scatter.add.s16 [tilespmem:s24], [sflag:$0x3], $0x40, s2, s23, $0xb8;
	v63 =	vld [tilespmem:$0x0]  }
0xf2: {  	_ =	swait.ge [sflag:s21], $0x9C40  }
0xf3: {  	[sflag:s21] =	ssyncset.done $0x0  }
0xf4: {  	[sflag:s21] =	ssyncadd.s32 $0xFFFF63C0  }
0xf5: {  	_ =	swait.ge [sflag:s29], $0x9C40  }
0xf6: {  	[sflag:s29] =	ssyncset.done $0x0  }
0xf7: {  	[sflag:s29] =	ssyncadd.s32 $0xFFFF63C0  }
0xf8: {  	[tilespmem:s24], [sflag:$0x1] =	stream.indirect.gather [hbm4b:s6+s23], $0x40, s13, s23, $0xb8;
	v63 =	vld [tilespmem:$0x0]  }
0xf9: {  	_ = 	snop  }
0xfa: {  	[spmem:s3] =	stream.indirect.scatter.add.s16 [tilespmem:s28], [sflag:$0x3], $0x40, s11, s23, $0xb8;
	v63 =	vld [tilespmem:$0x0]  }
0xfb: {  	_ =	swait.ge [sflag:s21], $0x9C40  }
0xfc: {  	[sflag:s21] =	ssyncset.done $0x0  }
0xfd: {  	[sflag:s21] =	ssyncadd.s32 $0xFFFF63C0  }
0xfe: {  	_ =	swait.ge [sflag:s25], $0x9C40  }
0xff: {  	[sflag:s25] =	ssyncset.done $0x0  }
0x100: {  	[sflag:s25] =	ssyncadd.s32 $0xFFFF63C0  }
0x101: {  	[tilespmem:s28], [sflag:$0x2] =	stream.indirect.gather [hbm4b:s6+s23], $0x40, s12, s23, $0xb8;
	v63 =	vld [tilespmem:$0x0]  }
0x102: {  	_ = 	snop  }
0x103: {  	[spmem:s3] =	stream.indirect.scatter.add.s16 [tilespmem:s24], [sflag:$0x3], $0x40, s15, s23, $0xb8;
	v63 =	vld [tilespmem:$0x0]  }
0x104: {  	_ =	swait.ge [sflag:s21], $0x9C40  }
0x105: {  	[sflag:s21] =	ssyncset.done $0x0  }
0x106: {  	[sflag:s21] =	ssyncadd.s32 $0xFFFF63C0  }
0x107: {  	_ =	swait.ge [sflag:s29], $0x9C40  }
0x108: {  	[sflag:s29] =	ssyncset.done $0x0  }
0x109: {  	[sflag:s29] =	ssyncadd.s32 $0xFFFF63C0  }
0x10a: {  	[tilespmem:s24], [sflag:$0x1] =	stream.indirect.gather [hbm4b:s6+s23], $0x40, s16, s23, $0xb8;
	v63 =	vld [tilespmem:$0x0]  }
0x10b: {  	_ = 	snop  }
0x10c: {  	[spmem:s3] =	stream.indirect.scatter.add.s16 [tilespmem:s28], [sflag:$0x3], $0x40, s9, s23, $0xb8;
	v63 =	vld [tilespmem:$0x0]  }
0x10d: {  	_ =	swait.ge [sflag:s21], $0x9C40  }
0x10e: {  	[sflag:s21] =	ssyncset.done $0x0  }
0x10f: {  	[sflag:s21] =	ssyncadd.s32 $0xFFFF63C0  }
0x110: {  	_ =	swait.ge [sflag:s25], $0x9C40  }
0x111: {  	[sflag:s25] =	ssyncset.done $0x0  }
0x112: {  	[sflag:s25] =	ssyncadd.s32 $0xFFFF63C0  }
0x113: {  	[tilespmem:s28], [sflag:$0x2] =	stream.indirect.gather [hbm4b:s6+s23], $0x40, s10, s23, $0xb8;
	v63 =	vld [tilespmem:$0x0]  }
0x114: {  	_ = 	snop  }
0x115: {  	[spmem:s3] =	stream.indirect.scatter.add.s16 [tilespmem:s24], [sflag:$0x3], $0x40, s17, s23, $0xb8;
	v63 =	vld [tilespmem:$0x0]  }
0x116: {  	_ =	swait.ge [sflag:s21], $0x9C40  }
0x117: {  	[sflag:s21] =	ssyncset.done $0x0  }
0x118: {  	[sflag:s21] =	ssyncadd.s32 $0xFFFF63C0  }
0x119: {  	_ =	swait.ge [sflag:s29], $0x9C40  }
0x11a: {  	[sflag:s29] =	ssyncset.done $0x0  }
0x11b: {  	[sflag:s29] =	ssyncadd.s32 $0xFFFF63C0  }
0x11c: {  	[spmem:s3] =	stream.indirect.scatter.add.s16 [tilespmem:s28], [sflag:$0x3], $0x40, s20, s23, $0xb8;
	v63 =	vld [tilespmem:$0x0]  }
0x11d: {  	_ =	swait.ge [sflag:s21], $0x9C40  }
0x11e: {  	[sflag:s21] =	ssyncset.done $0x0  }
0x11f: {  	[sflag:s21] =	ssyncadd.s32 $0xFFFF63C0  }
0x120: {  	[bflag:$0x0] =	sbarrier.arrive $0xFFFF  }
0x121: {  	s7 =	rddreg [dreg:$0xc]  }
0x122: {  	s14 =	rddreg [dreg:$0xe]  }
0x123: {  	s8 =	rddreg [dreg:$0xf]  }
0x124: {  	[hbm:s7], [sflag:s14] =	dma.local [spmem:s8], $0x1400  }
0x125: {  	_ =	swait.ge [sflag:s21], $0x1400  }
0x126: {  	[sflag:s21] =	ssyncset.done $0x0  }
0x127: {  	[sflag:s21] =	ssyncadd.s32 $0xFFFFEC00  }
0x128: {  	[bflag:$0x0] =	sbarrier.arrive $0xFFFF  }
0x129: {  	s26 =	rddreg [dreg:$0x7]  }
0x12a: {  	[spmem:s8], [sflag:s14] =	dma.local [hbm:s26], $0x1400  }
0x12b: {  	_ =	swait.ge [sflag:s21], $0x1400  }
0x12c: {  	[sflag:s21] =	ssyncset.done $0x0  }
0x12d: {  	[sflag:s21] =	ssyncadd.s32 $0xFFFFEC00  }
0x12e: {  	[bflag:$0x0] =	sbarrier.arrive $0xFFFF  }
0x12f: {  	s14 =	rddreg [dreg:$0x4]  }
0x130: {  	s8 =	rddreg [dreg:$0x5]  }
0x131: {  	s1 =	simm.s32 $0x0;
	p1 =	por $0x1, $0x1;
	s26 =	rddreg [dreg:$0xb]  }
.LBB2_10:
0x132: {  	s1 =	sor.u32 s26, s1  }
0x133: {  	s1 =	smul.u32 $0x278, s1;
	_ =	sdelay $0x1  }
0x134: {  	s1 =	sadd.s32 $0x4F00, s1  }
0x135: {  	s7 =	sadd.s32 s8, s1  }
0x136: {  	[tilespmem:s4], [sflag:$0x3] =	stream.linear.gather [hbm4b:s7+s4], $0x13C0, $0x38;
	v63 =	vld [tilespmem:$0x0]  }
0x137: {  	_ =	swait.ge [sflag:s21], $0x13C0  }
0x138: {  	[sflag:s21] =	ssyncset.done $0x0  }
0x139: {  	[sflag:s21] =	ssyncadd.s32 $0xFFFFEC40  }
0x13a: {  	s7 =	rddreg [dreg:$0x1]  }
0x13b: {  	s1 =	sadd.s32 s7, s1  }
0x13c: {  	[tilespmem:s22], [sflag:$0x3] =	stream.linear.gather [hbm4b:s1+s4], $0x13C0, $0x38;
	v63 =	vld [tilespmem:$0x0]  }
0x13d: {  	_ =	swait.ge [sflag:s21], $0x13C0  }
0x13e: {  	[sflag:s21] =	ssyncset.done $0x0  }
0x13f: {  	s1 =	simm.s32 $0x1;
	[sflag:s21] =	ssyncadd.s32 $0xFFFFEC40  }
0x140: {  	[tilespmem:s24], [sflag:$0x1] =	stream.indirect.gather [hbm4b:s14+s23], $0x40, s4, s23, $0xb8;
	v63 =	vld [tilespmem:$0x0]  }
0x141: {  	_ =	swait.ge [sflag:s1], $0x9C40  }
0x142: {  	[sflag:s1] =	ssyncset.done $0x0  }
0x143: {  	s7 =	simm.s32 $0x278;
	[sflag:s1] =	ssyncadd.s32 $0xFFFF63C0  }
0x144: {  	[tilespmem:s28], [sflag:$0x2] =	stream.indirect.gather [hbm4b:s14+s23], $0x40, s7, s23, $0xb8;
	v63 =	vld [tilespmem:$0x0]  }
0x145: {  	_ = 	snop  }
0x146: {  	[spmem:s3] =	stream.indirect.scatter.add.s16 [tilespmem:s24], [sflag:$0x3], $0x40, s22, s23, $0xb8;
	v63 =	vld [tilespmem:$0x0]  }
0x147: {  	_ =	swait.ge [sflag:s21], $0x9C40  }
0x148: {  	[sflag:s21] =	ssyncset.done $0x0  }
0x149: {  	[sflag:s21] =	ssyncadd.s32 $0xFFFF63C0  }
0x14a: {  	_ =	swait.ge [sflag:s29], $0x9C40  }
0x14b: {  	[sflag:s29] =	ssyncset.done $0x0  }
0x14c: {  	[sflag:s29] =	ssyncadd.s32 $0xFFFF63C0  }
0x14d: {  	[tilespmem:s24], [sflag:$0x1] =	stream.indirect.gather [hbm4b:s14+s23], $0x40, s30, s23, $0xb8;
	v63 =	vld [tilespmem:$0x0]  }
0x14e: {  	_ = 	snop  }
0x14f: {  	[spmem:s3] =	stream.indirect.scatter.add.s16 [tilespmem:s28], [sflag:$0x3], $0x40, s31, s23, $0xb8;
	v63 =	vld [tilespmem:$0x0]  }
0x150: {  	_ =	swait.ge [sflag:s21], $0x9C40  }
0x151: {  	[sflag:s21] =	ssyncset.done $0x0  }
0x152: {  	[sflag:s21] =	ssyncadd.s32 $0xFFFF63C0  }
0x153: {  	_ =	swait.ge [sflag:s1], $0x9C40  }
0x154: {  	[sflag:s1] =	ssyncset.done $0x0  }
0x155: {  	[sflag:s1] =	ssyncadd.s32 $0xFFFF63C0  }
0x156: {  	[tilespmem:s28], [sflag:$0x2] =	stream.indirect.gather [hbm4b:s14+s23], $0x40, s0, s23, $0xb8;
	v63 =	vld [tilespmem:$0x0]  }
0x157: {  	_ = 	snop  }
0x158: {  	[spmem:s3] =	stream.indirect.scatter.add.s16 [tilespmem:s24], [sflag:$0x3], $0x40, s2, s23, $0xb8;
	v63 =	vld [tilespmem:$0x0]  }
0x159: {  	_ =	swait.ge [sflag:s21], $0x9C40  }
0x15a: {  	[sflag:s21] =	ssyncset.done $0x0  }
0x15b: {  	[sflag:s21] =	ssyncadd.s32 $0xFFFF63C0  }
0x15c: {  	_ =	swait.ge [sflag:s29], $0x9C40  }
0x15d: {  	[sflag:s29] =	ssyncset.done $0x0  }
0x15e: {  	[sflag:s29] =	ssyncadd.s32 $0xFFFF63C0  }
0x15f: {  	[tilespmem:s24], [sflag:$0x1] =	stream.indirect.gather [hbm4b:s14+s23], $0x40, s13, s23, $0xb8;
	v63 =	vld [tilespmem:$0x0]  }
0x160: {  	_ = 	snop  }
0x161: {  	[spmem:s3] =	stream.indirect.scatter.add.s16 [tilespmem:s28], [sflag:$0x3], $0x40, s11, s23, $0xb8;
	v63 =	vld [tilespmem:$0x0]  }
0x162: {  	_ =	swait.ge [sflag:s21], $0x9C40  }
0x163: {  	[sflag:s21] =	ssyncset.done $0x0  }
0x164: {  	[sflag:s21] =	ssyncadd.s32 $0xFFFF63C0  }
0x165: {  	_ =	swait.ge [sflag:s1], $0x9C40  }
0x166: {  	[sflag:s1] =	ssyncset.done $0x0  }
0x167: {  	[sflag:s1] =	ssyncadd.s32 $0xFFFF63C0  }
0x168: {  	[tilespmem:s28], [sflag:$0x2] =	stream.indirect.gather [hbm4b:s14+s23], $0x40, s12, s23, $0xb8;
	v63 =	vld [tilespmem:$0x0]  }
0x169: {  	_ = 	snop  }
0x16a: {  	[spmem:s3] =	stream.indirect.scatter.add.s16 [tilespmem:s24], [sflag:$0x3], $0x40, s15, s23, $0xb8;
	v63 =	vld [tilespmem:$0x0]  }
0x16b: {  	_ =	swait.ge [sflag:s21], $0x9C40  }
0x16c: {  	[sflag:s21] =	ssyncset.done $0x0  }
0x16d: {  	[sflag:s21] =	ssyncadd.s32 $0xFFFF63C0  }
0x16e: {  	_ =	swait.ge [sflag:s29], $0x9C40  }
0x16f: {  	[sflag:s29] =	ssyncset.done $0x0  }
0x170: {  	[sflag:s29] =	ssyncadd.s32 $0xFFFF63C0  }
0x171: {  	[tilespmem:s24], [sflag:$0x1] =	stream.indirect.gather [hbm4b:s14+s23], $0x40, s16, s23, $0xb8;
	v63 =	vld [tilespmem:$0x0]  }
0x172: {  	_ = 	snop  }
0x173: {  	[spmem:s3] =	stream.indirect.scatter.add.s16 [tilespmem:s28], [sflag:$0x3], $0x40, s9, s23, $0xb8;
	v63 =	vld [tilespmem:$0x0]  }
0x174: {  	_ =	swait.ge [sflag:s21], $0x9C40  }
0x175: {  	[sflag:s21] =	ssyncset.done $0x0  }
0x176: {  	[sflag:s21] =	ssyncadd.s32 $0xFFFF63C0  }
0x177: {  	_ =	swait.ge [sflag:s1], $0x9C40  }
0x178: {  	[sflag:s1] =	ssyncset.done $0x0  }
0x179: {  	[sflag:s1] =	ssyncadd.s32 $0xFFFF63C0  }
0x17a: {  	[tilespmem:s28], [sflag:$0x2] =	stream.indirect.gather [hbm4b:s14+s23], $0x40, s10, s23, $0xb8;
	v63 =	vld [tilespmem:$0x0]  }
0x17b: {  	_ = 	snop  }
0x17c: {  	[spmem:s3] =	stream.indirect.scatter.add.s16 [tilespmem:s24], [sflag:$0x3], $0x40, s17, s23, $0xb8;
	v63 =	vld [tilespmem:$0x0]  }
0x17d: {  	_ =	swait.ge [sflag:s21], $0x9C40  }
0x17e: {  	[sflag:s21] =	ssyncset.done $0x0  }
0x17f: {  	[sflag:s21] =	ssyncadd.s32 $0xFFFF63C0  }
0x180: {  	_ =	swait.ge [sflag:s29], $0x9C40  }
0x181: {  	p2 =	por p1, p1;
	[sflag:s29] =	ssyncset.done $0x0  }
.Ltmp4:
0x182: {  	[sflag:s29] =	ssyncadd.s32 $0xFFFF63C0;
	(pc) =	sbr.rel @p2 .LBB2_10-.Ltmp4, $4  }
0x183: {  	[spmem:s3] =	stream.indirect.scatter.add.s16 [tilespmem:s28], [sflag:$0x3], $0x40, s20, s23, $0xb8;
	v63 =	vld [tilespmem:$0x0]  }
0x184: {  	_ =	swait.ge [sflag:s21], $0x9C40  }
0x185: {  	[sflag:s21] =	ssyncset.done $0x0  }
0x186: {  	p1 =	por $0x0, $0x0;
	[sflag:s21] =	ssyncadd.s32 $0xFFFF63C0  }
.Ltmp5:
0x187: {  	(pc) =	sbr.rel .LBB2_12-.Ltmp5, $3  }
0x188: {  	_ =	sdelay $0x1  }
0x189: {  	s1 =	rddreg [dreg:$0x9]  }
0x18a: {  	s26 =	rddreg [dreg:$0x10]  }
.LBB2_2:
0x18b: {  	[tilespmem:s4], [sflag:$0x3] =	stream.linear.gather [hbm4b:s1+s4], $0x13C0, $0x38;
	v63 =	vld [tilespmem:$0x0]  }
0x18c: {  	_ =	swait.ge [sflag:s21], $0x13C0  }
0x18d: {  	[sflag:s21] =	ssyncset.done $0x0  }
0x18e: {  	s14 =	sadd.s32 $0x0, s19;
	[sflag:s21] =	ssyncadd.s32 $0xFFFFEC40  }
0x18f: {  	[tilespmem:s22], [sflag:$0x3] =	stream.linear.gather [hbm4b:s14+s4], $0x13C0, $0x38;
	v63 =	vld [tilespmem:$0x0]  }
0x190: {  	_ =	swait.ge [sflag:s21], $0x13C0  }
0x191: {  	[sflag:s21] =	ssyncset.done $0x0  }
0x192: {  	[sflag:s21] =	ssyncadd.s32 $0xFFFFEC40  }
0x193: {  	[tilespmem:s24], [sflag:$0x1] =	stream.indirect.gather [hbm4b:s5+s23], $0x40, s4, s23, $0xb8;
	v63 =	vld [tilespmem:$0x0]  }
0x194: {  	_ =	swait.ge [sflag:s25], $0x9C40  }
0x195: {  	[sflag:s25] =	ssyncset.done $0x0  }
0x196: {  	s26 =	simm.s32 $0x278;
	[sflag:s25] =	ssyncadd.s32 $0xFFFF63C0  }
0x197: {  	[tilespmem:s28], [sflag:$0x2] =	stream.indirect.gather [hbm4b:s5+s23], $0x40, s26, s23, $0xb8;
	v63 =	vld [tilespmem:$0x0]  }
0x198: {  	_ = 	snop  }
0x199: {  	[spmem:s3] =	stream.indirect.scatter.add.s16 [tilespmem:s24], [sflag:$0x3], $0x40, s22, s23, $0xb8;
	v63 =	vld [tilespmem:$0x0]  }
0x19a: {  	_ =	swait.ge [sflag:s21], $0x9C40  }
0x19b: {  	[sflag:s21] =	ssyncset.done $0x0  }
0x19c: {  	[sflag:s21] =	ssyncadd.s32 $0xFFFF63C0  }
0x19d: {  	_ =	swait.ge [sflag:s29], $0x9C40  }
0x19e: {  	[sflag:s29] =	ssyncset.done $0x0  }
0x19f: {  	[sflag:s29] =	ssyncadd.s32 $0xFFFF63C0  }
0x1a0: {  	[tilespmem:s24], [sflag:$0x1] =	stream.indirect.gather [hbm4b:s5+s23], $0x40, s30, s23, $0xb8;
	v63 =	vld [tilespmem:$0x0]  }
0x1a1: {  	_ = 	snop  }
0x1a2: {  	[spmem:s3] =	stream.indirect.scatter.add.s16 [tilespmem:s28], [sflag:$0x3], $0x40, s31, s23, $0xb8;
	v63 =	vld [tilespmem:$0x0]  }
0x1a3: {  	_ =	swait.ge [sflag:s21], $0x9C40  }
0x1a4: {  	[sflag:s21] =	ssyncset.done $0x0  }
0x1a5: {  	[sflag:s21] =	ssyncadd.s32 $0xFFFF63C0  }
0x1a6: {  	_ =	swait.ge [sflag:s25], $0x9C40  }
0x1a7: {  	[sflag:s25] =	ssyncset.done $0x0  }
0x1a8: {  	[sflag:s25] =	ssyncadd.s32 $0xFFFF63C0  }
0x1a9: {  	[tilespmem:s28], [sflag:$0x2] =	stream.indirect.gather [hbm4b:s5+s23], $0x40, s0, s23, $0xb8;
	v63 =	vld [tilespmem:$0x0]  }
0x1aa: {  	_ = 	snop  }
0x1ab: {  	[spmem:s3] =	stream.indirect.scatter.add.s16 [tilespmem:s24], [sflag:$0x3], $0x40, s2, s23, $0xb8;
	v63 =	vld [tilespmem:$0x0]  }
0x1ac: {  	_ =	swait.ge [sflag:s21], $0x9C40  }
0x1ad: {  	[sflag:s21] =	ssyncset.done $0x0  }
0x1ae: {  	[sflag:s21] =	ssyncadd.s32 $0xFFFF63C0  }
0x1af: {  	_ =	swait.ge [sflag:s29], $0x9C40  }
0x1b0: {  	[sflag:s29] =	ssyncset.done $0x0  }
0x1b1: {  	[sflag:s29] =	ssyncadd.s32 $0xFFFF63C0  }
0x1b2: {  	[tilespmem:s24], [sflag:$0x1] =	stream.indirect.gather [hbm4b:s5+s23], $0x40, s13, s23, $0xb8;
	v63 =	vld [tilespmem:$0x0]  }
0x1b3: {  	_ = 	snop  }
0x1b4: {  	[spmem:s3] =	stream.indirect.scatter.add.s16 [tilespmem:s28], [sflag:$0x3], $0x40, s11, s23, $0xb8;
	v63 =	vld [tilespmem:$0x0]  }
0x1b5: {  	_ =	swait.ge [sflag:s21], $0x9C40  }
0x1b6: {  	[sflag:s21] =	ssyncset.done $0x0  }
0x1b7: {  	[sflag:s21] =	ssyncadd.s32 $0xFFFF63C0  }
0x1b8: {  	_ =	swait.ge [sflag:s25], $0x9C40  }
0x1b9: {  	[sflag:s25] =	ssyncset.done $0x0  }
0x1ba: {  	[sflag:s25] =	ssyncadd.s32 $0xFFFF63C0  }
0x1bb: {  	[tilespmem:s28], [sflag:$0x2] =	stream.indirect.gather [hbm4b:s5+s23], $0x40, s12, s23, $0xb8;
	v63 =	vld [tilespmem:$0x0]  }
0x1bc: {  	_ = 	snop  }
0x1bd: {  	[spmem:s3] =	stream.indirect.scatter.add.s16 [tilespmem:s24], [sflag:$0x3], $0x40, s15, s23, $0xb8;
	v63 =	vld [tilespmem:$0x0]  }
0x1be: {  	_ =	swait.ge [sflag:s21], $0x9C40  }
0x1bf: {  	[sflag:s21] =	ssyncset.done $0x0  }
0x1c0: {  	[sflag:s21] =	ssyncadd.s32 $0xFFFF63C0  }
0x1c1: {  	_ =	swait.ge [sflag:s29], $0x9C40  }
0x1c2: {  	[sflag:s29] =	ssyncset.done $0x0  }
0x1c3: {  	[sflag:s29] =	ssyncadd.s32 $0xFFFF63C0  }
0x1c4: {  	[tilespmem:s24], [sflag:$0x1] =	stream.indirect.gather [hbm4b:s5+s23], $0x40, s16, s23, $0xb8;
	v63 =	vld [tilespmem:$0x0]  }
0x1c5: {  	_ = 	snop  }
0x1c6: {  	[spmem:s3] =	stream.indirect.scatter.add.s16 [tilespmem:s28], [sflag:$0x3], $0x40, s9, s23, $0xb8;
	v63 =	vld [tilespmem:$0x0]  }
0x1c7: {  	_ =	swait.ge [sflag:s21], $0x9C40  }
0x1c8: {  	[sflag:s21] =	ssyncset.done $0x0  }
0x1c9: {  	[sflag:s21] =	ssyncadd.s32 $0xFFFF63C0  }
0x1ca: {  	_ =	swait.ge [sflag:s25], $0x9C40  }
0x1cb: {  	[sflag:s25] =	ssyncset.done $0x0  }
0x1cc: {  	[sflag:s25] =	ssyncadd.s32 $0xFFFF63C0  }
0x1cd: {  	[tilespmem:s28], [sflag:$0x2] =	stream.indirect.gather [hbm4b:s5+s23], $0x40, s10, s23, $0xb8;
	v63 =	vld [tilespmem:$0x0]  }
0x1ce: {  	_ = 	snop  }
0x1cf: {  	[spmem:s3] =	stream.indirect.scatter.add.s16 [tilespmem:s24], [sflag:$0x3], $0x40, s17, s23, $0xb8;
	v63 =	vld [tilespmem:$0x0]  }
0x1d0: {  	_ =	swait.ge [sflag:s21], $0x9C40  }
0x1d1: {  	[sflag:s21] =	ssyncset.done $0x0  }
0x1d2: {  	[sflag:s21] =	ssyncadd.s32 $0xFFFF63C0  }
0x1d3: {  	_ =	swait.ge [sflag:s29], $0x9C40  }
0x1d4: {  	[sflag:s29] =	ssyncset.done $0x0  }
0x1d5: {  	[sflag:s29] =	ssyncadd.s32 $0xFFFF63C0  }
0x1d6: {  	[spmem:s3] =	stream.indirect.scatter.add.s16 [tilespmem:s28], [sflag:$0x3], $0x40, s20, s23, $0xb8;
	v63 =	vld [tilespmem:$0x0]  }
0x1d7: {  	_ =	swait.ge [sflag:s21], $0x9C40  }
0x1d8: {  	s1 =	simm.s32 $0x278;
	s8 =	simm.s32 $0x4F0;
	[sflag:s21] =	ssyncset.done $0x0  }
.LBB2_3:
0x1d9: {  	s7 =	sadd.s32 s1, s18  }
0x1da: {  	[sflag:s21] =	ssyncadd.s32 $0xFFFF63C0;
	s26 =	smov.u32 s8;
	s14 =	sadd.s32 $0x278, s8  }
0x1db: {  	[tilespmem:s4], [sflag:$0x3] =	stream.linear.gather [hbm4b:s7+s4], $0x13C0, $0x38;
	v63 =	vld [tilespmem:$0x0]  }
0x1dc: {  	p1 =	sne.s32 s8, $0x768;
	_ =	swait.ge [sflag:s21], $0x13C0  }
0x1dd: {  	s7 =	sadd.s32 s1, s19;
	[sflag:s21] =	ssyncset.done $0x0  }
0x1de: {  	s1 =	smov.u32 s26;
	s26 =	simm.s32 $0x278;
	[sflag:s21] =	ssyncadd.s32 $0xFFFFEC40  }
0x1df: {  	[tilespmem:s22], [sflag:$0x3] =	stream.linear.gather [hbm4b:s7+s4], $0x13C0, $0x38;
	v63 =	vld [tilespmem:$0x0]  }
0x1e0: {  	_ =	swait.ge [sflag:s21], $0x13C0  }
0x1e1: {  	[sflag:s21] =	ssyncset.done $0x0  }
0x1e2: {  	[sflag:s21] =	ssyncadd.s32 $0xFFFFEC40  }
0x1e3: {  	[tilespmem:s24], [sflag:$0x1] =	stream.indirect.gather [hbm4b:s5+s23], $0x40, s4, s23, $0xb8;
	v63 =	vld [tilespmem:$0x0]  }
0x1e4: {  	_ =	swait.ge [sflag:s25], $0x9C40  }
0x1e5: {  	[sflag:s25] =	ssyncset.done $0x0  }
0x1e6: {  	[sflag:s25] =	ssyncadd.s32 $0xFFFF63C0  }
0x1e7: {  	[tilespmem:s28], [sflag:$0x2] =	stream.indirect.gather [hbm4b:s5+s23], $0x40, s26, s23, $0xb8;
	v63 =	vld [tilespmem:$0x0]  }
0x1e8: {  	_ = 	snop  }
0x1e9: {  	[spmem:s3] =	stream.indirect.scatter.add.s16 [tilespmem:s24], [sflag:$0x3], $0x40, s22, s23, $0xb8;
	v63 =	vld [tilespmem:$0x0]  }
0x1ea: {  	_ =	swait.ge [sflag:s21], $0x9C40  }
0x1eb: {  	[sflag:s21] =	ssyncset.done $0x0  }
0x1ec: {  	[sflag:s21] =	ssyncadd.s32 $0xFFFF63C0  }
0x1ed: {  	_ =	swait.ge [sflag:s29], $0x9C40  }
0x1ee: {  	[sflag:s29] =	ssyncset.done $0x0  }
0x1ef: {  	[sflag:s29] =	ssyncadd.s32 $0xFFFF63C0  }
0x1f0: {  	[tilespmem:s24], [sflag:$0x1] =	stream.indirect.gather [hbm4b:s5+s23], $0x40, s30, s23, $0xb8;
	v63 =	vld [tilespmem:$0x0]  }
0x1f1: {  	_ = 	snop  }
0x1f2: {  	[spmem:s3] =	stream.indirect.scatter.add.s16 [tilespmem:s28], [sflag:$0x3], $0x40, s31, s23, $0xb8;
	v63 =	vld [tilespmem:$0x0]  }
0x1f3: {  	_ =	swait.ge [sflag:s21], $0x9C40  }
0x1f4: {  	[sflag:s21] =	ssyncset.done $0x0  }
0x1f5: {  	[sflag:s21] =	ssyncadd.s32 $0xFFFF63C0  }
0x1f6: {  	_ =	swait.ge [sflag:s25], $0x9C40  }
0x1f7: {  	[sflag:s25] =	ssyncset.done $0x0  }
0x1f8: {  	[sflag:s25] =	ssyncadd.s32 $0xFFFF63C0  }
0x1f9: {  	[tilespmem:s28], [sflag:$0x2] =	stream.indirect.gather [hbm4b:s5+s23], $0x40, s0, s23, $0xb8;
	v63 =	vld [tilespmem:$0x0]  }
0x1fa: {  	_ = 	snop  }
0x1fb: {  	[spmem:s3] =	stream.indirect.scatter.add.s16 [tilespmem:s24], [sflag:$0x3], $0x40, s2, s23, $0xb8;
	v63 =	vld [tilespmem:$0x0]  }
0x1fc: {  	_ =	swait.ge [sflag:s21], $0x9C40  }
0x1fd: {  	[sflag:s21] =	ssyncset.done $0x0  }
0x1fe: {  	[sflag:s21] =	ssyncadd.s32 $0xFFFF63C0  }
0x1ff: {  	_ =	swait.ge [sflag:s29], $0x9C40  }
0x200: {  	[sflag:s29] =	ssyncset.done $0x0  }
0x201: {  	[sflag:s29] =	ssyncadd.s32 $0xFFFF63C0  }
0x202: {  	[tilespmem:s24], [sflag:$0x1] =	stream.indirect.gather [hbm4b:s5+s23], $0x40, s13, s23, $0xb8;
	v63 =	vld [tilespmem:$0x0]  }
0x203: {  	_ = 	snop  }
0x204: {  	[spmem:s3] =	stream.indirect.scatter.add.s16 [tilespmem:s28], [sflag:$0x3], $0x40, s11, s23, $0xb8;
	v63 =	vld [tilespmem:$0x0]  }
0x205: {  	_ =	swait.ge [sflag:s21], $0x9C40  }
0x206: {  	[sflag:s21] =	ssyncset.done $0x0  }
0x207: {  	[sflag:s21] =	ssyncadd.s32 $0xFFFF63C0  }
0x208: {  	_ =	swait.ge [sflag:s25], $0x9C40  }
0x209: {  	[sflag:s25] =	ssyncset.done $0x0  }
0x20a: {  	[sflag:s25] =	ssyncadd.s32 $0xFFFF63C0  }
0x20b: {  	[tilespmem:s28], [sflag:$0x2] =	stream.indirect.gather [hbm4b:s5+s23], $0x40, s12, s23, $0xb8;
	v63 =	vld [tilespmem:$0x0]  }
0x20c: {  	_ = 	snop  }
0x20d: {  	[spmem:s3] =	stream.indirect.scatter.add.s16 [tilespmem:s24], [sflag:$0x3], $0x40, s15, s23, $0xb8;
	v63 =	vld [tilespmem:$0x0]  }
0x20e: {  	_ =	swait.ge [sflag:s21], $0x9C40  }
0x20f: {  	[sflag:s21] =	ssyncset.done $0x0  }
0x210: {  	[sflag:s21] =	ssyncadd.s32 $0xFFFF63C0  }
0x211: {  	_ =	swait.ge [sflag:s29], $0x9C40  }
0x212: {  	[sflag:s29] =	ssyncset.done $0x0  }
0x213: {  	[sflag:s29] =	ssyncadd.s32 $0xFFFF63C0  }
0x214: {  	[tilespmem:s24], [sflag:$0x1] =	stream.indirect.gather [hbm4b:s5+s23], $0x40, s16, s23, $0xb8;
	v63 =	vld [tilespmem:$0x0]  }
0x215: {  	_ = 	snop  }
0x216: {  	[spmem:s3] =	stream.indirect.scatter.add.s16 [tilespmem:s28], [sflag:$0x3], $0x40, s9, s23, $0xb8;
	v63 =	vld [tilespmem:$0x0]  }
0x217: {  	_ =	swait.ge [sflag:s21], $0x9C40  }
0x218: {  	[sflag:s21] =	ssyncset.done $0x0  }
0x219: {  	[sflag:s21] =	ssyncadd.s32 $0xFFFF63C0  }
0x21a: {  	_ =	swait.ge [sflag:s25], $0x9C40  }
0x21b: {  	[sflag:s25] =	ssyncset.done $0x0  }
0x21c: {  	[sflag:s25] =	ssyncadd.s32 $0xFFFF63C0  }
0x21d: {  	[tilespmem:s28], [sflag:$0x2] =	stream.indirect.gather [hbm4b:s5+s23], $0x40, s10, s23, $0xb8;
	v63 =	vld [tilespmem:$0x0]  }
0x21e: {  	_ = 	snop  }
0x21f: {  	[spmem:s3] =	stream.indirect.scatter.add.s16 [tilespmem:s24], [sflag:$0x3], $0x40, s17, s23, $0xb8;
	v63 =	vld [tilespmem:$0x0]  }
0x220: {  	_ =	swait.ge [sflag:s21], $0x9C40  }
0x221: {  	[sflag:s21] =	ssyncset.done $0x0  }
0x222: {  	[sflag:s21] =	ssyncadd.s32 $0xFFFF63C0  }
0x223: {  	_ =	swait.ge [sflag:s29], $0x9C40  }
.Ltmp6:
0x224: {  	[sflag:s29] =	ssyncset.done $0x0;
	(pc) =	sbr.rel @p1 .LBB2_3-.Ltmp6, $4  }
0x225: {  	[sflag:s29] =	ssyncadd.s32 $0xFFFF63C0  }
0x226: {  	[spmem:s3] =	stream.indirect.scatter.add.s16 [tilespmem:s28], [sflag:$0x3], $0x40, s20, s23, $0xb8;
	v63 =	vld [tilespmem:$0x0]  }
0x227: {  	_ =	swait.ge [sflag:s21], $0x9C40  }
0x228: {  	s8 =	smov.u32 s14;
	[sflag:s21] =	ssyncset.done $0x0  }
0x229: {  	s7 =	sadd.s32 s1, s18;
	[sflag:s21] =	ssyncadd.s32 $0xFFFF63C0  }
0x22a: {  	[tilespmem:s4], [sflag:$0x3] =	stream.linear.gather [hbm4b:s7+s4], $0x13C0, $0x38;
	v63 =	vld [tilespmem:$0x0]  }
0x22b: {  	_ =	swait.ge [sflag:s21], $0x13C0  }
0x22c: {  	[sflag:s21] =	ssyncset.done $0x0  }
0x22d: {  	s14 =	sadd.s32 s1, s19;
	[sflag:s21] =	ssyncadd.s32 $0xFFFFEC40  }
0x22e: {  	[tilespmem:s22], [sflag:$0x3] =	stream.linear.gather [hbm4b:s14+s4], $0x13C0, $0x38;
	v63 =	vld [tilespmem:$0x0]  }
0x22f: {  	_ =	swait.ge [sflag:s21], $0x13C0  }
0x230: {  	[sflag:s21] =	ssyncset.done $0x0  }
0x231: {  	[sflag:s21] =	ssyncadd.s32 $0xFFFFEC40  }
0x232: {  	[tilespmem:s24], [sflag:$0x1] =	stream.indirect.gather [hbm4b:s5+s23], $0x40, s4, s23, $0xb8;
	v63 =	vld [tilespmem:$0x0]  }
0x233: {  	_ =	swait.ge [sflag:s25], $0x9C40  }
0x234: {  	[sflag:s25] =	ssyncset.done $0x0  }
0x235: {  	[sflag:s25] =	ssyncadd.s32 $0xFFFF63C0  }
0x236: {  	[tilespmem:s28], [sflag:$0x2] =	stream.indirect.gather [hbm4b:s5+s23], $0x40, s26, s23, $0xb8;
	v63 =	vld [tilespmem:$0x0]  }
0x237: {  	_ = 	snop  }
0x238: {  	[spmem:s3] =	stream.indirect.scatter.add.s16 [tilespmem:s24], [sflag:$0x3], $0x40, s22, s23, $0xb8;
	v63 =	vld [tilespmem:$0x0]  }
0x239: {  	_ =	swait.ge [sflag:s21], $0x9C40  }
0x23a: {  	[sflag:s21] =	ssyncset.done $0x0  }
0x23b: {  	[sflag:s21] =	ssyncadd.s32 $0xFFFF63C0  }
0x23c: {  	_ =	swait.ge [sflag:s29], $0x9C40  }
0x23d: {  	[sflag:s29] =	ssyncset.done $0x0  }
0x23e: {  	[sflag:s29] =	ssyncadd.s32 $0xFFFF63C0  }
0x23f: {  	[tilespmem:s24], [sflag:$0x1] =	stream.indirect.gather [hbm4b:s5+s23], $0x40, s30, s23, $0xb8;
	v63 =	vld [tilespmem:$0x0]  }
0x240: {  	_ = 	snop  }
0x241: {  	[spmem:s3] =	stream.indirect.scatter.add.s16 [tilespmem:s28], [sflag:$0x3], $0x40, s31, s23, $0xb8;
	v63 =	vld [tilespmem:$0x0]  }
0x242: {  	_ =	swait.ge [sflag:s21], $0x9C40  }
0x243: {  	[sflag:s21] =	ssyncset.done $0x0  }
0x244: {  	[sflag:s21] =	ssyncadd.s32 $0xFFFF63C0  }
0x245: {  	_ =	swait.ge [sflag:s25], $0x9C40  }
0x246: {  	[sflag:s25] =	ssyncset.done $0x0  }
0x247: {  	[sflag:s25] =	ssyncadd.s32 $0xFFFF63C0  }
0x248: {  	[tilespmem:s28], [sflag:$0x2] =	stream.indirect.gather [hbm4b:s5+s23], $0x40, s0, s23, $0xb8;
	v63 =	vld [tilespmem:$0x0]  }
0x249: {  	_ = 	snop  }
0x24a: {  	[spmem:s3] =	stream.indirect.scatter.add.s16 [tilespmem:s24], [sflag:$0x3], $0x40, s2, s23, $0xb8;
	v63 =	vld [tilespmem:$0x0]  }
0x24b: {  	_ =	swait.ge [sflag:s21], $0x9C40  }
0x24c: {  	[sflag:s21] =	ssyncset.done $0x0  }
0x24d: {  	[sflag:s21] =	ssyncadd.s32 $0xFFFF63C0  }
0x24e: {  	_ =	swait.ge [sflag:s29], $0x9C40  }
0x24f: {  	[sflag:s29] =	ssyncset.done $0x0  }
0x250: {  	[sflag:s29] =	ssyncadd.s32 $0xFFFF63C0  }
0x251: {  	[tilespmem:s24], [sflag:$0x1] =	stream.indirect.gather [hbm4b:s5+s23], $0x40, s13, s23, $0xb8;
	v63 =	vld [tilespmem:$0x0]  }
0x252: {  	_ = 	snop  }
0x253: {  	[spmem:s3] =	stream.indirect.scatter.add.s16 [tilespmem:s28], [sflag:$0x3], $0x40, s11, s23, $0xb8;
	v63 =	vld [tilespmem:$0x0]  }
0x254: {  	_ =	swait.ge [sflag:s21], $0x9C40  }
0x255: {  	[sflag:s21] =	ssyncset.done $0x0  }
0x256: {  	[sflag:s21] =	ssyncadd.s32 $0xFFFF63C0  }
0x257: {  	_ =	swait.ge [sflag:s25], $0x9C40  }
0x258: {  	[sflag:s25] =	ssyncset.done $0x0  }
0x259: {  	[sflag:s25] =	ssyncadd.s32 $0xFFFF63C0  }
0x25a: {  	[tilespmem:s28], [sflag:$0x2] =	stream.indirect.gather [hbm4b:s5+s23], $0x40, s12, s23, $0xb8;
	v63 =	vld [tilespmem:$0x0]  }
0x25b: {  	_ = 	snop  }
0x25c: {  	[spmem:s3] =	stream.indirect.scatter.add.s16 [tilespmem:s24], [sflag:$0x3], $0x40, s15, s23, $0xb8;
	v63 =	vld [tilespmem:$0x0]  }
0x25d: {  	_ =	swait.ge [sflag:s21], $0x9C40  }
0x25e: {  	[sflag:s21] =	ssyncset.done $0x0  }
0x25f: {  	[sflag:s21] =	ssyncadd.s32 $0xFFFF63C0  }
0x260: {  	_ =	swait.ge [sflag:s29], $0x9C40  }
0x261: {  	[sflag:s29] =	ssyncset.done $0x0  }
0x262: {  	[sflag:s29] =	ssyncadd.s32 $0xFFFF63C0  }
0x263: {  	[tilespmem:s24], [sflag:$0x1] =	stream.indirect.gather [hbm4b:s5+s23], $0x40, s16, s23, $0xb8;
	v63 =	vld [tilespmem:$0x0]  }
0x264: {  	_ = 	snop  }
0x265: {  	[spmem:s3] =	stream.indirect.scatter.add.s16 [tilespmem:s28], [sflag:$0x3], $0x40, s9, s23, $0xb8;
	v63 =	vld [tilespmem:$0x0]  }
0x266: {  	_ =	swait.ge [sflag:s21], $0x9C40  }
0x267: {  	[sflag:s21] =	ssyncset.done $0x0  }
0x268: {  	[sflag:s21] =	ssyncadd.s32 $0xFFFF63C0  }
0x269: {  	_ =	swait.ge [sflag:s25], $0x9C40  }
0x26a: {  	[sflag:s25] =	ssyncset.done $0x0  }
0x26b: {  	[sflag:s25] =	ssyncadd.s32 $0xFFFF63C0  }
0x26c: {  	[tilespmem:s28], [sflag:$0x2] =	stream.indirect.gather [hbm4b:s5+s23], $0x40, s10, s23, $0xb8;
	v63 =	vld [tilespmem:$0x0]  }
0x26d: {  	_ = 	snop  }
0x26e: {  	[spmem:s3] =	stream.indirect.scatter.add.s16 [tilespmem:s24], [sflag:$0x3], $0x40, s17, s23, $0xb8;
	v63 =	vld [tilespmem:$0x0]  }
0x26f: {  	_ =	swait.ge [sflag:s21], $0x9C40  }
0x270: {  	[sflag:s21] =	ssyncset.done $0x0  }
0x271: {  	[sflag:s21] =	ssyncadd.s32 $0xFFFF63C0  }
0x272: {  	_ =	swait.ge [sflag:s29], $0x9C40  }
0x273: {  	[sflag:s29] =	ssyncset.done $0x0  }
0x274: {  	[sflag:s29] =	ssyncadd.s32 $0xFFFF63C0  }
0x275: {  	[spmem:s3] =	stream.indirect.scatter.add.s16 [tilespmem:s28], [sflag:$0x3], $0x40, s20, s23, $0xb8;
	v63 =	vld [tilespmem:$0x0]  }
0x276: {  	_ =	swait.ge [sflag:s21], $0x9C40  }
0x277: {  	[sflag:s21] =	ssyncset.done $0x0  }
0x278: {  	[sflag:s21] =	ssyncadd.s32 $0xFFFF63C0  }
0x279: {  	[bflag:$0x0] =	sbarrier.arrive $0xFFFF  }
0x27a: {  	s7 =	rddreg [dreg:$0xa]  }
0x27b: {  	s14 =	rddreg [dreg:$0xe]  }
0x27c: {  	s8 =	rddreg [dreg:$0xf]  }
0x27d: {  	[hbm:s7], [sflag:s14] =	dma.local [spmem:s8], $0x1400  }
0x27e: {  	_ =	swait.ge [sflag:s21], $0x1400  }
0x27f: {  	[sflag:s21] =	ssyncset.done $0x0  }
0x280: {  	[sflag:s21] =	ssyncadd.s32 $0xFFFFEC00  }
0x281: {  	[bflag:$0x0] =	sbarrier.arrive $0xFFFF  }
0x282: {  	s26 =	rddreg [dreg:$0x7]  }
0x283: {  	[spmem:s8], [sflag:s14] =	dma.local [hbm:s26], $0x1400  }
0x284: {  	_ =	swait.ge [sflag:s21], $0x1400  }
0x285: {  	[sflag:s21] =	ssyncset.done $0x0  }
0x286: {  	[sflag:s21] =	ssyncadd.s32 $0xFFFFEC00  }
0x287: {  	[bflag:$0x0] =	sbarrier.arrive $0xFFFF  }
0x288: {  	s14 =	rddreg [dreg:$0x4]  }
0x289: {  	s8 =	rddreg [dreg:$0x5]  }
0x28a: {  	s1 =	simm.s32 $0x0;
	p1 =	por $0x1, $0x1;
	s26 =	rddreg [dreg:$0xb]  }
.LBB2_5:
0x28b: {  	s1 =	sor.u32 s26, s1  }
0x28c: {  	s1 =	smul.u32 $0x278, s1;
	_ =	sdelay $0x1  }
0x28d: {  	s7 =	sadd.s32 s8, s1  }
0x28e: {  	[tilespmem:s4], [sflag:$0x3] =	stream.linear.gather [hbm4b:s7+s4], $0x13C0, $0x38;
	v63 =	vld [tilespmem:$0x0]  }
0x28f: {  	_ =	swait.ge [sflag:s21], $0x13C0  }
0x290: {  	[sflag:s21] =	ssyncset.done $0x0  }
0x291: {  	[sflag:s21] =	ssyncadd.s32 $0xFFFFEC40  }
0x292: {  	s7 =	rddreg [dreg:$0x1]  }
0x293: {  	s1 =	sadd.s32 s7, s1  }
0x294: {  	[tilespmem:s22], [sflag:$0x3] =	stream.linear.gather [hbm4b:s1+s4], $0x13C0, $0x38;
	v63 =	vld [tilespmem:$0x0]  }
0x295: {  	_ =	swait.ge [sflag:s21], $0x13C0  }
0x296: {  	[sflag:s21] =	ssyncset.done $0x0  }
0x297: {  	s1 =	simm.s32 $0x1;
	[sflag:s21] =	ssyncadd.s32 $0xFFFFEC40  }
0x298: {  	[tilespmem:s24], [sflag:$0x1] =	stream.indirect.gather [hbm4b:s14+s23], $0x40, s4, s23, $0xb8;
	v63 =	vld [tilespmem:$0x0]  }
0x299: {  	_ =	swait.ge [sflag:s1], $0x9C40  }
0x29a: {  	[sflag:s1] =	ssyncset.done $0x0  }
0x29b: {  	s7 =	simm.s32 $0x278;
	[sflag:s1] =	ssyncadd.s32 $0xFFFF63C0  }
0x29c: {  	[tilespmem:s28], [sflag:$0x2] =	stream.indirect.gather [hbm4b:s14+s23], $0x40, s7, s23, $0xb8;
	v63 =	vld [tilespmem:$0x0]  }
0x29d: {  	_ = 	snop  }
0x29e: {  	[spmem:s3] =	stream.indirect.scatter.add.s16 [tilespmem:s24], [sflag:$0x3], $0x40, s22, s23, $0xb8;
	v63 =	vld [tilespmem:$0x0]  }
0x29f: {  	_ =	swait.ge [sflag:s21], $0x9C40  }
0x2a0: {  	[sflag:s21] =	ssyncset.done $0x0  }
0x2a1: {  	[sflag:s21] =	ssyncadd.s32 $0xFFFF63C0  }
0x2a2: {  	_ =	swait.ge [sflag:s29], $0x9C40  }
0x2a3: {  	[sflag:s29] =	ssyncset.done $0x0  }
0x2a4: {  	[sflag:s29] =	ssyncadd.s32 $0xFFFF63C0  }
0x2a5: {  	[tilespmem:s24], [sflag:$0x1] =	stream.indirect.gather [hbm4b:s14+s23], $0x40, s30, s23, $0xb8;
	v63 =	vld [tilespmem:$0x0]  }
0x2a6: {  	_ = 	snop  }
0x2a7: {  	[spmem:s3] =	stream.indirect.scatter.add.s16 [tilespmem:s28], [sflag:$0x3], $0x40, s31, s23, $0xb8;
	v63 =	vld [tilespmem:$0x0]  }
0x2a8: {  	_ =	swait.ge [sflag:s21], $0x9C40  }
0x2a9: {  	[sflag:s21] =	ssyncset.done $0x0  }
0x2aa: {  	[sflag:s21] =	ssyncadd.s32 $0xFFFF63C0  }
0x2ab: {  	_ =	swait.ge [sflag:s1], $0x9C40  }
0x2ac: {  	[sflag:s1] =	ssyncset.done $0x0  }
0x2ad: {  	[sflag:s1] =	ssyncadd.s32 $0xFFFF63C0  }
0x2ae: {  	[tilespmem:s28], [sflag:$0x2] =	stream.indirect.gather [hbm4b:s14+s23], $0x40, s0, s23, $0xb8;
	v63 =	vld [tilespmem:$0x0]  }
0x2af: {  	_ = 	snop  }
0x2b0: {  	[spmem:s3] =	stream.indirect.scatter.add.s16 [tilespmem:s24], [sflag:$0x3], $0x40, s2, s23, $0xb8;
	v63 =	vld [tilespmem:$0x0]  }
0x2b1: {  	_ =	swait.ge [sflag:s21], $0x9C40  }
0x2b2: {  	[sflag:s21] =	ssyncset.done $0x0  }
0x2b3: {  	[sflag:s21] =	ssyncadd.s32 $0xFFFF63C0  }
0x2b4: {  	_ =	swait.ge [sflag:s29], $0x9C40  }
0x2b5: {  	[sflag:s29] =	ssyncset.done $0x0  }
0x2b6: {  	[sflag:s29] =	ssyncadd.s32 $0xFFFF63C0  }
0x2b7: {  	[tilespmem:s24], [sflag:$0x1] =	stream.indirect.gather [hbm4b:s14+s23], $0x40, s13, s23, $0xb8;
	v63 =	vld [tilespmem:$0x0]  }
0x2b8: {  	_ = 	snop  }
0x2b9: {  	[spmem:s3] =	stream.indirect.scatter.add.s16 [tilespmem:s28], [sflag:$0x3], $0x40, s11, s23, $0xb8;
	v63 =	vld [tilespmem:$0x0]  }
0x2ba: {  	_ =	swait.ge [sflag:s21], $0x9C40  }
0x2bb: {  	[sflag:s21] =	ssyncset.done $0x0  }
0x2bc: {  	[sflag:s21] =	ssyncadd.s32 $0xFFFF63C0  }
0x2bd: {  	_ =	swait.ge [sflag:s1], $0x9C40  }
0x2be: {  	[sflag:s1] =	ssyncset.done $0x0  }
0x2bf: {  	[sflag:s1] =	ssyncadd.s32 $0xFFFF63C0  }
0x2c0: {  	[tilespmem:s28], [sflag:$0x2] =	stream.indirect.gather [hbm4b:s14+s23], $0x40, s12, s23, $0xb8;
	v63 =	vld [tilespmem:$0x0]  }
0x2c1: {  	_ = 	snop  }
0x2c2: {  	[spmem:s3] =	stream.indirect.scatter.add.s16 [tilespmem:s24], [sflag:$0x3], $0x40, s15, s23, $0xb8;
	v63 =	vld [tilespmem:$0x0]  }
0x2c3: {  	_ =	swait.ge [sflag:s21], $0x9C40  }
0x2c4: {  	[sflag:s21] =	ssyncset.done $0x0  }
0x2c5: {  	[sflag:s21] =	ssyncadd.s32 $0xFFFF63C0  }
0x2c6: {  	_ =	swait.ge [sflag:s29], $0x9C40  }
0x2c7: {  	[sflag:s29] =	ssyncset.done $0x0  }
0x2c8: {  	[sflag:s29] =	ssyncadd.s32 $0xFFFF63C0  }
0x2c9: {  	[tilespmem:s24], [sflag:$0x1] =	stream.indirect.gather [hbm4b:s14+s23], $0x40, s16, s23, $0xb8;
	v63 =	vld [tilespmem:$0x0]  }
0x2ca: {  	_ = 	snop  }
0x2cb: {  	[spmem:s3] =	stream.indirect.scatter.add.s16 [tilespmem:s28], [sflag:$0x3], $0x40, s9, s23, $0xb8;
	v63 =	vld [tilespmem:$0x0]  }
0x2cc: {  	_ =	swait.ge [sflag:s21], $0x9C40  }
0x2cd: {  	[sflag:s21] =	ssyncset.done $0x0  }
0x2ce: {  	[sflag:s21] =	ssyncadd.s32 $0xFFFF63C0  }
0x2cf: {  	_ =	swait.ge [sflag:s1], $0x9C40  }
0x2d0: {  	[sflag:s1] =	ssyncset.done $0x0  }
0x2d1: {  	[sflag:s1] =	ssyncadd.s32 $0xFFFF63C0  }
0x2d2: {  	[tilespmem:s28], [sflag:$0x2] =	stream.indirect.gather [hbm4b:s14+s23], $0x40, s10, s23, $0xb8;
	v63 =	vld [tilespmem:$0x0]  }
0x2d3: {  	_ = 	snop  }
0x2d4: {  	[spmem:s3] =	stream.indirect.scatter.add.s16 [tilespmem:s24], [sflag:$0x3], $0x40, s17, s23, $0xb8;
	v63 =	vld [tilespmem:$0x0]  }
0x2d5: {  	_ =	swait.ge [sflag:s21], $0x9C40  }
0x2d6: {  	[sflag:s21] =	ssyncset.done $0x0  }
0x2d7: {  	[sflag:s21] =	ssyncadd.s32 $0xFFFF63C0  }
0x2d8: {  	_ =	swait.ge [sflag:s29], $0x9C40  }
0x2d9: {  	p2 =	por p1, p1;
	[sflag:s29] =	ssyncset.done $0x0  }
.Ltmp7:
0x2da: {  	[sflag:s29] =	ssyncadd.s32 $0xFFFF63C0;
	(pc) =	sbr.rel @p2 .LBB2_5-.Ltmp7, $4  }
0x2db: {  	[spmem:s3] =	stream.indirect.scatter.add.s16 [tilespmem:s28], [sflag:$0x3], $0x40, s20, s23, $0xb8;
	v63 =	vld [tilespmem:$0x0]  }
0x2dc: {  	_ =	swait.ge [sflag:s21], $0x9C40  }
0x2dd: {  	[sflag:s21] =	ssyncset.done $0x0  }
0x2de: {  	p1 =	por $0x0, $0x0;
	[sflag:s21] =	ssyncadd.s32 $0xFFFF63C0  }
.Ltmp8:
0x2df: {  	(pc) =	sbr.rel .LBB2_12-.Ltmp8, $3  }
0x2e0: {  	_ =	sdelay $0x1  }
0x2e1: {  	s1 =	rddreg [dreg:$0x8]  }
0x2e2: {  	s26 =	rddreg [dreg:$0x10]  }
.LBB2_13:
0x2e3: {  	_ =	sfence.sel $0x180000  }
0x2e4: {  	[bflag:$0x0] =	sbarrier.arrive $0xFFFF  }
0x2e5: {  	_ =	strace $0x9000004D  }
0x2e6: {  	s0 =	stileid.u32;
	[bflag:$0x2] =	sbarrier.arrive $0xFFFF  }
0x2e7: {  	p0 =	sne.s32 s0, $0x0;
	s0 =	rddreg [dreg:$0x3]  }
0x2e8: {  	s0 =	sadd.s32 @!p0 $0x100000, s0  }
0x2e9: {  	[sflag:s0] =	ssyncadd.tile.s32 @!p0 $0x1;
	_ =	shalt  }
.Lfunc_end2:
_tile_overlayer_lowered:
.L_overlay_start_2:
0x2ea: {  	(tag) =	ssettag $0x2  }
0x2eb: {  	s0 =	rddreg [dreg:$0x0];
	s2 =	stileid.u32  }
0x2ec: {  	s1 =	rddreg [dreg:$0x1];
	p0 =	sne.s32 s2, $0x0  }
0x2ed: {  	s3 =	rddreg [dreg:$0x2];
	[bflag:$0x3] =	sbarrier.arrive $0xFFFF;
	s2 =	simm.s32 @!p0 $0x1C03  }
0x2ee: {  	[timem:s3], [sflag:s2] =	dma.local @!p0 [hbm:s0], s1  }
0x2ef: {  	s0 =	simm.s32 @!p0 $0x3  }
0x2f0: {  	_ =	swait.ge @!p0 [sflag:s0], s1  }
0x2f1: {  	s1 =	ssub.s32 @!p0 $0x0, s1;
	[sflag:s0] =	ssyncset.done @!p0 $0x0  }
0x2f2: {  	[sflag:s0] =	ssyncadd.s32 @!p0 s1  }
0x2f3: {  	[bflag:$0x3] =	sbarrier.arrive $0xFFFF  }
0x2f4: {  	_ =	shalt  }

// kernel: kernel.19.cloned.1.call-start
scs
__scs_entry_jumppad:
0x0: {  	(pc) =	sbr.rel $0x88, $3  }
0x1: {  	(tag) =	ssettag $0x0;
	lr =	simm.s32 $0x1  }
0x2: {  	[smem:$0x3F99] =	sst lr;
	_ =	strace $0xD0000000  }
0x3: {  	_ = 	snop  }
0x4: {  	_ = 	snop  }
0x5: {  	_ = 	snop  }
0x6: {  	_ = 	snop  }
0x7: {  	_ = 	snop  }
__scs_overlays_trampoline_lowered:
0x8: {  	[smem:$0x3FA8] =	sst s0  }
0x9: {  	[smem:$0x3FA9] =	sst s1  }
0xa: {  	[smem:$0x3FAA] =	sst s2  }
0xb: {  	[smem:$0x3FAB] =	sst s3  }
0xc: {  	[smem:$0x3FAC] =	sst s4  }
0xd: {  	[smem:$0x3FAD] =	sst s5  }
0xe: {  	[smem:$0x3FAE] =	sst s6  }
0xf: {  	[smem:$0x3FAF] =	sst s7  }
0x10: {  	[smem:$0x3FB0] =	sst s8  }
0x11: {  	[smem:$0x3FB1] =	sst s9;
	s0 =	simm.s32 @!p0 $0x0  }
0x12: {  	s1 =	sld [smem:$0x3F97];
	s0 =	simm.s32 @p0 $0x1  }
0x13: {  	[smem:$0x3FB2] =	sst s0;
	s0 =	simm.s32 @!p1 $0x0  }
0x14: {  	s2 =	sld [smem:$0x3F96];
	s0 =	simm.s32 @p1 $0x1  }
0x15: {  	[smem:$0x3FB3] =	sst s0;
	s0 =	simm.s32 @!p2 $0x0  }
0x16: {  	s3 =	sld [smem:$0x3FDB];
	s0 =	simm.s32 @p2 $0x1  }
0x17: {  	s4 =	simm.s32 $0x1BF5;
	[smem:$0x3FB5] =	sst s0  }
0x18: {  	s0 =	sld [smem:$0x3F98];
	_ =	swait.ge [sflag:s4], $0x0  }
0x19: {  	s7 =	sld [smem:$0x3F99]  }
0x1a: {  	s8 =	sadd.s32 $0xFFFFE003, lr  }
0x1b: {  	s9 =	sadd.s32 $0xFFFFFEF7, lr;
	s5 =	simm.s32 $0xFFFFFFFF;
	p2 =	slt.u32 s8, $0xFFFFF086  }
0x1c: {  	p1 =	slt.u32 s9, $0xF7A;
	s5 =	simm.s32 @!p2 $0x0  }
0x1d: {  	s5 =	simm.s32 @p1 $0x1;
	p0 =	seq.s32 s7, s2  }
0x1e: {  	s7 =	smul.u32 @!p0 $0xF7A, s2;
	p2 =	seq.s32 @!p0 s5, $0x0  }
0x1f: {  	s9 =	smul.u32 $0xF7A, s1;
	s8 =	simm.s32 @!p0 $0x1BF5;
	p2 =	por !p2, p0  }
0x20: {  	[sflag:s8] =	ssyncset.s32 @!p0 $0xFFFFF086;
	s6 =	sadd.s32 @!p0 s3, s7;
	s7 =	simm.s32 @!p0 $0x108  }
0x21: {  	s3 =	sadd.s32 s3, s9;
	s6 =	sadd.s32 @!p0 $0x88, s6;
	s7 =	simm.s32 @p2 $0x1082  }
0x22: {  	[simem:s7], [sflag:s8] =	dma.local @!p0 [hbm:s6], $0xF7A  }
0x23: {  	s9 =	sor.u32 $0xD0000000, s2;
	s6 =	simm.s32 $0x108;
	_ =	swait.ge @!p0 [sflag:s8], $0x0  }
0x24: {  	s3 =	sadd.s32 $0x88, s3;
	s6 =	simm.s32 @!p1 $0x1082;
	[sflag:s4] =	ssyncset.s32 $0xFFFFF086  }
0x25: {  	[simem:s6], [sflag:s4] =	dma.local [hbm:s3], $0xF7A  }
0x26: {  	[smem:$0x3F99] =	sst s1;
	(tag) =	ssettag s2;
	_ =	strace s9  }
0x27: {  	s1 =	sld [smem:$0x3FA9]  }
0x28: {  	s2 =	sld [smem:$0x3FAA]  }
0x29: {  	s4 =	sld [smem:$0x3FAC]  }
0x2a: {  	p0 =	seq.s32 s5, $0x0;
	s5 =	sld [smem:$0x3FAD]  }
0x2b: {  	s6 =	sld [smem:$0x3FAE]  }
0x2c: {  	s7 =	sld [smem:$0x3FAF]  }
0x2d: {  	s3 =	simm.s32 $0x108;
	s8 =	sld [smem:$0x3FB0]  }
0x2e: {  	s3 =	simm.s32 @!p0 $0x1082;
	s9 =	sld [smem:$0x3FB1]  }
0x2f: {  	lr =	sadd.s32 s0, s3;
	s0 =	sld [smem:$0x3FA8]  }
0x30: {  	s3 =	sld [smem:$0x3FAB]  }
0x31: {  	[smem:$0x3FB4] =	sst s10  }
0x32: {  	s10 =	sld [smem:$0x3FB2];
	_ =	sdelay $0x3  }
0x33: {  	p0 =	seq.s32 s10, $0x1;
	s10 =	sld [smem:$0x3FB4];
	_ =	sdelay $0x3  }
0x34: {  	[smem:$0x3FB4] =	sst s10  }
0x35: {  	s10 =	sld [smem:$0x3FB3];
	_ =	sdelay $0x3  }
0x36: {  	p1 =	seq.s32 s10, $0x1;
	s10 =	sld [smem:$0x3FB4];
	_ =	sdelay $0x3  }
0x37: {  	[smem:$0x3FB4] =	sst s10  }
0x38: {  	s10 =	sld [smem:$0x3FB5]  }
0x39: {  	_ = 	snop;
	(pc) =	sbr.ind lr, $3  }
0x3a: {  	_ = 	snop  }
0x3b: {  	_ = 	snop  }
0x3c: {  	p2 =	seq.s32 s10, $0x1;
	s10 =	sld [smem:$0x3FB4]  }
0x3d: {  	_ =	shalt  }
0x3e: {  	_ =	shalt  }
0x3f: {  	_ =	shalt  }
0x40: {  	_ =	shalt  }
0x41: {  	_ =	shalt  }
0x42: {  	_ =	shalt  }
0x43: {  	_ =	shalt  }
0x44: {  	_ =	shalt  }
0x45: {  	_ =	shalt  }
0x46: {  	_ =	shalt  }
0x47: {  	_ =	shalt  }
0x48: {  	_ =	shalt  }
0x49: {  	_ =	shalt  }
0x4a: {  	_ =	shalt  }
0x4b: {  	_ =	shalt  }
0x4c: {  	_ =	shalt  }
0x4d: {  	_ =	shalt  }
0x4e: {  	_ =	shalt  }
0x4f: {  	_ =	shalt  }
0x50: {  	_ =	shalt  }
0x51: {  	_ =	shalt  }
0x52: {  	_ =	shalt  }
0x53: {  	_ =	shalt  }
0x54: {  	_ =	shalt  }
0x55: {  	_ =	shalt  }
0x56: {  	_ =	shalt  }
0x57: {  	_ =	shalt  }
0x58: {  	_ =	shalt  }
0x59: {  	_ =	shalt  }
0x5a: {  	_ =	shalt  }
0x5b: {  	_ =	shalt  }
0x5c: {  	_ =	shalt  }
0x5d: {  	_ =	shalt  }
0x5e: {  	_ =	shalt  }
0x5f: {  	_ =	shalt  }
0x60: {  	_ =	shalt  }
0x61: {  	_ =	shalt  }
0x62: {  	_ =	shalt  }
0x63: {  	_ =	shalt  }
0x64: {  	_ =	shalt  }
0x65: {  	_ =	shalt  }
0x66: {  	_ =	shalt  }
0x67: {  	_ =	shalt  }
0x68: {  	_ =	shalt  }
0x69: {  	_ =	shalt  }
0x6a: {  	_ =	shalt  }
0x6b: {  	_ =	shalt  }
0x6c: {  	_ =	shalt  }
0x6d: {  	_ =	shalt  }
0x6e: {  	_ =	shalt  }
0x6f: {  	_ =	shalt  }
0x70: {  	_ =	shalt  }
0x71: {  	_ =	shalt  }
0x72: {  	_ =	shalt  }
0x73: {  	_ =	shalt  }
0x74: {  	_ =	shalt  }
0x75: {  	_ =	shalt  }
0x76: {  	_ =	shalt  }
0x77: {  	_ =	shalt  }
0x78: {  	_ =	shalt  }
0x79: {  	_ =	shalt  }
0x7a: {  	_ =	shalt  }
0x7b: {  	_ =	shalt  }
0x7c: {  	_ =	shalt  }
0x7d: {  	_ =	shalt  }
0x7e: {  	_ =	shalt  }
0x7f: {  	_ =	shalt  }
0x80: {  	_ =	shalt  }
0x81: {  	_ =	shalt  }
0x82: {  	_ =	shalt  }
0x83: {  	_ =	shalt  }
0x84: {  	_ =	shalt  }
0x85: {  	_ =	shalt  }
0x86: {  	_ =	shalt  }
0x87: {  	_ =	shalt  }
.Lfunc_end0:
.L_simem_size_0:
called_computation.3_lowered:
.L_overlay_start_0:
0x88: {  	s2 =	sld [smem:$0x3FD9]  }
0x89: {  	s3 =	sld [smem:$0x3FFE];
	_ =	sdelay $0x1  }
0x8a: {  	s1 =	srdreg.scid  }
0x8b: {  	s0 =	sand.u32 $0x1, s1  }
0x8c: {  	s17 =	sshll.u32 s0, $0xA;
	s2 =	sadd.s32 s3, s2  }
0x8d: {  	s2 =	sadd.s32 s2, s17  }
0x8e: {  	[smem:$0x3FC0] =	sst s2  }
0x8f: {  	_ = 	snop  }
0x90: {  	s2 =	sld [smem:$0x3FD0];
	(tm) =	ssettm $0x1  }
0x91: {  	s18 =	sld [smem:$0x3FFB];
	_ =	sdelay $0x3  }
0x92: {  	_ =	strace s18  }
0x93: {  	s3 =	sld [smem:$0x3FFC];
	_ =	sdelay $0x3  }
0x94: {  	_ =	strace s3  }
0x95: {  	s3 =	sld [smem:$0x3FFD];
	_ =	sdelay $0x3  }
0x96: {  	_ =	strace s3  }
0x97: {  	_ =	strace $0x8FFFFFFF  }
0x98: {  	s19 =	sld [smem:$0x3FDB];
	_ =	sdelay $0x1  }
0x99: {  	s4 =	simm.s32 $_scs_section_size  }
0x9a: {  	s5 =	simm.s32 $_size__tile_overlayer_lowered;
	s6 =	simm.s32 $_tile_overlayer_lowered  }
0x9b: {  	s22 =	simm.s32 $0x1BFF;
	s21 =	sshll.u32 s6, $0x1;
	s3 =	sadd.s32 s4, s19  }
0x9c: {  	s7 =	simm.s32 $0x0;
	s20 =	sshll.u32 s5, $0x1;
	s5 =	sadd.s32 s21, s3  }
0x9d: {  	[timem:s7], [sflag:s22] =	dma.local [hbm:s5], s20  }
0x9e: {  	_ =	swait.ge [sflag:s22], s20  }
0x9f: {  	s4 =	ssub.s32 $0x0, s20;
	[sflag:s22] =	ssyncset.done $0x0  }
0xa0: {  	[sflag:s22] =	ssyncadd.s32 s4;
	_ =	sdelay $0x1  }
0xa1: {  	s23 =	simm.s32 $0x1B8B  }
0xa2: {  	_ =	swait.ge [sflag:s23], $0x1  }
0xa3: {  	[sflag:s23] =	ssyncset.done $0x0  }
0xa4: {  	s25 =	simm.s32 $0x1B8E;
	s24 =	sld [smem:$0x3FFE];
	[sflag:s23] =	ssyncadd.s32 $0xFFFFFFFF  }
0xa5: {  	s26 =	simm.s32 $execute0_lowered;
	[smem:$0x3FD2] =	sst s25  }
0xa6: {  	s5 =	sshll.u32 s26, $0x1;
	_ =	strace $0x8000004F;
	[dreg:$0x1] =	wrdreg $0xFFFFFFFF  }
0xa7: {  	s28 =	simm.s32 $_size_execute0_lowered;
	s3 =	sadd.s32 s3, s5;
	[dreg:$0x0] =	wrdreg $0x0  }
0xa8: {  	s5 =	sshll.u32 s28, $0x1;
	[dreg:$0x2] =	wrdreg s3  }
0xa9: {  	[dreg:$0x3] =	wrdreg s5  }
0xaa: {  	[dreg:$0x4] =	wrdreg $0xC0  }
0xab: {  	_ =	task [dreg:s7], $0x5FFFF  }
0xac: {  	[dreg:$0x1] =	wrdreg $0xFFFFFFFF  }
0xad: {  	[dreg:$0x0] =	wrdreg $0x60  }
0xae: {  	[dreg:$0x2] =	wrdreg s24  }
0xaf: {  	[dreg:$0x3] =	wrdreg s2  }
0xb0: {  	[dreg:$0x4] =	wrdreg $0x160000  }
0xb1: {  	[dreg:$0x5] =	wrdreg $0x9  }
0xb2: {  	_ =	task.clear_ibuf [dreg:s7], $0x6FFFF;
	_ =	strace $0x9000004F  }
0xb3: {  	s29 =	simm.s32 $0x9;
	_ =	strace $0x80000051  }
0xb4: {  	_ =	swait.ge [sflag:s29], $0x1  }
0xb5: {  	[sflag:s29] =	ssyncadd.s32 $0xFFFFFFFF  }
0xb6: {  	_ =	strace $0x90000051  }
0xb7: {  	_ =	sfence  }
0xb8: {  	s30 =	sld [smem:$0x0];
	_ =	sdelay $0x2  }
0xb9: {  	s31 =	sshll.u32 s1, $0xD;
	s1 =	sshrl.u32 s1, $0x2  }
0xba: {  	s3 =	sand.u32 $0x4000, s31;
	s1 =	sadd.s32 s1, s30  }
0xbb: {  	s0 =	sor.u32 s3, s0;
	s1 =	sshll.u32 s1, $0x11  }
0xbc: {  	s0 =	sor.u32 s1, s0  }
0xbd: {  	s0 =	sadd.s32 $0x8F2B, s0  }
0xbe: {  	[sflag:s0] =	ssyncadd.remote.s32 $0x1  }
0xbf: {  	_ =	sfence.sel $0xFFFF  }
0xc0: {  	[dreg:$0x0] =	wrdreg $0xFFFFFFFF;
	(pc) =	sbr.abs _section_cstart, $3  }
0xc1: {  	[dreg:$0x1] =	wrdreg $0xFFFFFFFF  }
0xc2: {  	_ =	task.clear_ibuf [dreg:s7], $0x2FFFF;
	_ =	strace $0x9FFFFFFF  }
0xc3: {  	(tm) =	ssettm $0x7FFFFFFF  }
tec
execute0_lowered:
.L_overlay_start_1:
0x0: {  	(tag) =	ssettag $0x1  }
0x1: {  	s0 =	rddreg [dreg:$0x0]  }
0x2: {  	s1 =	rddreg [dreg:$0x1]  }
0x3: {  	s2 =	rddreg [dreg:$0x2];
	s4 =	simm.s32 $0x0  }
0x4: {  	s3 =	srdreg.scid;
	s13 =	stileid.u32;
	s12 =	simm.s32 $0x55400  }
0x5: {  	s14 =	simm.s32 $0x13C0;
	s15 =	simm.s32 $0x271;
	s16 =	simm.s32 $0x2780  }
0x6: {  	s17 =	simm.s32 $0x278;
	s18 =	simm.s32 $0xC3C0;
	s19 =	simm.s32 $0x2  }
0x7: {  	s20 =	simm.s32 $0x4F0;
	s21 =	simm.s32 $0x1638;
	s28 =	simm.s32 $0x1DA0  }
0x8: {  	s29 =	simm.s32 $0xED0;
	s30 =	simm.s32 $0x2018;
	s31 =	simm.s32 $0x1148  }
0x9: {  	[smem:$0x7FF] =	sst s4;
	s3 =	sand.u32 $0x1, s3;
	s7 =	smul.u32 $0x14000, s13  }
0xa: {  	s5 =	sadd.s32 $0x41A00, s0;
	s6 =	sadd.s32 $0xF600, s0;
	s9 =	sadd.s32 $0x19400, s0  }
0xb: {  	s23 =	sshll.u32 s13, $0x6;
	s24 =	sshll.u32 s13, $0x1;
	s13 =	simm.s32 $0x3  }
0xc: {  	_ =	strace $0x80000050;
	s8 =	ssub.s32 $0x2, s3;
	[dreg:$0x4] =	wrdreg s9  }
0xd: {  	p0 =	seq.s32 s3, $0x1;
	s3 =	sshll.u32 s3, $0x5;
	s22 =	sshrl.u32 s8, $0x1  }
0xe: {  	s10 =	sshrl.u32 s7, $0x1;
	s12 =	simm.s32 @!p0 $0x69400;
	s9 =	sor.u32 s24, s3  }
0xf: {  	s25 =	sshrl.u32 s7, $0x4;
	s24 =	simm.s32 $0x9E0;
	s3 =	simm.s32 $0x2508  }
0x10: {  	s7 =	simm.s32 $0x0;
	s11 =	ssub.s32 s8, s22;
	s10 =	sadd.s32 s10, s2  }
0x11: {  	s8 =	sor.u32 $0x1C03, s23;
	s0 =	sadd.s32 s12, s0;
	s22 =	simm.s32 $0x768  }
0x12: {  	s23 =	simm.s32 $0x18B0;
	s26 =	smax.u32 s11, $0x1;
	s0 =	sadd.s32 s0, s25  }
0x13: {  	s12 =	sshrl.u32 s10, $0x3;
	s25 =	simm.s32 $0x1B28;
	[dreg:$0x5] =	wrdreg s26  }
0x14: {  	[dreg:$0x6] =	wrdreg s0;
	s26 =	simm.s32 $0xC58;
	s0 =	simm.s32 $0x2290  }
.LBB2_1:
0x15: {  	s10 =	rddreg [dreg:$0x4]  }
0x16: {  	[spmem:s12], [sflag:s8] =	dma.local [hbm:s10], $0x1400  }
0x17: {  	_ =	swait.ge [sflag:s13], $0x1400  }
0x18: {  	[sflag:s13] =	ssyncset.done $0x0  }
0x19: {  	[sflag:s13] =	ssyncadd.s32 $0xFFFFEC00  }
0x1a: {  	p0 =	por $0x1, $0x1;
	s10 =	simm.s32 $0x0;
	[bflag:$0x0] =	sbarrier.arrive $0xFFFF  }
.LBB2_2:
0x1b: {  	s10 =	sor.u32 s9, s10  }
0x1c: {  	s10 =	smul.u32 $0x278, s10;
	_ =	sdelay $0x1  }
0x1d: {  	s11 =	sadd.s32 s6, s10  }
0x1e: {  	[tilespmem:s4], [sflag:$0x3] =	stream.linear.gather [hbm4b:s11+s4], $0x13C0, $0x38;
	v63 =	vld [tilespmem:$0x0]  }
0x1f: {  	_ =	swait.ge [sflag:s13], $0x13C0  }
0x20: {  	[sflag:s13] =	ssyncset.done $0x0  }
0x21: {  	s10 =	sadd.s32 s1, s10;
	[sflag:s13] =	ssyncadd.s32 $0xFFFFEC40  }
0x22: {  	[tilespmem:s14], [sflag:$0x3] =	stream.linear.gather [hbm4b:s10+s4], $0x13C0, $0x38;
	v63 =	vld [tilespmem:$0x0]  }
0x23: {  	_ =	swait.ge [sflag:s13], $0x13C0  }
0x24: {  	[sflag:s13] =	ssyncset.done $0x0  }
0x25: {  	s10 =	simm.s32 $0x1;
	[sflag:s13] =	ssyncadd.s32 $0xFFFFEC40  }
0x26: {  	[tilespmem:s16], [sflag:$0x1] =	stream.indirect.gather [hbm4b:s5+s15], $0x40, s4, s15, $0xb8;
	v63 =	vld [tilespmem:$0x0]  }
0x27: {  	_ =	swait.ge [sflag:s10], $0x9C40  }
0x28: {  	[sflag:s10] =	ssyncset.done $0x0  }
0x29: {  	[sflag:s10] =	ssyncadd.s32 $0xFFFF63C0  }
0x2a: {  	[tilespmem:s18], [sflag:$0x2] =	stream.indirect.gather [hbm4b:s5+s15], $0x40, s17, s15, $0xb8;
	v63 =	vld [tilespmem:$0x0]  }
0x2b: {  	_ = 	snop  }
0x2c: {  	[spmem:s2] =	stream.indirect.scatter.add.s16 [tilespmem:s16], [sflag:$0x3], $0x40, s14, s15, $0xb8;
	v63 =	vld [tilespmem:$0x0]  }
0x2d: {  	_ =	swait.ge [sflag:s13], $0x9C40  }
0x2e: {  	[sflag:s13] =	ssyncset.done $0x0  }
0x2f: {  	[sflag:s13] =	ssyncadd.s32 $0xFFFF63C0  }
0x30: {  	_ =	swait.ge [sflag:s19], $0x9C40  }
0x31: {  	[sflag:s19] =	ssyncset.done $0x0  }
0x32: {  	[sflag:s19] =	ssyncadd.s32 $0xFFFF63C0  }
0x33: {  	[tilespmem:s16], [sflag:$0x1] =	stream.indirect.gather [hbm4b:s5+s15], $0x40, s20, s15, $0xb8;
	v63 =	vld [tilespmem:$0x0]  }
0x34: {  	_ = 	snop  }
0x35: {  	[spmem:s2] =	stream.indirect.scatter.add.s16 [tilespmem:s18], [sflag:$0x3], $0x40, s21, s15, $0xb8;
	v63 =	vld [tilespmem:$0x0]  }
0x36: {  	_ =	swait.ge [sflag:s13], $0x9C40  }
0x37: {  	[sflag:s13] =	ssyncset.done $0x0  }
0x38: {  	[sflag:s13] =	ssyncadd.s32 $0xFFFF63C0  }
0x39: {  	_ =	swait.ge [sflag:s10], $0x9C40  }
0x3a: {  	[sflag:s10] =	ssyncset.done $0x0  }
0x3b: {  	[sflag:s10] =	ssyncadd.s32 $0xFFFF63C0  }
0x3c: {  	[tilespmem:s18], [sflag:$0x2] =	stream.indirect.gather [hbm4b:s5+s15], $0x40, s22, s15, $0xb8;
	v63 =	vld [tilespmem:$0x0]  }
0x3d: {  	_ = 	snop  }
0x3e: {  	[spmem:s2] =	stream.indirect.scatter.add.s16 [tilespmem:s16], [sflag:$0x3], $0x40, s23, s15, $0xb8;
	v63 =	vld [tilespmem:$0x0]  }
0x3f: {  	_ =	swait.ge [sflag:s13], $0x9C40  }
0x40: {  	[sflag:s13] =	ssyncset.done $0x0  }
0x41: {  	[sflag:s13] =	ssyncadd.s32 $0xFFFF63C0  }
0x42: {  	_ =	swait.ge [sflag:s19], $0x9C40  }
0x43: {  	[sflag:s19] =	ssyncset.done $0x0  }
0x44: {  	[sflag:s19] =	ssyncadd.s32 $0xFFFF63C0  }
0x45: {  	[tilespmem:s16], [sflag:$0x1] =	stream.indirect.gather [hbm4b:s5+s15], $0x40, s24, s15, $0xb8;
	v63 =	vld [tilespmem:$0x0]  }
0x46: {  	_ = 	snop  }
0x47: {  	[spmem:s2] =	stream.indirect.scatter.add.s16 [tilespmem:s18], [sflag:$0x3], $0x40, s25, s15, $0xb8;
	v63 =	vld [tilespmem:$0x0]  }
0x48: {  	_ =	swait.ge [sflag:s13], $0x9C40  }
0x49: {  	[sflag:s13] =	ssyncset.done $0x0  }
0x4a: {  	[sflag:s13] =	ssyncadd.s32 $0xFFFF63C0  }
0x4b: {  	_ =	swait.ge [sflag:s10], $0x9C40  }
0x4c: {  	[sflag:s10] =	ssyncset.done $0x0  }
0x4d: {  	[sflag:s10] =	ssyncadd.s32 $0xFFFF63C0  }
0x4e: {  	[tilespmem:s18], [sflag:$0x2] =	stream.indirect.gather [hbm4b:s5+s15], $0x40, s26, s15, $0xb8;
	v63 =	vld [tilespmem:$0x0]  }
0x4f: {  	_ = 	snop  }
0x50: {  	[spmem:s2] =	stream.indirect.scatter.add.s16 [tilespmem:s16], [sflag:$0x3], $0x40, s28, s15, $0xb8;
	v63 =	vld [tilespmem:$0x0]  }
0x51: {  	_ =	swait.ge [sflag:s13], $0x9C40  }
0x52: {  	[sflag:s13] =	ssyncset.done $0x0  }
0x53: {  	[sflag:s13] =	ssyncadd.s32 $0xFFFF63C0  }
0x54: {  	_ =	swait.ge [sflag:s19], $0x9C40  }
0x55: {  	[sflag:s19] =	ssyncset.done $0x0  }
0x56: {  	[sflag:s19] =	ssyncadd.s32 $0xFFFF63C0  }
0x57: {  	[tilespmem:s16], [sflag:$0x1] =	stream.indirect.gather [hbm4b:s5+s15], $0x40, s29, s15, $0xb8;
	v63 =	vld [tilespmem:$0x0]  }
0x58: {  	_ = 	snop  }
0x59: {  	[spmem:s2] =	stream.indirect.scatter.add.s16 [tilespmem:s18], [sflag:$0x3], $0x40, s30, s15, $0xb8;
	v63 =	vld [tilespmem:$0x0]  }
0x5a: {  	_ =	swait.ge [sflag:s13], $0x9C40  }
0x5b: {  	[sflag:s13] =	ssyncset.done $0x0  }
0x5c: {  	[sflag:s13] =	ssyncadd.s32 $0xFFFF63C0  }
0x5d: {  	_ =	swait.ge [sflag:s10], $0x9C40  }
0x5e: {  	[sflag:s10] =	ssyncset.done $0x0  }
0x5f: {  	[sflag:s10] =	ssyncadd.s32 $0xFFFF63C0  }
0x60: {  	[tilespmem:s18], [sflag:$0x2] =	stream.indirect.gather [hbm4b:s5+s15], $0x40, s31, s15, $0xb8;
	v63 =	vld [tilespmem:$0x0]  }
0x61: {  	_ = 	snop  }
0x62: {  	[spmem:s2] =	stream.indirect.scatter.add.s16 [tilespmem:s16], [sflag:$0x3], $0x40, s0, s15, $0xb8;
	v63 =	vld [tilespmem:$0x0]  }
0x63: {  	_ =	swait.ge [sflag:s13], $0x9C40  }
0x64: {  	[sflag:s13] =	ssyncset.done $0x0  }
0x65: {  	[sflag:s13] =	ssyncadd.s32 $0xFFFF63C0  }
0x66: {  	_ =	swait.ge [sflag:s19], $0x9C40  }
0x67: {  	p1 =	por p0, p0;
	[sflag:s19] =	ssyncset.done $0x0  }
.Ltmp0:
0x68: {  	[sflag:s19] =	ssyncadd.s32 $0xFFFF63C0;
	(pc) =	sbr.rel @p1 .LBB2_2-.Ltmp0, $4  }
0x69: {  	[spmem:s2] =	stream.indirect.scatter.add.s16 [tilespmem:s18], [sflag:$0x3], $0x40, s3, s15, $0xb8;
	v63 =	vld [tilespmem:$0x0]  }
0x6a: {  	_ =	swait.ge [sflag:s13], $0x9C40  }
0x6b: {  	[sflag:s13] =	ssyncset.done $0x0  }
0x6c: {  	p0 =	por $0x0, $0x0;
	[sflag:s13] =	ssyncadd.s32 $0xFFFF63C0  }
0x6d: {  	[bflag:$0x0] =	sbarrier.arrive $0xFFFF  }
0x6e: {  	s10 =	rddreg [dreg:$0x6]  }
0x6f: {  	[hbm:s10], [sflag:s8] =	dma.local [spmem:s12], $0x1400  }
0x70: {  	_ =	swait.ge [sflag:s13], $0x1400  }
0x71: {  	s7 =	sadd.s32 $0x1, s7;
	s11 =	rddreg [dreg:$0x5]  }
0x72: {  	p0 =	sne.s32 s7, s11  }
.Ltmp1:
0x73: {  	_ = 	snop;
	(pc) =	sbr.rel @p0 .LBB2_1-.Ltmp1, $3  }
0x74: {  	_ =	sdelay $0x1  }
0x75: {  	[sflag:s13] =	ssyncset.done $0x0  }
0x76: {  	[sflag:s13] =	ssyncadd.s32 $0xFFFFEC00  }
0x77: {  	_ =	sfence.sel $0x180000  }
0x78: {  	[bflag:$0x0] =	sbarrier.arrive $0xFFFF  }
0x79: {  	_ =	strace $0x90000050  }
0x7a: {  	s0 =	stileid.u32;
	[bflag:$0x2] =	sbarrier.arrive $0xFFFF  }
0x7b: {  	p0 =	sne.s32 s0, $0x0;
	s0 =	rddreg [dreg:$0x3]  }
0x7c: {  	s0 =	sadd.s32 @!p0 $0x100000, s0  }
0x7d: {  	[sflag:s0] =	ssyncadd.tile.s32 @!p0 $0x1;
	_ =	shalt  }
.Lfunc_end2:
_tile_overlayer_lowered:
.L_overlay_start_2:
0x7e: {  	(tag) =	ssettag $0x2  }
0x7f: {  	s0 =	rddreg [dreg:$0x0];
	s2 =	stileid.u32  }
0x80: {  	s1 =	rddreg [dreg:$0x1];
	p0 =	sne.s32 s2, $0x0  }
0x81: {  	s3 =	rddreg [dreg:$0x2];
	[bflag:$0x3] =	sbarrier.arrive $0xFFFF;
	s2 =	simm.s32 @!p0 $0x1C03  }
0x82: {  	[timem:s3], [sflag:s2] =	dma.local @!p0 [hbm:s0], s1  }
0x83: {  	s0 =	simm.s32 @!p0 $0x3  }
0x84: {  	_ =	swait.ge @!p0 [sflag:s0], s1  }
0x85: {  	s1 =	ssub.s32 @!p0 $0x0, s1;
	[sflag:s0] =	ssyncset.done @!p0 $0x0  }
0x86: {  	[sflag:s0] =	ssyncadd.s32 @!p0 s1  }
0x87: {  	[bflag:$0x3] =	sbarrier.arrive $0xFFFF  }
0x88: {  	_ =	shalt  }

</sc_bundles>
